<compile_context>
chip_gen: v7x
topology: tpu7x:2x2x1
jax: 0.10.2.dev20260603
libtpu: 0.0.44.dev20260713+nightly
codegen_flags: <defaults>
</compile_context>

<pallas_src>
import jax
import jax.numpy as jnp
from jax import lax
from jax.experimental import pallas as pl
from jax.experimental.pallas import tpu as pltpu
from jax.experimental.pallas import tpu_sc as plsc

K = 8
B = 4.0
ADJ = 0.01
MIN_DERIVATIVE = 0.001
PAD_LO = -40000.0
PAD_HI = 40000.0

NC = 2
NS = 16
L = 16
NW = NC * NS

CH = 512
GRP = CH // L
TBL = 24 * L

A_SC = 2.0 * B / (1.0 + ADJ)
BETA = 2.0 * B * (ADJ / K) / (1.0 + ADJ)


def _softplus2(t1, t2):
    e1 = jnp.exp(-jnp.abs(t1))
    e2 = jnp.exp(-jnp.abs(t2))
    a = e1 + 2.0
    b = e2 + 2.0
    r = 1.0 / (a * b)
    outs = []
    for t, e, other in ((t1, e1, b), (t2, e2, a)):
        z = e * other * r
        z2 = z * z
        p = 2.0 / 7.0 + z2 * (2.0 / 9.0)
        p = 2.0 / 5.0 + z2 * p
        p = 2.0 / 3.0 + z2 * p
        p = 2.0 + z2 * p
        outs.append(jnp.maximum(t, 0.0) + z * p)
    return outs


def _prefix8(w):
    s01 = w[0] + w[1]
    s23 = w[2] + w[3]
    s45 = w[4] + w[5]
    s67 = w[6] + w[7]
    s03 = s01 + s23
    s47 = s45 + s67
    total = s03 + s47
    c = [w[0], s01, s01 + w[2], s03, s03 + w[4], s03 + s45,
         s03 + s45 + w[6], total]
    return c


def _sc_body(x_hbm, p_hbm, y_hbm, xv0, pv0, yv0, xv1, pv1, yv1,
             sin0, sin1, sout0, sout1):
    wid = lax.axis_index("s") * NC + lax.axis_index("c")
    per_w = x_hbm.shape[0] // NW
    nch = per_w // CH
    bufs = ((xv0, pv0, yv0, sin0, sout0), (xv1, pv1, yv1, sin1, sout1))

    def group(g, xv, pv, yv):
        eoff = g * L
        x = xv[pl.ds(eoff, L)]

        def expsum(off):
            w = [jnp.exp(pv[off + j, pl.ds(eoff, L)]) for j in range(K)]
            h = 0.5 * w[0]
            c = _prefix8([h] + w[1:])
            return h, c

        hx, cx = expsum(0)
        hy, cy = expsum(K)
        sx = cx[-1] + hx
        sy = cy[-1] + hy
        r = 1.0 / (sx * sy)
        scale_x = (A_SC * r) * sy
        scale_y = (A_SC * r) * sx

        def positions(c, scale):
            return [c[j] * scale + (BETA * (j + 0.5) - B) for j in range(K)]

        xp = positions(cx, scale_x)
        yp = positions(cy, scale_y)

        m = [xp[j] < x for j in range(K)]
        mlo = x > -B
        mhi = x > B

        def sel_lo(p):
            v = jnp.where(mlo, -B, PAD_LO)
            for j in range(K):
                v = jnp.where(m[j], p[j], v)
            return jnp.where(mhi, B, v)

        def sel_hi(p):
            v = jnp.where(mhi, PAD_HI, B)
            for j in reversed(range(K)):
                v = jnp.where(m[j], v, p[j])
            return jnp.where(mlo, v, -B)

        xk = sel_lo(xp)
        xk1 = sel_hi(xp)
        yk = sel_lo(yp)
        yk1 = sel_hi(yp)

        rows = [pv[2 * K + i, pl.ds(eoff, L)] for i in range(K - 1)]
        pdk = rows[0]
        pdk1 = rows[0]
        for i in range(1, K - 1):
            pdk = jnp.where(m[i], rows[i], pdk)
            pdk1 = jnp.where(m[i - 1], rows[i], pdk1)
        interior = jnp.logical_and(mlo, jnp.logical_and(
            m[0], jnp.logical_not(m[K - 1])))
        interior1 = jnp.logical_and(mlo, jnp.logical_not(m[K - 2]))
        sp, sp1 = _softplus2(pdk, pdk1)
        dk = jnp.where(interior, sp + MIN_DERIVATIVE, 1.0)
        dk1 = jnp.where(interior1, sp1 + MIN_DERIVATIVE, 1.0)

        dx = xk1 - xk
        dy = yk1 - yk
        t = x - xk
        u = t * (dx - t)
        num = dy * (dy * (t * t) + (dk * dx) * u)
        den = dy * (dx * dx) + ((dk + dk1) * dx - 2.0 * dy) * u
        yv[pl.ds(g * L, L)] = yk + num / den

    base_w = wid * per_w

    def start_in(ci, b):
        xv, pv, _, sin, _ = bufs[b]
        base = base_w + ci * CH
        pltpu.async_copy(x_hbm.at[pl.ds(base, CH)], xv, sin)
        pltpu.async_copy(p_hbm.at[:, pl.ds(base, CH)], pv, sin)

    def wait_in(b):
        xv, pv, _, sin, _ = bufs[b]
        pltpu.make_async_copy(x_hbm.at[pl.ds(0, CH)], xv, sin).wait()
        pltpu.make_async_copy(p_hbm.at[:, pl.ds(0, CH)], pv, sin).wait()

    def start_out(ci, b):
        _, _, yv, _, sout = bufs[b]
        pltpu.async_copy(yv, y_hbm.at[pl.ds(base_w + ci * CH, CH)], sout)

    def wait_out(b):
        _, _, yv, _, sout = bufs[b]
        pltpu.make_async_copy(yv, y_hbm.at[pl.ds(0, CH)], sout).wait()

    def compute(xv, pv, yv):
        @plsc.parallel_loop(0, GRP, 1, unroll=2)
        def _(g):
            group(g, xv, pv, yv)

    start_in(0, 0)
    start_in(1, 1)

    def chunk_pair(i, carry):
        for b in range(2):
            ci = 2 * i + b
            xv, pv, yv, _, _ = bufs[b]
            wait_in(b)

            @pl.when(i > 0)
            def _():
                wait_out(b)

            compute(xv, pv, yv)
            start_out(ci, b)

            @pl.when(i < (nch // 2 - 1))
            def _():
                start_in(ci + 2, b)

        return carry

    lax.fori_loop(0, nch // 2, chunk_pair, 0)
    wait_out(0)
    wait_out(1)


@jax.jit
def kernel(x, params):
    f = pl.kernel(
        _sc_body,
        out_type=jax.ShapeDtypeStruct(x.shape, jnp.float32),
        mesh=plsc.VectorSubcoreMesh(core_axis_name="c", subcore_axis_name="s"),
        compiler_params=pltpu.CompilerParams(needs_layout_passes=False),
        scratch_types=[
            pltpu.VMEM((CH,), jnp.float32),
            pltpu.VMEM((23, CH), jnp.float32),
            pltpu.VMEM((CH,), jnp.float32),
            pltpu.VMEM((CH,), jnp.float32),
            pltpu.VMEM((23, CH), jnp.float32),
            pltpu.VMEM((CH,), jnp.float32),
            pltpu.SemaphoreType.DMA,
            pltpu.SemaphoreType.DMA,
            pltpu.SemaphoreType.DMA,
            pltpu.SemaphoreType.DMA,
        ],
    )
    return f(x, params.T)

# --- scband reference (transcript-rebuilt; emitter-appended) ---
"""Pipeline reference for scband-rational-quadratic-spline-transformer-54924041781618 (READ-ONLY COPY).

The authoritative reference and input builder live on the scoring server;
editing this copy changes nothing except your own understanding.
"""

import jax, jax.numpy as jnp
import numpy as np

K = 8
B = 4.0
SOFTMAX_ADJUST = 0.01
MIN_DERIVATIVE = 0.001
DIM = 2097152


def _real_to_increasing_on_interval(arr, B_, softmax_adjust):
    widths = jax.nn.softmax(arr)
    widths = (widths + softmax_adjust / widths.size) / (1 + softmax_adjust)
    widths = widths.at[0].set(widths[0] / 2)
    return 2 * B_ * jnp.cumsum(widths) - B_


def _get_args_1d(p):
    x_pos = _real_to_increasing_on_interval(p[:K], B, SOFTMAX_ADJUST)
    y_pos = _real_to_increasing_on_interval(p[K:2 * K], B, SOFTMAX_ADJUST)
    derivatives = jax.nn.softplus(p[2 * K:]) + MIN_DERIVATIVE
    pos_pad = jnp.array([B, 10000.0 * B])
    x_pos = jnp.hstack((-jnp.flip(pos_pad), x_pos, pos_pad))
    y_pos = jnp.hstack((-jnp.flip(pos_pad), y_pos, pos_pad))
    derivatives = jnp.pad(derivatives, 2, constant_values=1)
    return x_pos, y_pos, derivatives


def _transform_one(x, x_pos, y_pos, derivatives):
    k = jnp.searchsorted(x_pos, x) - 1
    xi = (x - x_pos[k]) / (x_pos[k + 1] - x_pos[k])
    sk = (y_pos[k + 1] - y_pos[k]) / (x_pos[k + 1] - x_pos[k])
    dk, dk1, yk, yk1 = derivatives[k], derivatives[k + 1], y_pos[k], y_pos[k + 1]
    num = (yk1 - yk) * (sk * xi ** 2 + dk * xi * (1 - xi))
    den = sk + (dk1 + dk - 2 * sk) * xi * (1 - xi)
    return yk + num / den


def setup_inputs(seed: int = 0) -> dict:
    key = jax.random.key(seed)
    k1, k2 = jax.random.split(key)
    x = jax.random.normal(k1, (DIM,), dtype=jnp.float32)
    params = jax.random.normal(k2, (DIM, 3 * K - 1), dtype=jnp.float32)
    return {"x": x, "params": params}


def reference(x, params):
    x_pos, y_pos, derivs = jax.vmap(_get_args_1d)(params)
    y = jax.vmap(_transform_one)(x, x_pos, y_pos, derivs)
    return y

if __name__ == "__main__":
    import jax
    _d = setup_inputs()
    print(jax.jit(kernel)(*tuple(_d.values())))

</pallas_src>

<mosaic_0001>
#map = affine_map<(d0, d1) -> (0)>
#map1 = affine_map<(d0, d1) -> (0, 0)>
module attributes {stable_mosaic.version = 14 : i64} {
  func.func @_sc_body(%arg0: i32, %arg1: i32, %arg2: memref<2097152xf32, #tpu.memory_space<hbm>>, %arg3: memref<23x2097152xf32, #tpu.memory_space<hbm>>, %arg4: memref<2097152xf32, #tpu.memory_space<hbm>>, %arg5: memref<512xf32, #tpu.memory_space<vmem>>, %arg6: memref<23x512xf32, #tpu.memory_space<vmem>>, %arg7: memref<512xf32, #tpu.memory_space<vmem>>, %arg8: memref<512xf32, #tpu.memory_space<vmem>>, %arg9: memref<23x512xf32, #tpu.memory_space<vmem>>, %arg10: memref<512xf32, #tpu.memory_space<vmem>>, %arg11: memref<!tpu.dma_semaphore, #tpu.memory_space<semaphore_mem>>, %arg12: memref<!tpu.dma_semaphore, #tpu.memory_space<semaphore_mem>>, %arg13: memref<!tpu.dma_semaphore, #tpu.memory_space<semaphore_mem>>, %arg14: memref<!tpu.dma_semaphore, #tpu.memory_space<semaphore_mem>>) attributes {dimension_semantics = [#tpu.dimension_semantics<core_parallel>, #tpu.dimension_semantics<subcore_parallel>], iteration_bounds = array<i64: 2, 16>, scalar_prefetch = 0 : i64, scratch_operands = 10 : i64, tpu.core_type = #tpu.core_type<sc_vector_subcore>, window_params = [{transform_indices = #map}, {transform_indices = #map1}, {transform_indices = #map}]} {
    %mul3A = arith.constant 2 : i32
    %mul3A_0 = arith.muli %arg1, %mul3A : i32
    %add3A = arith.addi %mul3A_0, %arg0 : i32
    %mul3A_1 = arith.constant 65536 : i32
    %mul3A_2 = arith.muli %add3A, %mul3A_1 : i32
    %add3A_3 = arith.constant 0 : i32
    %add3A_4 = arith.addi %mul3A_2, %add3A_3 : i32
    %dma_start3A = tpu.memref_slice %arg2[%add3A_4] : memref<2097152xf32, #tpu.memory_space<hbm>> -> memref<512xf32, #tpu.memory_space<hbm>>
    %dma_start3A_5 = tpu.memref_slice %arg2[%add3A_4] : memref<2097152xf32, #tpu.memory_space<hbm>> -> memref<512xf32, #tpu.memory_space<hbm>>
    tpu.enqueue_dma source(%dma_start3A_5 : memref<512xf32, #tpu.memory_space<hbm>>) target(%arg5 : memref<512xf32, #tpu.memory_space<vmem>>) target_semaphore(%arg11 : memref<!tpu.dma_semaphore, #tpu.memory_space<semaphore_mem>>)
    %dma_start3A_6 = arith.constant 0 : i32
    %dma_start3A_7 = tpu.memref_slice %arg3[%dma_start3A_6, %add3A_4] : memref<23x2097152xf32, #tpu.memory_space<hbm>> -> memref<23x512xf32, #tpu.memory_space<hbm>>
    %dma_start3A_8 = arith.constant 0 : i32
    %dma_start3A_9 = tpu.memref_slice %arg3[%dma_start3A_8, %add3A_4] : memref<23x2097152xf32, #tpu.memory_space<hbm>> -> memref<23x512xf32, #tpu.memory_space<hbm>>
    tpu.enqueue_dma source(%dma_start3A_9 : memref<23x512xf32, #tpu.memory_space<hbm>>) target(%arg6 : memref<23x512xf32, #tpu.memory_space<vmem>>) target_semaphore(%arg11 : memref<!tpu.dma_semaphore, #tpu.memory_space<semaphore_mem>>)
    %add3A_10 = arith.constant 512 : i32
    %add3A_11 = arith.addi %mul3A_2, %add3A_10 : i32
    %dma_start3A_12 = tpu.memref_slice %arg2[%add3A_11] : memref<2097152xf32, #tpu.memory_space<hbm>> -> memref<512xf32, #tpu.memory_space<hbm>>
    %dma_start3A_13 = tpu.memref_slice %arg2[%add3A_11] : memref<2097152xf32, #tpu.memory_space<hbm>> -> memref<512xf32, #tpu.memory_space<hbm>>
    tpu.enqueue_dma source(%dma_start3A_13 : memref<512xf32, #tpu.memory_space<hbm>>) target(%arg8 : memref<512xf32, #tpu.memory_space<vmem>>) target_semaphore(%arg12 : memref<!tpu.dma_semaphore, #tpu.memory_space<semaphore_mem>>)
    %dma_start3A_14 = arith.constant 0 : i32
    %dma_start3A_15 = tpu.memref_slice %arg3[%dma_start3A_14, %add3A_11] : memref<23x2097152xf32, #tpu.memory_space<hbm>> -> memref<23x512xf32, #tpu.memory_space<hbm>>
    %dma_start3A_16 = arith.constant 0 : i32
    %dma_start3A_17 = tpu.memref_slice %arg3[%dma_start3A_16, %add3A_11] : memref<23x2097152xf32, #tpu.memory_space<hbm>> -> memref<23x512xf32, #tpu.memory_space<hbm>>
    tpu.enqueue_dma source(%dma_start3A_17 : memref<23x512xf32, #tpu.memory_space<hbm>>) target(%arg9 : memref<23x512xf32, #tpu.memory_space<vmem>>) target_semaphore(%arg12 : memref<!tpu.dma_semaphore, #tpu.memory_space<semaphore_mem>>)
    %scan3A = arith.constant 0 : i32
    %scan3A_18 = arith.constant 0 : i32
    %scan3A_19 = arith.constant 64 : i32
    %scan3A_20 = arith.addi %scan3A_18, %scan3A_19 : i32
    %scan3A_21 = arith.constant 1 : i32
    scf.for %scan3A_30 = %scan3A_18 to %scan3A_20 step %scan3A_21  : i32 {
      %mul3A_31 = arith.constant 2 : i32
      %mul3A_32 = arith.muli %mul3A_31, %scan3A_30 : i32
      %add3A_33 = arith.constant 0 : i32
      %add3A_34 = arith.addi %mul3A_32, %add3A_33 : i32
      %dma_wait3A_35 = arith.constant 0 : i32
      %dma_wait3A_36 = tpu.memref_slice %arg2[%dma_wait3A_35] : memref<2097152xf32, #tpu.memory_space<hbm>> -> memref<512xf32, #tpu.memory_space<hbm>>
      %dma_wait3A_37 = arith.constant 0 : i32
      %dma_wait3A_38 = tpu.memref_slice %arg2[%dma_wait3A_37] : memref<2097152xf32, #tpu.memory_space<hbm>> -> memref<512xf32, #tpu.memory_space<hbm>>
      tpu.wait_dma2 semaphore(%arg11 : memref<!tpu.dma_semaphore, #tpu.memory_space<semaphore_mem>>) src(%dma_wait3A_38 : memref<512xf32, #tpu.memory_space<hbm>>) dst(%arg5 : memref<512xf32, #tpu.memory_space<vmem>>)
      %dma_wait3A_39 = arith.constant 0 : i32
      %dma_wait3A_40 = arith.constant 0 : i32
      %dma_wait3A_41 = tpu.memref_slice %arg3[%dma_wait3A_39, %dma_wait3A_40] : memref<23x2097152xf32, #tpu.memory_space<hbm>> -> memref<23x512xf32, #tpu.memory_space<hbm>>
      %dma_wait3A_42 = arith.constant 0 : i32
      %dma_wait3A_43 = arith.constant 0 : i32
      %dma_wait3A_44 = tpu.memref_slice %arg3[%dma_wait3A_42, %dma_wait3A_43] : memref<23x2097152xf32, #tpu.memory_space<hbm>> -> memref<23x512xf32, #tpu.memory_space<hbm>>
      tpu.wait_dma2 semaphore(%arg11 : memref<!tpu.dma_semaphore, #tpu.memory_space<semaphore_mem>>) src(%dma_wait3A_44 : memref<23x512xf32, #tpu.memory_space<hbm>>) dst(%arg6 : memref<23x512xf32, #tpu.memory_space<vmem>>)
      %gt3A = arith.constant 0 : i32
      %gt3A_45 = arith.cmpi sgt, %scan3A_30, %gt3A : i32
      %convert_element_type3A = arith.extui %gt3A_45 : i1 to i32
      %cond3A = arith.constant 0 : i32
      %cond3A_46 = arith.cmpi ne, %convert_element_type3A, %cond3A : i32
      scf.if %cond3A_46 {
        %dma_wait3A_90 = arith.constant 0 : i32
        %dma_wait3A_91 = tpu.memref_slice %arg4[%dma_wait3A_90] : memref<2097152xf32, #tpu.memory_space<hbm>> -> memref<512xf32, #tpu.memory_space<hbm>>
        %dma_wait3A_92 = arith.constant 0 : i32
        %dma_wait3A_93 = tpu.memref_slice %arg4[%dma_wait3A_92] : memref<2097152xf32, #tpu.memory_space<hbm>> -> memref<512xf32, #tpu.memory_space<hbm>>
        tpu.wait_dma2 semaphore(%arg13 : memref<!tpu.dma_semaphore, #tpu.memory_space<semaphore_mem>>) src(%arg7 : memref<512xf32, #tpu.memory_space<vmem>>) dst(%dma_wait3A_93 : memref<512xf32, #tpu.memory_space<hbm>>)
      } else {
      }
      %parallel_loop3A = arith.constant 0 : i32
      %parallel_loop3A_47 = arith.constant 32 : i32
      %parallel_loop3A_48 = arith.constant 1 : i32
      scf.for %parallel_loop3A_90 = %parallel_loop3A to %parallel_loop3A_47 step %parallel_loop3A_48  : i32 {
        %parallel_loop3A_91 = arith.constant 16 : i32
        %parallel_loop3A_92 = arith.muli %parallel_loop3A_90, %parallel_loop3A_91 : i32
        %parallel_loop3A_93 = arith.index_cast %parallel_loop3A_92 : i32 to index
        %parallel_loop3A_94 = tpu.vector_load %arg5[%parallel_loop3A_93] {strides = array<i32>} : memref<512xf32, #tpu.memory_space<vmem>>, vector<16xf32>,
        %parallel_loop3A_95 = arith.constant 0 : i32
        %parallel_loop3A_96 = arith.index_cast %parallel_loop3A_95 : i32 to index
        %parallel_loop3A_97 = arith.index_cast %parallel_loop3A_92 : i32 to index
        %parallel_loop3A_98 = tpu.vector_load %arg6[%parallel_loop3A_96, %parallel_loop3A_97] {strides = array<i32>} : memref<23x512xf32, #tpu.memory_space<vmem>>, vector<16xf32>,
        %parallel_loop3A_99 = math.exp %parallel_loop3A_98 : vector<16xf32>
        %parallel_loop3A_100 = arith.constant 1 : i32
        %parallel_loop3A_101 = arith.index_cast %parallel_loop3A_100 : i32 to index
        %parallel_loop3A_102 = arith.index_cast %parallel_loop3A_92 : i32 to index
        %parallel_loop3A_103 = tpu.vector_load %arg6[%parallel_loop3A_101, %parallel_loop3A_102] {strides = array<i32>} : memref<23x512xf32, #tpu.memory_space<vmem>>, vector<16xf32>,
        %parallel_loop3A_104 = math.exp %parallel_loop3A_103 : vector<16xf32>
        %parallel_loop3A_105 = arith.constant 2 : i32
        %parallel_loop3A_106 = arith.index_cast %parallel_loop3A_105 : i32 to index
        %parallel_loop3A_107 = arith.index_cast %parallel_loop3A_92 : i32 to index
        %parallel_loop3A_108 = tpu.vector_load %arg6[%parallel_loop3A_106, %parallel_loop3A_107] {strides = array<i32>} : memref<23x512xf32, #tpu.memory_space<vmem>>, vector<16xf32>,
        %parallel_loop3A_109 = math.exp %parallel_loop3A_108 : vector<16xf32>
        %parallel_loop3A_110 = arith.constant 3 : i32
        %parallel_loop3A_111 = arith.index_cast %parallel_loop3A_110 : i32 to index
        %parallel_loop3A_112 = arith.index_cast %parallel_loop3A_92 : i32 to index
        %parallel_loop3A_113 = tpu.vector_load %arg6[%parallel_loop3A_111, %parallel_loop3A_112] {strides = array<i32>} : memref<23x512xf32, #tpu.memory_space<vmem>>, vector<16xf32>,
        %parallel_loop3A_114 = math.exp %parallel_loop3A_113 : vector<16xf32>
        %parallel_loop3A_115 = arith.constant 4 : i32
        %parallel_loop3A_116 = arith.index_cast %parallel_loop3A_115 : i32 to index
        %parallel_loop3A_117 = arith.index_cast %parallel_loop3A_92 : i32 to index
        %parallel_loop3A_118 = tpu.vector_load %arg6[%parallel_loop3A_116, %parallel_loop3A_117] {strides = array<i32>} : memref<23x512xf32, #tpu.memory_space<vmem>>, vector<16xf32>,
        %parallel_loop3A_119 = math.exp %parallel_loop3A_118 : vector<16xf32>
        %parallel_loop3A_120 = arith.constant 5 : i32
        %parallel_loop3A_121 = arith.index_cast %parallel_loop3A_120 : i32 to index
        %parallel_loop3A_122 = arith.index_cast %parallel_loop3A_92 : i32 to index
        %parallel_loop3A_123 = tpu.vector_load %arg6[%parallel_loop3A_121, %parallel_loop3A_122] {strides = array<i32>} : memref<23x512xf32, #tpu.memory_space<vmem>>, vector<16xf32>,
        %parallel_loop3A_124 = math.exp %parallel_loop3A_123 : vector<16xf32>
        %parallel_loop3A_125 = arith.constant 6 : i32
        %parallel_loop3A_126 = arith.index_cast %parallel_loop3A_125 : i32 to index
        %parallel_loop3A_127 = arith.index_cast %parallel_loop3A_92 : i32 to index
        %parallel_loop3A_128 = tpu.vector_load %arg6[%parallel_loop3A_126, %parallel_loop3A_127] {strides = array<i32>} : memref<23x512xf32, #tpu.memory_space<vmem>>, vector<16xf32>,
        %parallel_loop3A_129 = math.exp %parallel_loop3A_128 : vector<16xf32>
        %parallel_loop3A_130 = arith.constant 7 : i32
        %parallel_loop3A_131 = arith.index_cast %parallel_loop3A_130 : i32 to index
        %parallel_loop3A_132 = arith.index_cast %parallel_loop3A_92 : i32 to index
        %parallel_loop3A_133 = tpu.vector_load %arg6[%parallel_loop3A_131, %parallel_loop3A_132] {strides = array<i32>} : memref<23x512xf32, #tpu.memory_space<vmem>>, vector<16xf32>,
        %parallel_loop3A_134 = math.exp %parallel_loop3A_133 : vector<16xf32>
        %parallel_loop3A_135 = arith.constant 5.000000e-01 : f32
        %parallel_loop3A_136 = vector.broadcast %parallel_loop3A_135 : f32 to vector<16xf32>
        %parallel_loop3A_137 = arith.mulf %parallel_loop3A_136, %parallel_loop3A_99 : vector<16xf32>
        %parallel_loop3A_138 = arith.addf %parallel_loop3A_137, %parallel_loop3A_104 : vector<16xf32>
        %parallel_loop3A_139 = arith.addf %parallel_loop3A_109, %parallel_loop3A_114 : vector<16xf32>
        %parallel_loop3A_140 = arith.addf %parallel_loop3A_119, %parallel_loop3A_124 : vector<16xf32>
        %parallel_loop3A_141 = arith.addf %parallel_loop3A_129, %parallel_loop3A_134 : vector<16xf32>
        %parallel_loop3A_142 = arith.addf %parallel_loop3A_138, %parallel_loop3A_139 : vector<16xf32>
        %parallel_loop3A_143 = arith.addf %parallel_loop3A_140, %parallel_loop3A_141 : vector<16xf32>
        %parallel_loop3A_144 = arith.addf %parallel_loop3A_142, %parallel_loop3A_143 : vector<16xf32>
        %parallel_loop3A_145 = arith.addf %parallel_loop3A_138, %parallel_loop3A_109 : vector<16xf32>
        %parallel_loop3A_146 = arith.addf %parallel_loop3A_142, %parallel_loop3A_119 : vector<16xf32>
        %parallel_loop3A_147 = arith.addf %parallel_loop3A_142, %parallel_loop3A_140 : vector<16xf32>
        %parallel_loop3A_148 = arith.addf %parallel_loop3A_142, %parallel_loop3A_140 : vector<16xf32>
        %parallel_loop3A_149 = arith.addf %parallel_loop3A_148, %parallel_loop3A_129 : vector<16xf32>
        %parallel_loop3A_150 = arith.constant 8 : i32
        %parallel_loop3A_151 = arith.index_cast %parallel_loop3A_150 : i32 to index
        %parallel_loop3A_152 = arith.index_cast %parallel_loop3A_92 : i32 to index
        %parallel_loop3A_153 = tpu.vector_load %arg6[%parallel_loop3A_151, %parallel_loop3A_152] {strides = array<i32>} : memref<23x512xf32, #tpu.memory_space<vmem>>, vector<16xf32>,
        %parallel_loop3A_154 = math.exp %parallel_loop3A_153 : vector<16xf32>
        %parallel_loop3A_155 = arith.constant 9 : i32
        %parallel_loop3A_156 = arith.index_cast %parallel_loop3A_155 : i32 to index
        %parallel_loop3A_157 = arith.index_cast %parallel_loop3A_92 : i32 to index
        %parallel_loop3A_158 = tpu.vector_load %arg6[%parallel_loop3A_156, %parallel_loop3A_157] {strides = array<i32>} : memref<23x512xf32, #tpu.memory_space<vmem>>, vector<16xf32>,
        %parallel_loop3A_159 = math.exp %parallel_loop3A_158 : vector<16xf32>
        %parallel_loop3A_160 = arith.constant 10 : i32
        %parallel_loop3A_161 = arith.index_cast %parallel_loop3A_160 : i32 to index
        %parallel_loop3A_162 = arith.index_cast %parallel_loop3A_92 : i32 to index
        %parallel_loop3A_163 = tpu.vector_load %arg6[%parallel_loop3A_161, %parallel_loop3A_162] {strides = array<i32>} : memref<23x512xf32, #tpu.memory_space<vmem>>, vector<16xf32>,
        %parallel_loop3A_164 = math.exp %parallel_loop3A_163 : vector<16xf32>
        %parallel_loop3A_165 = arith.constant 11 : i32
        %parallel_loop3A_166 = arith.index_cast %parallel_loop3A_165 : i32 to index
        %parallel_loop3A_167 = arith.index_cast %parallel_loop3A_92 : i32 to index
        %parallel_loop3A_168 = tpu.vector_load %arg6[%parallel_loop3A_166, %parallel_loop3A_167] {strides = array<i32>} : memref<23x512xf32, #tpu.memory_space<vmem>>, vector<16xf32>,
        %parallel_loop3A_169 = math.exp %parallel_loop3A_168 : vector<16xf32>
        %parallel_loop3A_170 = arith.constant 12 : i32
        %parallel_loop3A_171 = arith.index_cast %parallel_loop3A_170 : i32 to index
        %parallel_loop3A_172 = arith.index_cast %parallel_loop3A_92 : i32 to index
        %parallel_loop3A_173 = tpu.vector_load %arg6[%parallel_loop3A_171, %parallel_loop3A_172] {strides = array<i32>} : memref<23x512xf32, #tpu.memory_space<vmem>>, vector<16xf32>,
        %parallel_loop3A_174 = math.exp %parallel_loop3A_173 : vector<16xf32>
        %parallel_loop3A_175 = arith.constant 13 : i32
        %parallel_loop3A_176 = arith.index_cast %parallel_loop3A_175 : i32 to index
        %parallel_loop3A_177 = arith.index_cast %parallel_loop3A_92 : i32 to index
        %parallel_loop3A_178 = tpu.vector_load %arg6[%parallel_loop3A_176, %parallel_loop3A_177] {strides = array<i32>} : memref<23x512xf32, #tpu.memory_space<vmem>>, vector<16xf32>,
        %parallel_loop3A_179 = math.exp %parallel_loop3A_178 : vector<16xf32>
        %parallel_loop3A_180 = arith.constant 14 : i32
        %parallel_loop3A_181 = arith.index_cast %parallel_loop3A_180 : i32 to index
        %parallel_loop3A_182 = arith.index_cast %parallel_loop3A_92 : i32 to index
        %parallel_loop3A_183 = tpu.vector_load %arg6[%parallel_loop3A_181, %parallel_loop3A_182] {strides = array<i32>} : memref<23x512xf32, #tpu.memory_space<vmem>>, vector<16xf32>,
        %parallel_loop3A_184 = math.exp %parallel_loop3A_183 : vector<16xf32>
        %parallel_loop3A_185 = arith.constant 15 : i32
        %parallel_loop3A_186 = arith.index_cast %parallel_loop3A_185 : i32 to index
        %parallel_loop3A_187 = arith.index_cast %parallel_loop3A_92 : i32 to index
        %parallel_loop3A_188 = tpu.vector_load %arg6[%parallel_loop3A_186, %parallel_loop3A_187] {strides = array<i32>} : memref<23x512xf32, #tpu.memory_space<vmem>>, vector<16xf32>,
        %parallel_loop3A_189 = math.exp %parallel_loop3A_188 : vector<16xf32>
        %parallel_loop3A_190 = arith.constant 5.000000e-01 : f32
        %parallel_loop3A_191 = vector.broadcast %parallel_loop3A_190 : f32 to vector<16xf32>
        %parallel_loop3A_192 = arith.mulf %parallel_loop3A_191, %parallel_loop3A_154 : vector<16xf32>
        %parallel_loop3A_193 = arith.addf %parallel_loop3A_192, %parallel_loop3A_159 : vector<16xf32>
        %parallel_loop3A_194 = arith.addf %parallel_loop3A_164, %parallel_loop3A_169 : vector<16xf32>
        %parallel_loop3A_195 = arith.addf %parallel_loop3A_174, %parallel_loop3A_179 : vector<16xf32>
        %parallel_loop3A_196 = arith.addf %parallel_loop3A_184, %parallel_loop3A_189 : vector<16xf32>
        %parallel_loop3A_197 = arith.addf %parallel_loop3A_193, %parallel_loop3A_194 : vector<16xf32>
        %parallel_loop3A_198 = arith.addf %parallel_loop3A_195, %parallel_loop3A_196 : vector<16xf32>
        %parallel_loop3A_199 = arith.addf %parallel_loop3A_197, %parallel_loop3A_198 : vector<16xf32>
        %parallel_loop3A_200 = arith.addf %parallel_loop3A_193, %parallel_loop3A_164 : vector<16xf32>
        %parallel_loop3A_201 = arith.addf %parallel_loop3A_197, %parallel_loop3A_174 : vector<16xf32>
        %parallel_loop3A_202 = arith.addf %parallel_loop3A_197, %parallel_loop3A_195 : vector<16xf32>
        %parallel_loop3A_203 = arith.addf %parallel_loop3A_197, %parallel_loop3A_195 : vector<16xf32>
        %parallel_loop3A_204 = arith.addf %parallel_loop3A_203, %parallel_loop3A_184 : vector<16xf32>
        %parallel_loop3A_205 = arith.addf %parallel_loop3A_144, %parallel_loop3A_137 : vector<16xf32>
        %parallel_loop3A_206 = arith.addf %parallel_loop3A_199, %parallel_loop3A_192 : vector<16xf32>
        %parallel_loop3A_207 = arith.mulf %parallel_loop3A_205, %parallel_loop3A_206 : vector<16xf32>
        %parallel_loop3A_208 = arith.constant 1.000000e+00 : f32
        %parallel_loop3A_209 = vector.broadcast %parallel_loop3A_208 : f32 to vector<16xf32>
        %parallel_loop3A_210 = arith.divf %parallel_loop3A_209, %parallel_loop3A_207 : vector<16xf32>
        %parallel_loop3A_211 = arith.constant 7.9207921 : f32
        %parallel_loop3A_212 = vector.broadcast %parallel_loop3A_211 : f32 to vector<16xf32>
        %parallel_loop3A_213 = arith.mulf %parallel_loop3A_212, %parallel_loop3A_210 : vector<16xf32>
        %parallel_loop3A_214 = arith.mulf %parallel_loop3A_213, %parallel_loop3A_206 : vector<16xf32>
        %parallel_loop3A_215 = arith.constant 7.9207921 : f32
        %parallel_loop3A_216 = vector.broadcast %parallel_loop3A_215 : f32 to vector<16xf32>
        %parallel_loop3A_217 = arith.mulf %parallel_loop3A_216, %parallel_loop3A_210 : vector<16xf32>
        %parallel_loop3A_218 = arith.mulf %parallel_loop3A_217, %parallel_loop3A_205 : vector<16xf32>
        %parallel_loop3A_219 = arith.mulf %parallel_loop3A_137, %parallel_loop3A_214 : vector<16xf32>
        %parallel_loop3A_220 = arith.constant -3.99504948 : f32
        %parallel_loop3A_221 = vector.broadcast %parallel_loop3A_220 : f32 to vector<16xf32>
        %parallel_loop3A_222 = arith.addf %parallel_loop3A_219, %parallel_loop3A_221 : vector<16xf32>
        %parallel_loop3A_223 = arith.mulf %parallel_loop3A_138, %parallel_loop3A_214 : vector<16xf32>
        %parallel_loop3A_224 = arith.constant -3.98514843 : f32
        %parallel_loop3A_225 = vector.broadcast %parallel_loop3A_224 : f32 to vector<16xf32>
        %parallel_loop3A_226 = arith.addf %parallel_loop3A_223, %parallel_loop3A_225 : vector<16xf32>
        %parallel_loop3A_227 = arith.mulf %parallel_loop3A_145, %parallel_loop3A_214 : vector<16xf32>
        %parallel_loop3A_228 = arith.constant -3.97524762 : f32
        %parallel_loop3A_229 = vector.broadcast %parallel_loop3A_228 : f32 to vector<16xf32>
        %parallel_loop3A_230 = arith.addf %parallel_loop3A_227, %parallel_loop3A_229 : vector<16xf32>
        %parallel_loop3A_231 = arith.mulf %parallel_loop3A_142, %parallel_loop3A_214 : vector<16xf32>
        %parallel_loop3A_232 = arith.constant -3.96534657 : f32
        %parallel_loop3A_233 = vector.broadcast %parallel_loop3A_232 : f32 to vector<16xf32>
        %parallel_loop3A_234 = arith.addf %parallel_loop3A_231, %parallel_loop3A_233 : vector<16xf32>
        %parallel_loop3A_235 = arith.mulf %parallel_loop3A_146, %parallel_loop3A_214 : vector<16xf32>
        %parallel_loop3A_236 = arith.constant -3.95544553 : f32
        %parallel_loop3A_237 = vector.broadcast %parallel_loop3A_236 : f32 to vector<16xf32>
        %parallel_loop3A_238 = arith.addf %parallel_loop3A_235, %parallel_loop3A_237 : vector<16xf32>
        %parallel_loop3A_239 = arith.mulf %parallel_loop3A_147, %parallel_loop3A_214 : vector<16xf32>
        %parallel_loop3A_240 = arith.constant -3.94554448 : f32
        %parallel_loop3A_241 = vector.broadcast %parallel_loop3A_240 : f32 to vector<16xf32>
        %parallel_loop3A_242 = arith.addf %parallel_loop3A_239, %parallel_loop3A_241 : vector<16xf32>
        %parallel_loop3A_243 = arith.mulf %parallel_loop3A_149, %parallel_loop3A_214 : vector<16xf32>
        %parallel_loop3A_244 = arith.constant -3.93564367 : f32
        %parallel_loop3A_245 = vector.broadcast %parallel_loop3A_244 : f32 to vector<16xf32>
        %parallel_loop3A_246 = arith.addf %parallel_loop3A_243, %parallel_loop3A_245 : vector<16xf32>
        %parallel_loop3A_247 = arith.mulf %parallel_loop3A_144, %parallel_loop3A_214 : vector<16xf32>
        %parallel_loop3A_248 = arith.constant -3.92574263 : f32
        %parallel_loop3A_249 = vector.broadcast %parallel_loop3A_248 : f32 to vector<16xf32>
        %parallel_loop3A_250 = arith.addf %parallel_loop3A_247, %parallel_loop3A_249 : vector<16xf32>
        %parallel_loop3A_251 = arith.mulf %parallel_loop3A_192, %parallel_loop3A_218 : vector<16xf32>
        %parallel_loop3A_252 = arith.constant -3.99504948 : f32
        %parallel_loop3A_253 = vector.broadcast %parallel_loop3A_252 : f32 to vector<16xf32>
        %parallel_loop3A_254 = arith.addf %parallel_loop3A_251, %parallel_loop3A_253 : vector<16xf32>
        %parallel_loop3A_255 = arith.mulf %parallel_loop3A_193, %parallel_loop3A_218 : vector<16xf32>
        %parallel_loop3A_256 = arith.constant -3.98514843 : f32
        %parallel_loop3A_257 = vector.broadcast %parallel_loop3A_256 : f32 to vector<16xf32>
        %parallel_loop3A_258 = arith.addf %parallel_loop3A_255, %parallel_loop3A_257 : vector<16xf32>
        %parallel_loop3A_259 = arith.mulf %parallel_loop3A_200, %parallel_loop3A_218 : vector<16xf32>
        %parallel_loop3A_260 = arith.constant -3.97524762 : f32
        %parallel_loop3A_261 = vector.broadcast %parallel_loop3A_260 : f32 to vector<16xf32>
        %parallel_loop3A_262 = arith.addf %parallel_loop3A_259, %parallel_loop3A_261 : vector<16xf32>
        %parallel_loop3A_263 = arith.mulf %parallel_loop3A_197, %parallel_loop3A_218 : vector<16xf32>
        %parallel_loop3A_264 = arith.constant -3.96534657 : f32
        %parallel_loop3A_265 = vector.broadcast %parallel_loop3A_264 : f32 to vector<16xf32>
        %parallel_loop3A_266 = arith.addf %parallel_loop3A_263, %parallel_loop3A_265 : vector<16xf32>
        %parallel_loop3A_267 = arith.mulf %parallel_loop3A_201, %parallel_loop3A_218 : vector<16xf32>
        %parallel_loop3A_268 = arith.constant -3.95544553 : f32
        %parallel_loop3A_269 = vector.broadcast %parallel_loop3A_268 : f32 to vector<16xf32>
        %parallel_loop3A_270 = arith.addf %parallel_loop3A_267, %parallel_loop3A_269 : vector<16xf32>
        %parallel_loop3A_271 = arith.mulf %parallel_loop3A_202, %parallel_loop3A_218 : vector<16xf32>
        %parallel_loop3A_272 = arith.constant -3.94554448 : f32
        %parallel_loop3A_273 = vector.broadcast %parallel_loop3A_272 : f32 to vector<16xf32>
        %parallel_loop3A_274 = arith.addf %parallel_loop3A_271, %parallel_loop3A_273 : vector<16xf32>
        %parallel_loop3A_275 = arith.mulf %parallel_loop3A_204, %parallel_loop3A_218 : vector<16xf32>
        %parallel_loop3A_276 = arith.constant -3.93564367 : f32
        %parallel_loop3A_277 = vector.broadcast %parallel_loop3A_276 : f32 to vector<16xf32>
        %parallel_loop3A_278 = arith.addf %parallel_loop3A_275, %parallel_loop3A_277 : vector<16xf32>
        %parallel_loop3A_279 = arith.mulf %parallel_loop3A_199, %parallel_loop3A_218 : vector<16xf32>
        %parallel_loop3A_280 = arith.constant -3.92574263 : f32
        %parallel_loop3A_281 = vector.broadcast %parallel_loop3A_280 : f32 to vector<16xf32>
        %parallel_loop3A_282 = arith.addf %parallel_loop3A_279, %parallel_loop3A_281 : vector<16xf32>
        %parallel_loop3A_283 = arith.cmpf olt, %parallel_loop3A_222, %parallel_loop3A_94 : vector<16xf32>
        %parallel_loop3A_284 = arith.cmpf olt, %parallel_loop3A_226, %parallel_loop3A_94 : vector<16xf32>
        %parallel_loop3A_285 = arith.cmpf olt, %parallel_loop3A_230, %parallel_loop3A_94 : vector<16xf32>
        %parallel_loop3A_286 = arith.cmpf olt, %parallel_loop3A_234, %parallel_loop3A_94 : vector<16xf32>
        %parallel_loop3A_287 = arith.cmpf olt, %parallel_loop3A_238, %parallel_loop3A_94 : vector<16xf32>
        %parallel_loop3A_288 = arith.cmpf olt, %parallel_loop3A_242, %parallel_loop3A_94 : vector<16xf32>
        %parallel_loop3A_289 = arith.cmpf olt, %parallel_loop3A_246, %parallel_loop3A_94 : vector<16xf32>
        %parallel_loop3A_290 = arith.cmpf olt, %parallel_loop3A_250, %parallel_loop3A_94 : vector<16xf32>
        %parallel_loop3A_291 = arith.constant -4.000000e+00 : f32
        %parallel_loop3A_292 = vector.broadcast %parallel_loop3A_291 : f32 to vector<16xf32>
        %parallel_loop3A_293 = arith.cmpf ogt, %parallel_loop3A_94, %parallel_loop3A_292 : vector<16xf32>
        %parallel_loop3A_294 = arith.constant 4.000000e+00 : f32
        %parallel_loop3A_295 = vector.broadcast %parallel_loop3A_294 : f32 to vector<16xf32>
        %parallel_loop3A_296 = arith.cmpf ogt, %parallel_loop3A_94, %parallel_loop3A_295 : vector<16xf32>
        %parallel_loop3A_297 = arith.constant -4.000000e+00 : f32
        %parallel_loop3A_298 = arith.constant -4.000000e+04 : f32
        %parallel_loop3A_299 = vector.broadcast %parallel_loop3A_297 : f32 to vector<16xf32>
        %parallel_loop3A_300 = vector.broadcast %parallel_loop3A_298 : f32 to vector<16xf32>
        %parallel_loop3A_301 = arith.select %parallel_loop3A_293, %parallel_loop3A_299, %parallel_loop3A_300 : vector<16xi1>, vector<16xf32>
        %parallel_loop3A_302 = arith.select %parallel_loop3A_283, %parallel_loop3A_222, %parallel_loop3A_301 : vector<16xi1>, vector<16xf32>
        %parallel_loop3A_303 = arith.select %parallel_loop3A_284, %parallel_loop3A_226, %parallel_loop3A_302 : vector<16xi1>, vector<16xf32>
        %parallel_loop3A_304 = arith.select %parallel_loop3A_285, %parallel_loop3A_230, %parallel_loop3A_303 : vector<16xi1>, vector<16xf32>
        %parallel_loop3A_305 = arith.select %parallel_loop3A_286, %parallel_loop3A_234, %parallel_loop3A_304 : vector<16xi1>, vector<16xf32>
        %parallel_loop3A_306 = arith.select %parallel_loop3A_287, %parallel_loop3A_238, %parallel_loop3A_305 : vector<16xi1>, vector<16xf32>
        %parallel_loop3A_307 = arith.select %parallel_loop3A_288, %parallel_loop3A_242, %parallel_loop3A_306 : vector<16xi1>, vector<16xf32>
        %parallel_loop3A_308 = arith.select %parallel_loop3A_289, %parallel_loop3A_246, %parallel_loop3A_307 : vector<16xi1>, vector<16xf32>
        %parallel_loop3A_309 = arith.select %parallel_loop3A_290, %parallel_loop3A_250, %parallel_loop3A_308 : vector<16xi1>, vector<16xf32>
        %parallel_loop3A_310 = arith.constant 4.000000e+00 : f32
        %parallel_loop3A_311 = vector.broadcast %parallel_loop3A_310 : f32 to vector<16xf32>
        %parallel_loop3A_312 = arith.select %parallel_loop3A_296, %parallel_loop3A_311, %parallel_loop3A_309 : vector<16xi1>, vector<16xf32>
        %parallel_loop3A_313 = arith.constant 4.000000e+04 : f32
        %parallel_loop3A_314 = arith.constant 4.000000e+00 : f32
        %parallel_loop3A_315 = vector.broadcast %parallel_loop3A_313 : f32 to vector<16xf32>
        %parallel_loop3A_316 = vector.broadcast %parallel_loop3A_314 : f32 to vector<16xf32>
        %parallel_loop3A_317 = arith.select %parallel_loop3A_296, %parallel_loop3A_315, %parallel_loop3A_316 : vector<16xi1>, vector<16xf32>
        %parallel_loop3A_318 = arith.select %parallel_loop3A_290, %parallel_loop3A_317, %parallel_loop3A_250 : vector<16xi1>, vector<16xf32>
        %parallel_loop3A_319 = arith.select %parallel_loop3A_289, %parallel_loop3A_318, %parallel_loop3A_246 : vector<16xi1>, vector<16xf32>
        %parallel_loop3A_320 = arith.select %parallel_loop3A_288, %parallel_loop3A_319, %parallel_loop3A_242 : vector<16xi1>, vector<16xf32>
        %parallel_loop3A_321 = arith.select %parallel_loop3A_287, %parallel_loop3A_320, %parallel_loop3A_238 : vector<16xi1>, vector<16xf32>
        %parallel_loop3A_322 = arith.select %parallel_loop3A_286, %parallel_loop3A_321, %parallel_loop3A_234 : vector<16xi1>, vector<16xf32>
        %parallel_loop3A_323 = arith.select %parallel_loop3A_285, %parallel_loop3A_322, %parallel_loop3A_230 : vector<16xi1>, vector<16xf32>
        %parallel_loop3A_324 = arith.select %parallel_loop3A_284, %parallel_loop3A_323, %parallel_loop3A_226 : vector<16xi1>, vector<16xf32>
        %parallel_loop3A_325 = arith.select %parallel_loop3A_283, %parallel_loop3A_324, %parallel_loop3A_222 : vector<16xi1>, vector<16xf32>
        %parallel_loop3A_326 = arith.constant -4.000000e+00 : f32
        %parallel_loop3A_327 = vector.broadcast %parallel_loop3A_326 : f32 to vector<16xf32>
        %parallel_loop3A_328 = arith.select %parallel_loop3A_293, %parallel_loop3A_325, %parallel_loop3A_327 : vector<16xi1>, vector<16xf32>
        %parallel_loop3A_329 = arith.constant -4.000000e+00 : f32
        %parallel_loop3A_330 = arith.constant -4.000000e+04 : f32
        %parallel_loop3A_331 = vector.broadcast %parallel_loop3A_329 : f32 to vector<16xf32>
        %parallel_loop3A_332 = vector.broadcast %parallel_loop3A_330 : f32 to vector<16xf32>
        %parallel_loop3A_333 = arith.select %parallel_loop3A_293, %parallel_loop3A_331, %parallel_loop3A_332 : vector<16xi1>, vector<16xf32>
        %parallel_loop3A_334 = arith.select %parallel_loop3A_283, %parallel_loop3A_254, %parallel_loop3A_333 : vector<16xi1>, vector<16xf32>
        %parallel_loop3A_335 = arith.select %parallel_loop3A_284, %parallel_loop3A_258, %parallel_loop3A_334 : vector<16xi1>, vector<16xf32>
        %parallel_loop3A_336 = arith.select %parallel_loop3A_285, %parallel_loop3A_262, %parallel_loop3A_335 : vector<16xi1>, vector<16xf32>
        %parallel_loop3A_337 = arith.select %parallel_loop3A_286, %parallel_loop3A_266, %parallel_loop3A_336 : vector<16xi1>, vector<16xf32>
        %parallel_loop3A_338 = arith.select %parallel_loop3A_287, %parallel_loop3A_270, %parallel_loop3A_337 : vector<16xi1>, vector<16xf32>
        %parallel_loop3A_339 = arith.select %parallel_loop3A_288, %parallel_loop3A_274, %parallel_loop3A_338 : vector<16xi1>, vector<16xf32>
        %parallel_loop3A_340 = arith.select %parallel_loop3A_289, %parallel_loop3A_278, %parallel_loop3A_339 : vector<16xi1>, vector<16xf32>
        %parallel_loop3A_341 = arith.select %parallel_loop3A_290, %parallel_loop3A_282, %parallel_loop3A_340 : vector<16xi1>, vector<16xf32>
        %parallel_loop3A_342 = arith.constant 4.000000e+00 : f32
        %parallel_loop3A_343 = vector.broadcast %parallel_loop3A_342 : f32 to vector<16xf32>
        %parallel_loop3A_344 = arith.select %parallel_loop3A_296, %parallel_loop3A_343, %parallel_loop3A_341 : vector<16xi1>, vector<16xf32>
        %parallel_loop3A_345 = arith.constant 4.000000e+04 : f32
        %parallel_loop3A_346 = arith.constant 4.000000e+00 : f32
        %parallel_loop3A_347 = vector.broadcast %parallel_loop3A_345 : f32 to vector<16xf32>
        %parallel_loop3A_348 = vector.broadcast %parallel_loop3A_346 : f32 to vector<16xf32>
        %parallel_loop3A_349 = arith.select %parallel_loop3A_296, %parallel_loop3A_347, %parallel_loop3A_348 : vector<16xi1>, vector<16xf32>
        %parallel_loop3A_350 = arith.select %parallel_loop3A_290, %parallel_loop3A_349, %parallel_loop3A_282 : vector<16xi1>, vector<16xf32>
        %parallel_loop3A_351 = arith.select %parallel_loop3A_289, %parallel_loop3A_350, %parallel_loop3A_278 : vector<16xi1>, vector<16xf32>
        %parallel_loop3A_352 = arith.select %parallel_loop3A_288, %parallel_loop3A_351, %parallel_loop3A_274 : vector<16xi1>, vector<16xf32>
        %parallel_loop3A_353 = arith.select %parallel_loop3A_287, %parallel_loop3A_352, %parallel_loop3A_270 : vector<16xi1>, vector<16xf32>
        %parallel_loop3A_354 = arith.select %parallel_loop3A_286, %parallel_loop3A_353, %parallel_loop3A_266 : vector<16xi1>, vector<16xf32>
        %parallel_loop3A_355 = arith.select %parallel_loop3A_285, %parallel_loop3A_354, %parallel_loop3A_262 : vector<16xi1>, vector<16xf32>
        %parallel_loop3A_356 = arith.select %parallel_loop3A_284, %parallel_loop3A_355, %parallel_loop3A_258 : vector<16xi1>, vector<16xf32>
        %parallel_loop3A_357 = arith.select %parallel_loop3A_283, %parallel_loop3A_356, %parallel_loop3A_254 : vector<16xi1>, vector<16xf32>
        %parallel_loop3A_358 = arith.constant -4.000000e+00 : f32
        %parallel_loop3A_359 = vector.broadcast %parallel_loop3A_358 : f32 to vector<16xf32>
        %parallel_loop3A_360 = arith.select %parallel_loop3A_293, %parallel_loop3A_357, %parallel_loop3A_359 : vector<16xi1>, vector<16xf32>
        %parallel_loop3A_361 = arith.constant 16 : i32
        %parallel_loop3A_362 = arith.index_cast %parallel_loop3A_361 : i32 to index
        %parallel_loop3A_363 = arith.index_cast %parallel_loop3A_92 : i32 to index
        %parallel_loop3A_364 = tpu.vector_load %arg6[%parallel_loop3A_362, %parallel_loop3A_363] {strides = array<i32>} : memref<23x512xf32, #tpu.memory_space<vmem>>, vector<16xf32>,
        %parallel_loop3A_365 = arith.constant 17 : i32
        %parallel_loop3A_366 = arith.index_cast %parallel_loop3A_365 : i32 to index
        %parallel_loop3A_367 = arith.index_cast %parallel_loop3A_92 : i32 to index
        %parallel_loop3A_368 = tpu.vector_load %arg6[%parallel_loop3A_366, %parallel_loop3A_367] {strides = array<i32>} : memref<23x512xf32, #tpu.memory_space<vmem>>, vector<16xf32>,
        %parallel_loop3A_369 = arith.constant 18 : i32
        %parallel_loop3A_370 = arith.index_cast %parallel_loop3A_369 : i32 to index
        %parallel_loop3A_371 = arith.index_cast %parallel_loop3A_92 : i32 to index
        %parallel_loop3A_372 = tpu.vector_load %arg6[%parallel_loop3A_370, %parallel_loop3A_371] {strides = array<i32>} : memref<23x512xf32, #tpu.memory_space<vmem>>, vector<16xf32>,
        %parallel_loop3A_373 = arith.constant 19 : i32
        %parallel_loop3A_374 = arith.index_cast %parallel_loop3A_373 : i32 to index
        %parallel_loop3A_375 = arith.index_cast %parallel_loop3A_92 : i32 to index
        %parallel_loop3A_376 = tpu.vector_load %arg6[%parallel_loop3A_374, %parallel_loop3A_375] {strides = array<i32>} : memref<23x512xf32, #tpu.memory_space<vmem>>, vector<16xf32>,
        %parallel_loop3A_377 = arith.constant 20 : i32
        %parallel_loop3A_378 = arith.index_cast %parallel_loop3A_377 : i32 to index
        %parallel_loop3A_379 = arith.index_cast %parallel_loop3A_92 : i32 to index
        %parallel_loop3A_380 = tpu.vector_load %arg6[%parallel_loop3A_378, %parallel_loop3A_379] {strides = array<i32>} : memref<23x512xf32, #tpu.memory_space<vmem>>, vector<16xf32>,
        %parallel_loop3A_381 = arith.constant 21 : i32
        %parallel_loop3A_382 = arith.index_cast %parallel_loop3A_381 : i32 to index
        %parallel_loop3A_383 = arith.index_cast %parallel_loop3A_92 : i32 to index
        %parallel_loop3A_384 = tpu.vector_load %arg6[%parallel_loop3A_382, %parallel_loop3A_383] {strides = array<i32>} : memref<23x512xf32, #tpu.memory_space<vmem>>, vector<16xf32>,
        %parallel_loop3A_385 = arith.constant 22 : i32
        %parallel_loop3A_386 = arith.index_cast %parallel_loop3A_385 : i32 to index
        %parallel_loop3A_387 = arith.index_cast %parallel_loop3A_92 : i32 to index
        %parallel_loop3A_388 = tpu.vector_load %arg6[%parallel_loop3A_386, %parallel_loop3A_387] {strides = array<i32>} : memref<23x512xf32, #tpu.memory_space<vmem>>, vector<16xf32>,
        %parallel_loop3A_389 = arith.select %parallel_loop3A_284, %parallel_loop3A_368, %parallel_loop3A_364 : vector<16xi1>, vector<16xf32>
        %parallel_loop3A_390 = arith.select %parallel_loop3A_283, %parallel_loop3A_368, %parallel_loop3A_364 : vector<16xi1>, vector<16xf32>
        %parallel_loop3A_391 = arith.select %parallel_loop3A_285, %parallel_loop3A_372, %parallel_loop3A_389 : vector<16xi1>, vector<16xf32>
        %parallel_loop3A_392 = arith.select %parallel_loop3A_284, %parallel_loop3A_372, %parallel_loop3A_390 : vector<16xi1>, vector<16xf32>
        %parallel_loop3A_393 = arith.select %parallel_loop3A_286, %parallel_loop3A_376, %parallel_loop3A_391 : vector<16xi1>, vector<16xf32>
        %parallel_loop3A_394 = arith.select %parallel_loop3A_285, %parallel_loop3A_376, %parallel_loop3A_392 : vector<16xi1>, vector<16xf32>
        %parallel_loop3A_395 = arith.select %parallel_loop3A_287, %parallel_loop3A_380, %parallel_loop3A_393 : vector<16xi1>, vector<16xf32>
        %parallel_loop3A_396 = arith.select %parallel_loop3A_286, %parallel_loop3A_380, %parallel_loop3A_394 : vector<16xi1>, vector<16xf32>
        %parallel_loop3A_397 = arith.select %parallel_loop3A_288, %parallel_loop3A_384, %parallel_loop3A_395 : vector<16xi1>, vector<16xf32>
        %parallel_loop3A_398 = arith.select %parallel_loop3A_287, %parallel_loop3A_384, %parallel_loop3A_396 : vector<16xi1>, vector<16xf32>
        %parallel_loop3A_399 = arith.select %parallel_loop3A_289, %parallel_loop3A_388, %parallel_loop3A_397 : vector<16xi1>, vector<16xf32>
        %parallel_loop3A_400 = arith.select %parallel_loop3A_288, %parallel_loop3A_388, %parallel_loop3A_398 : vector<16xi1>, vector<16xf32>
        %parallel_loop3A_401 = arith.constant dense<true> : vector<16xi1>
        %parallel_loop3A_402 = arith.xori %parallel_loop3A_290, %parallel_loop3A_401 : vector<16xi1>
        %parallel_loop3A_403 = arith.andi %parallel_loop3A_283, %parallel_loop3A_402 : vector<16xi1>
        %parallel_loop3A_404 = arith.andi %parallel_loop3A_293, %parallel_loop3A_403 : vector<16xi1>
        %parallel_loop3A_405 = arith.constant dense<true> : vector<16xi1>
        %parallel_loop3A_406 = arith.xori %parallel_loop3A_289, %parallel_loop3A_405 : vector<16xi1>
        %parallel_loop3A_407 = arith.andi %parallel_loop3A_293, %parallel_loop3A_406 : vector<16xi1>
        %parallel_loop3A_408 = math.absf %parallel_loop3A_399 : vector<16xf32>
        %parallel_loop3A_409 = arith.constant 0.000000e+00 : f32
        %parallel_loop3A_410 = vector.broadcast %parallel_loop3A_409 : f32 to vector<16xf32>
        %parallel_loop3A_411 = arith.subf %parallel_loop3A_410, %parallel_loop3A_408 : vector<16xf32>
        %parallel_loop3A_412 = math.exp %parallel_loop3A_411 : vector<16xf32>
        %parallel_loop3A_413 = math.absf %parallel_loop3A_400 : vector<16xf32>
        %parallel_loop3A_414 = arith.constant 0.000000e+00 : f32
        %parallel_loop3A_415 = vector.broadcast %parallel_loop3A_414 : f32 to vector<16xf32>
        %parallel_loop3A_416 = arith.subf %parallel_loop3A_415, %parallel_loop3A_413 : vector<16xf32>
        %parallel_loop3A_417 = math.exp %parallel_loop3A_416 : vector<16xf32>
        %parallel_loop3A_418 = arith.constant 2.000000e+00 : f32
        %parallel_loop3A_419 = vector.broadcast %parallel_loop3A_418 : f32 to vector<16xf32>
        %parallel_loop3A_420 = arith.addf %parallel_loop3A_412, %parallel_loop3A_419 : vector<16xf32>
        %parallel_loop3A_421 = arith.constant 2.000000e+00 : f32
        %parallel_loop3A_422 = vector.broadcast %parallel_loop3A_421 : f32 to vector<16xf32>
        %parallel_loop3A_423 = arith.addf %parallel_loop3A_417, %parallel_loop3A_422 : vector<16xf32>
        %parallel_loop3A_424 = arith.mulf %parallel_loop3A_420, %parallel_loop3A_423 : vector<16xf32>
        %parallel_loop3A_425 = arith.constant 1.000000e+00 : f32
        %parallel_loop3A_426 = vector.broadcast %parallel_loop3A_425 : f32 to vector<16xf32>
        %parallel_loop3A_427 = arith.divf %parallel_loop3A_426, %parallel_loop3A_424 : vector<16xf32>
        %parallel_loop3A_428 = arith.mulf %parallel_loop3A_412, %parallel_loop3A_423 : vector<16xf32>
        %parallel_loop3A_429 = arith.mulf %parallel_loop3A_428, %parallel_loop3A_427 : vector<16xf32>
        %parallel_loop3A_430 = arith.mulf %parallel_loop3A_429, %parallel_loop3A_429 : vector<16xf32>
        %parallel_loop3A_431 = arith.constant 0.222222224 : f32
        %parallel_loop3A_432 = vector.broadcast %parallel_loop3A_431 : f32 to vector<16xf32>
        %parallel_loop3A_433 = arith.mulf %parallel_loop3A_430, %parallel_loop3A_432 : vector<16xf32>
        %parallel_loop3A_434 = arith.constant 0.285714298 : f32
        %parallel_loop3A_435 = vector.broadcast %parallel_loop3A_434 : f32 to vector<16xf32>
        %parallel_loop3A_436 = arith.addf %parallel_loop3A_435, %parallel_loop3A_433 : vector<16xf32>
        %parallel_loop3A_437 = arith.mulf %parallel_loop3A_430, %parallel_loop3A_436 : vector<16xf32>
        %parallel_loop3A_438 = arith.constant 4.000000e-01 : f32
        %parallel_loop3A_439 = vector.broadcast %parallel_loop3A_438 : f32 to vector<16xf32>
        %parallel_loop3A_440 = arith.addf %parallel_loop3A_439, %parallel_loop3A_437 : vector<16xf32>
        %parallel_loop3A_441 = arith.mulf %parallel_loop3A_430, %parallel_loop3A_440 : vector<16xf32>
        %parallel_loop3A_442 = arith.constant 0.666666686 : f32
        %parallel_loop3A_443 = vector.broadcast %parallel_loop3A_442 : f32 to vector<16xf32>
        %parallel_loop3A_444 = arith.addf %parallel_loop3A_443, %parallel_loop3A_441 : vector<16xf32>
        %parallel_loop3A_445 = arith.mulf %parallel_loop3A_430, %parallel_loop3A_444 : vector<16xf32>
        %parallel_loop3A_446 = arith.constant 2.000000e+00 : f32
        %parallel_loop3A_447 = vector.broadcast %parallel_loop3A_446 : f32 to vector<16xf32>
        %parallel_loop3A_448 = arith.addf %parallel_loop3A_447, %parallel_loop3A_445 : vector<16xf32>
        %parallel_loop3A_449 = arith.constant 0.000000e+00 : f32
        %parallel_loop3A_450 = vector.broadcast %parallel_loop3A_449 : f32 to vector<16xf32>
        %parallel_loop3A_451 = arith.maximumf %parallel_loop3A_399, %parallel_loop3A_450 : vector<16xf32>
        %parallel_loop3A_452 = arith.mulf %parallel_loop3A_429, %parallel_loop3A_448 : vector<16xf32>
        %parallel_loop3A_453 = arith.addf %parallel_loop3A_451, %parallel_loop3A_452 : vector<16xf32>
        %parallel_loop3A_454 = arith.mulf %parallel_loop3A_417, %parallel_loop3A_420 : vector<16xf32>
        %parallel_loop3A_455 = arith.mulf %parallel_loop3A_454, %parallel_loop3A_427 : vector<16xf32>
        %parallel_loop3A_456 = arith.mulf %parallel_loop3A_455, %parallel_loop3A_455 : vector<16xf32>
        %parallel_loop3A_457 = arith.constant 0.222222224 : f32
        %parallel_loop3A_458 = vector.broadcast %parallel_loop3A_457 : f32 to vector<16xf32>
        %parallel_loop3A_459 = arith.mulf %parallel_loop3A_456, %parallel_loop3A_458 : vector<16xf32>
        %parallel_loop3A_460 = arith.constant 0.285714298 : f32
        %parallel_loop3A_461 = vector.broadcast %parallel_loop3A_460 : f32 to vector<16xf32>
        %parallel_loop3A_462 = arith.addf %parallel_loop3A_461, %parallel_loop3A_459 : vector<16xf32>
        %parallel_loop3A_463 = arith.mulf %parallel_loop3A_456, %parallel_loop3A_462 : vector<16xf32>
        %parallel_loop3A_464 = arith.constant 4.000000e-01 : f32
        %parallel_loop3A_465 = vector.broadcast %parallel_loop3A_464 : f32 to vector<16xf32>
        %parallel_loop3A_466 = arith.addf %parallel_loop3A_465, %parallel_loop3A_463 : vector<16xf32>
        %parallel_loop3A_467 = arith.mulf %parallel_loop3A_456, %parallel_loop3A_466 : vector<16xf32>
        %parallel_loop3A_468 = arith.constant 0.666666686 : f32
        %parallel_loop3A_469 = vector.broadcast %parallel_loop3A_468 : f32 to vector<16xf32>
        %parallel_loop3A_470 = arith.addf %parallel_loop3A_469, %parallel_loop3A_467 : vector<16xf32>
        %parallel_loop3A_471 = arith.mulf %parallel_loop3A_456, %parallel_loop3A_470 : vector<16xf32>
        %parallel_loop3A_472 = arith.constant 2.000000e+00 : f32
        %parallel_loop3A_473 = vector.broadcast %parallel_loop3A_472 : f32 to vector<16xf32>
        %parallel_loop3A_474 = arith.addf %parallel_loop3A_473, %parallel_loop3A_471 : vector<16xf32>
        %parallel_loop3A_475 = arith.constant 0.000000e+00 : f32
        %parallel_loop3A_476 = vector.broadcast %parallel_loop3A_475 : f32 to vector<16xf32>
        %parallel_loop3A_477 = arith.maximumf %parallel_loop3A_400, %parallel_loop3A_476 : vector<16xf32>
        %parallel_loop3A_478 = arith.mulf %parallel_loop3A_455, %parallel_loop3A_474 : vector<16xf32>
        %parallel_loop3A_479 = arith.addf %parallel_loop3A_477, %parallel_loop3A_478 : vector<16xf32>
        %parallel_loop3A_480 = arith.constant 1.000000e-03 : f32
        %parallel_loop3A_481 = vector.broadcast %parallel_loop3A_480 : f32 to vector<16xf32>
        %parallel_loop3A_482 = arith.addf %parallel_loop3A_453, %parallel_loop3A_481 : vector<16xf32>
        %parallel_loop3A_483 = arith.constant 1.000000e+00 : f32
        %parallel_loop3A_484 = vector.broadcast %parallel_loop3A_483 : f32 to vector<16xf32>
        %parallel_loop3A_485 = arith.select %parallel_loop3A_404, %parallel_loop3A_482, %parallel_loop3A_484 : vector<16xi1>, vector<16xf32>
        %parallel_loop3A_486 = arith.constant 1.000000e-03 : f32
        %parallel_loop3A_487 = vector.broadcast %parallel_loop3A_486 : f32 to vector<16xf32>
        %parallel_loop3A_488 = arith.addf %parallel_loop3A_479, %parallel_loop3A_487 : vector<16xf32>
        %parallel_loop3A_489 = arith.constant 1.000000e+00 : f32
        %parallel_loop3A_490 = vector.broadcast %parallel_loop3A_489 : f32 to vector<16xf32>
        %parallel_loop3A_491 = arith.select %parallel_loop3A_407, %parallel_loop3A_488, %parallel_loop3A_490 : vector<16xi1>, vector<16xf32>
        %parallel_loop3A_492 = arith.subf %parallel_loop3A_328, %parallel_loop3A_312 : vector<16xf32>
        %parallel_loop3A_493 = arith.subf %parallel_loop3A_360, %parallel_loop3A_344 : vector<16xf32>
        %parallel_loop3A_494 = arith.subf %parallel_loop3A_94, %parallel_loop3A_312 : vector<16xf32>
        %parallel_loop3A_495 = arith.subf %parallel_loop3A_492, %parallel_loop3A_494 : vector<16xf32>
        %parallel_loop3A_496 = arith.mulf %parallel_loop3A_494, %parallel_loop3A_495 : vector<16xf32>
        %parallel_loop3A_497 = arith.mulf %parallel_loop3A_494, %parallel_loop3A_494 : vector<16xf32>
        %parallel_loop3A_498 = arith.mulf %parallel_loop3A_493, %parallel_loop3A_497 : vector<16xf32>
        %parallel_loop3A_499 = arith.mulf %parallel_loop3A_485, %parallel_loop3A_492 : vector<16xf32>
        %parallel_loop3A_500 = arith.mulf %parallel_loop3A_499, %parallel_loop3A_496 : vector<16xf32>
        %parallel_loop3A_501 = arith.addf %parallel_loop3A_498, %parallel_loop3A_500 : vector<16xf32>
        %parallel_loop3A_502 = arith.mulf %parallel_loop3A_493, %parallel_loop3A_501 : vector<16xf32>
        %parallel_loop3A_503 = arith.mulf %parallel_loop3A_492, %parallel_loop3A_492 : vector<16xf32>
        %parallel_loop3A_504 = arith.mulf %parallel_loop3A_493, %parallel_loop3A_503 : vector<16xf32>
        %parallel_loop3A_505 = arith.addf %parallel_loop3A_485, %parallel_loop3A_491 : vector<16xf32>
        %parallel_loop3A_506 = arith.mulf %parallel_loop3A_505, %parallel_loop3A_492 : vector<16xf32>
        %parallel_loop3A_507 = arith.constant 2.000000e+00 : f32
        %parallel_loop3A_508 = vector.broadcast %parallel_loop3A_507 : f32 to vector<16xf32>
        %parallel_loop3A_509 = arith.mulf %parallel_loop3A_508, %parallel_loop3A_493 : vector<16xf32>
        %parallel_loop3A_510 = arith.subf %parallel_loop3A_506, %parallel_loop3A_509 : vector<16xf32>
        %parallel_loop3A_511 = arith.mulf %parallel_loop3A_510, %parallel_loop3A_496 : vector<16xf32>
        %parallel_loop3A_512 = arith.addf %parallel_loop3A_504, %parallel_loop3A_511 : vector<16xf32>
        %parallel_loop3A_513 = arith.divf %parallel_loop3A_502, %parallel_loop3A_512 : vector<16xf32>
        %parallel_loop3A_514 = arith.addf %parallel_loop3A_344, %parallel_loop3A_513 : vector<16xf32>
        %parallel_loop3A_515 = arith.constant 16 : i32
        %parallel_loop3A_516 = arith.muli %parallel_loop3A_90, %parallel_loop3A_515 : i32
        %parallel_loop3A_517 = arith.index_cast %parallel_loop3A_516 : i32 to index
        %parallel_loop3A_518 = tpu.vector_load %arg7[%parallel_loop3A_517] {strides = array<i32>} : memref<512xf32, #tpu.memory_space<vmem>>, vector<16xf32>,
        tpu.vector_store %arg7[%parallel_loop3A_517], %parallel_loop3A_514 {strides = array<i32>} : memref<512xf32, #tpu.memory_space<vmem>>, vector<16xf32>,
      } {sc.loop_unroll_factor = 2 : i64, sc.parallel_access}
      %mul3A_49 = arith.constant 512 : i32
      %mul3A_50 = arith.muli %add3A_34, %mul3A_49 : i32
      %add3A_51 = arith.addi %mul3A_2, %mul3A_50 : i32
      %dma_start3A_52 = tpu.memref_slice %arg4[%add3A_51] : memref<2097152xf32, #tpu.memory_space<hbm>> -> memref<512xf32, #tpu.memory_space<hbm>>
      %dma_start3A_53 = tpu.memref_slice %arg4[%add3A_51] : memref<2097152xf32, #tpu.memory_space<hbm>> -> memref<512xf32, #tpu.memory_space<hbm>>
      tpu.enqueue_dma source(%arg7 : memref<512xf32, #tpu.memory_space<vmem>>) target(%dma_start3A_53 : memref<512xf32, #tpu.memory_space<hbm>>) target_semaphore(%arg13 : memref<!tpu.dma_semaphore, #tpu.memory_space<semaphore_mem>>)
      %lt3A = arith.constant 63 : i32
      %lt3A_54 = arith.cmpi slt, %scan3A_30, %lt3A : i32
      %convert_element_type3A_55 = arith.extui %lt3A_54 : i1 to i32
      %cond3A_56 = arith.constant 0 : i32
      %cond3A_57 = arith.cmpi ne, %convert_element_type3A_55, %cond3A_56 : i32
      scf.if %cond3A_57 {
        %add3A_90 = arith.constant 2 : i32
        %add3A_91 = arith.addi %add3A_34, %add3A_90 : i32
        %mul3A_92 = arith.constant 512 : i32
        %mul3A_93 = arith.muli %add3A_91, %mul3A_92 : i32
        %add3A_94 = arith.addi %mul3A_2, %mul3A_93 : i32
        %dma_start3A_95 = tpu.memref_slice %arg2[%add3A_94] : memref<2097152xf32, #tpu.memory_space<hbm>> -> memref<512xf32, #tpu.memory_space<hbm>>
        %dma_start3A_96 = tpu.memref_slice %arg2[%add3A_94] : memref<2097152xf32, #tpu.memory_space<hbm>> -> memref<512xf32, #tpu.memory_space<hbm>>
        tpu.enqueue_dma source(%dma_start3A_96 : memref<512xf32, #tpu.memory_space<hbm>>) target(%arg5 : memref<512xf32, #tpu.memory_space<vmem>>) target_semaphore(%arg11 : memref<!tpu.dma_semaphore, #tpu.memory_space<semaphore_mem>>)
        %dma_start3A_97 = arith.constant 0 : i32
        %dma_start3A_98 = tpu.memref_slice %arg3[%dma_start3A_97, %add3A_94] : memref<23x2097152xf32, #tpu.memory_space<hbm>> -> memref<23x512xf32, #tpu.memory_space<hbm>>
        %dma_start3A_99 = arith.constant 0 : i32
        %dma_start3A_100 = tpu.memref_slice %arg3[%dma_start3A_99, %add3A_94] : memref<23x2097152xf32, #tpu.memory_space<hbm>> -> memref<23x512xf32, #tpu.memory_space<hbm>>
        tpu.enqueue_dma source(%dma_start3A_100 : memref<23x512xf32, #tpu.memory_space<hbm>>) target(%arg6 : memref<23x512xf32, #tpu.memory_space<vmem>>) target_semaphore(%arg11 : memref<!tpu.dma_semaphore, #tpu.memory_space<semaphore_mem>>)
      } else {
      }
      %mul3A_58 = arith.constant 2 : i32
      %mul3A_59 = arith.muli %mul3A_58, %scan3A_30 : i32
      %add3A_60 = arith.constant 1 : i32
      %add3A_61 = arith.addi %mul3A_59, %add3A_60 : i32
      %dma_wait3A_62 = arith.constant 0 : i32
      %dma_wait3A_63 = tpu.memref_slice %arg2[%dma_wait3A_62] : memref<2097152xf32, #tpu.memory_space<hbm>> -> memref<512xf32, #tpu.memory_space<hbm>>
      %dma_wait3A_64 = arith.constant 0 : i32
      %dma_wait3A_65 = tpu.memref_slice %arg2[%dma_wait3A_64] : memref<2097152xf32, #tpu.memory_space<hbm>> -> memref<512xf32, #tpu.memory_space<hbm>>
      tpu.wait_dma2 semaphore(%arg12 : memref<!tpu.dma_semaphore, #tpu.memory_space<semaphore_mem>>) src(%dma_wait3A_65 : memref<512xf32, #tpu.memory_space<hbm>>) dst(%arg8 : memref<512xf32, #tpu.memory_space<vmem>>)
      %dma_wait3A_66 = arith.constant 0 : i32
      %dma_wait3A_67 = arith.constant 0 : i32
      %dma_wait3A_68 = tpu.memref_slice %arg3[%dma_wait3A_66, %dma_wait3A_67] : memref<23x2097152xf32, #tpu.memory_space<hbm>> -> memref<23x512xf32, #tpu.memory_space<hbm>>
      %dma_wait3A_69 = arith.constant 0 : i32
      %dma_wait3A_70 = arith.constant 0 : i32
      %dma_wait3A_71 = tpu.memref_slice %arg3[%dma_wait3A_69, %dma_wait3A_70] : memref<23x2097152xf32, #tpu.memory_space<hbm>> -> memref<23x512xf32, #tpu.memory_space<hbm>>
      tpu.wait_dma2 semaphore(%arg12 : memref<!tpu.dma_semaphore, #tpu.memory_space<semaphore_mem>>) src(%dma_wait3A_71 : memref<23x512xf32, #tpu.memory_space<hbm>>) dst(%arg9 : memref<23x512xf32, #tpu.memory_space<vmem>>)
      %gt3A_72 = arith.constant 0 : i32
      %gt3A_73 = arith.cmpi sgt, %scan3A_30, %gt3A_72 : i32
      %convert_element_type3A_74 = arith.extui %gt3A_73 : i1 to i32
      %cond3A_75 = arith.constant 0 : i32
      %cond3A_76 = arith.cmpi ne, %convert_element_type3A_74, %cond3A_75 : i32
      scf.if %cond3A_76 {
        %dma_wait3A_90 = arith.constant 0 : i32
        %dma_wait3A_91 = tpu.memref_slice %arg4[%dma_wait3A_90] : memref<2097152xf32, #tpu.memory_space<hbm>> -> memref<512xf32, #tpu.memory_space<hbm>>
        %dma_wait3A_92 = arith.constant 0 : i32
        %dma_wait3A_93 = tpu.memref_slice %arg4[%dma_wait3A_92] : memref<2097152xf32, #tpu.memory_space<hbm>> -> memref<512xf32, #tpu.memory_space<hbm>>
        tpu.wait_dma2 semaphore(%arg14 : memref<!tpu.dma_semaphore, #tpu.memory_space<semaphore_mem>>) src(%arg10 : memref<512xf32, #tpu.memory_space<vmem>>) dst(%dma_wait3A_93 : memref<512xf32, #tpu.memory_space<hbm>>)
      } else {
      }
      %parallel_loop3A_77 = arith.constant 0 : i32
      %parallel_loop3A_78 = arith.constant 32 : i32
      %parallel_loop3A_79 = arith.constant 1 : i32
      scf.for %parallel_loop3A_90 = %parallel_loop3A_77 to %parallel_loop3A_78 step %parallel_loop3A_79  : i32 {
        %parallel_loop3A_91 = arith.constant 16 : i32
        %parallel_loop3A_92 = arith.muli %parallel_loop3A_90, %parallel_loop3A_91 : i32
        %parallel_loop3A_93 = arith.index_cast %parallel_loop3A_92 : i32 to index
        %parallel_loop3A_94 = tpu.vector_load %arg8[%parallel_loop3A_93] {strides = array<i32>} : memref<512xf32, #tpu.memory_space<vmem>>, vector<16xf32>,
        %parallel_loop3A_95 = arith.constant 0 : i32
        %parallel_loop3A_96 = arith.index_cast %parallel_loop3A_95 : i32 to index
        %parallel_loop3A_97 = arith.index_cast %parallel_loop3A_92 : i32 to index
        %parallel_loop3A_98 = tpu.vector_load %arg9[%parallel_loop3A_96, %parallel_loop3A_97] {strides = array<i32>} : memref<23x512xf32, #tpu.memory_space<vmem>>, vector<16xf32>,
        %parallel_loop3A_99 = math.exp %parallel_loop3A_98 : vector<16xf32>
        %parallel_loop3A_100 = arith.constant 1 : i32
        %parallel_loop3A_101 = arith.index_cast %parallel_loop3A_100 : i32 to index
        %parallel_loop3A_102 = arith.index_cast %parallel_loop3A_92 : i32 to index
        %parallel_loop3A_103 = tpu.vector_load %arg9[%parallel_loop3A_101, %parallel_loop3A_102] {strides = array<i32>} : memref<23x512xf32, #tpu.memory_space<vmem>>, vector<16xf32>,
        %parallel_loop3A_104 = math.exp %parallel_loop3A_103 : vector<16xf32>
        %parallel_loop3A_105 = arith.constant 2 : i32
        %parallel_loop3A_106 = arith.index_cast %parallel_loop3A_105 : i32 to index
        %parallel_loop3A_107 = arith.index_cast %parallel_loop3A_92 : i32 to index
        %parallel_loop3A_108 = tpu.vector_load %arg9[%parallel_loop3A_106, %parallel_loop3A_107] {strides = array<i32>} : memref<23x512xf32, #tpu.memory_space<vmem>>, vector<16xf32>,
        %parallel_loop3A_109 = math.exp %parallel_loop3A_108 : vector<16xf32>
        %parallel_loop3A_110 = arith.constant 3 : i32
        %parallel_loop3A_111 = arith.index_cast %parallel_loop3A_110 : i32 to index
        %parallel_loop3A_112 = arith.index_cast %parallel_loop3A_92 : i32 to index
        %parallel_loop3A_113 = tpu.vector_load %arg9[%parallel_loop3A_111, %parallel_loop3A_112] {strides = array<i32>} : memref<23x512xf32, #tpu.memory_space<vmem>>, vector<16xf32>,
        %parallel_loop3A_114 = math.exp %parallel_loop3A_113 : vector<16xf32>
        %parallel_loop3A_115 = arith.constant 4 : i32
        %parallel_loop3A_116 = arith.index_cast %parallel_loop3A_115 : i32 to index
        %parallel_loop3A_117 = arith.index_cast %parallel_loop3A_92 : i32 to index
        %parallel_loop3A_118 = tpu.vector_load %arg9[%parallel_loop3A_116, %parallel_loop3A_117] {strides = array<i32>} : memref<23x512xf32, #tpu.memory_space<vmem>>, vector<16xf32>,
        %parallel_loop3A_119 = math.exp %parallel_loop3A_118 : vector<16xf32>
        %parallel_loop3A_120 = arith.constant 5 : i32
        %parallel_loop3A_121 = arith.index_cast %parallel_loop3A_120 : i32 to index
        %parallel_loop3A_122 = arith.index_cast %parallel_loop3A_92 : i32 to index
        %parallel_loop3A_123 = tpu.vector_load %arg9[%parallel_loop3A_121, %parallel_loop3A_122] {strides = array<i32>} : memref<23x512xf32, #tpu.memory_space<vmem>>, vector<16xf32>,
        %parallel_loop3A_124 = math.exp %parallel_loop3A_123 : vector<16xf32>
        %parallel_loop3A_125 = arith.constant 6 : i32
        %parallel_loop3A_126 = arith.index_cast %parallel_loop3A_125 : i32 to index
        %parallel_loop3A_127 = arith.index_cast %parallel_loop3A_92 : i32 to index
        %parallel_loop3A_128 = tpu.vector_load %arg9[%parallel_loop3A_126, %parallel_loop3A_127] {strides = array<i32>} : memref<23x512xf32, #tpu.memory_space<vmem>>, vector<16xf32>,
        %parallel_loop3A_129 = math.exp %parallel_loop3A_128 : vector<16xf32>
        %parallel_loop3A_130 = arith.constant 7 : i32
        %parallel_loop3A_131 = arith.index_cast %parallel_loop3A_130 : i32 to index
        %parallel_loop3A_132 = arith.index_cast %parallel_loop3A_92 : i32 to index
        %parallel_loop3A_133 = tpu.vector_load %arg9[%parallel_loop3A_131, %parallel_loop3A_132] {strides = array<i32>} : memref<23x512xf32, #tpu.memory_space<vmem>>, vector<16xf32>,
        %parallel_loop3A_134 = math.exp %parallel_loop3A_133 : vector<16xf32>
        %parallel_loop3A_135 = arith.constant 5.000000e-01 : f32
        %parallel_loop3A_136 = vector.broadcast %parallel_loop3A_135 : f32 to vector<16xf32>
        %parallel_loop3A_137 = arith.mulf %parallel_loop3A_136, %parallel_loop3A_99 : vector<16xf32>
        %parallel_loop3A_138 = arith.addf %parallel_loop3A_137, %parallel_loop3A_104 : vector<16xf32>
        %parallel_loop3A_139 = arith.addf %parallel_loop3A_109, %parallel_loop3A_114 : vector<16xf32>
        %parallel_loop3A_140 = arith.addf %parallel_loop3A_119, %parallel_loop3A_124 : vector<16xf32>
        %parallel_loop3A_141 = arith.addf %parallel_loop3A_129, %parallel_loop3A_134 : vector<16xf32>
        %parallel_loop3A_142 = arith.addf %parallel_loop3A_138, %parallel_loop3A_139 : vector<16xf32>
        %parallel_loop3A_143 = arith.addf %parallel_loop3A_140, %parallel_loop3A_141 : vector<16xf32>
        %parallel_loop3A_144 = arith.addf %parallel_loop3A_142, %parallel_loop3A_143 : vector<16xf32>
        %parallel_loop3A_145 = arith.addf %parallel_loop3A_138, %parallel_loop3A_109 : vector<16xf32>
        %parallel_loop3A_146 = arith.addf %parallel_loop3A_142, %parallel_loop3A_119 : vector<16xf32>
        %parallel_loop3A_147 = arith.addf %parallel_loop3A_142, %parallel_loop3A_140 : vector<16xf32>
        %parallel_loop3A_148 = arith.addf %parallel_loop3A_142, %parallel_loop3A_140 : vector<16xf32>
        %parallel_loop3A_149 = arith.addf %parallel_loop3A_148, %parallel_loop3A_129 : vector<16xf32>
        %parallel_loop3A_150 = arith.constant 8 : i32
        %parallel_loop3A_151 = arith.index_cast %parallel_loop3A_150 : i32 to index
        %parallel_loop3A_152 = arith.index_cast %parallel_loop3A_92 : i32 to index
        %parallel_loop3A_153 = tpu.vector_load %arg9[%parallel_loop3A_151, %parallel_loop3A_152] {strides = array<i32>} : memref<23x512xf32, #tpu.memory_space<vmem>>, vector<16xf32>,
        %parallel_loop3A_154 = math.exp %parallel_loop3A_153 : vector<16xf32>
        %parallel_loop3A_155 = arith.constant 9 : i32
        %parallel_loop3A_156 = arith.index_cast %parallel_loop3A_155 : i32 to index
        %parallel_loop3A_157 = arith.index_cast %parallel_loop3A_92 : i32 to index
        %parallel_loop3A_158 = tpu.vector_load %arg9[%parallel_loop3A_156, %parallel_loop3A_157] {strides = array<i32>} : memref<23x512xf32, #tpu.memory_space<vmem>>, vector<16xf32>,
        %parallel_loop3A_159 = math.exp %parallel_loop3A_158 : vector<16xf32>
        %parallel_loop3A_160 = arith.constant 10 : i32
        %parallel_loop3A_161 = arith.index_cast %parallel_loop3A_160 : i32 to index
        %parallel_loop3A_162 = arith.index_cast %parallel_loop3A_92 : i32 to index
        %parallel_loop3A_163 = tpu.vector_load %arg9[%parallel_loop3A_161, %parallel_loop3A_162] {strides = array<i32>} : memref<23x512xf32, #tpu.memory_space<vmem>>, vector<16xf32>,
        %parallel_loop3A_164 = math.exp %parallel_loop3A_163 : vector<16xf32>
        %parallel_loop3A_165 = arith.constant 11 : i32
        %parallel_loop3A_166 = arith.index_cast %parallel_loop3A_165 : i32 to index
        %parallel_loop3A_167 = arith.index_cast %parallel_loop3A_92 : i32 to index
        %parallel_loop3A_168 = tpu.vector_load %arg9[%parallel_loop3A_166, %parallel_loop3A_167] {strides = array<i32>} : memref<23x512xf32, #tpu.memory_space<vmem>>, vector<16xf32>,
        %parallel_loop3A_169 = math.exp %parallel_loop3A_168 : vector<16xf32>
        %parallel_loop3A_170 = arith.constant 12 : i32
        %parallel_loop3A_171 = arith.index_cast %parallel_loop3A_170 : i32 to index
        %parallel_loop3A_172 = arith.index_cast %parallel_loop3A_92 : i32 to index
        %parallel_loop3A_173 = tpu.vector_load %arg9[%parallel_loop3A_171, %parallel_loop3A_172] {strides = array<i32>} : memref<23x512xf32, #tpu.memory_space<vmem>>, vector<16xf32>,
        %parallel_loop3A_174 = math.exp %parallel_loop3A_173 : vector<16xf32>
        %parallel_loop3A_175 = arith.constant 13 : i32
        %parallel_loop3A_176 = arith.index_cast %parallel_loop3A_175 : i32 to index
        %parallel_loop3A_177 = arith.index_cast %parallel_loop3A_92 : i32 to index
        %parallel_loop3A_178 = tpu.vector_load %arg9[%parallel_loop3A_176, %parallel_loop3A_177] {strides = array<i32>} : memref<23x512xf32, #tpu.memory_space<vmem>>, vector<16xf32>,
        %parallel_loop3A_179 = math.exp %parallel_loop3A_178 : vector<16xf32>
        %parallel_loop3A_180 = arith.constant 14 : i32
        %parallel_loop3A_181 = arith.index_cast %parallel_loop3A_180 : i32 to index
        %parallel_loop3A_182 = arith.index_cast %parallel_loop3A_92 : i32 to index
        %parallel_loop3A_183 = tpu.vector_load %arg9[%parallel_loop3A_181, %parallel_loop3A_182] {strides = array<i32>} : memref<23x512xf32, #tpu.memory_space<vmem>>, vector<16xf32>,
        %parallel_loop3A_184 = math.exp %parallel_loop3A_183 : vector<16xf32>
        %parallel_loop3A_185 = arith.constant 15 : i32
        %parallel_loop3A_186 = arith.index_cast %parallel_loop3A_185 : i32 to index
        %parallel_loop3A_187 = arith.index_cast %parallel_loop3A_92 : i32 to index
        %parallel_loop3A_188 = tpu.vector_load %arg9[%parallel_loop3A_186, %parallel_loop3A_187] {strides = array<i32>} : memref<23x512xf32, #tpu.memory_space<vmem>>, vector<16xf32>,
        %parallel_loop3A_189 = math.exp %parallel_loop3A_188 : vector<16xf32>
        %parallel_loop3A_190 = arith.constant 5.000000e-01 : f32
        %parallel_loop3A_191 = vector.broadcast %parallel_loop3A_190 : f32 to vector<16xf32>
        %parallel_loop3A_192 = arith.mulf %parallel_loop3A_191, %parallel_loop3A_154 : vector<16xf32>
        %parallel_loop3A_193 = arith.addf %parallel_loop3A_192, %parallel_loop3A_159 : vector<16xf32>
        %parallel_loop3A_194 = arith.addf %parallel_loop3A_164, %parallel_loop3A_169 : vector<16xf32>
        %parallel_loop3A_195 = arith.addf %parallel_loop3A_174, %parallel_loop3A_179 : vector<16xf32>
        %parallel_loop3A_196 = arith.addf %parallel_loop3A_184, %parallel_loop3A_189 : vector<16xf32>
        %parallel_loop3A_197 = arith.addf %parallel_loop3A_193, %parallel_loop3A_194 : vector<16xf32>
        %parallel_loop3A_198 = arith.addf %parallel_loop3A_195, %parallel_loop3A_196 : vector<16xf32>
        %parallel_loop3A_199 = arith.addf %parallel_loop3A_197, %parallel_loop3A_198 : vector<16xf32>
        %parallel_loop3A_200 = arith.addf %parallel_loop3A_193, %parallel_loop3A_164 : vector<16xf32>
        %parallel_loop3A_201 = arith.addf %parallel_loop3A_197, %parallel_loop3A_174 : vector<16xf32>
        %parallel_loop3A_202 = arith.addf %parallel_loop3A_197, %parallel_loop3A_195 : vector<16xf32>
        %parallel_loop3A_203 = arith.addf %parallel_loop3A_197, %parallel_loop3A_195 : vector<16xf32>
        %parallel_loop3A_204 = arith.addf %parallel_loop3A_203, %parallel_loop3A_184 : vector<16xf32>
        %parallel_loop3A_205 = arith.addf %parallel_loop3A_144, %parallel_loop3A_137 : vector<16xf32>
        %parallel_loop3A_206 = arith.addf %parallel_loop3A_199, %parallel_loop3A_192 : vector<16xf32>
        %parallel_loop3A_207 = arith.mulf %parallel_loop3A_205, %parallel_loop3A_206 : vector<16xf32>
        %parallel_loop3A_208 = arith.constant 1.000000e+00 : f32
        %parallel_loop3A_209 = vector.broadcast %parallel_loop3A_208 : f32 to vector<16xf32>
        %parallel_loop3A_210 = arith.divf %parallel_loop3A_209, %parallel_loop3A_207 : vector<16xf32>
        %parallel_loop3A_211 = arith.constant 7.9207921 : f32
        %parallel_loop3A_212 = vector.broadcast %parallel_loop3A_211 : f32 to vector<16xf32>
        %parallel_loop3A_213 = arith.mulf %parallel_loop3A_212, %parallel_loop3A_210 : vector<16xf32>
        %parallel_loop3A_214 = arith.mulf %parallel_loop3A_213, %parallel_loop3A_206 : vector<16xf32>
        %parallel_loop3A_215 = arith.constant 7.9207921 : f32
        %parallel_loop3A_216 = vector.broadcast %parallel_loop3A_215 : f32 to vector<16xf32>
        %parallel_loop3A_217 = arith.mulf %parallel_loop3A_216, %parallel_loop3A_210 : vector<16xf32>
        %parallel_loop3A_218 = arith.mulf %parallel_loop3A_217, %parallel_loop3A_205 : vector<16xf32>
        %parallel_loop3A_219 = arith.mulf %parallel_loop3A_137, %parallel_loop3A_214 : vector<16xf32>
        %parallel_loop3A_220 = arith.constant -3.99504948 : f32
        %parallel_loop3A_221 = vector.broadcast %parallel_loop3A_220 : f32 to vector<16xf32>
        %parallel_loop3A_222 = arith.addf %parallel_loop3A_219, %parallel_loop3A_221 : vector<16xf32>
        %parallel_loop3A_223 = arith.mulf %parallel_loop3A_138, %parallel_loop3A_214 : vector<16xf32>
        %parallel_loop3A_224 = arith.constant -3.98514843 : f32
        %parallel_loop3A_225 = vector.broadcast %parallel_loop3A_224 : f32 to vector<16xf32>
        %parallel_loop3A_226 = arith.addf %parallel_loop3A_223, %parallel_loop3A_225 : vector<16xf32>
        %parallel_loop3A_227 = arith.mulf %parallel_loop3A_145, %parallel_loop3A_214 : vector<16xf32>
        %parallel_loop3A_228 = arith.constant -3.97524762 : f32
        %parallel_loop3A_229 = vector.broadcast %parallel_loop3A_228 : f32 to vector<16xf32>
        %parallel_loop3A_230 = arith.addf %parallel_loop3A_227, %parallel_loop3A_229 : vector<16xf32>
        %parallel_loop3A_231 = arith.mulf %parallel_loop3A_142, %parallel_loop3A_214 : vector<16xf32>
        %parallel_loop3A_232 = arith.constant -3.96534657 : f32
        %parallel_loop3A_233 = vector.broadcast %parallel_loop3A_232 : f32 to vector<16xf32>
        %parallel_loop3A_234 = arith.addf %parallel_loop3A_231, %parallel_loop3A_233 : vector<16xf32>
        %parallel_loop3A_235 = arith.mulf %parallel_loop3A_146, %parallel_loop3A_214 : vector<16xf32>
        %parallel_loop3A_236 = arith.constant -3.95544553 : f32
        %parallel_loop3A_237 = vector.broadcast %parallel_loop3A_236 : f32 to vector<16xf32>
        %parallel_loop3A_238 = arith.addf %parallel_loop3A_235, %parallel_loop3A_237 : vector<16xf32>
        %parallel_loop3A_239 = arith.mulf %parallel_loop3A_147, %parallel_loop3A_214 : vector<16xf32>
        %parallel_loop3A_240 = arith.constant -3.94554448 : f32
        %parallel_loop3A_241 = vector.broadcast %parallel_loop3A_240 : f32 to vector<16xf32>
        %parallel_loop3A_242 = arith.addf %parallel_loop3A_239, %parallel_loop3A_241 : vector<16xf32>
        %parallel_loop3A_243 = arith.mulf %parallel_loop3A_149, %parallel_loop3A_214 : vector<16xf32>
        %parallel_loop3A_244 = arith.constant -3.93564367 : f32
        %parallel_loop3A_245 = vector.broadcast %parallel_loop3A_244 : f32 to vector<16xf32>
        %parallel_loop3A_246 = arith.addf %parallel_loop3A_243, %parallel_loop3A_245 : vector<16xf32>
        %parallel_loop3A_247 = arith.mulf %parallel_loop3A_144, %parallel_loop3A_214 : vector<16xf32>
        %parallel_loop3A_248 = arith.constant -3.92574263 : f32
        %parallel_loop3A_249 = vector.broadcast %parallel_loop3A_248 : f32 to vector<16xf32>
        %parallel_loop3A_250 = arith.addf %parallel_loop3A_247, %parallel_loop3A_249 : vector<16xf32>
        %parallel_loop3A_251 = arith.mulf %parallel_loop3A_192, %parallel_loop3A_218 : vector<16xf32>
        %parallel_loop3A_252 = arith.constant -3.99504948 : f32
        %parallel_loop3A_253 = vector.broadcast %parallel_loop3A_252 : f32 to vector<16xf32>
        %parallel_loop3A_254 = arith.addf %parallel_loop3A_251, %parallel_loop3A_253 : vector<16xf32>
        %parallel_loop3A_255 = arith.mulf %parallel_loop3A_193, %parallel_loop3A_218 : vector<16xf32>
        %parallel_loop3A_256 = arith.constant -3.98514843 : f32
        %parallel_loop3A_257 = vector.broadcast %parallel_loop3A_256 : f32 to vector<16xf32>
        %parallel_loop3A_258 = arith.addf %parallel_loop3A_255, %parallel_loop3A_257 : vector<16xf32>
        %parallel_loop3A_259 = arith.mulf %parallel_loop3A_200, %parallel_loop3A_218 : vector<16xf32>
        %parallel_loop3A_260 = arith.constant -3.97524762 : f32
        %parallel_loop3A_261 = vector.broadcast %parallel_loop3A_260 : f32 to vector<16xf32>
        %parallel_loop3A_262 = arith.addf %parallel_loop3A_259, %parallel_loop3A_261 : vector<16xf32>
        %parallel_loop3A_263 = arith.mulf %parallel_loop3A_197, %parallel_loop3A_218 : vector<16xf32>
        %parallel_loop3A_264 = arith.constant -3.96534657 : f32
        %parallel_loop3A_265 = vector.broadcast %parallel_loop3A_264 : f32 to vector<16xf32>
        %parallel_loop3A_266 = arith.addf %parallel_loop3A_263, %parallel_loop3A_265 : vector<16xf32>
        %parallel_loop3A_267 = arith.mulf %parallel_loop3A_201, %parallel_loop3A_218 : vector<16xf32>
        %parallel_loop3A_268 = arith.constant -3.95544553 : f32
        %parallel_loop3A_269 = vector.broadcast %parallel_loop3A_268 : f32 to vector<16xf32>
        %parallel_loop3A_270 = arith.addf %parallel_loop3A_267, %parallel_loop3A_269 : vector<16xf32>
        %parallel_loop3A_271 = arith.mulf %parallel_loop3A_202, %parallel_loop3A_218 : vector<16xf32>
        %parallel_loop3A_272 = arith.constant -3.94554448 : f32
        %parallel_loop3A_273 = vector.broadcast %parallel_loop3A_272 : f32 to vector<16xf32>
        %parallel_loop3A_274 = arith.addf %parallel_loop3A_271, %parallel_loop3A_273 : vector<16xf32>
        %parallel_loop3A_275 = arith.mulf %parallel_loop3A_204, %parallel_loop3A_218 : vector<16xf32>
        %parallel_loop3A_276 = arith.constant -3.93564367 : f32
        %parallel_loop3A_277 = vector.broadcast %parallel_loop3A_276 : f32 to vector<16xf32>
        %parallel_loop3A_278 = arith.addf %parallel_loop3A_275, %parallel_loop3A_277 : vector<16xf32>
        %parallel_loop3A_279 = arith.mulf %parallel_loop3A_199, %parallel_loop3A_218 : vector<16xf32>
        %parallel_loop3A_280 = arith.constant -3.92574263 : f32
        %parallel_loop3A_281 = vector.broadcast %parallel_loop3A_280 : f32 to vector<16xf32>
        %parallel_loop3A_282 = arith.addf %parallel_loop3A_279, %parallel_loop3A_281 : vector<16xf32>
        %parallel_loop3A_283 = arith.cmpf olt, %parallel_loop3A_222, %parallel_loop3A_94 : vector<16xf32>
        %parallel_loop3A_284 = arith.cmpf olt, %parallel_loop3A_226, %parallel_loop3A_94 : vector<16xf32>
        %parallel_loop3A_285 = arith.cmpf olt, %parallel_loop3A_230, %parallel_loop3A_94 : vector<16xf32>
        %parallel_loop3A_286 = arith.cmpf olt, %parallel_loop3A_234, %parallel_loop3A_94 : vector<16xf32>
        %parallel_loop3A_287 = arith.cmpf olt, %parallel_loop3A_238, %parallel_loop3A_94 : vector<16xf32>
        %parallel_loop3A_288 = arith.cmpf olt, %parallel_loop3A_242, %parallel_loop3A_94 : vector<16xf32>
        %parallel_loop3A_289 = arith.cmpf olt, %parallel_loop3A_246, %parallel_loop3A_94 : vector<16xf32>
        %parallel_loop3A_290 = arith.cmpf olt, %parallel_loop3A_250, %parallel_loop3A_94 : vector<16xf32>
        %parallel_loop3A_291 = arith.constant -4.000000e+00 : f32
        %parallel_loop3A_292 = vector.broadcast %parallel_loop3A_291 : f32 to vector<16xf32>
        %parallel_loop3A_293 = arith.cmpf ogt, %parallel_loop3A_94, %parallel_loop3A_292 : vector<16xf32>
        %parallel_loop3A_294 = arith.constant 4.000000e+00 : f32
        %parallel_loop3A_295 = vector.broadcast %parallel_loop3A_294 : f32 to vector<16xf32>
        %parallel_loop3A_296 = arith.cmpf ogt, %parallel_loop3A_94, %parallel_loop3A_295 : vector<16xf32>
        %parallel_loop3A_297 = arith.constant -4.000000e+00 : f32
        %parallel_loop3A_298 = arith.constant -4.000000e+04 : f32
        %parallel_loop3A_299 = vector.broadcast %parallel_loop3A_297 : f32 to vector<16xf32>
        %parallel_loop3A_300 = vector.broadcast %parallel_loop3A_298 : f32 to vector<16xf32>
        %parallel_loop3A_301 = arith.select %parallel_loop3A_293, %parallel_loop3A_299, %parallel_loop3A_300 : vector<16xi1>, vector<16xf32>
        %parallel_loop3A_302 = arith.select %parallel_loop3A_283, %parallel_loop3A_222, %parallel_loop3A_301 : vector<16xi1>, vector<16xf32>
        %parallel_loop3A_303 = arith.select %parallel_loop3A_284, %parallel_loop3A_226, %parallel_loop3A_302 : vector<16xi1>, vector<16xf32>
        %parallel_loop3A_304 = arith.select %parallel_loop3A_285, %parallel_loop3A_230, %parallel_loop3A_303 : vector<16xi1>, vector<16xf32>
        %parallel_loop3A_305 = arith.select %parallel_loop3A_286, %parallel_loop3A_234, %parallel_loop3A_304 : vector<16xi1>, vector<16xf32>
        %parallel_loop3A_306 = arith.select %parallel_loop3A_287, %parallel_loop3A_238, %parallel_loop3A_305 : vector<16xi1>, vector<16xf32>
        %parallel_loop3A_307 = arith.select %parallel_loop3A_288, %parallel_loop3A_242, %parallel_loop3A_306 : vector<16xi1>, vector<16xf32>
        %parallel_loop3A_308 = arith.select %parallel_loop3A_289, %parallel_loop3A_246, %parallel_loop3A_307 : vector<16xi1>, vector<16xf32>
        %parallel_loop3A_309 = arith.select %parallel_loop3A_290, %parallel_loop3A_250, %parallel_loop3A_308 : vector<16xi1>, vector<16xf32>
        %parallel_loop3A_310 = arith.constant 4.000000e+00 : f32
        %parallel_loop3A_311 = vector.broadcast %parallel_loop3A_310 : f32 to vector<16xf32>
        %parallel_loop3A_312 = arith.select %parallel_loop3A_296, %parallel_loop3A_311, %parallel_loop3A_309 : vector<16xi1>, vector<16xf32>
        %parallel_loop3A_313 = arith.constant 4.000000e+04 : f32
        %parallel_loop3A_314 = arith.constant 4.000000e+00 : f32
        %parallel_loop3A_315 = vector.broadcast %parallel_loop3A_313 : f32 to vector<16xf32>
        %parallel_loop3A_316 = vector.broadcast %parallel_loop3A_314 : f32 to vector<16xf32>
        %parallel_loop3A_317 = arith.select %parallel_loop3A_296, %parallel_loop3A_315, %parallel_loop3A_316 : vector<16xi1>, vector<16xf32>
        %parallel_loop3A_318 = arith.select %parallel_loop3A_290, %parallel_loop3A_317, %parallel_loop3A_250 : vector<16xi1>, vector<16xf32>
        %parallel_loop3A_319 = arith.select %parallel_loop3A_289, %parallel_loop3A_318, %parallel_loop3A_246 : vector<16xi1>, vector<16xf32>
        %parallel_loop3A_320 = arith.select %parallel_loop3A_288, %parallel_loop3A_319, %parallel_loop3A_242 : vector<16xi1>, vector<16xf32>
        %parallel_loop3A_321 = arith.select %parallel_loop3A_287, %parallel_loop3A_320, %parallel_loop3A_238 : vector<16xi1>, vector<16xf32>
        %parallel_loop3A_322 = arith.select %parallel_loop3A_286, %parallel_loop3A_321, %parallel_loop3A_234 : vector<16xi1>, vector<16xf32>
        %parallel_loop3A_323 = arith.select %parallel_loop3A_285, %parallel_loop3A_322, %parallel_loop3A_230 : vector<16xi1>, vector<16xf32>
        %parallel_loop3A_324 = arith.select %parallel_loop3A_284, %parallel_loop3A_323, %parallel_loop3A_226 : vector<16xi1>, vector<16xf32>
        %parallel_loop3A_325 = arith.select %parallel_loop3A_283, %parallel_loop3A_324, %parallel_loop3A_222 : vector<16xi1>, vector<16xf32>
        %parallel_loop3A_326 = arith.constant -4.000000e+00 : f32
        %parallel_loop3A_327 = vector.broadcast %parallel_loop3A_326 : f32 to vector<16xf32>
        %parallel_loop3A_328 = arith.select %parallel_loop3A_293, %parallel_loop3A_325, %parallel_loop3A_327 : vector<16xi1>, vector<16xf32>
        %parallel_loop3A_329 = arith.constant -4.000000e+00 : f32
        %parallel_loop3A_330 = arith.constant -4.000000e+04 : f32
        %parallel_loop3A_331 = vector.broadcast %parallel_loop3A_329 : f32 to vector<16xf32>
        %parallel_loop3A_332 = vector.broadcast %parallel_loop3A_330 : f32 to vector<16xf32>
        %parallel_loop3A_333 = arith.select %parallel_loop3A_293, %parallel_loop3A_331, %parallel_loop3A_332 : vector<16xi1>, vector<16xf32>
        %parallel_loop3A_334 = arith.select %parallel_loop3A_283, %parallel_loop3A_254, %parallel_loop3A_333 : vector<16xi1>, vector<16xf32>
        %parallel_loop3A_335 = arith.select %parallel_loop3A_284, %parallel_loop3A_258, %parallel_loop3A_334 : vector<16xi1>, vector<16xf32>
        %parallel_loop3A_336 = arith.select %parallel_loop3A_285, %parallel_loop3A_262, %parallel_loop3A_335 : vector<16xi1>, vector<16xf32>
        %parallel_loop3A_337 = arith.select %parallel_loop3A_286, %parallel_loop3A_266, %parallel_loop3A_336 : vector<16xi1>, vector<16xf32>
        %parallel_loop3A_338 = arith.select %parallel_loop3A_287, %parallel_loop3A_270, %parallel_loop3A_337 : vector<16xi1>, vector<16xf32>
        %parallel_loop3A_339 = arith.select %parallel_loop3A_288, %parallel_loop3A_274, %parallel_loop3A_338 : vector<16xi1>, vector<16xf32>
        %parallel_loop3A_340 = arith.select %parallel_loop3A_289, %parallel_loop3A_278, %parallel_loop3A_339 : vector<16xi1>, vector<16xf32>
        %parallel_loop3A_341 = arith.select %parallel_loop3A_290, %parallel_loop3A_282, %parallel_loop3A_340 : vector<16xi1>, vector<16xf32>
        %parallel_loop3A_342 = arith.constant 4.000000e+00 : f32
        %parallel_loop3A_343 = vector.broadcast %parallel_loop3A_342 : f32 to vector<16xf32>
        %parallel_loop3A_344 = arith.select %parallel_loop3A_296, %parallel_loop3A_343, %parallel_loop3A_341 : vector<16xi1>, vector<16xf32>
        %parallel_loop3A_345 = arith.constant 4.000000e+04 : f32
        %parallel_loop3A_346 = arith.constant 4.000000e+00 : f32
        %parallel_loop3A_347 = vector.broadcast %parallel_loop3A_345 : f32 to vector<16xf32>
        %parallel_loop3A_348 = vector.broadcast %parallel_loop3A_346 : f32 to vector<16xf32>
        %parallel_loop3A_349 = arith.select %parallel_loop3A_296, %parallel_loop3A_347, %parallel_loop3A_348 : vector<16xi1>, vector<16xf32>
        %parallel_loop3A_350 = arith.select %parallel_loop3A_290, %parallel_loop3A_349, %parallel_loop3A_282 : vector<16xi1>, vector<16xf32>
        %parallel_loop3A_351 = arith.select %parallel_loop3A_289, %parallel_loop3A_350, %parallel_loop3A_278 : vector<16xi1>, vector<16xf32>
        %parallel_loop3A_352 = arith.select %parallel_loop3A_288, %parallel_loop3A_351, %parallel_loop3A_274 : vector<16xi1>, vector<16xf32>
        %parallel_loop3A_353 = arith.select %parallel_loop3A_287, %parallel_loop3A_352, %parallel_loop3A_270 : vector<16xi1>, vector<16xf32>
        %parallel_loop3A_354 = arith.select %parallel_loop3A_286, %parallel_loop3A_353, %parallel_loop3A_266 : vector<16xi1>, vector<16xf32>
        %parallel_loop3A_355 = arith.select %parallel_loop3A_285, %parallel_loop3A_354, %parallel_loop3A_262 : vector<16xi1>, vector<16xf32>
        %parallel_loop3A_356 = arith.select %parallel_loop3A_284, %parallel_loop3A_355, %parallel_loop3A_258 : vector<16xi1>, vector<16xf32>
        %parallel_loop3A_357 = arith.select %parallel_loop3A_283, %parallel_loop3A_356, %parallel_loop3A_254 : vector<16xi1>, vector<16xf32>
        %parallel_loop3A_358 = arith.constant -4.000000e+00 : f32
        %parallel_loop3A_359 = vector.broadcast %parallel_loop3A_358 : f32 to vector<16xf32>
        %parallel_loop3A_360 = arith.select %parallel_loop3A_293, %parallel_loop3A_357, %parallel_loop3A_359 : vector<16xi1>, vector<16xf32>
        %parallel_loop3A_361 = arith.constant 16 : i32
        %parallel_loop3A_362 = arith.index_cast %parallel_loop3A_361 : i32 to index
        %parallel_loop3A_363 = arith.index_cast %parallel_loop3A_92 : i32 to index
        %parallel_loop3A_364 = tpu.vector_load %arg9[%parallel_loop3A_362, %parallel_loop3A_363] {strides = array<i32>} : memref<23x512xf32, #tpu.memory_space<vmem>>, vector<16xf32>,
        %parallel_loop3A_365 = arith.constant 17 : i32
        %parallel_loop3A_366 = arith.index_cast %parallel_loop3A_365 : i32 to index
        %parallel_loop3A_367 = arith.index_cast %parallel_loop3A_92 : i32 to index
        %parallel_loop3A_368 = tpu.vector_load %arg9[%parallel_loop3A_366, %parallel_loop3A_367] {strides = array<i32>} : memref<23x512xf32, #tpu.memory_space<vmem>>, vector<16xf32>,
        %parallel_loop3A_369 = arith.constant 18 : i32
        %parallel_loop3A_370 = arith.index_cast %parallel_loop3A_369 : i32 to index
        %parallel_loop3A_371 = arith.index_cast %parallel_loop3A_92 : i32 to index
        %parallel_loop3A_372 = tpu.vector_load %arg9[%parallel_loop3A_370, %parallel_loop3A_371] {strides = array<i32>} : memref<23x512xf32, #tpu.memory_space<vmem>>, vector<16xf32>,
        %parallel_loop3A_373 = arith.constant 19 : i32
        %parallel_loop3A_374 = arith.index_cast %parallel_loop3A_373 : i32 to index
        %parallel_loop3A_375 = arith.index_cast %parallel_loop3A_92 : i32 to index
        %parallel_loop3A_376 = tpu.vector_load %arg9[%parallel_loop3A_374, %parallel_loop3A_375] {strides = array<i32>} : memref<23x512xf32, #tpu.memory_space<vmem>>, vector<16xf32>,
        %parallel_loop3A_377 = arith.constant 20 : i32
        %parallel_loop3A_378 = arith.index_cast %parallel_loop3A_377 : i32 to index
        %parallel_loop3A_379 = arith.index_cast %parallel_loop3A_92 : i32 to index
        %parallel_loop3A_380 = tpu.vector_load %arg9[%parallel_loop3A_378, %parallel_loop3A_379] {strides = array<i32>} : memref<23x512xf32, #tpu.memory_space<vmem>>, vector<16xf32>,
        %parallel_loop3A_381 = arith.constant 21 : i32
        %parallel_loop3A_382 = arith.index_cast %parallel_loop3A_381 : i32 to index
        %parallel_loop3A_383 = arith.index_cast %parallel_loop3A_92 : i32 to index
        %parallel_loop3A_384 = tpu.vector_load %arg9[%parallel_loop3A_382, %parallel_loop3A_383] {strides = array<i32>} : memref<23x512xf32, #tpu.memory_space<vmem>>, vector<16xf32>,
        %parallel_loop3A_385 = arith.constant 22 : i32
        %parallel_loop3A_386 = arith.index_cast %parallel_loop3A_385 : i32 to index
        %parallel_loop3A_387 = arith.index_cast %parallel_loop3A_92 : i32 to index
        %parallel_loop3A_388 = tpu.vector_load %arg9[%parallel_loop3A_386, %parallel_loop3A_387] {strides = array<i32>} : memref<23x512xf32, #tpu.memory_space<vmem>>, vector<16xf32>,
        %parallel_loop3A_389 = arith.select %parallel_loop3A_284, %parallel_loop3A_368, %parallel_loop3A_364 : vector<16xi1>, vector<16xf32>
        %parallel_loop3A_390 = arith.select %parallel_loop3A_283, %parallel_loop3A_368, %parallel_loop3A_364 : vector<16xi1>, vector<16xf32>
        %parallel_loop3A_391 = arith.select %parallel_loop3A_285, %parallel_loop3A_372, %parallel_loop3A_389 : vector<16xi1>, vector<16xf32>
        %parallel_loop3A_392 = arith.select %parallel_loop3A_284, %parallel_loop3A_372, %parallel_loop3A_390 : vector<16xi1>, vector<16xf32>
        %parallel_loop3A_393 = arith.select %parallel_loop3A_286, %parallel_loop3A_376, %parallel_loop3A_391 : vector<16xi1>, vector<16xf32>
        %parallel_loop3A_394 = arith.select %parallel_loop3A_285, %parallel_loop3A_376, %parallel_loop3A_392 : vector<16xi1>, vector<16xf32>
        %parallel_loop3A_395 = arith.select %parallel_loop3A_287, %parallel_loop3A_380, %parallel_loop3A_393 : vector<16xi1>, vector<16xf32>
        %parallel_loop3A_396 = arith.select %parallel_loop3A_286, %parallel_loop3A_380, %parallel_loop3A_394 : vector<16xi1>, vector<16xf32>
        %parallel_loop3A_397 = arith.select %parallel_loop3A_288, %parallel_loop3A_384, %parallel_loop3A_395 : vector<16xi1>, vector<16xf32>
        %parallel_loop3A_398 = arith.select %parallel_loop3A_287, %parallel_loop3A_384, %parallel_loop3A_396 : vector<16xi1>, vector<16xf32>
        %parallel_loop3A_399 = arith.select %parallel_loop3A_289, %parallel_loop3A_388, %parallel_loop3A_397 : vector<16xi1>, vector<16xf32>
        %parallel_loop3A_400 = arith.select %parallel_loop3A_288, %parallel_loop3A_388, %parallel_loop3A_398 : vector<16xi1>, vector<16xf32>
        %parallel_loop3A_401 = arith.constant dense<true> : vector<16xi1>
        %parallel_loop3A_402 = arith.xori %parallel_loop3A_290, %parallel_loop3A_401 : vector<16xi1>
        %parallel_loop3A_403 = arith.andi %parallel_loop3A_283, %parallel_loop3A_402 : vector<16xi1>
        %parallel_loop3A_404 = arith.andi %parallel_loop3A_293, %parallel_loop3A_403 : vector<16xi1>
        %parallel_loop3A_405 = arith.constant dense<true> : vector<16xi1>
        %parallel_loop3A_406 = arith.xori %parallel_loop3A_289, %parallel_loop3A_405 : vector<16xi1>
        %parallel_loop3A_407 = arith.andi %parallel_loop3A_293, %parallel_loop3A_406 : vector<16xi1>
        %parallel_loop3A_408 = math.absf %parallel_loop3A_399 : vector<16xf32>
        %parallel_loop3A_409 = arith.constant 0.000000e+00 : f32
        %parallel_loop3A_410 = vector.broadcast %parallel_loop3A_409 : f32 to vector<16xf32>
        %parallel_loop3A_411 = arith.subf %parallel_loop3A_410, %parallel_loop3A_408 : vector<16xf32>
        %parallel_loop3A_412 = math.exp %parallel_loop3A_411 : vector<16xf32>
        %parallel_loop3A_413 = math.absf %parallel_loop3A_400 : vector<16xf32>
        %parallel_loop3A_414 = arith.constant 0.000000e+00 : f32
        %parallel_loop3A_415 = vector.broadcast %parallel_loop3A_414 : f32 to vector<16xf32>
        %parallel_loop3A_416 = arith.subf %parallel_loop3A_415, %parallel_loop3A_413 : vector<16xf32>
        %parallel_loop3A_417 = math.exp %parallel_loop3A_416 : vector<16xf32>
        %parallel_loop3A_418 = arith.constant 2.000000e+00 : f32
        %parallel_loop3A_419 = vector.broadcast %parallel_loop3A_418 : f32 to vector<16xf32>
        %parallel_loop3A_420 = arith.addf %parallel_loop3A_412, %parallel_loop3A_419 : vector<16xf32>
        %parallel_loop3A_421 = arith.constant 2.000000e+00 : f32
        %parallel_loop3A_422 = vector.broadcast %parallel_loop3A_421 : f32 to vector<16xf32>
        %parallel_loop3A_423 = arith.addf %parallel_loop3A_417, %parallel_loop3A_422 : vector<16xf32>
        %parallel_loop3A_424 = arith.mulf %parallel_loop3A_420, %parallel_loop3A_423 : vector<16xf32>
        %parallel_loop3A_425 = arith.constant 1.000000e+00 : f32
        %parallel_loop3A_426 = vector.broadcast %parallel_loop3A_425 : f32 to vector<16xf32>
        %parallel_loop3A_427 = arith.divf %parallel_loop3A_426, %parallel_loop3A_424 : vector<16xf32>
        %parallel_loop3A_428 = arith.mulf %parallel_loop3A_412, %parallel_loop3A_423 : vector<16xf32>
        %parallel_loop3A_429 = arith.mulf %parallel_loop3A_428, %parallel_loop3A_427 : vector<16xf32>
        %parallel_loop3A_430 = arith.mulf %parallel_loop3A_429, %parallel_loop3A_429 : vector<16xf32>
        %parallel_loop3A_431 = arith.constant 0.222222224 : f32
        %parallel_loop3A_432 = vector.broadcast %parallel_loop3A_431 : f32 to vector<16xf32>
        %parallel_loop3A_433 = arith.mulf %parallel_loop3A_430, %parallel_loop3A_432 : vector<16xf32>
        %parallel_loop3A_434 = arith.constant 0.285714298 : f32
        %parallel_loop3A_435 = vector.broadcast %parallel_loop3A_434 : f32 to vector<16xf32>
        %parallel_loop3A_436 = arith.addf %parallel_loop3A_435, %parallel_loop3A_433 : vector<16xf32>
        %parallel_loop3A_437 = arith.mulf %parallel_loop3A_430, %parallel_loop3A_436 : vector<16xf32>
        %parallel_loop3A_438 = arith.constant 4.000000e-01 : f32
        %parallel_loop3A_439 = vector.broadcast %parallel_loop3A_438 : f32 to vector<16xf32>
        %parallel_loop3A_440 = arith.addf %parallel_loop3A_439, %parallel_loop3A_437 : vector<16xf32>
        %parallel_loop3A_441 = arith.mulf %parallel_loop3A_430, %parallel_loop3A_440 : vector<16xf32>
        %parallel_loop3A_442 = arith.constant 0.666666686 : f32
        %parallel_loop3A_443 = vector.broadcast %parallel_loop3A_442 : f32 to vector<16xf32>
        %parallel_loop3A_444 = arith.addf %parallel_loop3A_443, %parallel_loop3A_441 : vector<16xf32>
        %parallel_loop3A_445 = arith.mulf %parallel_loop3A_430, %parallel_loop3A_444 : vector<16xf32>
        %parallel_loop3A_446 = arith.constant 2.000000e+00 : f32
        %parallel_loop3A_447 = vector.broadcast %parallel_loop3A_446 : f32 to vector<16xf32>
        %parallel_loop3A_448 = arith.addf %parallel_loop3A_447, %parallel_loop3A_445 : vector<16xf32>
        %parallel_loop3A_449 = arith.constant 0.000000e+00 : f32
        %parallel_loop3A_450 = vector.broadcast %parallel_loop3A_449 : f32 to vector<16xf32>
        %parallel_loop3A_451 = arith.maximumf %parallel_loop3A_399, %parallel_loop3A_450 : vector<16xf32>
        %parallel_loop3A_452 = arith.mulf %parallel_loop3A_429, %parallel_loop3A_448 : vector<16xf32>
        %parallel_loop3A_453 = arith.addf %parallel_loop3A_451, %parallel_loop3A_452 : vector<16xf32>
        %parallel_loop3A_454 = arith.mulf %parallel_loop3A_417, %parallel_loop3A_420 : vector<16xf32>
        %parallel_loop3A_455 = arith.mulf %parallel_loop3A_454, %parallel_loop3A_427 : vector<16xf32>
        %parallel_loop3A_456 = arith.mulf %parallel_loop3A_455, %parallel_loop3A_455 : vector<16xf32>
        %parallel_loop3A_457 = arith.constant 0.222222224 : f32
        %parallel_loop3A_458 = vector.broadcast %parallel_loop3A_457 : f32 to vector<16xf32>
        %parallel_loop3A_459 = arith.mulf %parallel_loop3A_456, %parallel_loop3A_458 : vector<16xf32>
        %parallel_loop3A_460 = arith.constant 0.285714298 : f32
        %parallel_loop3A_461 = vector.broadcast %parallel_loop3A_460 : f32 to vector<16xf32>
        %parallel_loop3A_462 = arith.addf %parallel_loop3A_461, %parallel_loop3A_459 : vector<16xf32>
        %parallel_loop3A_463 = arith.mulf %parallel_loop3A_456, %parallel_loop3A_462 : vector<16xf32>
        %parallel_loop3A_464 = arith.constant 4.000000e-01 : f32
        %parallel_loop3A_465 = vector.broadcast %parallel_loop3A_464 : f32 to vector<16xf32>
        %parallel_loop3A_466 = arith.addf %parallel_loop3A_465, %parallel_loop3A_463 : vector<16xf32>
        %parallel_loop3A_467 = arith.mulf %parallel_loop3A_456, %parallel_loop3A_466 : vector<16xf32>
        %parallel_loop3A_468 = arith.constant 0.666666686 : f32
        %parallel_loop3A_469 = vector.broadcast %parallel_loop3A_468 : f32 to vector<16xf32>
        %parallel_loop3A_470 = arith.addf %parallel_loop3A_469, %parallel_loop3A_467 : vector<16xf32>
        %parallel_loop3A_471 = arith.mulf %parallel_loop3A_456, %parallel_loop3A_470 : vector<16xf32>
        %parallel_loop3A_472 = arith.constant 2.000000e+00 : f32
        %parallel_loop3A_473 = vector.broadcast %parallel_loop3A_472 : f32 to vector<16xf32>
        %parallel_loop3A_474 = arith.addf %parallel_loop3A_473, %parallel_loop3A_471 : vector<16xf32>
        %parallel_loop3A_475 = arith.constant 0.000000e+00 : f32
        %parallel_loop3A_476 = vector.broadcast %parallel_loop3A_475 : f32 to vector<16xf32>
        %parallel_loop3A_477 = arith.maximumf %parallel_loop3A_400, %parallel_loop3A_476 : vector<16xf32>
        %parallel_loop3A_478 = arith.mulf %parallel_loop3A_455, %parallel_loop3A_474 : vector<16xf32>
        %parallel_loop3A_479 = arith.addf %parallel_loop3A_477, %parallel_loop3A_478 : vector<16xf32>
        %parallel_loop3A_480 = arith.constant 1.000000e-03 : f32
        %parallel_loop3A_481 = vector.broadcast %parallel_loop3A_480 : f32 to vector<16xf32>
        %parallel_loop3A_482 = arith.addf %parallel_loop3A_453, %parallel_loop3A_481 : vector<16xf32>
        %parallel_loop3A_483 = arith.constant 1.000000e+00 : f32
        %parallel_loop3A_484 = vector.broadcast %parallel_loop3A_483 : f32 to vector<16xf32>
        %parallel_loop3A_485 = arith.select %parallel_loop3A_404, %parallel_loop3A_482, %parallel_loop3A_484 : vector<16xi1>, vector<16xf32>
        %parallel_loop3A_486 = arith.constant 1.000000e-03 : f32
        %parallel_loop3A_487 = vector.broadcast %parallel_loop3A_486 : f32 to vector<16xf32>
        %parallel_loop3A_488 = arith.addf %parallel_loop3A_479, %parallel_loop3A_487 : vector<16xf32>
        %parallel_loop3A_489 = arith.constant 1.000000e+00 : f32
        %parallel_loop3A_490 = vector.broadcast %parallel_loop3A_489 : f32 to vector<16xf32>
        %parallel_loop3A_491 = arith.select %parallel_loop3A_407, %parallel_loop3A_488, %parallel_loop3A_490 : vector<16xi1>, vector<16xf32>
        %parallel_loop3A_492 = arith.subf %parallel_loop3A_328, %parallel_loop3A_312 : vector<16xf32>
        %parallel_loop3A_493 = arith.subf %parallel_loop3A_360, %parallel_loop3A_344 : vector<16xf32>
        %parallel_loop3A_494 = arith.subf %parallel_loop3A_94, %parallel_loop3A_312 : vector<16xf32>
        %parallel_loop3A_495 = arith.subf %parallel_loop3A_492, %parallel_loop3A_494 : vector<16xf32>
        %parallel_loop3A_496 = arith.mulf %parallel_loop3A_494, %parallel_loop3A_495 : vector<16xf32>
        %parallel_loop3A_497 = arith.mulf %parallel_loop3A_494, %parallel_loop3A_494 : vector<16xf32>
        %parallel_loop3A_498 = arith.mulf %parallel_loop3A_493, %parallel_loop3A_497 : vector<16xf32>
        %parallel_loop3A_499 = arith.mulf %parallel_loop3A_485, %parallel_loop3A_492 : vector<16xf32>
        %parallel_loop3A_500 = arith.mulf %parallel_loop3A_499, %parallel_loop3A_496 : vector<16xf32>
        %parallel_loop3A_501 = arith.addf %parallel_loop3A_498, %parallel_loop3A_500 : vector<16xf32>
        %parallel_loop3A_502 = arith.mulf %parallel_loop3A_493, %parallel_loop3A_501 : vector<16xf32>
        %parallel_loop3A_503 = arith.mulf %parallel_loop3A_492, %parallel_loop3A_492 : vector<16xf32>
        %parallel_loop3A_504 = arith.mulf %parallel_loop3A_493, %parallel_loop3A_503 : vector<16xf32>
        %parallel_loop3A_505 = arith.addf %parallel_loop3A_485, %parallel_loop3A_491 : vector<16xf32>
        %parallel_loop3A_506 = arith.mulf %parallel_loop3A_505, %parallel_loop3A_492 : vector<16xf32>
        %parallel_loop3A_507 = arith.constant 2.000000e+00 : f32
        %parallel_loop3A_508 = vector.broadcast %parallel_loop3A_507 : f32 to vector<16xf32>
        %parallel_loop3A_509 = arith.mulf %parallel_loop3A_508, %parallel_loop3A_493 : vector<16xf32>
        %parallel_loop3A_510 = arith.subf %parallel_loop3A_506, %parallel_loop3A_509 : vector<16xf32>
        %parallel_loop3A_511 = arith.mulf %parallel_loop3A_510, %parallel_loop3A_496 : vector<16xf32>
        %parallel_loop3A_512 = arith.addf %parallel_loop3A_504, %parallel_loop3A_511 : vector<16xf32>
        %parallel_loop3A_513 = arith.divf %parallel_loop3A_502, %parallel_loop3A_512 : vector<16xf32>
        %parallel_loop3A_514 = arith.addf %parallel_loop3A_344, %parallel_loop3A_513 : vector<16xf32>
        %parallel_loop3A_515 = arith.constant 16 : i32
        %parallel_loop3A_516 = arith.muli %parallel_loop3A_90, %parallel_loop3A_515 : i32
        %parallel_loop3A_517 = arith.index_cast %parallel_loop3A_516 : i32 to index
        %parallel_loop3A_518 = tpu.vector_load %arg10[%parallel_loop3A_517] {strides = array<i32>} : memref<512xf32, #tpu.memory_space<vmem>>, vector<16xf32>,
        tpu.vector_store %arg10[%parallel_loop3A_517], %parallel_loop3A_514 {strides = array<i32>} : memref<512xf32, #tpu.memory_space<vmem>>, vector<16xf32>,
      } {sc.loop_unroll_factor = 2 : i64, sc.parallel_access}
      %mul3A_80 = arith.constant 512 : i32
      %mul3A_81 = arith.muli %add3A_61, %mul3A_80 : i32
      %add3A_82 = arith.addi %mul3A_2, %mul3A_81 : i32
      %dma_start3A_83 = tpu.memref_slice %arg4[%add3A_82] : memref<2097152xf32, #tpu.memory_space<hbm>> -> memref<512xf32, #tpu.memory_space<hbm>>
      %dma_start3A_84 = tpu.memref_slice %arg4[%add3A_82] : memref<2097152xf32, #tpu.memory_space<hbm>> -> memref<512xf32, #tpu.memory_space<hbm>>
      tpu.enqueue_dma source(%arg10 : memref<512xf32, #tpu.memory_space<vmem>>) target(%dma_start3A_84 : memref<512xf32, #tpu.memory_space<hbm>>) target_semaphore(%arg14 : memref<!tpu.dma_semaphore, #tpu.memory_space<semaphore_mem>>)
      %lt3A_85 = arith.constant 63 : i32
      %lt3A_86 = arith.cmpi slt, %scan3A_30, %lt3A_85 : i32
      %convert_element_type3A_87 = arith.extui %lt3A_86 : i1 to i32
      %cond3A_88 = arith.constant 0 : i32
      %cond3A_89 = arith.cmpi ne, %convert_element_type3A_87, %cond3A_88 : i32
      scf.if %cond3A_89 {
        %add3A_90 = arith.constant 2 : i32
        %add3A_91 = arith.addi %add3A_61, %add3A_90 : i32
        %mul3A_92 = arith.constant 512 : i32
        %mul3A_93 = arith.muli %add3A_91, %mul3A_92 : i32
        %add3A_94 = arith.addi %mul3A_2, %mul3A_93 : i32
        %dma_start3A_95 = tpu.memref_slice %arg2[%add3A_94] : memref<2097152xf32, #tpu.memory_space<hbm>> -> memref<512xf32, #tpu.memory_space<hbm>>
        %dma_start3A_96 = tpu.memref_slice %arg2[%add3A_94] : memref<2097152xf32, #tpu.memory_space<hbm>> -> memref<512xf32, #tpu.memory_space<hbm>>
        tpu.enqueue_dma source(%dma_start3A_96 : memref<512xf32, #tpu.memory_space<hbm>>) target(%arg8 : memref<512xf32, #tpu.memory_space<vmem>>) target_semaphore(%arg12 : memref<!tpu.dma_semaphore, #tpu.memory_space<semaphore_mem>>)
        %dma_start3A_97 = arith.constant 0 : i32
        %dma_start3A_98 = tpu.memref_slice %arg3[%dma_start3A_97, %add3A_94] : memref<23x2097152xf32, #tpu.memory_space<hbm>> -> memref<23x512xf32, #tpu.memory_space<hbm>>
        %dma_start3A_99 = arith.constant 0 : i32
        %dma_start3A_100 = tpu.memref_slice %arg3[%dma_start3A_99, %add3A_94] : memref<23x2097152xf32, #tpu.memory_space<hbm>> -> memref<23x512xf32, #tpu.memory_space<hbm>>
        tpu.enqueue_dma source(%dma_start3A_100 : memref<23x512xf32, #tpu.memory_space<hbm>>) target(%arg9 : memref<23x512xf32, #tpu.memory_space<vmem>>) target_semaphore(%arg12 : memref<!tpu.dma_semaphore, #tpu.memory_space<semaphore_mem>>)
      } else {
      }
    }
    %scan3A_22 = arith.constant 64 : i32
    %dma_wait3A = arith.constant 0 : i32
    %dma_wait3A_23 = tpu.memref_slice %arg4[%dma_wait3A] : memref<2097152xf32, #tpu.memory_space<hbm>> -> memref<512xf32, #tpu.memory_space<hbm>>
    %dma_wait3A_24 = arith.constant 0 : i32
    %dma_wait3A_25 = tpu.memref_slice %arg4[%dma_wait3A_24] : memref<2097152xf32, #tpu.memory_space<hbm>> -> memref<512xf32, #tpu.memory_space<hbm>>
    tpu.wait_dma2 semaphore(%arg13 : memref<!tpu.dma_semaphore, #tpu.memory_space<semaphore_mem>>) src(%arg7 : memref<512xf32, #tpu.memory_space<vmem>>) dst(%dma_wait3A_25 : memref<512xf32, #tpu.memory_space<hbm>>)
    %dma_wait3A_26 = arith.constant 0 : i32
    %dma_wait3A_27 = tpu.memref_slice %arg4[%dma_wait3A_26] : memref<2097152xf32, #tpu.memory_space<hbm>> -> memref<512xf32, #tpu.memory_space<hbm>>
    %dma_wait3A_28 = arith.constant 0 : i32
    %dma_wait3A_29 = tpu.memref_slice %arg4[%dma_wait3A_28] : memref<2097152xf32, #tpu.memory_space<hbm>> -> memref<512xf32, #tpu.memory_space<hbm>>
    tpu.wait_dma2 semaphore(%arg14 : memref<!tpu.dma_semaphore, #tpu.memory_space<semaphore_mem>>) src(%arg10 : memref<512xf32, #tpu.memory_space<vmem>>) dst(%dma_wait3A_29 : memref<512xf32, #tpu.memory_space<hbm>>)
    return
  }
}

</mosaic_0001>

<sc_bundles>
// kernel: kernel.3.cloned.1.call-start
scs
__scs_entry_jumppad:
0x0: {  	(pc) =	sbr.rel $0x88, $3  }
0x1: {  	(tag) =	ssettag $0x0;
	lr =	simm.s32 $0x1  }
0x2: {  	[smem:$0x3F9F] =	sst lr;
	_ =	strace $0xD0000000  }
0x3: {  	_ = 	snop  }
0x4: {  	_ = 	snop  }
0x5: {  	_ = 	snop  }
0x6: {  	_ = 	snop  }
0x7: {  	_ = 	snop  }
__scs_overlays_trampoline_lowered:
0x8: {  	[smem:$0x3FAE] =	sst s0  }
0x9: {  	[smem:$0x3FAF] =	sst s1  }
0xa: {  	[smem:$0x3FB0] =	sst s2  }
0xb: {  	[smem:$0x3FB1] =	sst s3  }
0xc: {  	[smem:$0x3FB2] =	sst s4  }
0xd: {  	[smem:$0x3FB3] =	sst s5  }
0xe: {  	[smem:$0x3FB4] =	sst s6  }
0xf: {  	[smem:$0x3FB5] =	sst s7  }
0x10: {  	[smem:$0x3FB6] =	sst s8  }
0x11: {  	[smem:$0x3FB7] =	sst s9;
	s0 =	simm.s32 @!p0 $0x0  }
0x12: {  	s1 =	sld [smem:$0x3F9D];
	s0 =	simm.s32 @p0 $0x1  }
0x13: {  	[smem:$0x3FB8] =	sst s0;
	s0 =	simm.s32 @!p1 $0x0  }
0x14: {  	s2 =	sld [smem:$0x3F9C];
	s0 =	simm.s32 @p1 $0x1  }
0x15: {  	[smem:$0x3FB9] =	sst s0;
	s0 =	simm.s32 @!p2 $0x0  }
0x16: {  	s3 =	sld [smem:$0x3FDB];
	s0 =	simm.s32 @p2 $0x1  }
0x17: {  	s4 =	simm.s32 $0x1BF5;
	[smem:$0x3FBB] =	sst s0  }
0x18: {  	s0 =	sld [smem:$0x3F9E];
	_ =	swait.ge [sflag:s4], $0x0  }
0x19: {  	s7 =	sld [smem:$0x3F9F]  }
0x1a: {  	s8 =	sadd.s32 $0xFFFFE003, lr  }
0x1b: {  	s9 =	sadd.s32 $0xFFFFFEF7, lr;
	s5 =	simm.s32 $0xFFFFFFFF;
	p2 =	slt.u32 s8, $0xFFFFF086  }
0x1c: {  	p1 =	slt.u32 s9, $0xF7A;
	s5 =	simm.s32 @!p2 $0x0  }
0x1d: {  	s5 =	simm.s32 @p1 $0x1;
	p0 =	seq.s32 s7, s2  }
0x1e: {  	s7 =	smul.u32 @!p0 $0xF7A, s2;
	p2 =	seq.s32 @!p0 s5, $0x0  }
0x1f: {  	s9 =	smul.u32 $0xF7A, s1;
	s8 =	simm.s32 @!p0 $0x1BF5;
	p2 =	por !p2, p0  }
0x20: {  	[sflag:s8] =	ssyncset.s32 @!p0 $0xFFFFF086;
	s6 =	sadd.s32 @!p0 s3, s7;
	s7 =	simm.s32 @!p0 $0x108  }
0x21: {  	s3 =	sadd.s32 s3, s9;
	s6 =	sadd.s32 @!p0 $0x88, s6;
	s7 =	simm.s32 @p2 $0x1082  }
0x22: {  	[simem:s7], [sflag:s8] =	dma.local @!p0 [hbm:s6], $0xF7A  }
0x23: {  	s9 =	sor.u32 $0xD0000000, s2;
	s6 =	simm.s32 $0x108;
	_ =	swait.ge @!p0 [sflag:s8], $0x0  }
0x24: {  	s3 =	sadd.s32 $0x88, s3;
	s6 =	simm.s32 @!p1 $0x1082;
	[sflag:s4] =	ssyncset.s32 $0xFFFFF086  }
0x25: {  	[simem:s6], [sflag:s4] =	dma.local [hbm:s3], $0xF7A  }
0x26: {  	[smem:$0x3F9F] =	sst s1;
	(tag) =	ssettag s2;
	_ =	strace s9  }
0x27: {  	s1 =	sld [smem:$0x3FAF]  }
0x28: {  	s2 =	sld [smem:$0x3FB0]  }
0x29: {  	s4 =	sld [smem:$0x3FB2]  }
0x2a: {  	p0 =	seq.s32 s5, $0x0;
	s5 =	sld [smem:$0x3FB3]  }
0x2b: {  	s6 =	sld [smem:$0x3FB4]  }
0x2c: {  	s7 =	sld [smem:$0x3FB5]  }
0x2d: {  	s3 =	simm.s32 $0x108;
	s8 =	sld [smem:$0x3FB6]  }
0x2e: {  	s3 =	simm.s32 @!p0 $0x1082;
	s9 =	sld [smem:$0x3FB7]  }
0x2f: {  	lr =	sadd.s32 s0, s3;
	s0 =	sld [smem:$0x3FAE]  }
0x30: {  	s3 =	sld [smem:$0x3FB1]  }
0x31: {  	[smem:$0x3FBA] =	sst s10  }
0x32: {  	s10 =	sld [smem:$0x3FB8];
	_ =	sdelay $0x3  }
0x33: {  	p0 =	seq.s32 s10, $0x1;
	s10 =	sld [smem:$0x3FBA];
	_ =	sdelay $0x3  }
0x34: {  	[smem:$0x3FBA] =	sst s10  }
0x35: {  	s10 =	sld [smem:$0x3FB9];
	_ =	sdelay $0x3  }
0x36: {  	p1 =	seq.s32 s10, $0x1;
	s10 =	sld [smem:$0x3FBA];
	_ =	sdelay $0x3  }
0x37: {  	[smem:$0x3FBA] =	sst s10  }
0x38: {  	s10 =	sld [smem:$0x3FBB]  }
0x39: {  	_ = 	snop;
	(pc) =	sbr.ind lr, $3  }
0x3a: {  	_ = 	snop  }
0x3b: {  	_ = 	snop  }
0x3c: {  	p2 =	seq.s32 s10, $0x1;
	s10 =	sld [smem:$0x3FBA]  }
0x3d: {  	_ =	shalt  }
0x3e: {  	_ =	shalt  }
0x3f: {  	_ =	shalt  }
0x40: {  	_ =	shalt  }
0x41: {  	_ =	shalt  }
0x42: {  	_ =	shalt  }
0x43: {  	_ =	shalt  }
0x44: {  	_ =	shalt  }
0x45: {  	_ =	shalt  }
0x46: {  	_ =	shalt  }
0x47: {  	_ =	shalt  }
0x48: {  	_ =	shalt  }
0x49: {  	_ =	shalt  }
0x4a: {  	_ =	shalt  }
0x4b: {  	_ =	shalt  }
0x4c: {  	_ =	shalt  }
0x4d: {  	_ =	shalt  }
0x4e: {  	_ =	shalt  }
0x4f: {  	_ =	shalt  }
0x50: {  	_ =	shalt  }
0x51: {  	_ =	shalt  }
0x52: {  	_ =	shalt  }
0x53: {  	_ =	shalt  }
0x54: {  	_ =	shalt  }
0x55: {  	_ =	shalt  }
0x56: {  	_ =	shalt  }
0x57: {  	_ =	shalt  }
0x58: {  	_ =	shalt  }
0x59: {  	_ =	shalt  }
0x5a: {  	_ =	shalt  }
0x5b: {  	_ =	shalt  }
0x5c: {  	_ =	shalt  }
0x5d: {  	_ =	shalt  }
0x5e: {  	_ =	shalt  }
0x5f: {  	_ =	shalt  }
0x60: {  	_ =	shalt  }
0x61: {  	_ =	shalt  }
0x62: {  	_ =	shalt  }
0x63: {  	_ =	shalt  }
0x64: {  	_ =	shalt  }
0x65: {  	_ =	shalt  }
0x66: {  	_ =	shalt  }
0x67: {  	_ =	shalt  }
0x68: {  	_ =	shalt  }
0x69: {  	_ =	shalt  }
0x6a: {  	_ =	shalt  }
0x6b: {  	_ =	shalt  }
0x6c: {  	_ =	shalt  }
0x6d: {  	_ =	shalt  }
0x6e: {  	_ =	shalt  }
0x6f: {  	_ =	shalt  }
0x70: {  	_ =	shalt  }
0x71: {  	_ =	shalt  }
0x72: {  	_ =	shalt  }
0x73: {  	_ =	shalt  }
0x74: {  	_ =	shalt  }
0x75: {  	_ =	shalt  }
0x76: {  	_ =	shalt  }
0x77: {  	_ =	shalt  }
0x78: {  	_ =	shalt  }
0x79: {  	_ =	shalt  }
0x7a: {  	_ =	shalt  }
0x7b: {  	_ =	shalt  }
0x7c: {  	_ =	shalt  }
0x7d: {  	_ =	shalt  }
0x7e: {  	_ =	shalt  }
0x7f: {  	_ =	shalt  }
0x80: {  	_ =	shalt  }
0x81: {  	_ =	shalt  }
0x82: {  	_ =	shalt  }
0x83: {  	_ =	shalt  }
0x84: {  	_ =	shalt  }
0x85: {  	_ =	shalt  }
0x86: {  	_ =	shalt  }
0x87: {  	_ =	shalt  }
.Lfunc_end0:
.L_simem_size_0:
called_computation_lowered:
.L_overlay_start_0:
0x88: {  	s2 =	sld [smem:$0x3FD9]  }
0x89: {  	s3 =	sld [smem:$0x3FFE];
	_ =	sdelay $0x1  }
0x8a: {  	s1 =	srdreg.scid  }
0x8b: {  	s0 =	sand.u32 $0x1, s1  }
0x8c: {  	s18 =	sshll.u32 s0, $0xA;
	s2 =	sadd.s32 s3, s2  }
0x8d: {  	s2 =	sadd.s32 s2, s18  }
0x8e: {  	[smem:$0x3FC6] =	sst s2  }
0x8f: {  	_ = 	snop  }
0x90: {  	s2 =	sld [smem:$0x3FC9]  }
0x91: {  	s19 =	sld [smem:$0x3FC8]  }
0x92: {  	s4 =	sld [smem:$0x3FD0];
	(tm) =	ssettm $0x1  }
0x93: {  	s5 =	sld [smem:$0x3FFB];
	_ =	sdelay $0x3  }
0x94: {  	_ =	strace s5  }
0x95: {  	s5 =	sld [smem:$0x3FFC];
	_ =	sdelay $0x3  }
0x96: {  	_ =	strace s5  }
0x97: {  	s5 =	sld [smem:$0x3FFD];
	_ =	sdelay $0x3  }
0x98: {  	_ =	strace s5  }
0x99: {  	_ =	strace $0x8FFFFFFF  }
0x9a: {  	s20 =	sld [smem:$0x3FDB];
	_ =	sdelay $0x1  }
0x9b: {  	s6 =	simm.s32 $_scs_section_size  }
0x9c: {  	s7 =	simm.s32 $_size__tile_overlayer_lowered;
	s8 =	simm.s32 $_tile_overlayer_lowered  }
0x9d: {  	s23 =	simm.s32 $0x1BFF;
	s22 =	sshll.u32 s8, $0x1;
	s5 =	sadd.s32 s6, s20  }
0x9e: {  	s9 =	simm.s32 $0x0;
	s21 =	sshll.u32 s7, $0x1;
	s7 =	sadd.s32 s22, s5  }
0x9f: {  	[timem:s9], [sflag:s23] =	dma.local [hbm:s7], s21  }
0xa0: {  	_ =	swait.ge [sflag:s23], s21  }
0xa1: {  	s6 =	ssub.s32 $0x0, s21;
	[sflag:s23] =	ssyncset.done $0x0  }
0xa2: {  	[sflag:s23] =	ssyncadd.s32 s6;
	_ =	sdelay $0x1  }
0xa3: {  	s24 =	simm.s32 $0x1B8B  }
0xa4: {  	_ =	swait.ge [sflag:s24], $0x1  }
0xa5: {  	[sflag:s24] =	ssyncset.done $0x0  }
0xa6: {  	s25 =	simm.s32 $0x1B8E;
	[sflag:s24] =	ssyncadd.s32 $0xFFFFFFFF  }
0xa7: {  	s26 =	simm.s32 $execute0_lowered;
	[smem:$0x3FD2] =	sst s25  }
0xa8: {  	s6 =	sshll.u32 s26, $0x1;
	_ =	strace $0x80000046;
	[dreg:$0x1] =	wrdreg $0xFFFFFFFF  }
0xa9: {  	s28 =	simm.s32 $_size_execute0_lowered;
	s5 =	sadd.s32 s5, s6;
	[dreg:$0x0] =	wrdreg $0x0  }
0xaa: {  	s6 =	sshll.u32 s28, $0x1;
	[dreg:$0x2] =	wrdreg s5  }
0xab: {  	[dreg:$0x3] =	wrdreg s6  }
0xac: {  	[dreg:$0x4] =	wrdreg $0xC0  }
0xad: {  	_ =	task [dreg:s9], $0x5FFFF  }
0xae: {  	[dreg:$0x1] =	wrdreg $0xFFFFFFFF  }
0xaf: {  	[dreg:$0x0] =	wrdreg $0x60  }
0xb0: {  	[dreg:$0x2] =	wrdreg s2  }
0xb1: {  	[dreg:$0x3] =	wrdreg s19  }
0xb2: {  	[dreg:$0x4] =	wrdreg s4  }
0xb3: {  	[dreg:$0x5] =	wrdreg $0x9  }
0xb4: {  	_ =	task.clear_ibuf [dreg:s9], $0x6FFFF;
	_ =	strace $0x90000046  }
0xb5: {  	s29 =	simm.s32 $0x9;
	_ =	strace $0x80000048  }
0xb6: {  	_ =	swait.ge [sflag:s29], $0x1  }
0xb7: {  	[sflag:s29] =	ssyncadd.s32 $0xFFFFFFFF  }
0xb8: {  	_ =	strace $0x90000048  }
0xb9: {  	_ =	sfence  }
0xba: {  	s30 =	sld [smem:$0x0];
	_ =	sdelay $0x2  }
0xbb: {  	s31 =	sshll.u32 s1, $0xD;
	s1 =	sshrl.u32 s1, $0x2  }
0xbc: {  	s3 =	sand.u32 $0x4000, s31;
	s1 =	sadd.s32 s1, s30  }
0xbd: {  	s0 =	sor.u32 s3, s0;
	s1 =	sshll.u32 s1, $0x11  }
0xbe: {  	s0 =	sor.u32 s1, s0  }
0xbf: {  	s0 =	sadd.s32 $0x8F2B, s0  }
0xc0: {  	[sflag:s0] =	ssyncadd.remote.s32 $0x1  }
0xc1: {  	_ =	sfence.sel $0xFFFF  }
0xc2: {  	[dreg:$0x0] =	wrdreg $0xFFFFFFFF;
	(pc) =	sbr.abs _section_cstart, $3  }
0xc3: {  	[dreg:$0x1] =	wrdreg $0xFFFFFFFF  }
0xc4: {  	_ =	task.clear_ibuf [dreg:s9], $0x2FFFF;
	_ =	strace $0x9FFFFFFF  }
0xc5: {  	(tm) =	ssettm $0x7FFFFFFF  }
tec
execute0_lowered:
.L_overlay_start_1:
0x0: {  	(tag) =	ssettag $0x1  }
0x1: {  	s1 =	rddreg [dreg:$0x0]  }
0x2: {  	s3 =	rddreg [dreg:$0x1]  }
0x3: {  	s4 =	rddreg [dreg:$0x2]  }
0x4: {  	s0 =	srdreg.scid;
	s2 =	stileid.u32  }
0x5: {  	s5 =	simm.s32 $0x0;
	s0 =	sand.u32 $0x1, s0;
	s2 =	sshll.u32 s2, $0x11  }
0x6: {  	[smem:$0x7FF] =	sst s5;
	s6 =	sshll.u32 s0, $0x10;
	s0 =	ssub.s32 $0x2, s0  }
0x7: {  	_ =	strace $0x80000047;
	s6 =	sor.u32 s6, s2;
	s25 =	sshrl.u32 s0, $0x1  }
0x8: {  	s7 =	sshrl.u32 s6, $0x7;
	s0 =	ssub.s32 s0, s25;
	s8 =	sadd.s32 s3, s6  }
0x9: {  	s26 =	sshrl.u32 s6, $0x3;
	s30 =	sor.u32 $0x400, s6;
	[dreg:$0x5] =	wrdreg s8  }
0xa: {  	s31 =	sor.u32 $0x600, s6;
	s7 =	sor.u32 $0x4, s7;
	[dreg:$0x8] =	wrdreg s30  }
.Ltmp0:
0xb: {  	s2 =	sadd.s32 s1, s26;
	[dreg:$0x9] =	wrdreg s31;
	(pc) =	sbr.rel .LBB2_1-.Ltmp0, $4  }
0xc: {  	s0 =	smax.u32 s0, $0x1;
	[dreg:$0x4] =	wrdreg s2;
	s28 =	sshll.u32 s7, $0x4  }
0xd: {  	s7 =	sshll.u32 s7, $0x7;
	[dreg:$0xa] =	wrdreg s0;
	s1 =	sadd.s32 s1, s28  }
0xe: {  	s19 =	simm.s32 $0x1;
	s29 =	sadd.s32 s3, s7;
	[dreg:$0x6] =	wrdreg s1  }
0xf: {  	s21 =	simm.s32 $0x2;
	v48 =	vimm.f32 $4.000000000e+00;
	v49 =	vimm.f32 $-4.000000000e+04;
	s2 =	simm.s32 $0x0;
	[dreg:$0x7] =	wrdreg s29  }
.LBB2_8:
0x10: {  	s0 =	simm.s32 $0x3  }
0x11: {  	_ =	swait.ge [sflag:s0], $0x200  }
0x12: {  	[sflag:s0] =	ssyncset.done $0x0  }
0x13: {  	s1 =	simm.s32 $0x4;
	[sflag:s0] =	ssyncadd.s32 $0xFFFFFE00  }
0x14: {  	_ =	swait.ge [sflag:s1], $0x200  }
0x15: {  	s2 =	rddreg [dreg:$0xb]  }
0x16: {  	s31 =	rddreg [dreg:$0xa];
	s2 =	sadd.s32 $0x1, s2  }
0x17: {  	p0 =	sne.s32 s2, s31  }
.Ltmp1:
0x18: {  	_ = 	snop;
	(pc) =	sbr.rel @!p0 .LBB2_9-.Ltmp1, $3  }
0x19: {  	_ =	sdelay $0x1  }
0x1a: {  	[sflag:s1] =	ssyncset.done $0x0  }
0x1b: {  	v48 =	vimm.f32 $4.000000000e+00;
	v49 =	vimm.f32 $-4.000000000e+04;
	[sflag:s1] =	ssyncadd.s32 $0xFFFFFE00  }
.LBB2_1:
0x1c: {  	s0 =	rddreg [dreg:$0x4]  }
0x1d: {  	s25 =	rddreg [dreg:$0x5]  }
0x1e: {  	[tilespmem:s5], [sflag:$0x1] =	stream.linear.gather [hbm4b:s0+s5], $0x200, $0x38;
	[tilespmem:$0x6800] =	vst v63  }
0x1f: {  	s1 =	simm.s32 $0x1000;
	s26 =	simm.s32 $0x1000000;
	s3 =	simm.s32 $0x200  }
0x20: {  	[tilespmem:s3], [sflag:$0x1] =	stream.strided.gather [hbm4b:s25+s1], $0x3000, s26, s1, $0x38;
	[tilespmem:$0x6800] =	vst v63  }
0x21: {  	s28 =	rddreg [dreg:$0x6];
	s29 =	simm.s32 $0x3400  }
0x22: {  	[tilespmem:s29], [sflag:$0x2] =	stream.linear.gather [hbm4b:s28+s5], $0x200, $0x38;
	[tilespmem:$0x6800] =	vst v63  }
0x23: {  	s30 =	rddreg [dreg:$0x7];
	s31 =	simm.s32 $0x3600  }
0x24: {  	[tilespmem:s31], [sflag:$0x2] =	stream.strided.gather [hbm4b:s30+s1], $0x3000, s26, s1, $0x38;
	[tilespmem:$0x6800] =	vst v63  }
0x25: {  	[dreg:$0xb] =	wrdreg s2;
	s26 =	simm.s32 $0x0  }
.LBB2_2:
0x26: {  	_ =	swait.ge [sflag:s19], $0x200  }
0x27: {  	[sflag:s19] =	ssyncset.done $0x0  }
0x28: {  	[sflag:s19] =	ssyncadd.s32 $0xFFFFFE00  }
0x29: {  	_ =	swait.ge [sflag:s19], $0x3000  }
0x2a: {  	p0 =	seq.s32 s26, $0x0;
	[sflag:s19] =	ssyncset.done $0x0  }
0x2b: {  	s0 =	simm.s32 @!p0 $0x3;
	[sflag:s19] =	ssyncadd.s32 $0xFFFFD000  }
0x2c: {  	s2 =	simm.s32 $0x0;
	_ =	swait.ge @!p0 [sflag:s0], $0x200  }
0x2d: {  	s8 =	sand.u32 $0xC00, s2;
	[sflag:s0] =	ssyncset.done @!p0 $0x0  }
0x2e: {  	s7 =	sor.u32 s2, s2;
	[sflag:s0] =	ssyncadd.s32 @!p0 $0xFFFFFE00;
	s0 =	sand.u32 $0x60, s2  }
0x2f: {  	s22 =	sor.u32 $0x200, s8;
	s9 =	sor.u32 $0x380, s7;
	s7 =	sor.u32 $0x10, s0  }
0x30: {  	v0 =	vld [tilespmem:s9+$0x200];
	s23 =	sor.u32 s7, s22  }
0x31: {  	v1 =	vld [tilespmem:s23+$0x80]  }
0x32: {  	v2 =	vld [tilespmem:s23+$0x100]  }
0x33: {  	v3 =	vld [tilespmem:s23+$0x180]  }
0x34: {  	s20 =	sor.u32 $0x1280, s8;
	v4 =	vld [tilespmem:s23+$0x200]  }
0x35: {  	s18 =	sor.u32 $0x1300, s8;
	s25 =	sor.u32 s7, s20;
	v5 =	vld [tilespmem:s23+$0x280]  }
0x36: {  	s17 =	sor.u32 $0x1380, s8;
	s1 =	sor.u32 s7, s18;
	v6 =	vld [tilespmem:s25+$0x0];
	v0 =	vmul.f32 $1.442695020e+00, v0  }
0x37: {  	s10 =	sadd.s32 $0x1400, s8;
	s3 =	sor.u32 s7, s17;
	v7 =	vld [tilespmem:s1+$0x0];
	v1 =	vmul.f32 $1.442695020e+00, v1;
	v2 =	vmul.f32 $1.442695020e+00, v2  }
0x38: {  	s16 =	sadd.s32 $0x1480, s8;
	s13 =	sor.u32 s7, s10;
	(erf) = vpow2.f32 v0;
	v0 =	vld [tilespmem:s3+$0x0];
	v3 =	vmul.f32 $1.442695020e+00, v3  }
0x39: {  	s9 =	sadd.s32 $0x1500, s8;
	s24 =	sor.u32 s7, s16;
	v4 =	vmul.f32 $1.442695020e+00, v4;
	(erf) = vpow2.f32 v1;
	v1 =	vld [tilespmem:s13+$0x0]  }
0x3a: {  	s11 =	sor.u32 s7, s9;
	v5 =	vmul.f32 $1.442695020e+00, v5;
	s13 =	sadd.s32 $0x1580, s8;
	(erf) = vpow2.f32 v2;
	v2 =	vld [tilespmem:s24+$0x0]  }
0x3b: {  	v6 =	vmul.f32 $1.442695020e+00, v6;
	s12 =	sor.u32 s7, s13;
	(erf) = vpow2.f32 v3;
	v3 =	vld [tilespmem:s11+$0x0]  }
0x3c: {  	s25 =	sand.u32 $0x3, s2;
	v7 =	vmul.f32 $1.442695020e+00, v7;
	(erf) = vpow2.f32 v4;
	v4 =	vld [tilespmem:s12+$0x0]  }
0x3d: {  	s25 =	sshll.u32 s25, $0x5;
	v0 =	vmul.f32 $1.442695020e+00, v0;
	(erf) = vpow2.f32 v5;
	v5 =	vld [tilespmem:s23+$0x0]  }
0x3e: {  	s28 =	sor.u32 $0x1200, s8;
	s25 =	sadd.s32 $0x0, s25;
	(erf) = vpow2.f32 v6;
	v1 =	vmul.f32 $1.442695020e+00, v1  }
0x3f: {  	s15 =	sor.u32 s7, s28;
	s14 =	sadd.s32 $0x10, s25;
	(erf) = vpow2.f32 v7;
	v2 =	vmul.f32 $1.442695020e+00, v2  }
0x40: {  	s29 =	sor.u32 $0x300, s14;
	v6 =	vld [tilespmem:s15+$0x0];
	(erf) = vpow2.f32 v0;
	v3 =	vmul.f32 $1.442695020e+00, v3  }
0x41: {  	s23 =	sor.u32 $0x380, s14;
	v7 =	vld [tilespmem:s29+$0x200];
	v10 =	vpop (erf);
	(erf) = vpow2.f32 v1;
	v1 =	vmul.f32 $1.442695020e+00, v4  }
0x42: {  	v8 =	vld [tilespmem:s23+$0x200];
	v4 =	vpop (erf);
	(erf) = vpow2.f32 v2;
	v2 =	vmul.f32 $1.442695020e+00, v5;
	_ =	sdelay $0x1  }
0x43: {  	v0 =	vpop (erf);
	(erf) = vpow2.f32 v3  }
0x44: {  	s22 =	sor.u32 s0, s22;
	v3 =	vmul.f32 $1.442695020e+00, v6;
	v9 =	vpop (erf);
	(erf) = vpow2.f32 v1  }
0x45: {  	s1 =	sor.u32 s0, s28;
	v1 =	vld [tilespmem:s22+$0x0];
	v5 =	vmul.f32 $1.442695020e+00, v7;
	(erf) = vpow2.f32 v2;
	v2 =	vpop (erf)  }
0x46: {  	s3 =	sor.u32 $0x300, s25;
	v6 =	vld [tilespmem:s1+$0x0];
	v7 =	vmul.f32 $1.442695020e+00, v8;
	(erf) = vpow2.f32 v3;
	v54 =	vpop (erf)  }
0x47: {  	v11 =	vld [tilespmem:s3+$0x200];
	(erf) = vpow2.f32 v5;
	v12 =	vpop (erf)  }
0x48: {  	v13 =	vld [tilespmem:s22+$0x80];
	(erf) = vpow2.f32 v7;
	v3 =	vpop (erf)  }
0x49: {  	v7 =	vld [tilespmem:s22+$0x100];
	v14 =	vpop (erf)  }
0x4a: {  	v1 =	vmul.f32 $1.442695020e+00, v1;
	v5 =	vpop (erf)  }
0x4b: {  	s20 =	sor.u32 s0, s20;
	v15 =	vmul.f32 $1.442695020e+00, v6;
	v17 =	vld [tilespmem:s22+$0x180];
	v16 =	vpop (erf)  }
0x4c: {  	v11 =	vmul.f32 $1.442695020e+00, v11;
	v23 =	vld [tilespmem:s20+$0x0];
	(erf) = vpow2.f32 v1;
	v6 =	vpop (erf)  }
0x4d: {  	v1 =	vmul.f32 $1.442695020e+00, v13;
	(erf) = vpow2.f32 v15;
	v13 =	vpop (erf)  }
0x4e: {  	v56 =	vadd.f32 v9, v0;
	v22 =	vadd.f32 v54, v2;
	v15 =	vld [tilespmem:s22+$0x200];
	(erf) = vpow2.f32 v11;
	v55 =	vpop (erf)  }
0x4f: {  	v59 =	vadd.f32 v14, v3;
	v7 =	vmul.f32 $1.442695020e+00, v7;
	v20 =	vmul.f32 $5.000000000e-01, v55;
	v57 =	vpop (erf)  }
0x50: {  	v19 =	vld [tilespmem:s22+$0x280];
	v14 =	vadd.f32 v16, v5;
	v17 =	vmul.f32 $1.442695020e+00, v17;
	v58 =	vmul.f32 $5.000000000e-01, v57;
	v16 =	vpop (erf)  }
0x51: {  	s18 =	sor.u32 s0, s18;
	v61 =	vmul.f32 $1.442695020e+00, v23;
	v25 =	vadd.f32 v4, v20;
	v4 =	vadd.f32 v13, v6;
	v13 =	vpop (erf)  }
0x52: {  	v24 =	vld [tilespmem:s18+$0x0];
	(erf) = vpow2.f32 v1;
	v1 =	vadd.f32 v13, v16;
	v18 =	vadd.f32 v12, v58  }
0x53: {  	s17 =	sor.u32 s0, s17;
	v12 =	vmul.f32 $1.442695020e+00, v15;
	v15 =	vadd.f32 v56, v25;
	v4 =	vadd.f32 v4, v14  }
0x54: {  	v60 =	vld [tilespmem:s17+$0x0];
	(erf) = vpow2.f32 v7;
	v1 =	vadd.f32 v1, v22;
	v21 =	vadd.f32 v59, v18  }
0x55: {  	v7 =	vmul.f32 $1.442695020e+00, v19;
	(erf) = vpow2.f32 v17  }
0x56: {  	(erf) = vpow2.f32 v12;
	v19 =	vadd.f32 v1, v15;
	v13 =	vadd.f32 v4, v21  }
0x57: {  	(erf) = vpow2.f32 v7;
	v1 =	vmul.f32 $1.442695020e+00, v24  }
0x58: {  	s16 =	sor.u32 s0, s16;
	(erf) = vpow2.f32 v61;
	v24 =	vadd.f32 v19, v20;
	v12 =	vadd.f32 v13, v58  }
0x59: {  	s10 =	sor.u32 s0, s10;
	v4 =	vmul.f32 $1.442695020e+00, v60;
	(erf) = vpow2.f32 v1;
	v1 =	vld [tilespmem:s16+$0x0]  }
0x5a: {  	v62 =	vpop (erf);
	v7 =	vld [tilespmem:s10+$0x0];
	v17 =	vmul.f32 v12, v24  }
0x5b: {  	v23 =	vpop (erf);
	(erf) = vpow2.f32 v4  }
0x5c: {  	v63 =	vpop (erf);
	(erf) = vrcp.f32 v17  }
0x5d: {  	v4 =	vpop (erf)  }
0x5e: {  	s11 =	sor.u32 s0, s13;
	v30 =	vpop (erf);
	v1 =	vmul.f32 $1.442695020e+00, v1  }
0x5f: {  	s9 =	sor.u32 s0, s9;
	v27 =	vld [tilespmem:s11+$0x0];
	v7 =	vmul.f32 $1.442695020e+00, v7;
	v26 =	vpop (erf)  }
0x60: {  	v17 =	vld [tilespmem:s9+$0x0];
	v32 =	vpop (erf)  }
0x61: {  	(erf) = vpow2.f32 v7;
	v28 =	vpop (erf)  }
0x62: {  	(erf) = vpow2.f32 v1;
	v1 =	vpop (erf)  }
0x63: {  	v33 =	vmul.f32 $5.000000000e-01, v62;
	v7 =	vpop (erf)  }
0x64: {  	v27 =	vmul.f32 $1.442695020e+00, v27;
	v29 =	vpop (erf)  }
0x65: {  	v34 =	vadd.f32 v4, v33;
	v4 =	vadd.f32 v26, v30;
	v17 =	vmul.f32 $1.442695020e+00, v17;
	v26 =	vpop (erf)  }
0x66: {  	v0 =	vadd.f32 v0, v25;
	v11 =	vmul.f32 $5.000000000e-01, v23;
	v35 =	vmul.f32 $7.920792100e+00, v26  }
0x67: {  	v31 =	vadd.f32 v10, v63;
	(erf) = vpow2.f32 v17;
	v17 =	vadd.f32 v22, v15  }
0x68: {  	s12 =	sor.u32 $0x2200, s8;
	v28 =	vadd.f32 v28, v32;
	v10 =	vadd.f32 v1, v11;
	v36 =	vmul.f32 v35, v12  }
0x69: {  	s13 =	sand.u32 $0x180, s2;
	s14 =	sor.u32 s7, s12;
	v1 =	vadd.f32 v15, v2;
	v16 =	vadd.f32 v17, v16  }
0x6a: {  	s28 =	sor.u32 s13, s7;
	s15 =	sor.u32 $0x2280, s8;
	v38 =	vld [tilespmem:s14+$0x0];
	v37 =	vadd.f32 v31, v28;
	(erf) = vpow2.f32 v27;
	v2 =	vpop (erf);
	v17 =	vmul.f32 v36, v17  }
0x6b: {  	s18 =	sor.u32 s7, s15;
	s16 =	sor.u32 $0x2300, s8;
	v39 =	vadd.f32 v29, v7;
	v22 =	vpop (erf);
	v12 =	vld [tilespmem:s28+$0x0];
	v1 =	vmul.f32 v36, v1;
	v16 =	vmul.f32 v36, v16  }
0x6c: {  	s20 =	sor.u32 $0x2380, s8;
	v41 =	vld [tilespmem:s18+$0x0];
	s22 =	sor.u32 s7, s16;
	v40 =	vadd.f32 v22, v2;
	v22 =	vmul.f32 v36, v25;
	v0 =	vmul.f32 v36, v0  }
0x6d: {  	s24 =	sadd.s32 $0x2400, s8;
	s25 =	sor.u32 s7, s20;
	v20 =	vmul.f32 v36, v20;
	v26 =	vadd.f32 $-3.945544480e+00, v17;
	v25 =	vadd.f32 $-3.935643670e+00, v16;
	v16 =	vld [tilespmem:s22+$0x0]  }
0x6e: {  	s3 =	sor.u32 s7, s24;
	s1 =	sadd.s32 $0x2480, s8;
	v15 =	vmul.f32 v36, v15;
	v22 =	vadd.f32 $-3.985148430e+00, v22;
	v29 =	vadd.f32 $-3.955445530e+00, v1;
	v1 =	vld [tilespmem:s25+$0x0]  }
0x6f: {  	s11 =	sor.u32 s7, s1;
	s8 =	sadd.s32 $0x2500, s8;
	v23 =	vadd.f32 $-3.995049480e+00, v20;
	v27 =	vadd.f32 $-3.975247620e+00, v0;
	v0 =	vld [tilespmem:s3+$0x0]  }
0x70: {  	s7 =	sor.u32 s7, s8;
	v31 =	vadd.f32 $-3.965346570e+00, v15;
	v15 =	vld [tilespmem:s11+$0x0];
	vm1 =	vlt.f32 v22, v12;
	vm3 =	vlt.f32 v26, v12  }
0x71: {  	v17 =	vld [tilespmem:s7+$0x0];
	vm0 =	vlt.f32 v23, v12;
	vm2 =	vlt.f32 v27, v12;
	v20 =	vsel vm1, v41, v38  }
0x72: {  	vm4 =	vlt.f32 v31, v12;
	v38 =	vsel vm0, v41, v38;
	v20 =	vsel vm2, v16, v20  }
0x73: {  	vm5 =	vlt.f32 v29, v12;
	v38 =	vsel vm1, v16, v38;
	v20 =	vsel vm4, v1, v20  }
0x74: {  	vm6 =	vlt.f32 v25, v12;
	v1 =	vsel vm2, v1, v38;
	v20 =	vsel vm5, v0, v20  }
0x75: {  	vm6 =	vmneg vm6;
	v16 =	vpop (erf);
	v0 =	vsel vm4, v0, v1;
	v1 =	vsel vm3, v15, v20  }
0x76: {  	v47 =	vpop (erf);
	v0 =	vsel vm5, v15, v0;
	v50 =	vsel vm6, v1, v17  }
0x77: {  	v20 =	vadd.f32 v47, v16;
	v51 =	vsel vm3, v17, v0;
	v0 =	vand.u32 $0x7FFFFFFF, v50  }
0x78: {  	v17 =	vand.u32 $0x7FFFFFFF, v51;
	v0 =	vsub.f32 $0.0e+00, v0  }
0x79: {  	v1 =	vadd.f32 v20, v40;
	v20 =	vsub.f32 $0.0e+00, v17  }
0x7a: {  	v0 =	vmul.f32 $1.442695020e+00, v0  }
0x7b: {  	v20 =	vmul.f32 $1.442695020e+00, v20  }
0x7c: {  	(erf) = vpow2.f32 v0  }
0x7d: {  	(erf) = vpow2.f32 v20;
	_ =	sdelay $0x2  }
0x7e: {  	v4 =	vadd.f32 v4, v34;
	v15 =	vadd.f32 v39, v10;
	_ =	sdelay $0x1  }
0x7f: {  	v17 =	vadd.f32 v37, v4;
	v1 =	vadd.f32 v1, v15;
	_ =	sdelay $0x1  }
0x80: {  	v37 =	vadd.f32 v17, v33;
	v52 =	vadd.f32 v1, v11  }
0x81: {  	v42 =	vpop (erf)  }
0x82: {  	v0 =	vmul.f32 v52, v37;
	v43 =	vpop (erf)  }
0x83: {  	v44 =	vadd.f32 $2.000000000e+00, v42;
	v45 =	vadd.f32 $2.000000000e+00, v43  }
0x84: {  	v14 =	vadd.f32 v14, v21;
	(erf) = vrcp.f32 v0  }
0x85: {  	v3 =	vadd.f32 v3, v18;
	v24 =	vmul.f32 v35, v24;
	v20 =	vmul.f32 v45, v44  }
0x86: {  	v5 =	vadd.f32 v21, v5;
	v6 =	vadd.f32 v14, v6  }
0x87: {  	v28 =	vadd.f32 v28, v4;
	v21 =	vmul.f32 v24, v21;
	(erf) = vrcp.f32 v20  }
0x88: {  	v32 =	vadd.f32 v4, v32;
	v3 =	vmul.f32 v24, v3;
	v5 =	vmul.f32 v24, v5  }
0x89: {  	v7 =	vadd.f32 v7, v10;
	v18 =	vmul.f32 v24, v18;
	v14 =	vmul.f32 v24, v14  }
0x8a: {  	v9 =	vmul.f32 v24, v58;
	v6 =	vmul.f32 v24, v6;
	v21 =	vadd.f32 $-3.965346570e+00, v21  }
0x8b: {  	v19 =	vmul.f32 v36, v19;
	v3 =	vadd.f32 $-3.975247620e+00, v3;
	v5 =	vadd.f32 $-3.955445530e+00, v5  }
0x8c: {  	v13 =	vmul.f32 v24, v13;
	v14 =	vadd.f32 $-3.945544480e+00, v14;
	v18 =	vadd.f32 $-3.985148430e+00, v18  }
0x8d: {  	v6 =	vadd.f32 $-3.935643670e+00, v6;
	v19 =	vadd.f32 $-3.925742630e+00, v19;
	v0 =	vpop (erf)  }
0x8e: {  	v9 =	vadd.f32 $-3.995049480e+00, v9;
	v13 =	vadd.f32 $-3.925742630e+00, v13;
	v46 =	vmul.f32 $7.920792100e+00, v0  }
0x8f: {  	vm7 =	vgt.f32 v12, $-4.000000000e+00;
	v56 =	vmul.f32 v44, v43;
	v55 =	vmul.f32 v45, v42  }
0x90: {  	vm8 =	vgt.f32 v12, $4.000000000e+00;
	v54 =	vsel vm7, $0xC0800000, v49;
	v53 =	vmul.f32 v46, v37;
	v57 =	vpop (erf)  }
0x91: {  	vm9 =	vlt.f32 v19, v12;
	v37 =	vmul.f32 v57, v55;
	v36 =	vmul.f32 v57, v56  }
0x92: {  	v58 =	vsel vm8, $0x471C4000, v48;
	vm10 =	vmneg vm9;
	v35 =	vsel vm0, v9, v54  }
0x93: {  	v0 =	vadd.f32 v40, v15;
	v24 =	vmul.f32 v37, v37;
	v40 =	vmul.f32 v36, v36  }
0x94: {  	v61 =	vsel vm0, v23, v54;
	vm9 =	vmand vm7, vm6;
	v35 =	vsel vm1, v18, v35  }
0x95: {  	vm11 =	vmand vm0, vm10;
	v59 =	vmul.f32 $2.222222240e-01, v24;
	v60 =	vmul.f32 $2.222222240e-01, v40  }
0x96: {  	v62 =	vsel vm10, v19, v58;
	v41 =	vsel vm10, v13, v58;
	v35 =	vsel vm2, v3, v35  }
0x97: {  	v41 =	vsel vm6, v6, v41;
	v42 =	vadd.f32 $2.857142980e-01, v59;
	v43 =	vadd.f32 $2.857142980e-01, v60  }
0x98: {  	vm11 =	vmand vm7, vm11;
	v35 =	vsel vm4, v21, v35;
	v41 =	vsel vm3, v41, v14  }
0x99: {  	v35 =	vsel vm5, v5, v35;
	v42 =	vmul.f32 v42, v24;
	v43 =	vmul.f32 v43, v40  }
0x9a: {  	v5 =	vsel vm5, v41, v5;
	v47 =	vadd.f32 v30, v34;
	v14 =	vsel vm3, v14, v35  }
0x9b: {  	v5 =	vsel vm4, v5, v21;
	v42 =	vadd.f32 $4.000000060e-01, v42;
	v43 =	vadd.f32 $4.000000060e-01, v43  }
0x9c: {  	v30 =	vadd.f32 v28, v63;
	v6 =	vsel vm6, v14, v6;
	v3 =	vsel vm2, v5, v3  }
0x9d: {  	v6 =	vsel vm10, v6, v13;
	v42 =	vmul.f32 v42, v24;
	v43 =	vmul.f32 v43, v40  }
0x9e: {  	v5 =	vmax.f32 v50, $0.0e+00;
	v3 =	vsel vm1, v3, v18;
	v18 =	vsel vm8, $0x40800000, v6  }
0x9f: {  	v44 =	vsel vm1, v22, v61;
	v42 =	vadd.f32 $6.666666860e-01, v42;
	v43 =	vadd.f32 $6.666666860e-01, v43  }
0xa0: {  	v6 =	vsel vm0, v3, v9;
	v45 =	vsel vm6, v25, v62;
	v44 =	vsel vm2, v27, v44  }
0xa1: {  	v44 =	vsel vm4, v31, v44;
	v24 =	vmul.f32 v42, v24;
	v63 =	vmul.f32 v43, v40  }
0xa2: {  	v6 =	vnsel vm7, $0xC0800000, v6;
	v45 =	vsel vm3, v45, v26;
	v44 =	vsel vm5, v29, v44  }
0xa3: {  	v26 =	vsel vm3, v26, v44;
	v14 =	vadd.f32 $2.000000000e+00, v24;
	v21 =	vadd.f32 $2.000000000e+00, v63  }
0xa4: {  	v20 =	vmul.f32 v46, v52;
	v29 =	vsel vm5, v45, v29;
	v25 =	vsel vm6, v26, v25  }
0xa5: {  	v26 =	vsel vm4, v29, v31;
	v14 =	vmul.f32 v14, v37;
	v21 =	vmul.f32 v21, v36  }
0xa6: {  	v33 =	vmul.f32 v20, v33;
	v24 =	vsel vm2, v26, v27;
	v26 =	vmax.f32 v51, $0.0e+00  }
0xa7: {  	v19 =	vsel vm10, v25, v19;
	v5 =	vadd.f32 v14, v5;
	v13 =	vadd.f32 v21, v26  }
0xa8: {  	v34 =	vmul.f32 v20, v34;
	v22 =	vsel vm1, v24, v22;
	v14 =	vsel vm8, $0x40800000, v19  }
0xa9: {  	v19 =	vsel vm0, v22, v23;
	v5 =	vadd.f32 $1.000000050e-03, v5;
	v40 =	vadd.f32 $1.000000050e-03, v13  }
0xaa: {  	v3 =	vld [tilespmem:s2+$0x0];
	v41 =	vmul.f32 v20, v47;
	v23 =	vsub.f32 v6, v18;
	v13 =	vnsel vm7, $0xC0800000, v19  }
0xab: {  	v19 =	vsub.f32 v12, v14;
	v21 =	vnsel vm11, $0x3F800000, v5;
	v5 =	vnsel vm9, $0x3F800000, v40  }
0xac: {  	v28 =	vmul.f32 v20, v28;
	v22 =	vsub.f32 v13, v14;
	v5 =	vadd.f32 v5, v21  }
0xad: {  	v30 =	vmul.f32 v20, v30;
	v11 =	vmul.f32 v53, v11;
	v9 =	vadd.f32 $-3.975247620e+00, v41  }
0xae: {  	s12 =	sor.u32 s0, s12;
	v26 =	vadd.f32 v23, v23;
	v24 =	vsub.f32 v22, v19;
	v25 =	vmul.f32 v5, v22  }
0xaf: {  	s14 =	sor.u32 s0, s15;
	vm6 =	vlt.f32 v9, v3;
	v6 =	vld [tilespmem:s12+$0x0];
	v12 =	vmul.f32 v20, v4;
	v29 =	vmul.f32 v22, v22  }
0xb0: {  	v4 =	vadd.f32 $-3.995049480e+00, v33;
	v14 =	vld [tilespmem:s14+$0x0];
	v24 =	vmul.f32 v24, v19;
	v25 =	vsub.f32 v25, v26  }
0xb1: {  	s15 =	sor.u32 s0, s16;
	v13 =	vmul.f32 v20, v32;
	v12 =	vadd.f32 $-3.965346570e+00, v12;
	v29 =	vmul.f32 v29, v23  }
0xb2: {  	s17 =	sor.u32 s0, s20;
	v27 =	vld [tilespmem:s15+$0x0];
	v5 =	vadd.f32 $-3.985148430e+00, v34;
	v19 =	vmul.f32 v19, v19;
	v25 =	vmul.f32 v25, v24  }
0xb3: {  	s18 =	sor.u32 s0, s24;
	vm0 =	vlt.f32 v4, v3;
	v21 =	vmul.f32 v21, v22;
	vm8 =	vlt.f32 v12, v3;
	v26 =	vld [tilespmem:s17+$0x0]  }
0xb4: {  	s20 =	sor.u32 s0, s1;
	v31 =	vld [tilespmem:s18+$0x0];
	vm1 =	vlt.f32 v5, v3;
	v19 =	vmul.f32 v19, v23;
	v25 =	vadd.f32 v25, v29  }
0xb5: {  	s0 =	sor.u32 s0, s8;
	v43 =	vld [tilespmem:s20+$0x0];
	v21 =	vmul.f32 v21, v24;
	v42 =	vsel vm1, v14, v6;
	v6 =	vsel vm0, v14, v6  }
0xb6: {  	v14 =	vadd.f32 $-3.955445530e+00, v13;
	v13 =	vadd.f32 $-3.945544480e+00, v28;
	v28 =	vld [tilespmem:s0+$0x0];
	(erf) = vrcp.f32 v25  }
0xb7: {  	v32 =	vsel vm6, v27, v42;
	v27 =	vsel vm1, v27, v6;
	v6 =	vadd.f32 $-3.935643670e+00, v30  }
0xb8: {  	vm9 =	vlt.f32 v14, v3;
	vm3 =	vlt.f32 v13, v3;
	v29 =	vsel vm8, v26, v32  }
0xb9: {  	vm2 =	vlt.f32 v6, v3;
	v25 =	vsel vm6, v26, v27;
	v26 =	vsel vm9, v31, v29  }
0xba: {  	vm2 =	vmneg vm2;
	v22 =	vsel vm8, v31, v25;
	v25 =	vsel vm3, v43, v26  }
0xbb: {  	s22 =	simm.s32 $0x100;
	s2 =	simm.s32 $0x20;
	v20 =	vmul.f32 v20, v17;
	v17 =	vsel vm9, v43, v22;
	v24 =	vsel vm2, v25, v28  }
0xbc: {  	s8 =	sand.u32 $0xC00, s22;
	s7 =	sor.u32 s22, s2;
	s0 =	sand.u32 $0x60, s2;
	v19 =	vadd.f32 v21, v19;
	v17 =	vsel vm3, v28, v17;
	v22 =	vand.u32 $0x7FFFFFFF, v24  }
0xbd: {  	s23 =	sor.u32 $0x380, s7;
	v1 =	vmul.f32 v53, v1;
	s20 =	sor.u32 $0x200, s8;
	s7 =	sor.u32 $0x10, s0;
	v21 =	vsub.f32 $0.0e+00, v22;
	v22 =	vand.u32 $0x7FFFFFFF, v17  }
0xbe: {  	v7 =	vmul.f32 v53, v7;
	s22 =	sor.u32 s7, s20;
	v19 =	vmul.f32 v19, v23;
	v23 =	vld [tilespmem:s23+$0x200];
	v22 =	vsub.f32 $0.0e+00, v22  }
0xbf: {  	v16 =	vadd.f32 v0, v16;
	v0 =	vmul.f32 v53, v0;
	v27 =	vld [tilespmem:s22+$0x80];
	v21 =	vmul.f32 $1.442695020e+00, v21;
	v26 =	vpop (erf)  }
0xc0: {  	v46 =	vadd.f32 v15, v2;
	v44 =	vmul.f32 $1.442695020e+00, v22;
	v22 =	vmul.f32 v26, v19;
	v19 =	vld [tilespmem:s22+$0x100]  }
0xc1: {  	(erf) = vpow2.f32 v21;
	v21 =	vmul.f32 v53, v16;
	v16 =	vld [tilespmem:s22+$0x180]  }
0xc2: {  	v8 =	vmul.f32 v53, v46;
	s23 =	sor.u32 $0x1280, s8;
	v45 =	vld [tilespmem:s22+$0x200];
	v25 =	vmul.f32 v53, v10  }
0xc3: {  	s18 =	sor.u32 $0x1300, s8;
	s24 =	sor.u32 s7, s23;
	v23 =	vmul.f32 $1.442695020e+00, v23;
	v28 =	vmul.f32 v53, v15;
	v26 =	vld [tilespmem:s22+$0x280]  }
0xc4: {  	s16 =	sor.u32 $0x1380, s8;
	s25 =	sor.u32 s7, s18;
	v29 =	vld [tilespmem:s24+$0x0];
	v27 =	vmul.f32 $1.442695020e+00, v27;
	(erf) = vpow2.f32 v44  }
0xc5: {  	s9 =	sadd.s32 $0x1400, s8;
	s1 =	sor.u32 s7, s16;
	v30 =	vld [tilespmem:s25+$0x0];
	(erf) = vpow2.f32 v23;
	v19 =	vmul.f32 $1.442695020e+00, v19  }
0xc6: {  	s10 =	sadd.s32 $0x1480, s8;
	vm5 =	vgt.f32 v3, $-4.000000000e+00;
	s3 =	sor.u32 s7, s9;
	v23 =	vld [tilespmem:s1+$0x0];
	(erf) = vpow2.f32 v27;
	v16 =	vmul.f32 $1.442695020e+00, v16  }
0xc7: {  	vm4 =	vgt.f32 v3, $4.000000000e+00;
	s11 =	sor.u32 s7, s10;
	v2 =	vmul.f32 $1.442695020e+00, v45;
	v27 =	vld [tilespmem:s3+$0x0];
	(erf) = vpow2.f32 v19  }
0xc8: {  	s13 =	sadd.s32 $0x1500, s8;
	v11 =	vadd.f32 $-3.995049480e+00, v11;
	s12 =	simm.s32 $0x1;
	v47 =	vmul.f32 $1.442695020e+00, v26;
	v19 =	vld [tilespmem:s11+$0x0];
	(erf) = vpow2.f32 v16  }
0xc9: {  	v0 =	vadd.f32 $-3.945544480e+00, v0;
	s14 =	sand.u32 $0x3, s12;
	s17 =	sadd.s32 $0x1580, s8;
	s15 =	sor.u32 s7, s13;
	v15 =	vmul.f32 $1.442695020e+00, v29;
	(erf) = vpow2.f32 v2  }
0xca: {  	v37 =	vadd.f32 $-3.975247620e+00, v7;
	s25 =	sshll.u32 s14, $0x5;
	s1 =	sor.u32 s7, s17;
	v16 =	vld [tilespmem:s15+$0x0];
	v2 =	vmul.f32 $1.442695020e+00, v30;
	(erf) = vpow2.f32 v47  }
0xcb: {  	s29 =	sor.u32 $0x1200, s8;
	s25 =	sadd.s32 $0x100, s25;
	v10 =	vadd.f32 $-3.925742630e+00, v20;
	v29 =	vld [tilespmem:s1+$0x0];
	v23 =	vmul.f32 $1.442695020e+00, v23;
	(erf) = vpow2.f32 v15  }
0xcc: {  	v20 =	vld [tilespmem:s22+$0x0];
	v45 =	vadd.f32 $-3.955445530e+00, v8;
	s3 =	sadd.s32 $0x10, s25;
	v27 =	vmul.f32 $1.442695020e+00, v27;
	s11 =	sor.u32 s7, s29;
	(erf) = vpow2.f32 v2  }
0xcd: {  	vm7 =	vlt.f32 v10, v3;
	s30 =	sor.u32 $0x300, s3;
	v50 =	vld [tilespmem:s11+$0x0];
	v15 =	vpop (erf);
	v2 =	vmul.f32 $1.442695020e+00, v19;
	(erf) = vpow2.f32 v23  }
0xce: {  	v25 =	vadd.f32 $-3.985148430e+00, v25;
	vm7 =	vmneg vm7;
	s22 =	sor.u32 $0x380, s3;
	v51 =	vld [tilespmem:s30+$0x200];
	v32 =	vpop (erf);
	(erf) = vpow2.f32 v27  }
0xcf: {  	v23 =	vld [tilespmem:s22+$0x200];
	v52 =	vmul.f32 $1.442695020e+00, v16;
	v16 =	vpop (erf);
	(erf) = vpow2.f32 v2;
	v2 =	vadd.f32 v22, v18  }
0xd0: {  	v26 =	vsel vm5, $0xC0800000, v49;
	v19 =	vadd.f32 $-3.925742630e+00, v1;
	v1 =	vmul.f32 $1.442695020e+00, v29;
	v29 =	vpop (erf)  }
0xd1: {  	s20 =	sor.u32 s0, s20;
	v20 =	vmul.f32 $1.442695020e+00, v20;
	v57 =	vsel vm0, v4, v26;
	v31 =	vpop (erf);
	(erf) = vpow2.f32 v52;
	[tilespmem:$0x1FFD0] =	vst v2  }
0xd2: {  	s12 =	sor.u32 s0, s29;
	v26 =	vsel vm0, v11, v26;
	v18 =	vmul.f32 $1.442695020e+00, v50;
	v22 =	vpop (erf);
	(erf) = vpow2.f32 v1;
	v1 =	vld [tilespmem:s20+$0x0]  }
0xd3: {  	s14 =	sor.u32 $0x300, s25;
	v35 =	vmul.f32 $1.442695020e+00, v51;
	v27 =	vadd.f32 $-3.935643670e+00, v21;
	(erf) = vpow2.f32 v20;
	v34 =	vpop (erf);
	v21 =	vld [tilespmem:s12+$0x0]  }
0xd4: {  	v38 =	vsel vm1, v5, v57;
	v20 =	vmul.f32 $1.442695020e+00, v23;
	v54 =	vld [tilespmem:s14+$0x200];
	v23 =	vpop (erf);
	(erf) = vpow2.f32 v18  }
0xd5: {  	v38 =	vsel vm6, v9, v38;
	v30 =	vsel vm4, $0x471C4000, v48;
	v58 =	vld [tilespmem:s20+$0x100];
	(erf) = vpow2.f32 v35;
	v55 =	vpop (erf)  }
0xd6: {  	v53 =	vsel vm7, v10, v30;
	v30 =	vsel vm7, v19, v30;
	v7 =	vld [tilespmem:s20+$0x80];
	(erf) = vpow2.f32 v20;
	v18 =	vpop (erf)  }
0xd7: {  	v44 =	vadd.f32 $-3.965346570e+00, v28;
	v42 =	vsel vm1, v25, v26;
	v38 =	vsel vm8, v12, v38;
	v26 =	vld [tilespmem:s20+$0x180];
	v59 =	vpop (erf)  }
0xd8: {  	v33 =	vsel vm2, v6, v53;
	v41 =	vsel vm2, v27, v30;
	v20 =	vpop (erf);
	v28 =	vmul.f32 $1.442695020e+00, v21  }
0xd9: {  	v43 =	vsel vm3, v33, v13;
	v41 =	vsel vm3, v41, v0;
	v60 =	vld [tilespmem:s20+$0x200];
	v1 =	vmul.f32 $1.442695020e+00, v1;
	v30 =	vpop (erf)  }
0xda: {  	v2 =	vimm.f32 $4.000000000e+00;
	v63 =	vld [tilespmem:s20+$0x280];
	v36 =	vmul.f32 $1.442695020e+00, v54;
	v61 =	vmul.f32 $1.442695020e+00, v58;
	v21 =	vpop (erf)  }
0xdb: {  	s15 =	sor.u32 s0, s23;
	v62 =	vadd.f32 v22, v31;
	(erf) = vpow2.f32 v1;
	v1 =	vmul.f32 $1.442695020e+00, v7;
	v7 =	vpop (erf)  }
0xdc: {  	v56 =	vld [tilespmem:s15+$0x0];
	v46 =	vadd.f32 v23, v34;
	v26 =	vmul.f32 $1.442695020e+00, v26;
	(erf) = vpow2.f32 v28;
	v28 =	vpop (erf)  }
0xdd: {  	s9 =	sor.u32 s0, s9;
	v40 =	vadd.f32 v59, v18;
	(erf) = vpow2.f32 v36;
	v36 =	vmul.f32 $5.000000000e-01, v28;
	v22 =	vpop (erf)  }
0xde: {  	v39 =	vld [tilespmem:s9+$0x0];
	v8 =	vmul.f32 $1.442695020e+00, v60;
	v23 =	vadd.f32 v30, v20;
	v22 =	vmul.f32 $5.000000000e-01, v22;
	v49 =	vpop (erf)  }
0xdf: {  	s20 =	sor.u32 s0, s13;
	v58 =	vmul.f32 $1.442695020e+00, v63;
	v7 =	vadd.f32 v7, v21;
	v50 =	vadd.f32 v29, v36;
	v28 =	vpop (erf)  }
0xe0: {  	s18 =	sor.u32 s0, s18;
	v60 =	vld [tilespmem:s20+$0x0];
	(erf) = vpow2.f32 v1;
	v1 =	vadd.f32 v28, v49;
	v28 =	vadd.f32 v55, v22  }
0xe1: {  	s16 =	sor.u32 s0, s16;
	v51 =	vld [tilespmem:s18+$0x0];
	v59 =	vmul.f32 $1.442695020e+00, v56;
	v7 =	vadd.f32 v7, v23;
	v52 =	vadd.f32 v62, v50  }
0xe2: {  	v57 =	vld [tilespmem:s16+$0x0];
	(erf) = vpow2.f32 v61;
	v1 =	vadd.f32 v1, v46;
	v30 =	vadd.f32 v40, v28  }
0xe3: {  	v39 =	vmul.f32 $1.442695020e+00, v39;
	(erf) = vpow2.f32 v26;
	v55 =	vadd.f32 $2.000000000e+00, v32  }
0xe4: {  	(erf) = vpow2.f32 v8;
	v29 =	vadd.f32 v1, v52;
	v26 =	vadd.f32 v7, v30  }
0xe5: {  	s10 =	sor.u32 s0, s10;
	v8 =	vmax.f32 v17, $0.0e+00;
	v17 =	vmul.f32 $1.442695020e+00, v60;
	(erf) = vpow2.f32 v58  }
0xe6: {  	v47 =	vld [tilespmem:s10+$0x0];
	v7 =	vmul.f32 $1.442695020e+00, v51;
	v1 =	vadd.f32 v29, v36;
	v53 =	vadd.f32 v26, v22  }
0xe7: {  	s22 =	sor.u32 s0, s17;
	v60 =	vsel vm9, v43, v14;
	v62 =	vmul.f32 $1.442695020e+00, v57;
	(erf) = vpow2.f32 v59  }
0xe8: {  	v61 =	vld [tilespmem:s22+$0x0];
	v14 =	vsel vm9, v14, v38;
	v63 =	vpop (erf);
	(erf) = vpow2.f32 v7;
	v54 =	vmul.f32 v53, v1  }
0xe9: {  	v12 =	vsel vm8, v60, v12;
	v60 =	vsel vm3, v13, v14;
	v56 =	vpop (erf);
	(erf) = vpow2.f32 v62  }
0xea: {  	v40 =	vadd.f32 $2.000000000e+00, v15;
	v57 =	vsel vm6, v12, v9;
	v33 =	vpop (erf);
	(erf) = vrcp.f32 v54  }
0xeb: {  	v6 =	vsel vm2, v60, v6;
	v7 =	vmax.f32 v24, $0.0e+00;
	v24 =	vmul.f32 $1.442695020e+00, v47;
	v59 =	vpop (erf)  }
0xec: {  	v18 =	vadd.f32 v18, v28;
	v51 =	vsel vm6, v37, v42;
	v42 =	vpop (erf);
	(erf) = vpow2.f32 v39  }
0xed: {  	v61 =	vmul.f32 $1.442695020e+00, v61;
	v5 =	vsel vm1, v57, v5;
	v62 =	vpop (erf);
	(erf) = vpow2.f32 v24  }
0xee: {  	v43 =	vmul.f32 $5.000000000e-01, v63;
	v20 =	vadd.f32 v30, v20;
	v35 =	vpop (erf);
	(erf) = vpow2.f32 v17  }
0xef: {  	v23 =	vadd.f32 v23, v30;
	v63 =	vpop (erf);
	v24 =	vsel vm9, v41, v45;
	(erf) = vpow2.f32 v61  }
0xf0: {  	v47 =	vadd.f32 v62, v42;
	v17 =	vsel vm8, v44, v51;
	v24 =	vsel vm8, v24, v44;
	v44 =	vpop (erf)  }
0xf1: {  	v58 =	vadd.f32 v63, v35;
	v41 =	vadd.f32 v46, v52;
	v54 =	vsel vm9, v45, v17;
	v48 =	vpop (erf)  }
0xf2: {  	v17 =	vadd.f32 v16, v33;
	v45 =	vadd.f32 v59, v43;
	v16 =	vmul.f32 $5.000000000e-01, v56;
	v13 =	vpop (erf)  }
0xf3: {  	v59 =	vsel vm6, v24, v37;
	v24 =	vmul.f32 v55, v40;
	v55 =	vmul.f32 v55, v15;
	v38 =	vpop (erf)  }
0xf4: {  	v12 =	vadd.f32 v47, v45;
	v14 =	vadd.f32 v17, v58;
	v51 =	vmul.f32 $7.920792100e+00, v38  }
0xf5: {  	v17 =	vadd.f32 v44, v16;
	(erf) = vrcp.f32 v24;
	v13 =	vadd.f32 v13, v48;
	v9 =	vpop (erf)  }
0xf6: {  	s25 =	sand.u32 $0x180, s2;
	v24 =	vadd.f32 v41, v49;
	v15 =	vadd.f32 v14, v12;
	v44 =	vpop (erf);
	v47 =	vmul.f32 v51, v53  }
0xf7: {  	s29 =	sor.u32 s25, s7;
	s23 =	sor.u32 $0x2200, s8;
	v32 =	vmul.f32 v40, v32;
	v14 =	vadd.f32 v13, v17;
	v13 =	vadd.f32 v52, v34;
	v53 =	vpop (erf)  }
0xf8: {  	s3 =	sor.u32 $0x2280, s8;
	s1 =	sor.u32 s7, s23;
	v21 =	vadd.f32 v23, v21;
	v49 =	vadd.f32 v31, v50;
	v31 =	vld [tilespmem:s29+$0x0];
	v46 =	vpop (erf);
	v37 =	vmul.f32 v47, v41  }
0xf9: {  	s11 =	sor.u32 s7, s3;
	s10 =	sor.u32 $0x2300, s8;
	v34 =	vadd.f32 v46, v53;
	v46 =	vld [tilespmem:s1+$0x0];
	v13 =	vmul.f32 v47, v13;
	v24 =	vmul.f32 v47, v24  }
0xfa: {  	s12 =	sor.u32 $0x2380, s8;
	s14 =	sor.u32 s7, s10;
	v56 =	vadd.f32 v44, v9;
	v41 =	vmul.f32 v47, v50;
	v63 =	vmul.f32 v47, v49;
	v49 =	vld [tilespmem:s11+$0x0]  }
0xfb: {  	s15 =	sadd.s32 $0x2400, s8;
	s20 =	sor.u32 s7, s12;
	v62 =	vmul.f32 v47, v36;
	v39 =	vadd.f32 $-3.945544480e+00, v37;
	v38 =	vadd.f32 $-3.935643670e+00, v24;
	v24 =	vld [tilespmem:s14+$0x0]  }
0xfc: {  	s24 =	sor.u32 s7, s15;
	s22 =	sadd.s32 $0x2480, s8;
	v52 =	vmul.f32 v47, v52;
	v36 =	vadd.f32 $-3.985148430e+00, v41;
	v41 =	vadd.f32 $-3.955445530e+00, v13;
	v13 =	vld [tilespmem:s20+$0x0]  }
0xfd: {  	s8 =	sadd.s32 $0x2500, s8;
	s25 =	sor.u32 s7, s22;
	v4 =	vsel vm0, v5, v4;
	v50 =	vld [tilespmem:s24+$0x0];
	v37 =	vadd.f32 $-3.995049480e+00, v62;
	v40 =	vadd.f32 $-3.975247620e+00, v63  }
0xfe: {  	s7 =	sor.u32 s7, s8;
	v44 =	vadd.f32 $-3.965346570e+00, v52;
	v52 =	vld [tilespmem:s25+$0x0];
	vm8 =	vlt.f32 v36, v31;
	vm10 =	vlt.f32 v39, v31  }
0xff: {  	v62 =	vld [tilespmem:s7+$0x0];
	vm6 =	vlt.f32 v37, v31;
	vm9 =	vlt.f32 v40, v31;
	v63 =	vsel vm8, v49, v46  }
0x100: {  	vm11 =	vlt.f32 v44, v31;
	v46 =	vsel vm6, v49, v46;
	v63 =	vsel vm9, v24, v63  }
0x101: {  	vm12 =	vlt.f32 v41, v31;
	v24 =	vsel vm8, v24, v46;
	v49 =	vsel vm11, v13, v63  }
0x102: {  	vm13 =	vlt.f32 v38, v31;
	v13 =	vsel vm9, v13, v24;
	v24 =	vsel vm12, v50, v49  }
0x103: {  	vm13 =	vmneg vm13;
	v13 =	vsel vm11, v50, v13;
	v24 =	vsel vm10, v52, v24  }
0x104: {  	v34 =	vadd.f32 v34, v56;
	v46 =	vpop (erf);
	v13 =	vsel vm12, v52, v13;
	v49 =	vsel vm13, v24, v62  }
0x105: {  	v55 =	vmul.f32 v46, v55;
	v50 =	vsel vm10, v62, v13;
	v63 =	vand.u32 $0x7FFFFFFF, v49  }
0x106: {  	v13 =	vmul.f32 v46, v32;
	v62 =	vand.u32 $0x7FFFFFFF, v50;
	v46 =	vsub.f32 $0.0e+00, v63  }
0x107: {  	v5 =	vsel vm7, v6, v10;
	v24 =	vadd.f32 v34, v14;
	v34 =	vsub.f32 $0.0e+00, v62  }
0x108: {  	v0 =	vsel vm3, v0, v54;
	v62 =	vmul.f32 v55, v55;
	v32 =	vmul.f32 $1.442695020e+00, v46  }
0x109: {  	v25 =	vsel vm1, v59, v25;
	v54 =	vmul.f32 v13, v13;
	v34 =	vmul.f32 $1.442695020e+00, v34  }
0x10a: {  	vm1 =	vmand vm0, vm7;
	v63 =	vmul.f32 $2.222222240e-01, v62;
	(erf) = vpow2.f32 v32  }
0x10b: {  	v59 =	vnsel vm5, $0xC0800000, v4;
	v0 =	vsel vm2, v0, v27;
	(erf) = vpow2.f32 v34  }
0x10c: {  	v57 =	vadd.f32 v42, v45;
	v27 =	vmul.f32 $2.222222240e-01, v54;
	v63 =	vadd.f32 $2.857142980e-01, v63  }
0x10d: {  	v11 =	vsel vm0, v25, v11;
	v61 =	vadd.f32 v15, v43;
	v52 =	vadd.f32 v24, v16  }
0x10e: {  	v1 =	vmul.f32 v51, v1;
	v6 =	vadd.f32 $2.857142980e-01, v27;
	v34 =	vmul.f32 v63, v62  }
0x10f: {  	vm0 =	vmand vm5, vm1;
	vm1 =	vgt.f32 v31, $-4.000000000e+00;
	v46 =	vmul.f32 v52, v61  }
0x110: {  	v18 =	vmul.f32 v1, v18;
	v6 =	vmul.f32 v6, v54;
	v10 =	vadd.f32 $4.000000060e-01, v34  }
0x111: {  	v25 =	vadd.f32 v56, v14;
	v20 =	vmul.f32 v1, v20;
	(erf) = vrcp.f32 v46  }
0x112: {  	v28 =	vmul.f32 v1, v28;
	v4 =	vadd.f32 $4.000000060e-01, v6;
	v6 =	vmul.f32 v10, v62  }
0x113: {  	v23 =	vmul.f32 v1, v23;
	v18 =	vadd.f32 $-3.975247620e+00, v18;
	v46 =	vadd.f32 v58, v12;
	v58 =	vpop (erf)  }
0x114: {  	v22 =	vmul.f32 v1, v22;
	v20 =	vadd.f32 $-3.955445530e+00, v20;
	v6 =	vadd.f32 $6.666666860e-01, v6;
	v56 =	vpop (erf)  }
0x115: {  	v21 =	vmul.f32 v1, v21;
	v60 =	vadd.f32 $2.000000000e+00, v58;
	v63 =	vadd.f32 $2.000000000e+00, v56  }
0x116: {  	v29 =	vmul.f32 v47, v29;
	v23 =	vadd.f32 $-3.945544480e+00, v23;
	v28 =	vadd.f32 $-3.985148430e+00, v28  }
0x117: {  	v21 =	vadd.f32 $-3.935643670e+00, v21;
	v6 =	vmul.f32 v6, v62;
	v62 =	vmul.f32 v63, v60  }
0x118: {  	v22 =	vadd.f32 $-3.995049480e+00, v22;
	v27 =	vsel vm7, v0, v19;
	vm7 =	vmand vm5, vm2  }
0x119: {  	v19 =	vadd.f32 v12, v35;
	v35 =	vmul.f32 v4, v54;
	(erf) = vrcp.f32 v62  }
0x11a: {  	v0 =	vnsel vm5, $0xC0800000, v11;
	vm2 =	vgt.f32 v31, $4.000000000e+00;
	v34 =	vsel vm4, $0x40800000, v5;
	v42 =	vpop (erf)  }
0x11b: {  	v5 =	vadd.f32 v48, v17;
	v10 =	vadd.f32 $6.666666860e-01, v35;
	v11 =	vmul.f32 $7.920792100e+00, v42  }
0x11c: {  	v48 =	vadd.f32 v46, v33;
	v4 =	vsel vm4, $0x40800000, v27;
	v27 =	vadd.f32 v14, v9  }
0x11d: {  	v33 =	vmul.f32 v10, v54;
	v6 =	vadd.f32 $2.000000000e+00, v6;
	v42 =	vmul.f32 v11, v52  }
0x11e: {  	v9 =	vsub.f32 v59, v34;
	v63 =	vmul.f32 v63, v58;
	v32 =	vmul.f32 v11, v61  }
0x11f: {  	v59 =	vimm.f32 $-4.000000000e+04;
	v11 =	vmul.f32 v6, v55;
	v6 =	vmul.f32 v42, v43  }
0x120: {  	v35 =	vadd.f32 v25, v53;
	v43 =	vmul.f32 v42, v45;
	v45 =	vmul.f32 v42, v57  }
0x121: {  	v53 =	vsel vm2, $0x471C4000, v2;
	v57 =	vmul.f32 v60, v56;
	v12 =	vmul.f32 v42, v12  }
0x122: {  	v10 =	vadd.f32 $-3.995049480e+00, v6;
	v6 =	vmul.f32 v1, v30;
	v30 =	vsel vm1, $0xC0800000, v59;
	v58 =	vpop (erf)  }
0x123: {  	v1 =	vmul.f32 v1, v26;
	v26 =	vadd.f32 $-3.925742630e+00, v29;
	v51 =	vmul.f32 v58, v63  }
0x124: {  	v62 =	vsel vm6, v37, v30;
	v30 =	vsel vm6, v22, v30;
	v47 =	vmul.f32 v58, v57  }
0x125: {  	v6 =	vadd.f32 $-3.965346570e+00, v6;
	v1 =	vadd.f32 $-3.925742630e+00, v1;
	v29 =	vmul.f32 v51, v51  }
0x126: {  	vm3 =	vlt.f32 v26, v31;
	v56 =	vsel vm8, v36, v62;
	v52 =	vmul.f32 v47, v47  }
0x127: {  	v30 =	vsel vm8, v28, v30;
	vm5 =	vmneg vm3;
	v60 =	vmul.f32 $2.222222240e-01, v29  }
0x128: {  	vm3 =	vmand vm1, vm13;
	v56 =	vsel vm9, v40, v56;
	v61 =	vmul.f32 $2.222222240e-01, v52  }
0x129: {  	v30 =	vsel vm9, v18, v30;
	vm4 =	vmand vm6, vm5;
	v54 =	vadd.f32 $2.857142980e-01, v60  }
0x12a: {  	v56 =	vsel vm11, v44, v56;
	v30 =	vsel vm11, v6, v30;
	v55 =	vadd.f32 $2.857142980e-01, v61  }
0x12b: {  	vm4 =	vmand vm1, vm4;
	v56 =	vsel vm12, v41, v56;
	v54 =	vmul.f32 v54, v29  }
0x12c: {  	v30 =	vsel vm12, v20, v30;
	v63 =	vsel vm5, v26, v53;
	v55 =	vmul.f32 v55, v52  }
0x12d: {  	v53 =	vsel vm5, v1, v53;
	v57 =	vsel vm13, v38, v63;
	v54 =	vadd.f32 $4.000000060e-01, v54  }
0x12e: {  	v53 =	vsel vm13, v21, v53;
	v63 =	vmul.f32 v42, v46;
	v55 =	vadd.f32 $4.000000060e-01, v55  }
0x12f: {  	v57 =	vsel vm10, v57, v39;
	v53 =	vsel vm10, v53, v23;
	v54 =	vmul.f32 v54, v29  }
0x130: {  	v39 =	vsel vm10, v39, v56;
	v23 =	vsel vm10, v23, v30;
	v55 =	vmul.f32 v55, v52  }
0x131: {  	v41 =	vsel vm12, v57, v41;
	v20 =	vsel vm12, v53, v20;
	v54 =	vadd.f32 $6.666666860e-01, v54  }
0x132: {  	v38 =	vsel vm13, v39, v38;
	v57 =	vsel vm11, v41, v44;
	v55 =	vadd.f32 $6.666666860e-01, v55  }
0x133: {  	v6 =	vsel vm11, v20, v6;
	v20 =	vsel vm13, v23, v21;
	v29 =	vmul.f32 v54, v29  }
0x134: {  	v26 =	vsel vm5, v38, v26;
	v6 =	vsel vm9, v6, v18;
	v30 =	vmul.f32 v55, v52  }
0x135: {  	v18 =	vmax.f32 v49, $0.0e+00;
	v1 =	vsel vm5, v20, v1;
	v21 =	vadd.f32 $2.000000000e+00, v29  }
0x136: {  	v49 =	vmul.f32 v42, v48;
	v6 =	vsel vm8, v6, v28;
	v23 =	vadd.f32 $2.000000000e+00, v30  }
0x137: {  	[tilespmem:$0x1FF30] =	vst v4;
	v1 =	vsel vm2, $0x40800000, v1;
	v22 =	vsel vm6, v6, v22;
	v21 =	vmul.f32 v21, v51  }
0x138: {  	v6 =	vld [tilespmem:s2+$0x0];
	v22 =	vnsel vm1, $0xC0800000, v22;
	v29 =	vsel vm9, v57, v40;
	v23 =	vmul.f32 v23, v47  }
0x139: {  	v30 =	vmax.f32 v50, $0.0e+00;
	v29 =	vsel vm8, v29, v36;
	v18 =	vadd.f32 v21, v18  }
0x13a: {  	v20 =	vadd.f32 v23, v30;
	v21 =	vsel vm2, $0x40800000, v26;
	v23 =	vsel vm6, v29, v37  }
0x13b: {  	v23 =	vnsel vm1, $0xC0800000, v23;
	v26 =	vsub.f32 v31, v21;
	v31 =	vsub.f32 v22, v1  }
0x13c: {  	v22 =	vmul.f32 v42, v19;
	v19 =	vadd.f32 $-3.975247620e+00, v45;
	v18 =	vadd.f32 $1.000000050e-03, v18  }
0x13d: {  	s1 =	sor.u32 s0, s23;
	vm2 =	vlt.f32 v10, v6;
	v20 =	vadd.f32 $1.000000050e-03, v20;
	v30 =	vsub.f32 v23, v21  }
0x13e: {  	s3 =	sor.u32 s0, s3;
	v28 =	vld [tilespmem:s1+$0x0];
	v61 =	vadd.f32 v31, v31;
	vm8 =	vlt.f32 v19, v6;
	v22 =	vadd.f32 $-3.955445530e+00, v22  }
0x13f: {  	s7 =	sor.u32 s0, s10;
	v29 =	vnsel vm4, $0x3F800000, v18;
	v18 =	vnsel vm3, $0x3F800000, v20;
	v20 =	vld [tilespmem:s3+$0x0];
	v58 =	vsub.f32 v30, v26  }
0x140: {  	v23 =	vld [tilespmem:s7+$0x0];
	v62 =	vmul.f32 v30, v30;
	v21 =	vadd.f32 v18, v29;
	v18 =	vadd.f32 $-3.985148430e+00, v43  }
0x141: {  	s11 =	sor.u32 s0, s12;
	vm11 =	vlt.f32 v22, v6;
	v36 =	vmul.f32 v58, v26;
	v26 =	vmul.f32 v26, v26  }
0x142: {  	s12 =	sor.u32 s0, s15;
	v29 =	vmul.f32 v29, v30;
	v60 =	vmul.f32 v21, v30;
	v21 =	vadd.f32 $-3.965346570e+00, v12;
	v12 =	vld [tilespmem:s11+$0x0]  }
0x143: {  	s13 =	sor.u32 s0, s22;
	v51 =	vld [tilespmem:s12+$0x0];
	v39 =	vmul.f32 v62, v31;
	vm6 =	vlt.f32 v18, v6;
	v26 =	vmul.f32 v26, v31  }
0x144: {  	s0 =	sor.u32 s0, s8;
	v52 =	vld [tilespmem:s13+$0x0];
	v37 =	vsub.f32 v60, v61;
	v50 =	vsel vm6, v20, v28;
	v20 =	vsel vm2, v20, v28  }
0x145: {  	v54 =	vld [tilespmem:s0+$0x0];
	v28 =	vsel vm8, v23, v50;
	v53 =	vsel vm6, v23, v20;
	v23 =	vadd.f32 $-3.945544480e+00, v63  }
0x146: {  	vm10 =	vlt.f32 v21, v6;
	v20 =	vadd.f32 $-3.935643670e+00, v49;
	v37 =	vmul.f32 v37, v36  }
0x147: {  	v28 =	vsel vm10, v12, v28;
	v12 =	vsel vm8, v12, v53;
	vm9 =	vlt.f32 v23, v6  }
0x148: {  	s14 =	simm.s32 $0x200;
	s7 =	simm.s32 $0x40;
	vm1 =	vlt.f32 v20, v6;
	v37 =	vadd.f32 v37, v39;
	v28 =	vsel vm11, v51, v28  }
0x149: {  	s8 =	sand.u32 $0xC00, s14;
	s0 =	sand.u32 $0x60, s7;
	v12 =	vsel vm10, v51, v12;
	vm1 =	vmneg vm1;
	v28 =	vsel vm9, v52, v28  }
0x14a: {  	s20 =	sor.u32 $0x200, s8;
	s9 =	sor.u32 $0x10, s0;
	v30 =	vsel vm11, v52, v12;
	v12 =	vsel vm1, v28, v54;
	v28 =	vmul.f32 v29, v36  }
0x14b: {  	s22 =	sor.u32 s9, s20;
	v29 =	vmul.f32 v42, v15;
	v15 =	vsel vm9, v54, v30;
	v30 =	vand.u32 $0x7FFFFFFF, v12  }
0x14c: {  	s13 =	sadd.s32 $0x1500, s8;
	v61 =	vmul.f32 v32, v5;
	v5 =	vld [tilespmem:s22+$0x200];
	(erf) = vrcp.f32 v37;
	v30 =	vsub.f32 $0.0e+00, v30  }
0x14d: {  	vm0 =	vmmov vm0;
	v24 =	vmul.f32 v32, v24;
	s2 =	sor.u32 s14, s7;
	s12 =	sor.u32 s9, s13;
	v58 =	vld [tilespmem:s22+$0x80];
	v26 =	vadd.f32 v28, v26  }
0x14e: {  	vm7 =	vmmov vm7;
	v35 =	vmul.f32 v32, v35;
	s2 =	sor.u32 $0x380, s2;
	v53 =	vld [tilespmem:s12+$0x0];
	v30 =	vmul.f32 $1.442695020e+00, v30  }
0x14f: {  	v62 =	vmul.f32 v32, v25;
	v55 =	vand.u32 $0x7FFFFFFF, v15;
	v26 =	vmul.f32 v26, v31;
	v31 =	vld [tilespmem:s2+$0x200]  }
0x150: {  	v63 =	vmul.f32 v32, v14;
	v36 =	vsub.f32 $0.0e+00, v55;
	(erf) = vpow2.f32 v30;
	v30 =	vld [tilespmem:s22+$0x100]  }
0x151: {  	v5 =	vmul.f32 $1.442695020e+00, v5;
	v28 =	vmul.f32 v32, v16;
	v16 =	vsub.f32 v3, v34  }
0x152: {  	s18 =	sor.u32 $0x1280, s8;
	v60 =	vld [tilespmem:s22+$0x180];
	v3 =	vsub.f32 v0, v4;
	v0 =	vmul.f32 v32, v17;
	v56 =	vmul.f32 $1.442695020e+00, v36  }
0x153: {  	s23 =	sor.u32 $0x1300, s8;
	v33 =	vadd.f32 $2.000000000e+00, v33;
	s15 =	sor.u32 s9, s18;
	v25 =	vld [tilespmem:s22+$0x280];
	v32 =	vmul.f32 v32, v27;
	v37 =	vmul.f32 $1.442695020e+00, v53  }
0x154: {  	vm4 =	vgt.f32 v6, $-4.000000000e+00;
	s16 =	sor.u32 s9, s23;
	v49 =	vld [tilespmem:s15+$0x0];
	(erf) = vpow2.f32 v56;
	v14 =	vmul.f32 $1.442695020e+00, v31  }
0x155: {  	s17 =	sor.u32 $0x1380, s8;
	v27 =	vadd.f32 $-3.925742630e+00, v29;
	v57 =	vpop (erf);
	v31 =	vmul.f32 $1.442695020e+00, v58;
	v29 =	vmul.f32 $1.442695020e+00, v30;
	v30 =	vld [tilespmem:s16+$0x0]  }
0x156: {  	vm3 =	vgt.f32 v6, $4.000000000e+00;
	s24 =	sor.u32 s9, s17;
	s2 =	sadd.s32 $0x1400, s8;
	v26 =	vmul.f32 v57, v26;
	(erf) = vpow2.f32 v14  }
0x157: {  	s10 =	sadd.s32 $0x1480, s8;
	s3 =	simm.s32 $0x2;
	v46 =	vadd.f32 $-3.975247620e+00, v61;
	v51 =	vld [tilespmem:s24+$0x0];
	s25 =	sor.u32 s9, s2;
	v14 =	vmul.f32 $1.442695020e+00, v60;
	(erf) = vpow2.f32 v31  }
0x158: {  	s1 =	sor.u32 s9, s10;
	s11 =	sand.u32 $0x3, s3;
	s16 =	sadd.s32 $0x1580, s8;
	v31 =	vld [tilespmem:s25+$0x0];
	v1 =	vadd.f32 v26, v1;
	(erf) = vpow2.f32 v29;
	v29 =	vmul.f32 $1.442695020e+00, v25  }
0x159: {  	v52 =	vld [tilespmem:s1+$0x0];
	s25 =	sshll.u32 s11, $0x5;
	s14 =	sor.u32 s9, s16;
	v25 =	vadd.f32 $-3.925742630e+00, v24;
	(erf) = vpow2.f32 v14;
	v14 =	vmul.f32 $1.442695020e+00, v49  }
0x15a: {  	s30 =	sor.u32 $0x1200, s8;
	v48 =	vsel vm4, $0xC0800000, v59;
	s25 =	sadd.s32 $0x200, s25;
	(erf) = vpow2.f32 v5;
	v24 =	vmul.f32 $1.442695020e+00, v30;
	v30 =	vld [tilespmem:s14+$0x0];
	[tilespmem:$0x1FFE0] =	vst v1  }
0x15b: {  	v43 =	vadd.f32 $-3.965346570e+00, v63;
	s1 =	sor.u32 s9, s30;
	v53 =	vmul.f32 v33, v13;
	s15 =	sadd.s32 $0x10, s25;
	(erf) = vpow2.f32 v29;
	v1 =	vld [tilespmem:s22+$0x0]  }
0x15c: {  	v26 =	vadd.f32 $-3.985148430e+00, v0;
	s31 =	sor.u32 $0x300, s15;
	v29 =	vmul.f32 $1.442695020e+00, v51;
	(erf) = vpow2.f32 v14;
	v54 =	vld [tilespmem:s1+$0x0]  }
0x15d: {  	v50 =	vsel vm3, $0x471C4000, v2;
	v55 =	vmul.f32 $1.442695020e+00, v31;
	v0 =	vld [tilespmem:s31+$0x200];
	s22 =	sor.u32 $0x380, s15;
	(erf) = vpow2.f32 v24  }
0x15e: {  	v4 =	vimm.f32 $-4.000000000e+04;
	v42 =	vmul.f32 $1.442695020e+00, v52;
	v14 =	vpop (erf);
	(erf) = vpow2.f32 v29;
	v29 =	vld [tilespmem:s22+$0x200]  }
0x15f: {  	v17 =	vsub.f32 v9, v16;
	vm5 =	vlt.f32 v27, v6;
	v31 =	vpop (erf);
	(erf) = vpow2.f32 v55  }
0x160: {  	v24 =	vadd.f32 $-3.935643670e+00, v35;
	v35 =	vpop (erf);
	v30 =	vmul.f32 $1.442695020e+00, v30;
	(erf) = vpow2.f32 v42  }
0x161: {  	v28 =	vadd.f32 $-3.995049480e+00, v28;
	v45 =	vpop (erf);
	v57 =	vmul.f32 $1.442695020e+00, v1;
	(erf) = vpow2.f32 v37  }
0x162: {  	vm5 =	vmneg vm5;
	v1 =	vpop (erf);
	v58 =	vmul.f32 $1.442695020e+00, v54;
	v0 =	vmul.f32 $1.442695020e+00, v0  }
0x163: {  	s20 =	sor.u32 s0, s20;
	v56 =	vsel vm5, v27, v50;
	v37 =	vpop (erf);
	(erf) = vpow2.f32 v30;
	v29 =	vmul.f32 $1.442695020e+00, v29  }
0x164: {  	s3 =	sor.u32 s0, s30;
	v40 =	vsel vm2, v28, v48;
	v56 =	vsel vm1, v20, v56;
	v59 =	vld [tilespmem:s20+$0x0];
	(erf) = vpow2.f32 v57;
	v34 =	vpop (erf)  }
0x165: {  	v17 =	vmul.f32 v17, v16;
	v36 =	vsel vm9, v56, v23;
	v60 =	vld [tilespmem:s3+$0x0];
	v47 =	vpop (erf);
	(erf) = vpow2.f32 v58  }
0x166: {  	s11 =	sor.u32 $0x300, s25;
	v30 =	vsel vm2, v10, v48;
	v48 =	vadd.f32 $-3.945544480e+00, v62;
	v62 =	vld [tilespmem:s20+$0x100];
	(erf) = vpow2.f32 v0;
	v0 =	vpop (erf)  }
0x167: {  	v40 =	vsel vm6, v26, v40;
	v41 =	vsel vm5, v25, v50;
	v57 =	vld [tilespmem:s11+$0x200];
	(erf) = vpow2.f32 v29;
	v29 =	vpop (erf)  }
0x168: {  	v50 =	vadd.f32 $-3.955445530e+00, v32;
	v40 =	vsel vm8, v46, v40;
	v41 =	vsel vm1, v24, v41;
	v58 =	vld [tilespmem:s20+$0x80];
	v63 =	vpop (erf)  }
0x169: {  	v56 =	vadd.f32 $2.000000000e+00, v31;
	v13 =	vmul.f32 $1.442695020e+00, v59;
	v61 =	vsel vm6, v18, v30;
	v30 =	vpop (erf)  }
0x16a: {  	v59 =	vmul.f32 $1.442695020e+00, v60;
	v49 =	vsel vm8, v19, v61;
	v41 =	vsel vm9, v41, v48;
	v60 =	vpop (erf)  }
0x16b: {  	v54 =	vld [tilespmem:s20+$0x180];
	v47 =	vadd.f32 v47, v34;
	v41 =	vsel vm11, v41, v50;
	(erf) = vpow2.f32 v13;
	v32 =	vpop (erf)  }
0x16c: {  	v49 =	vsel vm10, v21, v49;
	v51 =	vmul.f32 $1.442695020e+00, v62;
	v38 =	vmul.f32 $1.442695020e+00, v57;
	v55 =	vpop (erf)  }
0x16d: {  	v57 =	vld [tilespmem:s20+$0x200];
	v39 =	vmul.f32 $1.442695020e+00, v58;
	v58 =	vadd.f32 v37, v1;
	(erf) = vpow2.f32 v59;
	v61 =	vpop (erf)  }
0x16e: {  	s12 =	sor.u32 s0, s23;
	v52 =	vadd.f32 v63, v29;
	v59 =	vld [tilespmem:s20+$0x280];
	(erf) = vpow2.f32 v38;
	v44 =	vmul.f32 $5.000000000e-01, v61;
	v62 =	vpop (erf)  }
0x16f: {  	v37 =	vadd.f32 v60, v30;
	v63 =	vadd.f32 v55, v32;
	v55 =	vld [tilespmem:s12+$0x0];
	v33 =	vmul.f32 $5.000000000e-01, v62;
	v60 =	vpop (erf)  }
0x170: {  	s18 =	sor.u32 s0, s18;
	v54 =	vmul.f32 $1.442695020e+00, v54;
	(erf) = vpow2.f32 v39;
	v45 =	vadd.f32 v45, v44;
	v62 =	vpop (erf)  }
0x171: {  	s17 =	sor.u32 s0, s17;
	v61 =	vld [tilespmem:s18+$0x0];
	(erf) = vpow2.f32 v51;
	v39 =	vadd.f32 v62, v60;
	v38 =	vadd.f32 v0, v33  }
0x172: {  	v0 =	vmul.f32 $1.442695020e+00, v57;
	v57 =	vadd.f32 v63, v37;
	v62 =	vld [tilespmem:s17+$0x0];
	v58 =	vadd.f32 v58, v45  }
0x173: {  	(erf) = vpow2.f32 v54;
	v39 =	vadd.f32 v39, v47;
	v42 =	vadd.f32 v52, v38  }
0x174: {  	v51 =	vsel vm11, v36, v22;
	v63 =	vmul.f32 $1.442695020e+00, v59;
	v55 =	vmul.f32 $1.442695020e+00, v55  }
0x175: {  	s2 =	sor.u32 s0, s2;
	(erf) = vpow2.f32 v0;
	v39 =	vadd.f32 v39, v58;
	v36 =	vadd.f32 v57, v42  }
0x176: {  	s14 =	sor.u32 s0, s13;
	v13 =	vadd.f32 $2.000000000e+00, v14;
	v54 =	vmul.f32 $1.442695020e+00, v61;
	(erf) = vpow2.f32 v63;
	v57 =	vld [tilespmem:s2+$0x0]  }
0x177: {  	s10 =	sor.u32 s0, s10;
	v61 =	vmul.f32 $1.442695020e+00, v62;
	v62 =	vld [tilespmem:s14+$0x0];
	v2 =	vadd.f32 v39, v44;
	v59 =	vadd.f32 v36, v33  }
0x178: {  	v1 =	vadd.f32 v1, v45;
	v52 =	vld [tilespmem:s10+$0x0];
	(erf) = vpow2.f32 v54;
	v54 =	vsel vm10, v43, v40  }
0x179: {  	s15 =	sor.u32 s0, s16;
	v63 =	vpop (erf);
	v40 =	vadd.f32 v53, v8;
	(erf) = vpow2.f32 v55;
	v0 =	vmul.f32 v59, v2  }
0x17a: {  	v8 =	vld [tilespmem:s15+$0x0];
	v55 =	vadd.f32 v11, v7;
	v11 =	vpop (erf);
	v7 =	vsel vm10, v51, v21;
	(erf) = vpow2.f32 v61  }
0x17b: {  	v21 =	vsel vm10, v41, v43;
	v61 =	vpop (erf);
	(erf) = vrcp.f32 v0;
	v0 =	vsel vm11, v22, v49  }
0x17c: {  	v53 =	vmul.f32 $1.442695020e+00, v57;
	v43 =	vpop (erf);
	v0 =	vsel vm9, v23, v0;
	v23 =	vmul.f32 $1.442695020e+00, v62  }
0x17d: {  	v19 =	vsel vm8, v7, v19;
	v22 =	vsel vm11, v50, v54;
	v54 =	vmul.f32 $1.442695020e+00, v52;
	v7 =	vpop (erf)  }
0x17e: {  	v34 =	vadd.f32 v58, v34;
	v21 =	vsel vm8, v21, v46;
	(erf) = vpow2.f32 v53;
	v57 =	vpop (erf)  }
0x17f: {  	v19 =	vsel vm6, v19, v18;
	v8 =	vmul.f32 $1.442695020e+00, v8;
	(erf) = vpow2.f32 v54;
	v51 =	vpop (erf)  }
0x180: {  	v50 =	vmul.f32 $5.000000000e-01, v63;
	v22 =	vsel vm9, v48, v22;
	(erf) = vpow2.f32 v23;
	v23 =	vpop (erf)  }
0x181: {  	v63 =	vsel vm6, v21, v26;
	v49 =	vadd.f32 v47, v58;
	v62 =	vadd.f32 $1.000000050e-03, v55;
	v21 =	vpop (erf)  }
0x182: {  	v0 =	vsel vm1, v0, v20;
	v20 =	vadd.f32 v35, v61;
	(erf) = vpow2.f32 v8;
	v18 =	vpop (erf)  }
0x183: {  	v41 =	vsel vm1, v22, v24;
	v46 =	vadd.f32 v57, v7;
	v57 =	vadd.f32 v23, v51;
	v22 =	vpop (erf)  }
0x184: {  	v48 =	vmul.f32 v56, v13;
	v53 =	vadd.f32 v43, v50;
	v24 =	vmul.f32 $5.000000000e-01, v11;
	v23 =	vpop (erf)  }
0x185: {  	v35 =	vmul.f32 v56, v14;
	v14 =	vadd.f32 v20, v57;
	v56 =	vmul.f32 $7.920792100e+00, v23  }
0x186: {  	v16 =	vmul.f32 v16, v16;
	v20 =	vadd.f32 v21, v24;
	v21 =	vadd.f32 v22, v18  }
0x187: {  	v13 =	vmul.f32 v13, v31;
	v8 =	vadd.f32 v46, v53;
	v52 =	vmul.f32 v56, v59  }
0x188: {  	s16 =	sor.u32 $0x2200, s8;
	v63 =	vsel vm2, v63, v28;
	v55 =	vadd.f32 v49, v60;
	v23 =	vsel vm2, v19, v10;
	v19 =	vpop (erf)  }
0x189: {  	s18 =	sor.u32 s9, s16;
	s17 =	sand.u32 $0x180, s7;
	(erf) = vrcp.f32 v48;
	v26 =	vadd.f32 v14, v8;
	v54 =	vpop (erf);
	v10 =	vmul.f32 v52, v49  }
0x18a: {  	s20 =	sor.u32 $0x2280, s8;
	s2 =	sor.u32 s17, s9;
	v11 =	vld [tilespmem:s18+$0x0];
	v14 =	vadd.f32 v21, v20;
	v21 =	vpop (erf);
	v34 =	vmul.f32 v52, v34;
	v48 =	vmul.f32 v52, v55  }
0x18b: {  	s22 =	sor.u32 $0x2300, s8;
	s23 =	sor.u32 s9, s20;
	v43 =	vld [tilespmem:s2+$0x0];
	v22 =	vadd.f32 v54, v19;
	v59 =	vpop (erf);
	v60 =	vmul.f32 v52, v45;
	v49 =	vmul.f32 v52, v44  }
0x18c: {  	s25 =	sor.u32 $0x2380, s8;
	s1 =	sor.u32 s9, s22;
	v55 =	vld [tilespmem:s23+$0x0];
	v54 =	vadd.f32 v59, v21;
	v59 =	vmul.f32 v52, v1;
	v46 =	vadd.f32 $-3.945544480e+00, v10  }
0x18d: {  	s3 =	sadd.s32 $0x2400, s8;
	s10 =	sor.u32 s9, s25;
	v45 =	vadd.f32 $-3.935643670e+00, v48;
	v10 =	vld [tilespmem:s1+$0x0];
	v44 =	vadd.f32 $-3.985148430e+00, v60;
	v60 =	vmul.f32 v52, v58  }
0x18e: {  	s11 =	sadd.s32 $0x2480, s8;
	s12 =	sor.u32 s9, s3;
	v62 =	vnsel vm0, $0x3F800000, v62;
	v58 =	vld [tilespmem:s10+$0x0];
	v1 =	vadd.f32 $-3.995049480e+00, v49;
	v49 =	vadd.f32 $-3.955445530e+00, v34  }
0x18f: {  	s8 =	sadd.s32 $0x2500, s8;
	s14 =	sor.u32 s9, s11;
	v31 =	vld [tilespmem:s12+$0x0];
	v2 =	vmul.f32 v56, v2;
	v47 =	vadd.f32 $-3.975247620e+00, v59;
	v48 =	vadd.f32 $-3.965346570e+00, v60  }
0x190: {  	s9 =	sor.u32 s9, s8;
	v34 =	vld [tilespmem:s14+$0x0];
	vm9 =	vlt.f32 v44, v43;
	vm8 =	vlt.f32 v1, v43;
	vm12 =	vlt.f32 v46, v43  }
0x191: {  	vm10 =	vlt.f32 v47, v43;
	v60 =	vsel vm9, v55, v11;
	v11 =	vsel vm8, v55, v11;
	v55 =	vld [tilespmem:s9+$0x0]  }
0x192: {  	vm14 =	vlt.f32 v49, v43;
	vm11 =	vlt.f32 v48, v43;
	v59 =	vsel vm10, v10, v60  }
0x193: {  	vm6 =	vlt.f32 v45, v43;
	v10 =	vsel vm9, v10, v11;
	v59 =	vsel vm11, v58, v59  }
0x194: {  	vm13 =	vmneg vm6;
	v10 =	vsel vm10, v58, v10;
	v11 =	vsel vm14, v31, v59  }
0x195: {  	v60 =	vadd.f32 v54, v22;
	v10 =	vsel vm11, v31, v10;
	v31 =	vpop (erf);
	v11 =	vsel vm12, v34, v11  }
0x196: {  	v10 =	vsel vm14, v34, v10;
	v13 =	vmul.f32 v31, v13;
	v54 =	vsel vm13, v11, v55  }
0x197: {  	v11 =	vmul.f32 v31, v35;
	v55 =	vsel vm12, v55, v10;
	v59 =	vand.u32 $0x7FFFFFFF, v54  }
0x198: {  	v35 =	vadd.f32 v60, v14;
	v60 =	vand.u32 $0x7FFFFFFF, v55;
	v10 =	vsub.f32 $0.0e+00, v59  }
0x199: {  	v58 =	vadd.f32 v26, v50;
	v34 =	vsel vm5, v0, v27;
	v31 =	vsub.f32 $0.0e+00, v60  }
0x19a: {  	v0 =	vmul.f32 v13, v13;
	v59 =	vadd.f32 v35, v24;
	v10 =	vmul.f32 $1.442695020e+00, v10  }
0x19b: {  	vm0 =	vmand vm2, vm5;
	v60 =	vmul.f32 v11, v11;
	v27 =	vmul.f32 $1.442695020e+00, v31  }
0x19c: {  	v31 =	vadd.f32 $1.000000050e-03, v40;
	v40 =	vmul.f32 v59, v58;
	(erf) = vpow2.f32 v10  }
0x19d: {  	v41 =	vsel vm5, v41, v25;
	(erf) = vpow2.f32 v27;
	v27 =	vmul.f32 $2.222222240e-01, v60  }
0x19e: {  	v31 =	vnsel vm7, $0x3F800000, v31;
	(erf) = vrcp.f32 v40;
	v40 =	vmul.f32 $2.222222240e-01, v0  }
0x19f: {  	v28 =	vmul.f32 v62, v9;
	v31 =	vadd.f32 v31, v62;
	v27 =	vadd.f32 $2.857142980e-01, v27  }
0x1a0: {  	v33 =	vmul.f32 v2, v33;
	v10 =	vadd.f32 $2.857142980e-01, v40;
	v40 =	vmul.f32 v9, v9  }
0x1a1: {  	v9 =	vmul.f32 v31, v9;
	v31 =	vadd.f32 v3, v3;
	v27 =	vmul.f32 v27, v60  }
0x1a2: {  	v62 =	vmul.f32 v16, v3;
	v16 =	vmax.f32 v12, $0.0e+00;
	v10 =	vmul.f32 v10, v0  }
0x1a3: {  	v40 =	vmul.f32 v40, v3;
	v9 =	vsub.f32 v9, v31;
	v12 =	vadd.f32 $4.000000060e-01, v27  }
0x1a4: {  	v27 =	vadd.f32 v7, v53;
	v7 =	vmul.f32 v28, v17;
	v10 =	vadd.f32 $4.000000060e-01, v10  }
0x1a5: {  	vm2 =	vgt.f32 v43, $4.000000000e+00;
	v9 =	vmul.f32 v9, v17;
	v12 =	vmul.f32 v12, v60  }
0x1a6: {  	v33 =	vadd.f32 $-3.995049480e+00, v33;
	v7 =	vadd.f32 v7, v62;
	v28 =	vpop (erf);
	v10 =	vmul.f32 v10, v0  }
0x1a7: {  	vm6 =	vmand vm4, vm0;
	v62 =	vpop (erf);
	v25 =	vadd.f32 v9, v40;
	v12 =	vadd.f32 $6.666666860e-01, v12  }
0x1a8: {  	v3 =	vmul.f32 v7, v3;
	v31 =	vadd.f32 $2.000000000e+00, v62;
	v10 =	vadd.f32 $6.666666860e-01, v10  }
0x1a9: {  	v17 =	vadd.f32 $2.000000000e+00, v28;
	(erf) = vrcp.f32 v25;
	v12 =	vmul.f32 v12, v60  }
0x1aa: {  	vm0 =	vgt.f32 v43, $-4.000000000e+00;
	v28 =	vmul.f32 v31, v28;
	v40 =	vmul.f32 v10, v0  }
0x1ab: {  	v9 =	vadd.f32 v57, v8;
	v0 =	vmul.f32 v31, v17;
	v17 =	vmul.f32 v17, v62  }
0x1ac: {  	[tilespmem:$0x1FF20] =	vst v3;
	v31 =	vmul.f32 v52, v39;
	v3 =	vpop (erf);
	v10 =	vadd.f32 $2.000000000e+00, v12;
	v12 =	vadd.f32 v42, v30  }
0x1ad: {  	v7 =	vimm.f32 $4.000000000e+00;
	v60 =	vmul.f32 $7.920792100e+00, v3;
	(erf) = vrcp.f32 v0  }
0x1ae: {  	v31 =	vadd.f32 $-3.925742630e+00, v31;
	v57 =	vmul.f32 v10, v11;
	v12 =	vmul.f32 v2, v12  }
0x1af: {  	v3 =	vmul.f32 v60, v59;
	v59 =	vadd.f32 v8, v51;
	v25 =	vmul.f32 v60, v58  }
0x1b0: {  	v51 =	vadd.f32 v9, v61;
	v58 =	vmul.f32 v2, v38;
	vm5 =	vlt.f32 v31, v43  }
0x1b1: {  	v12 =	vadd.f32 $-3.955445530e+00, v12;
	vm15 =	vmneg vm5;
	vm5 =	vmand vm0, vm13  }
0x1b2: {  	v0 =	vmul.f32 v3, v50;
	v50 =	vmul.f32 v3, v53;
	v53 =	vadd.f32 v29, v38  }
0x1b3: {  	v29 =	vmul.f32 v3, v27;
	v27 =	vadd.f32 v37, v42;
	v38 =	vsel vm0, $0xC0800000, v4  }
0x1b4: {  	v37 =	vadd.f32 $-3.985148430e+00, v58;
	vm7 =	vmand vm8, vm15;
	v8 =	vmul.f32 v3, v8  }
0x1b5: {  	v11 =	vadd.f32 $-3.995049480e+00, v0;
	v0 =	vmul.f32 v2, v42;
	v30 =	vadd.f32 v27, v32  }
0x1b6: {  	v10 =	vpop (erf);
	vm7 =	vmand vm0, vm7;
	v56 =	vmul.f32 v2, v53;
	v27 =	vmul.f32 v2, v27  }
0x1b7: {  	v42 =	vsel vm2, $0x471C4000, v7;
	v30 =	vmul.f32 v2, v30;
	v0 =	vadd.f32 $-3.965346570e+00, v0;
	v60 =	vpop (erf)  }
0x1b8: {  	v32 =	vadd.f32 $-3.975247620e+00, v56;
	v28 =	vmul.f32 v60, v28;
	v17 =	vmul.f32 v60, v17  }
0x1b9: {  	v27 =	vadd.f32 $-3.945544480e+00, v27;
	v2 =	vmul.f32 v2, v36;
	v60 =	vsel vm8, v1, v38  }
0x1ba: {  	v38 =	vsel vm8, v33, v38;
	v36 =	vmul.f32 v28, v28;
	v39 =	vmul.f32 v17, v17  }
0x1bb: {  	v30 =	vadd.f32 $-3.935643670e+00, v30;
	v56 =	vsel vm9, v44, v60;
	v38 =	vsel vm9, v37, v38  }
0x1bc: {  	v56 =	vsel vm10, v47, v56;
	v61 =	vmul.f32 $2.222222240e-01, v36;
	v62 =	vmul.f32 $2.222222240e-01, v39  }
0x1bd: {  	v2 =	vadd.f32 $-3.925742630e+00, v2;
	v38 =	vsel vm10, v32, v38;
	v56 =	vsel vm11, v48, v56  }
0x1be: {  	v38 =	vsel vm11, v0, v38;
	v52 =	vadd.f32 $2.857142980e-01, v61;
	v53 =	vadd.f32 $2.857142980e-01, v62  }
0x1bf: {  	v56 =	vsel vm14, v49, v56;
	v61 =	vsel vm15, v31, v42;
	v42 =	vsel vm15, v2, v42  }
0x1c0: {  	v42 =	vsel vm13, v30, v42;
	v52 =	vmul.f32 v52, v36;
	v53 =	vmul.f32 v53, v39  }
0x1c1: {  	v38 =	vsel vm14, v12, v38;
	v58 =	vsel vm13, v45, v61;
	v42 =	vsel vm12, v42, v27  }
0x1c2: {  	v12 =	vsel vm14, v42, v12;
	v52 =	vadd.f32 $4.000000060e-01, v52;
	v53 =	vadd.f32 $4.000000060e-01, v53  }
0x1c3: {  	v58 =	vsel vm12, v58, v46;
	v27 =	vsel vm12, v27, v38;
	v0 =	vsel vm11, v12, v0  }
0x1c4: {  	v12 =	vsel vm13, v27, v30;
	v52 =	vmul.f32 v52, v36;
	v53 =	vmul.f32 v53, v39  }
0x1c5: {  	v46 =	vsel vm12, v46, v56;
	v0 =	vsel vm10, v0, v32;
	v2 =	vsel vm15, v12, v2  }
0x1c6: {  	v60 =	vsel vm9, v0, v37;
	v52 =	vadd.f32 $6.666666860e-01, v52;
	v53 =	vadd.f32 $6.666666860e-01, v53  }
0x1c7: {  	v49 =	vsel vm14, v58, v49;
	v0 =	vsel vm2, $0x40800000, v2;
	v2 =	vsel vm8, v60, v33  }
0x1c8: {  	v2 =	vnsel vm0, $0xC0800000, v2;
	v36 =	vmul.f32 v52, v36;
	v62 =	vmul.f32 v53, v39  }
0x1c9: {  	v2 =	vsub.f32 v2, v0;
	v53 =	vsel vm11, v49, v48;
	v48 =	vmul.f32 v3, v59  }
0x1ca: {  	v58 =	vmax.f32 v54, $0.0e+00;
	v12 =	vld [tilespmem:s7+$0x0];
	v27 =	vadd.f32 $2.000000000e+00, v36;
	v30 =	vadd.f32 $2.000000000e+00, v62  }
0x1cb: {  	v52 =	vsel vm13, v46, v45;
	v56 =	vsel vm10, v53, v47;
	v33 =	vadd.f32 $-3.955445530e+00, v48  }
0x1cc: {  	s15 =	sor.u32 s0, s16;
	v27 =	vmul.f32 v27, v28;
	v28 =	vmax.f32 v55, $0.0e+00;
	v17 =	vmul.f32 v30, v17  }
0x1cd: {  	s18 =	sor.u32 s0, s20;
	v61 =	vld [tilespmem:s15+$0x0];
	v30 =	vsel vm15, v52, v31;
	v31 =	vsel vm9, v56, v44;
	v52 =	vmul.f32 v3, v9  }
0x1ce: {  	v62 =	vld [tilespmem:s18+$0x0];
	v56 =	vmul.f32 v3, v51;
	v27 =	vadd.f32 v27, v58;
	v17 =	vadd.f32 v17, v28  }
0x1cf: {  	vm12 =	vlt.f32 v33, v12;
	v1 =	vsel vm8, v31, v1;
	v28 =	vsel vm2, $0x40800000, v30  }
0x1d0: {  	v1 =	vnsel vm0, $0xC0800000, v1;
	v27 =	vadd.f32 $1.000000050e-03, v27;
	v17 =	vadd.f32 $1.000000050e-03, v17  }
0x1d1: {  	s20 =	sor.u32 s0, s22;
	vm0 =	vlt.f32 v11, v12;
	v31 =	vsub.f32 v43, v28;
	v1 =	vsub.f32 v1, v28  }
0x1d2: {  	v28 =	vadd.f32 $-3.975247620e+00, v29;
	v29 =	vld [tilespmem:s20+$0x0];
	v36 =	vnsel vm7, $0x3F800000, v27;
	v17 =	vnsel vm5, $0x3F800000, v17  }
0x1d3: {  	v30 =	vadd.f32 $-3.965346570e+00, v8;
	v32 =	vsel vm0, v62, v61;
	v17 =	vadd.f32 v17, v36  }
0x1d4: {  	s22 =	sor.u32 s0, s25;
	v49 =	vsub.f32 v1, v31;
	v54 =	vmul.f32 v1, v1;
	v27 =	vadd.f32 $-3.985148430e+00, v50  }
0x1d5: {  	s23 =	sor.u32 s0, s3;
	v53 =	vld [tilespmem:s22+$0x0];
	vm9 =	vlt.f32 v28, v12;
	v50 =	vadd.f32 v2, v2;
	v17 =	vmul.f32 v17, v1  }
0x1d6: {  	s24 =	sor.u32 s0, s11;
	v55 =	vld [tilespmem:s23+$0x0];
	v38 =	vmul.f32 v49, v31;
	v42 =	vmul.f32 v54, v2;
	vm8 =	vlt.f32 v27, v12  }
0x1d7: {  	s0 =	sor.u32 s0, s8;
	v60 =	vld [tilespmem:s24+$0x0];
	v58 =	vsel vm8, v62, v61;
	v61 =	vsel vm8, v29, v32;
	v17 =	vsub.f32 v17, v50  }
0x1d8: {  	v32 =	vadd.f32 $-3.945544480e+00, v52;
	v62 =	vld [tilespmem:s0+$0x0];
	v59 =	vsel vm9, v29, v58;
	v29 =	vadd.f32 $-3.935643670e+00, v56  }
0x1d9: {  	vm11 =	vlt.f32 v30, v12;
	v49 =	vmul.f32 v31, v31;
	v17 =	vmul.f32 v17, v38  }
0x1da: {  	v9 =	vsel vm11, v53, v59;
	vm10 =	vlt.f32 v32, v12;
	vm2 =	vlt.f32 v29, v12  }
0x1db: {  	v48 =	vsel vm12, v55, v9;
	v47 =	vadd.f32 v17, v42;
	v17 =	vsel vm9, v53, v61  }
0x1dc: {  	v8 =	vsel vm10, v60, v48;
	vm2 =	vmneg vm2;
	v17 =	vsel vm11, v55, v17  }
0x1dd: {  	s30 =	simm.s32 $0x60;
	s25 =	simm.s32 $0x300;
	v1 =	vmul.f32 v36, v1;
	v5 =	vsel vm2, v8, v62;
	v17 =	vsel vm12, v60, v17  }
0x1de: {  	s8 =	sand.u32 $0xC00, s25;
	v24 =	vmul.f32 v25, v24;
	s7 =	sand.u32 $0x60, s30;
	v39 =	vmul.f32 v25, v20;
	s0 =	sor.u32 s25, s30;
	[tilespmem:$0x1FF40] =	vst v5;
	v50 =	vsel vm10, v62, v17  }
0x1df: {  	s9 =	sor.u32 $0x10, s7;
	s18 =	sor.u32 $0x200, s8;
	v31 =	vmul.f32 v49, v2;
	s0 =	sor.u32 $0x380, s0;
	v1 =	vmul.f32 v1, v38;
	[tilespmem:$0x1FF50] =	vst v50  }
0x1e0: {  	v46 =	vadd.f32 $2.000000000e+00, v40;
	v3 =	vmul.f32 v3, v26;
	s20 =	sor.u32 s9, s18;
	v17 =	vand.u32 $0x7FFFFFFF, v5;
	v26 =	vld [tilespmem:s0+$0x200]  }
0x1e1: {  	v1 =	vadd.f32 v1, v31;
	v17 =	vsub.f32 $0.0e+00, v17;
	v51 =	vand.u32 $0x7FFFFFFF, v50;
	v31 =	vld [tilespmem:s20+$0x80]  }
0x1e2: {  	v13 =	vmul.f32 v46, v13;
	v52 =	vmul.f32 v25, v35;
	v56 =	vsub.f32 $0.0e+00, v51;
	v58 =	vld [tilespmem:s20+$0x100]  }
0x1e3: {  	v2 =	vmul.f32 v1, v2;
	v1 =	vld [tilespmem:s20+$0x180];
	v17 =	vmul.f32 $1.442695020e+00, v17  }
0x1e4: {  	s24 =	sor.u32 $0x1280, s8;
	(erf) = vrcp.f32 v47;
	v59 =	vld [tilespmem:s20+$0x200];
	v35 =	vmul.f32 $1.442695020e+00, v56  }
0x1e5: {  	s1 =	sor.u32 s9, s24;
	s23 =	sor.u32 $0x1300, s8;
	(erf) = vpow2.f32 v17;
	v17 =	vmul.f32 $1.442695020e+00, v26;
	v26 =	vld [tilespmem:s20+$0x280]  }
0x1e6: {  	v23 =	vnsel vm4, $0xC0800000, v23;
	s17 =	sor.u32 $0x1380, s8;
	s3 =	sor.u32 s9, s23;
	v60 =	vld [tilespmem:s1+$0x0];
	(erf) = vpow2.f32 v35;
	v31 =	vmul.f32 $1.442695020e+00, v31  }
0x1e7: {  	v34 =	vsel vm3, $0x40800000, v34;
	s11 =	sor.u32 s9, s17;
	s0 =	sadd.s32 $0x1400, s8;
	v61 =	vld [tilespmem:s3+$0x0];
	v36 =	vmul.f32 $1.442695020e+00, v58;
	(erf) = vpow2.f32 v17  }
0x1e8: {  	s10 =	sadd.s32 $0x1480, s8;
	s12 =	sor.u32 s9, s0;
	v1 =	vmul.f32 $1.442695020e+00, v1;
	v17 =	vadd.f32 v22, v14;
	v22 =	vld [tilespmem:s11+$0x0];
	(erf) = vpow2.f32 v31  }
0x1e9: {  	s31 =	simm.s32 $0x3;
	s13 =	sadd.s32 $0x1500, s8;
	s14 =	sor.u32 s9, s10;
	v62 =	vadd.f32 v18, v20;
	v20 =	vld [tilespmem:s12+$0x0];
	v18 =	vmul.f32 $1.442695020e+00, v59;
	(erf) = vpow2.f32 v36  }
0x1ea: {  	s16 =	sadd.s32 $0x1580, s8;
	s15 =	sand.u32 $0x3, s31;
	v42 =	vnsel vm4, $0xC0800000, v63;
	s1 =	sor.u32 s9, s13;
	v31 =	vld [tilespmem:s14+$0x0];
	v26 =	vmul.f32 $1.442695020e+00, v26;
	(erf) = vpow2.f32 v1  }
0x1eb: {  	s25 =	sshll.u32 s15, $0x5;
	v63 =	vadd.f32 v14, v19;
	s3 =	sor.u32 s9, s16;
	v53 =	vld [tilespmem:s1+$0x0];
	v1 =	vmul.f32 $1.442695020e+00, v60;
	(erf) = vpow2.f32 v18  }
0x1ec: {  	s25 =	sadd.s32 $0x300, s25;
	v19 =	vmul.f32 $1.442695020e+00, v61;
	s14 =	sor.u32 $0x1200, s8;
	v18 =	vsub.f32 v23, v34;
	v23 =	vld [tilespmem:s3+$0x0];
	(erf) = vpow2.f32 v26  }
0x1ed: {  	v15 =	vmax.f32 v15, $0.0e+00;
	v54 =	vld [tilespmem:s20+$0x0];
	s11 =	sadd.s32 $0x10, s25;
	s12 =	sor.u32 s9, s14;
	v22 =	vmul.f32 $1.442695020e+00, v22;
	(erf) = vpow2.f32 v1  }
0x1ee: {  	v6 =	vsub.f32 v6, v34;
	s15 =	sor.u32 $0x300, s11;
	v55 =	vld [tilespmem:s12+$0x0];
	v1 =	vmul.f32 $1.442695020e+00, v20;
	v26 =	vpop (erf);
	(erf) = vpow2.f32 v19  }
0x1ef: {  	v57 =	vadd.f32 v57, v16;
	v20 =	vld [tilespmem:s15+$0x200];
	v31 =	vmul.f32 $1.442695020e+00, v31;
	v36 =	vpop (erf);
	(erf) = vpow2.f32 v22  }
0x1f0: {  	vm13 =	vmmov vm6;
	v56 =	vmul.f32 $1.442695020e+00, v53;
	s20 =	sor.u32 $0x380, s11;
	v19 =	vpop (erf);
	(erf) = vpow2.f32 v1  }
0x1f1: {  	v37 =	vadd.f32 $-3.925742630e+00, v3;
	v22 =	vld [tilespmem:s20+$0x200];
	v23 =	vmul.f32 $1.442695020e+00, v23;
	v35 =	vpop (erf);
	(erf) = vpow2.f32 v31  }
0x1f2: {  	s18 =	sor.u32 s7, s18;
	vm7 =	vmand vm4, vm1;
	vm5 =	vgt.f32 v12, $4.000000000e+00;
	v48 =	vpop (erf);
	(erf) = vpow2.f32 v56  }
0x1f3: {  	v5 =	vsel vm3, $0x40800000, v41;
	v3 =	vmul.f32 $1.442695020e+00, v54;
	v1 =	vpop (erf);
	(erf) = vpow2.f32 v23;
	v23 =	vld [tilespmem:s18+$0x0]  }
0x1f4: {  	vm3 =	vlt.f32 v37, v12;
	s14 =	sor.u32 s7, s14;
	v8 =	vmul.f32 $1.442695020e+00, v55;
	v20 =	vmul.f32 $1.442695020e+00, v20;
	v41 =	vpop (erf)  }
0x1f5: {  	vm4 =	vmneg vm3;
	v2 =	vmul.f32 v26, v2;
	(erf) = vpow2.f32 v3;
	v3 =	vld [tilespmem:s14+$0x0];
	v44 =	vpop (erf)  }
0x1f6: {  	v60 =	vld [tilespmem:s18+$0x80];
	v31 =	vadd.f32 $-3.995049480e+00, v24;
	v24 =	vmul.f32 $1.442695020e+00, v22;
	(erf) = vpow2.f32 v8;
	v9 =	vpop (erf)  }
0x1f7: {  	s22 =	sor.u32 $0x300, s25;
	v43 =	vmul.f32 v25, v62;
	v0 =	vadd.f32 v2, v0;
	(erf) = vpow2.f32 v20;
	v40 =	vpop (erf)  }
0x1f8: {  	v21 =	vadd.f32 v17, v21;
	v26 =	vld [tilespmem:s22+$0x200];
	(erf) = vpow2.f32 v24;
	v20 =	vpop (erf);
	v24 =	vmul.f32 $1.442695020e+00, v23  }
0x1f9: {  	v58 =	vsel vm5, $0x471C4000, v7;
	v14 =	vmul.f32 v25, v14;
	v17 =	vmul.f32 v25, v17;
	[tilespmem:$0x1FFF0] =	vst v0;
	v61 =	vpop (erf)  }
0x1fa: {  	v53 =	vsel vm4, v37, v58;
	v59 =	vmul.f32 v25, v21;
	v2 =	vld [tilespmem:s18+$0x100];
	v3 =	vmul.f32 $1.442695020e+00, v3;
	v23 =	vpop (erf)  }
0x1fb: {  	v25 =	vmul.f32 v25, v63;
	v34 =	vmul.f32 $1.442695020e+00, v60;
	v55 =	vadd.f32 $-3.975247620e+00, v43;
	v62 =	vpop (erf)  }
0x1fc: {  	v22 =	vadd.f32 $-3.925742630e+00, v52;
	v52 =	vadd.f32 $-3.985148430e+00, v39;
	v63 =	vld [tilespmem:s18+$0x180];
	(erf) = vpow2.f32 v24;
	v24 =	vpop (erf)  }
0x1fd: {  	v0 =	vadd.f32 $-3.935643670e+00, v59;
	v26 =	vmul.f32 $1.442695020e+00, v26;
	v43 =	vld [tilespmem:s18+$0x200];
	v41 =	vadd.f32 v41, v1;
	v8 =	vpop (erf)  }
0x1fe: {  	v54 =	vsel vm4, v22, v58;
	v45 =	vadd.f32 v9, v44;
	(erf) = vpow2.f32 v3;
	v3 =	vpop (erf)  }
0x1ff: {  	s25 =	sor.u32 s7, s24;
	v49 =	vld [tilespmem:s18+$0x280];
	v2 =	vmul.f32 $1.442695020e+00, v2;
	v51 =	vadd.f32 v61, v20;
	v56 =	vmul.f32 $5.000000000e-01, v3;
	v3 =	vpop (erf)  }
0x200: {  	v58 =	vld [tilespmem:s25+$0x0];
	(erf) = vpow2.f32 v26;
	v38 =	vadd.f32 v62, v23;
	v26 =	vmul.f32 $5.000000000e-01, v3;
	v3 =	vpop (erf)  }
0x201: {  	s1 =	sor.u32 s7, s23;
	v59 =	vmul.f32 $1.442695020e+00, v63;
	v50 =	vadd.f32 v8, v24;
	v48 =	vadd.f32 v48, v56;
	v9 =	vpop (erf)  }
0x202: {  	v60 =	vld [tilespmem:s1+$0x0];
	v43 =	vmul.f32 $1.442695020e+00, v43;
	v8 =	vadd.f32 v9, v3;
	v39 =	vadd.f32 v40, v26  }
0x203: {  	s3 =	sor.u32 s7, s17;
	(erf) = vpow2.f32 v34;
	v50 =	vadd.f32 v50, v38;
	v61 =	vadd.f32 v41, v48  }
0x204: {  	(erf) = vpow2.f32 v2;
	v9 =	vld [tilespmem:s3+$0x0];
	v2 =	vadd.f32 v8, v45;
	v41 =	vadd.f32 v51, v39  }
0x205: {  	vm1 =	vgt.f32 v12, $-4.000000000e+00;
	v49 =	vmul.f32 $1.442695020e+00, v49;
	v58 =	vmul.f32 $1.442695020e+00, v58  }
0x206: {  	(erf) = vpow2.f32 v59;
	v40 =	vadd.f32 v2, v61;
	v34 =	vadd.f32 v50, v41  }
0x207: {  	v47 =	vsel vm1, $0xC0800000, v4;
	v63 =	vmul.f32 $1.442695020e+00, v60;
	(erf) = vpow2.f32 v43  }
0x208: {  	(erf) = vpow2.f32 v49;
	v43 =	vadd.f32 v40, v56;
	v50 =	vadd.f32 v34, v26  }
0x209: {  	v53 =	vsel vm2, v29, v53;
	(erf) = vpow2.f32 v58;
	v49 =	vmul.f32 $1.442695020e+00, v9  }
0x20a: {  	v53 =	vsel vm10, v53, v32;
	v58 =	vpop (erf);
	(erf) = vpow2.f32 v63;
	v8 =	vmul.f32 v50, v43  }
0x20b: {  	v53 =	vsel vm12, v53, v33;
	s12 =	sor.u32 s7, s16;
	v51 =	vsel vm0, v11, v47;
	v60 =	vpop (erf);
	(erf) = vpow2.f32 v49  }
0x20c: {  	v17 =	vadd.f32 $-3.945544480e+00, v17;
	v63 =	vsel vm8, v27, v51;
	v21 =	vpop (erf);
	v51 =	vld [tilespmem:s12+$0x0];
	(erf) = vrcp.f32 v8  }
0x20d: {  	v1 =	vadd.f32 v1, v48;
	v2 =	vsel vm0, v31, v47;
	v47 =	vsel vm2, v0, v54;
	v46 =	vpop (erf)  }
0x20e: {  	v9 =	vadd.f32 $-3.965346570e+00, v14;
	v2 =	vsel vm8, v52, v2;
	v8 =	vadd.f32 $-3.955445530e+00, v25;
	v25 =	vpop (erf)  }
0x20f: {  	s0 =	sor.u32 s7, s0;
	v47 =	vsel vm10, v47, v17;
	v2 =	vsel vm9, v55, v2;
	v49 =	vsel vm9, v28, v63;
	v62 =	vpop (erf)  }
0x210: {  	s10 =	sor.u32 s7, s10;
	v59 =	vld [tilespmem:s0+$0x0];
	v2 =	vsel vm11, v9, v2;
	v16 =	vsel vm11, v30, v49;
	v49 =	vadd.f32 v13, v15;
	v15 =	vpop (erf)  }
0x211: {  	v13 =	vsel vm11, v53, v30;
	v30 =	vld [tilespmem:s10+$0x0];
	v54 =	vmul.f32 $1.442695020e+00, v51;
	v33 =	vsel vm12, v33, v16;
	v63 =	vpop (erf)  }
0x212: {  	v28 =	vsel vm9, v13, v28;
	v16 =	vsub.f32 v42, v5;
	v32 =	vsel vm10, v32, v33;
	v4 =	vpop (erf)  }
0x213: {  	s11 =	sor.u32 s7, s13;
	v29 =	vsel vm2, v32, v29;
	v47 =	vsel vm12, v47, v8;
	v2 =	vsel vm12, v8, v2;
	v14 =	vpop (erf)  }
0x214: {  	vm12 =	vmmov vm7;
	v47 =	vsel vm11, v47, v9;
	v9 =	vld [tilespmem:s11+$0x0];
	v2 =	vsel vm10, v17, v2;
	v17 =	vpop (erf)  }
0x215: {  	[tilespmem:$0x1FF10] =	vst v5;
	v5 =	vadd.f32 $1.000000050e-03, v57;
	v57 =	vsel vm8, v28, v27;
	v27 =	vmul.f32 $1.442695020e+00, v59;
	v28 =	vpop (erf)  }
0x216: {  	v30 =	vmul.f32 $1.442695020e+00, v30;
	v8 =	vsel vm9, v47, v55;
	v55 =	vmul.f32 $7.920792100e+00, v28  }
0x217: {  	v59 =	vadd.f32 $1.000000050e-03, v49;
	v47 =	vadd.f32 $2.000000000e+00, v36;
	v7 =	vsel vm2, v2, v0  }
0x218: {  	s18 =	sand.u32 $0x180, s30;
	v42 =	vsel vm8, v8, v52;
	(erf) = vpow2.f32 v27;
	v51 =	vmul.f32 v55, v50  }
0x219: {  	s13 =	sor.u32 $0x2200, s8;
	s0 =	sor.u32 s18, s9;
	v52 =	vadd.f32 $2.000000000e+00, v19;
	(erf) = vpow2.f32 v30;
	v9 =	vmul.f32 $1.442695020e+00, v9  }
0x21a: {  	s20 =	sor.u32 s9, s13;
	s22 =	sor.u32 $0x2280, s8;
	v5 =	vnsel vm13, $0x3F800000, v5;
	v27 =	vld [tilespmem:s0+$0x0];
	v28 =	vmul.f32 $5.000000000e-01, v58;
	v2 =	vmul.f32 v51, v48  }
0x21b: {  	s23 =	sor.u32 $0x2300, s8;
	s25 =	sor.u32 s9, s22;
	(erf) = vpow2.f32 v9;
	v58 =	vadd.f32 v61, v44;
	v50 =	vld [tilespmem:s20+$0x0];
	v30 =	vmul.f32 v51, v56  }
0x21c: {  	s1 =	sor.u32 s9, s23;
	(erf) = vpow2.f32 v54;
	v48 =	vld [tilespmem:s25+$0x0];
	v1 =	vmul.f32 v51, v1;
	v32 =	vadd.f32 $-3.985148430e+00, v2  }
0x21d: {  	s3 =	sor.u32 $0x2380, s8;
	v44 =	vld [tilespmem:s1+$0x0];
	v8 =	vmul.f32 v51, v58;
	v30 =	vadd.f32 $-3.995049480e+00, v30;
	v2 =	vadd.f32 v45, v61  }
0x21e: {  	s12 =	sor.u32 s9, s3;
	s11 =	sadd.s32 $0x2400, s8;
	v33 =	vadd.f32 $-3.975247620e+00, v1;
	v1 =	vmul.f32 v51, v61;
	v61 =	vmul.f32 v52, v47  }
0x21f: {  	v49 =	vld [tilespmem:s12+$0x0];
	s14 =	sor.u32 s9, s11;
	v8 =	vadd.f32 $-3.955445530e+00, v8;
	vm6 =	vlt.f32 v32, v27;
	vm3 =	vlt.f32 v30, v27  }
0x220: {  	v58 =	vld [tilespmem:s14+$0x0];
	vm8 =	vlt.f32 v33, v27;
	v3 =	vadd.f32 v2, v3;
	v2 =	vmul.f32 v51, v2  }
0x221: {  	s15 =	sadd.s32 $0x2480, s8;
	vm10 =	vlt.f32 v8, v27;
	(erf) = vrcp.f32 v61;
	v9 =	vsel vm6, v48, v50  }
0x222: {  	s17 =	sor.u32 s9, s15;
	v50 =	vsel vm3, v48, v50;
	v48 =	vadd.f32 $-3.965346570e+00, v1;
	v1 =	vsel vm8, v44, v9  }
0x223: {  	v45 =	vld [tilespmem:s17+$0x0];
	v44 =	vsel vm6, v44, v50;
	v3 =	vmul.f32 v51, v3;
	v50 =	vadd.f32 v46, v28  }
0x224: {  	s8 =	sadd.s32 $0x2500, s8;
	v46 =	vadd.f32 v62, v25;
	vm9 =	vlt.f32 v48, v27;
	v44 =	vsel vm8, v49, v44  }
0x225: {  	s9 =	sor.u32 s9, s8;
	v62 =	vsel vm4, v29, v37;
	v1 =	vsel vm9, v49, v1;
	v44 =	vsel vm9, v58, v44  }
0x226: {  	v9 =	vld [tilespmem:s9+$0x0];
	v54 =	vadd.f32 $-3.935643670e+00, v3;
	v3 =	vadd.f32 v35, v21;
	v35 =	vmul.f32 $5.000000000e-01, v60  }
0x227: {  	v60 =	vmul.f32 v52, v36;
	v1 =	vsel vm10, v58, v1;
	v58 =	vadd.f32 $-3.945544480e+00, v2  }
0x228: {  	v2 =	vsel vm10, v45, v44;
	v44 =	vsel vm0, v57, v11;
	v57 =	vadd.f32 v63, v15  }
0x229: {  	vm7 =	vlt.f32 v54, v27;
	v36 =	vadd.f32 v4, v35;
	vm11 =	vlt.f32 v58, v27  }
0x22a: {  	v13 =	vpop (erf);
	v4 =	vadd.f32 v17, v14;
	vm7 =	vmneg vm7;
	v1 =	vsel vm11, v45, v1  }
0x22b: {  	v3 =	vadd.f32 v3, v57;
	v53 =	vsel vm11, v9, v2;
	v2 =	vpop (erf);
	v52 =	vsel vm7, v1, v9  }
0x22c: {  	v49 =	vand.u32 $0x7FFFFFFF, v53;
	v29 =	vpop (erf);
	v9 =	vadd.f32 v2, v13;
	v1 =	vand.u32 $0x7FFFFFFF, v52  }
0x22d: {  	v19 =	vmul.f32 v47, v19;
	v63 =	vsub.f32 $0.0e+00, v49;
	v17 =	vpop (erf);
	v1 =	vsub.f32 $0.0e+00, v1  }
0x22e: {  	v40 =	vmul.f32 v51, v40;
	v49 =	vadd.f32 v46, v50;
	v11 =	vadd.f32 v17, v29  }
0x22f: {  	v61 =	vmul.f32 v18, v18;
	v56 =	vadd.f32 v4, v36;
	v1 =	vmul.f32 $1.442695020e+00, v1  }
0x230: {  	v37 =	vmul.f32 $1.442695020e+00, v63;
	v45 =	vadd.f32 v3, v49;
	v3 =	vpop (erf);
	v4 =	vadd.f32 v11, v9  }
0x231: {  	v63 =	vnsel vm12, $0x3F800000, v59;
	v19 =	vmul.f32 v3, v19;
	(erf) = vpow2.f32 v1  }
0x232: {  	(erf) = vpow2.f32 v37;
	v37 =	vadd.f32 v4, v56;
	v4 =	vadd.f32 v63, v5  }
0x233: {  	v46 =	vmul.f32 v5, v18;
	v17 =	vmul.f32 v3, v60;
	v11 =	vadd.f32 v16, v16  }
0x234: {  	v63 =	vmul.f32 v19, v19;
	v3 =	vmul.f32 v4, v18;
	v18 =	vsub.f32 v18, v6  }
0x235: {  	v59 =	vadd.f32 v45, v28;
	v60 =	vadd.f32 v37, v35;
	v4 =	vmul.f32 v17, v17  }
0x236: {  	v3 =	vsub.f32 v3, v11;
	v18 =	vmul.f32 v18, v6;
	v11 =	vmul.f32 $2.222222240e-01, v63  }
0x237: {  	v5 =	vsel vm0, v42, v31;
	v31 =	vmul.f32 v60, v59;
	v42 =	vmul.f32 $2.222222240e-01, v4  }
0x238: {  	v61 =	vmul.f32 v61, v16;
	v47 =	vadd.f32 $2.857142980e-01, v11;
	v3 =	vmul.f32 v3, v18  }
0x239: {  	v6 =	vmul.f32 v6, v6;
	(erf) = vrcp.f32 v31;
	v31 =	vadd.f32 $2.857142980e-01, v42  }
0x23a: {  	v18 =	vmul.f32 v46, v18;
	v3 =	vadd.f32 v3, v61;
	v46 =	vmul.f32 v47, v63  }
0x23b: {  	v40 =	vadd.f32 $-3.925742630e+00, v40;
	v31 =	vmul.f32 v31, v4;
	v61 =	vld [tilespmem:$0x1FF20]  }
0x23c: {  	v6 =	vmul.f32 v6, v16;
	v42 =	vpop (erf);
	(erf) = vrcp.f32 v3;
	v3 =	vadd.f32 $4.000000060e-01, v46  }
0x23d: {  	vm14 =	vlt.f32 v40, v27;
	v47 =	vsel vm4, v7, v22;
	v31 =	vadd.f32 $4.000000060e-01, v31  }
0x23e: {  	v7 =	vadd.f32 v18, v6;
	v22 =	vsel vm5, $0x40800000, v62;
	v2 =	vpop (erf);
	v3 =	vmul.f32 v3, v63  }
0x23f: {  	v1 =	vadd.f32 $2.000000000e+00, v42;
	v0 =	vadd.f32 $2.000000000e+00, v2;
	v18 =	vmul.f32 v31, v4  }
0x240: {  	v31 =	vmul.f32 v10, v61;
	v10 =	vsub.f32 v12, v22;
	v12 =	vadd.f32 $6.666666860e-01, v3;
	v3 =	vld [tilespmem:$0x1FF30]  }
0x241: {  	vm13 =	vgt.f32 v27, $4.000000000e+00;
	vm14 =	vmneg vm14;
	vm12 =	vgt.f32 v27, $-4.000000000e+00  }
0x242: {  	v15 =	vadd.f32 v49, v15;
	v6 =	vnsel vm1, $0xC0800000, v44;
	v11 =	vmul.f32 v0, v1  }
0x243: {  	v0 =	vmul.f32 v0, v42;
	v1 =	vmul.f32 v1, v2;
	v18 =	vadd.f32 $6.666666860e-01, v18  }
0x244: {  	v61 =	vmul.f32 v7, v16;
	(erf) = vrcp.f32 v11;
	v11 =	vsub.f32 v6, v22;
	v16 =	vpop (erf)  }
0x245: {  	v44 =	vadd.f32 v31, v3;
	v3 =	vmul.f32 v18, v4;
	v4 =	vmul.f32 $7.920792100e+00, v16  }
0x246: {  	v46 =	vmul.f32 v12, v63;
	v16 =	vadd.f32 v20, v39;
	v18 =	vmul.f32 v55, v43  }
0x247: {  	v20 =	vadd.f32 v38, v41;
	v12 =	vmul.f32 v4, v60;
	v22 =	vmul.f32 v4, v59  }
0x248: {  	v4 =	vadd.f32 v41, v23;
	v23 =	vmul.f32 v18, v41;
	v31 =	vmul.f32 v18, v16  }
0x249: {  	v38 =	vmul.f32 v18, v39;
	v24 =	vadd.f32 v20, v24;
	v20 =	vmul.f32 v18, v20  }
0x24a: {  	v26 =	vmul.f32 v18, v26;
	v59 =	vimm.f32 $-4.000000000e+04;
	v60 =	vimm.f32 $4.000000000e+00  }
0x24b: {  	v39 =	vsel vm12, $0xC0800000, v59;
	v4 =	vmul.f32 v18, v4;
	v24 =	vmul.f32 v18, v24  }
0x24c: {  	v16 =	vpop (erf);
	v23 =	vadd.f32 $-3.965346570e+00, v23;
	v20 =	vadd.f32 $-3.945544480e+00, v20;
	v18 =	vmul.f32 v18, v34  }
0x24d: {  	v34 =	vsel vm13, $0x471C4000, v60;
	v55 =	vsel vm3, v30, v39;
	v26 =	vadd.f32 $-3.995049480e+00, v26;
	v2 =	vpop (erf)  }
0x24e: {  	v38 =	vadd.f32 $-3.985148430e+00, v38;
	v0 =	vmul.f32 v2, v0;
	v1 =	vmul.f32 v2, v1  }
0x24f: {  	v51 =	vsel vm6, v32, v55;
	v2 =	vadd.f32 $-3.975247620e+00, v31;
	v4 =	vadd.f32 $-3.955445530e+00, v4  }
0x250: {  	v51 =	vsel vm8, v33, v51;
	v31 =	vmul.f32 v0, v0;
	v41 =	vmul.f32 v1, v1  }
0x251: {  	v6 =	vadd.f32 $-3.925742630e+00, v18;
	v18 =	vsel vm3, v26, v39;
	v51 =	vsel vm9, v48, v51  }
0x252: {  	v18 =	vsel vm6, v38, v18;
	v62 =	vmul.f32 $2.222222240e-01, v31;
	v63 =	vmul.f32 $2.222222240e-01, v41  }
0x253: {  	v24 =	vadd.f32 $-3.935643670e+00, v24;
	v51 =	vsel vm10, v8, v51;
	v18 =	vsel vm8, v2, v18  }
0x254: {  	v18 =	vsel vm9, v23, v18;
	v42 =	vadd.f32 $2.857142980e-01, v62;
	v43 =	vadd.f32 $2.857142980e-01, v63  }
0x255: {  	v51 =	vsel vm11, v58, v51;
	v18 =	vsel vm10, v4, v18;
	v62 =	vsel vm14, v40, v34  }
0x256: {  	v34 =	vsel vm14, v6, v34;
	v42 =	vmul.f32 v42, v31;
	v43 =	vmul.f32 v43, v41  }
0x257: {  	v51 =	vsel vm7, v51, v54;
	v55 =	vsel vm7, v54, v62;
	v34 =	vsel vm7, v24, v34  }
0x258: {  	v55 =	vsel vm11, v55, v58;
	v42 =	vadd.f32 $4.000000060e-01, v42;
	v43 =	vadd.f32 $4.000000060e-01, v43  }
0x259: {  	v18 =	vsel vm11, v20, v18;
	v34 =	vsel vm11, v34, v20;
	v55 =	vsel vm10, v55, v8  }
0x25a: {  	v4 =	vsel vm10, v34, v4;
	v63 =	vmul.f32 v42, v31;
	v8 =	vmul.f32 v43, v41  }
0x25b: {  	v4 =	vsel vm9, v4, v23;
	v23 =	vsel vm7, v18, v24;
	v24 =	vadd.f32 v25, v50  }
0x25c: {  	v54 =	vsel vm9, v55, v48;
	v39 =	vadd.f32 $6.666666860e-01, v63;
	v42 =	vadd.f32 $6.666666860e-01, v8  }
0x25d: {  	v25 =	vsel vm14, v51, v40;
	vm7 =	vmand vm12, vm7;
	v55 =	vmax.f32 v53, $0.0e+00  }
0x25e: {  	v2 =	vsel vm8, v4, v2;
	v31 =	vmul.f32 v39, v31;
	v20 =	vmul.f32 v42, v41  }
0x25f: {  	v4 =	vmul.f32 v12, v28;
	v28 =	vadd.f32 v57, v49;
	v23 =	vsel vm14, v23, v6  }
0x260: {  	v2 =	vsel vm6, v2, v38;
	v31 =	vadd.f32 $2.000000000e+00, v31;
	v18 =	vadd.f32 $2.000000000e+00, v20  }
0x261: {  	v25 =	vsel vm13, $0x40800000, v25;
	v24 =	vmul.f32 v12, v24;
	v2 =	vsel vm3, v2, v26  }
0x262: {  	v26 =	vsub.f32 v27, v25;
	v0 =	vmul.f32 v31, v0;
	v1 =	vmul.f32 v18, v1  }
0x263: {  	v20 =	vsel vm8, v54, v33;
	v18 =	vadd.f32 $-3.995049480e+00, v4;
	v4 =	vmax.f32 v52, $0.0e+00  }
0x264: {  	vm8 =	vmand vm3, vm14;
	v0 =	vadd.f32 v0, v4;
	v1 =	vadd.f32 v1, v55  }
0x265: {  	v2 =	vnsel vm12, $0xC0800000, v2;
	vm8 =	vmand vm12, vm8;
	v20 =	vsel vm6, v20, v32  }
0x266: {  	v20 =	vsel vm3, v20, v30;
	v0 =	vadd.f32 $1.000000050e-03, v0;
	v1 =	vadd.f32 $1.000000050e-03, v1  }
0x267: {  	v31 =	vmul.f32 v12, v50;
	v30 =	vsel vm13, $0x40800000, v23;
	v20 =	vnsel vm12, $0xC0800000, v20  }
0x268: {  	v2 =	vsub.f32 v2, v30;
	v0 =	vnsel vm8, $0x3F800000, v0;
	v1 =	vnsel vm7, $0x3F800000, v1  }
0x269: {  	s20 =	sor.u32 s7, s22;
	v4 =	vld [tilespmem:s30+$0x0];
	v20 =	vsub.f32 v20, v25;
	v1 =	vadd.f32 v1, v0  }
0x26a: {  	s18 =	sor.u32 s7, s13;
	v15 =	vmul.f32 v12, v15;
	v57 =	vld [tilespmem:s20+$0x0];
	v27 =	vadd.f32 $-3.975247620e+00, v24;
	v25 =	vadd.f32 $-3.985148430e+00, v31  }
0x26b: {  	s22 =	sor.u32 s7, s23;
	v23 =	vld [tilespmem:s18+$0x0];
	v24 =	vadd.f32 v2, v2;
	v31 =	vsub.f32 v20, v26;
	v1 =	vmul.f32 v1, v20  }
0x26c: {  	s23 =	sor.u32 s7, s3;
	v3 =	vadd.f32 $2.000000000e+00, v3;
	v62 =	vld [tilespmem:s22+$0x0];
	v58 =	vmul.f32 v12, v49;
	v53 =	vmul.f32 v20, v20  }
0x26d: {  	s24 =	sor.u32 s7, s11;
	v33 =	vadd.f32 $-3.955445530e+00, v15;
	v52 =	vld [tilespmem:s23+$0x0];
	v63 =	vmul.f32 v31, v26;
	v1 =	vsub.f32 v1, v24  }
0x26e: {  	v54 =	vld [tilespmem:s24+$0x0];
	v31 =	vadd.f32 $-3.965346570e+00, v58;
	v55 =	vmul.f32 v53, v2;
	vm3 =	vlt.f32 v18, v4  }
0x26f: {  	v6 =	vld [tilespmem:$0x1FF40];
	vm6 =	vlt.f32 v25, v4;
	vm7 =	vlt.f32 v27, v4;
	v1 =	vmul.f32 v1, v63  }
0x270: {  	vm10 =	vlt.f32 v33, v4;
	vm11 =	vlt.f32 v31, v4;
	v24 =	vsel vm6, v57, v23  }
0x271: {  	v23 =	vsel vm3, v57, v23;
	v24 =	vsel vm7, v62, v24;
	v1 =	vadd.f32 v1, v55  }
0x272: {  	v34 =	vsel vm6, v62, v23;
	v23 =	vmul.f32 v3, v17;
	v3 =	vsel vm11, v52, v24  }
0x273: {  	(erf) = vrcp.f32 v1;
	v1 =	vsel vm10, v54, v3;
	v3 =	vadd.f32 v28, v21  }
0x274: {  	s25 =	sor.u32 s7, s15;
	v48 =	vmax.f32 v6, $0.0e+00;
	v6 =	vld [tilespmem:$0x1FF50];
	v58 =	vmul.f32 v12, v45;
	v0 =	vmul.f32 v0, v20  }
0x275: {  	s7 =	sor.u32 s7, s8;
	vm0 =	vmand vm0, vm4;
	v20 =	vmul.f32 v12, v28;
	v3 =	vmul.f32 v12, v3;
	v12 =	vld [tilespmem:s25+$0x0]  }
0x276: {  	vm0 =	vmand vm1, vm0;
	v62 =	vld [tilespmem:s7+$0x0]  }
0x277: {  	v5 =	vnsel vm1, $0xC0800000, v5;
	v32 =	vadd.f32 $-3.945544480e+00, v20;
	v28 =	vadd.f32 $-3.935643670e+00, v3  }
0x278: {  	vm4 =	vmand vm1, vm2;
	v7 =	vsel vm5, $0x40800000, v47;
	v3 =	vmul.f32 v26, v26  }
0x279: {  	v0 =	vmul.f32 v0, v63;
	vm9 =	vlt.f32 v32, v4;
	vm1 =	vlt.f32 v28, v4  }
0x27a: {  	v3 =	vmul.f32 v3, v2;
	v1 =	vsel vm9, v12, v1;
	vm5 =	vmneg vm1  }
0x27b: {  	v50 =	vmax.f32 v6, $0.0e+00;
	v6 =	vsub.f32 v11, v10;
	v1 =	vsel vm5, v1, v62  }
0x27c: {  	v0 =	vadd.f32 v0, v3;
	v3 =	vand.u32 $0x7FFFFFFF, v1  }
0x27d: {  	[tilespmem:$0x1FF60] =	vst v7;
	v7 =	vsub.f32 v5, v7;
	v5 =	vmul.f32 v6, v10;
	v3 =	vsub.f32 $0.0e+00, v3  }
0x27e: {  	v57 =	vsel vm7, v52, v34;
	v0 =	vmul.f32 v0, v2;
	v2 =	vmul.f32 v11, v11  }
0x27f: {  	v8 =	vsel vm11, v54, v57;
	v3 =	vmul.f32 $1.442695020e+00, v3  }
0x280: {  	v63 =	vmul.f32 v10, v10;
	v8 =	vsel vm10, v12, v8;
	v2 =	vmul.f32 v2, v7  }
0x281: {  	[tilespmem:$0x1FF80] =	vst v5;
	v39 =	vsel vm9, v62, v8;
	v5 =	vpop (erf);
	(erf) = vpow2.f32 v3;
	v3 =	vadd.f32 v7, v7  }
0x282: {  	v0 =	vmul.f32 v5, v0;
	v5 =	vand.u32 $0x7FFFFFFF, v39;
	[tilespmem:$0x1FFA0] =	vst v2  }
0x283: {  	v2 =	vmul.f32 v63, v7;
	[tilespmem:$0x1FF90] =	vst v3;
	v3 =	vsub.f32 $0.0e+00, v5;
	_ =	sdelay $0x1  }
0x284: {  	[tilespmem:$0x1FFC0] =	vst v2;
	v2 =	vmul.f32 $1.442695020e+00, v3;
	v3 =	vld [tilespmem:$0x1FFD0];
	_ =	sdelay $0x2  }
0x285: {  	[tilespmem:$0x1FF70] =	vst v11  }
0x286: {  	[tilespmem:$0x1FFB0] =	vst v7  }
0x287: {  	[tilespmem:s28+$0x3200] =	vst v3  }
0x288: {  	v5 =	vld [tilespmem:$0x1FFE0];
	_ =	sdelay $0x4  }
0x289: {  	[tilespmem:s29+$0x3200] =	vst v5  }
0x28a: {  	v14 =	vadd.f32 v14, v36;
	(erf) = vpow2.f32 v2;
	v2 =	vld [tilespmem:$0x1FFF0]  }
0x28b: {  	vm0 =	vmmov vm0;
	vm2 =	vgt.f32 v4, $4.000000000e+00;
	v24 =	vadd.f32 v9, v56  }
0x28c: {  	v49 =	vsel vm2, $0x471C4000, v60;
	v34 =	vadd.f32 $2.000000000e+00, v46;
	v26 =	vadd.f32 $-3.925742630e+00, v58  }
0x28d: {  	v9 =	vadd.f32 v24, v29;
	v29 =	vadd.f32 v56, v13;
	v3 =	vmul.f32 v22, v35  }
0x28e: {  	vm8 =	vlt.f32 v26, v4;
	vm1 =	vgt.f32 v4, $-4.000000000e+00;
	v5 =	vmul.f32 v22, v37  }
0x28f: {  	s16 =	simm.s32 $0x400;
	vm8 =	vmneg vm8;
	v41 =	vsel vm1, $0xC0800000, v59;
	v21 =	vadd.f32 $-3.995049480e+00, v3;
	[tilespmem:s2+$0x3200] =	vst v2;
	s2 =	simm.s32 $0x3200  }
0x290: {  	s7 =	simm.s32 $0x6;
	s28 =	sshll.u32 s26, $0xA;
	v3 =	vmul.f32 v22, v9;
	s29 =	simm.s32 $0x80;
	v5 =	vadd.f32 $-3.925742630e+00, v5;
	v2 =	vmul.f32 v22, v36;
	[tilespmem:s2+$0x0] =	vst v44  }
.LBB2_3:
0x291: {  	_ = 	snop  }
0x292: {  	s8 =	sand.u32 $0x60, s29;
	s10 =	sand.u32 $0xC00, s16;
	s9 =	sor.u32 s16, s29;
	v0 =	vadd.f32 v0, v30  }
0x293: {  	s14 =	sor.u32 $0x200, s10;
	s17 =	sor.u32 $0x380, s9;
	s9 =	sor.u32 $0x10, s8  }
0x294: {  	v9 =	vmul.f32 v22, v24;
	v10 =	vmul.f32 v22, v56;
	v17 =	vld [tilespmem:s17+$0x200];
	s20 =	sor.u32 s9, s14;
	[tilespmem:s0+$0x3200] =	vst v0  }
0x295: {  	v20 =	vmul.f32 v22, v29;
	v34 =	vmul.f32 v34, v19;
	v0 =	vld [tilespmem:s20+$0x80]  }
0x296: {  	v1 =	vmax.f32 v1, $0.0e+00;
	v24 =	vadd.f32 $-3.985148430e+00, v2;
	v2 =	vadd.f32 $-3.935643670e+00, v3;
	v36 =	vld [tilespmem:s20+$0x100]  }
0x297: {  	v29 =	vsel vm8, v5, v49;
	v8 =	vmul.f32 v22, v14;
	v22 =	vsel vm8, v26, v49;
	v37 =	vld [tilespmem:s20+$0x200]  }
0x298: {  	v30 =	vsel vm3, v18, v41;
	s24 =	sor.u32 $0x1280, s10;
	s18 =	sor.u32 $0x1300, s10;
	s22 =	sor.u32 $0x1380, s10;
	v59 =	vsel vm5, v28, v22;
	v22 =	vsel vm5, v2, v29;
	v29 =	vld [tilespmem:s20+$0x180]  }
0x299: {  	v35 =	vsel vm3, v21, v41;
	v3 =	vadd.f32 $-3.945544480e+00, v9;
	v10 =	vadd.f32 $-3.965346570e+00, v10;
	s25 =	sor.u32 s9, s18;
	v60 =	vld [tilespmem:s20+$0x280]  }
0x29a: {  	s13 =	sor.u32 s8, s14;
	v30 =	vsel vm6, v25, v30;
	v38 =	vadd.f32 $-3.955445530e+00, v20;
	s14 =	sor.u32 s9, s24;
	s17 =	sor.u32 s8, s18;
	v44 =	vld [tilespmem:s25+$0x0];
	v40 =	vmul.f32 $1.442695020e+00, v17  }
0x29b: {  	s18 =	sor.u32 s8, s22;
	s1 =	sor.u32 s9, s22;
	s22 =	sadd.s32 $0x1480, s10;
	v35 =	vsel vm6, v24, v35;
	v43 =	vld [tilespmem:s14+$0x0];
	v17 =	vpop (erf);
	v42 =	vmul.f32 $1.442695020e+00, v0;
	v36 =	vmul.f32 $1.442695020e+00, v36  }
0x29c: {  	s0 =	sor.u32 s8, s24;
	v30 =	vsel vm7, v27, v30;
	s24 =	sadd.s32 $0x1400, s10;
	s11 =	sor.u32 s9, s22;
	v62 =	vld [tilespmem:s1+$0x0];
	v20 =	vpop (erf);
	(erf) = vpow2.f32 v40;
	v37 =	vmul.f32 $1.442695020e+00, v37  }
0x29d: {  	s3 =	sor.u32 s9, s24;
	v49 =	vmax.f32 v39, $0.0e+00;
	v52 =	vld [tilespmem:s11+$0x0];
	v29 =	vmul.f32 $1.442695020e+00, v29;
	(erf) = vpow2.f32 v42  }
0x29e: {  	s31 =	sadd.s32 $0x1, s31;
	s25 =	sadd.s32 $0x1500, s10;
	v30 =	vsel vm11, v31, v30;
	v63 =	vld [tilespmem:s3+$0x0];
	v51 =	vmul.f32 $1.442695020e+00, v60;
	(erf) = vpow2.f32 v36  }
0x29f: {  	s12 =	sand.u32 $0x3, s31;
	s15 =	sadd.s32 $0x1580, s10;
	v56 =	vld [tilespmem:s20+$0x0];
	v58 =	vadd.f32 v23, v48;
	s1 =	sor.u32 s9, s25;
	v54 =	vmul.f32 $1.442695020e+00, v44;
	(erf) = vpow2.f32 v29  }
0x2a0: {  	s12 =	sshll.u32 s12, $0x5;
	s3 =	sor.u32 s9, s15;
	v8 =	vadd.f32 $-3.975247620e+00, v8;
	v53 =	vld [tilespmem:s1+$0x0];
	v29 =	vmul.f32 $1.442695020e+00, v43;
	(erf) = vpow2.f32 v37  }
0x2a1: {  	v7 =	vmovc v1;
	s12 =	sadd.s32 s12, s16;
	s11 =	sor.u32 $0x1200, s10;
	v9 =	vsel vm9, v59, v32;
	v55 =	vld [tilespmem:s3+$0x0];
	v40 =	vmul.f32 $1.442695020e+00, v62;
	(erf) = vpow2.f32 v51  }
0x2a2: {  	[tilespmem:$0x1FEE0] =	vst v7;
	v22 =	vsel vm9, v22, v3;
	s1 =	sadd.s32 $0x10, s12;
	s3 =	sor.u32 s9, s11;
	v7 =	vmul.f32 $1.442695020e+00, v52;
	(erf) = vpow2.f32 v29  }
0x2a3: {  	s14 =	sor.u32 s8, s11;
	v9 =	vsel vm10, v9, v33;
	s11 =	sor.u32 $0x300, s1;
	v57 =	vld [tilespmem:s3+$0x0];
	v42 =	vmul.f32 $1.442695020e+00, v63;
	(erf) = vpow2.f32 v54  }
0x2a4: {  	v6 =	vmovc v49;
	v22 =	vsel vm10, v22, v38;
	s1 =	sor.u32 $0x380, s1;
	v23 =	vld [tilespmem:s11+$0x200];
	v39 =	vmul.f32 $1.442695020e+00, v56;
	(erf) = vpow2.f32 v40  }
0x2a5: {  	[tilespmem:$0x1FED0] =	vst v6;
	v35 =	vsel vm7, v8, v35;
	v59 =	vld [tilespmem:s1+$0x200];
	v6 =	vmul.f32 $1.442695020e+00, v53;
	v41 =	vpop (erf);
	(erf) = vpow2.f32 v42  }
0x2a6: {  	v9 =	vsel vm11, v9, v31;
	v31 =	vld [tilespmem:s13+$0x0];
	v60 =	vmul.f32 $1.442695020e+00, v55;
	v43 =	vpop (erf);
	(erf) = vpow2.f32 v7  }
0x2a7: {  	s12 =	sor.u32 $0x300, s12;
	v29 =	vsel vm11, v10, v35;
	v10 =	vsel vm11, v22, v10;
	v22 =	vld [tilespmem:s14+$0x0];
	v1 =	vpop (erf);
	(erf) = vpow2.f32 v6  }
0x2a8: {  	v62 =	vld [tilespmem:s12+$0x200];
	v6 =	vmul.f32 $1.442695020e+00, v57;
	v63 =	vpop (erf);
	(erf) = vpow2.f32 v60  }
0x2a9: {  	v34 =	vadd.f32 v34, v50;
	v48 =	vld [tilespmem:s13+$0x80];
	v49 =	vmul.f32 $1.442695020e+00, v23;
	(erf) = vpow2.f32 v39;
	v23 =	vpop (erf)  }
0x2aa: {  	v50 =	vld [tilespmem:s13+$0x100];
	v30 =	vsel vm10, v33, v30;
	v7 =	vmul.f32 $1.442695020e+00, v59;
	v51 =	vpop (erf);
	(erf) = vpow2.f32 v6  }
0x2ab: {  	v9 =	vsel vm7, v9, v27;
	v6 =	vmul.f32 $1.442695020e+00, v31;
	v31 =	vld [tilespmem:s13+$0x180];
	(erf) = vpow2.f32 v49;
	v35 =	vpop (erf)  }
0x2ac: {  	v52 =	vsel vm9, v32, v30;
	v22 =	vmul.f32 $1.442695020e+00, v22;
	(erf) = vpow2.f32 v7;
	v27 =	vpop (erf)  }
0x2ad: {  	v29 =	vsel vm10, v38, v29;
	v7 =	vmul.f32 $1.442695020e+00, v62;
	(erf) = vpow2.f32 v6;
	v54 =	vpop (erf)  }
0x2ae: {  	v55 =	vmul.f32 $1.442695020e+00, v48;
	v3 =	vsel vm9, v3, v29;
	v29 =	vld [tilespmem:s13+$0x280];
	(erf) = vpow2.f32 v22;
	v30 =	vpop (erf)  }
0x2af: {  	v44 =	vadd.f32 $1.000000050e-03, v58;
	v6 =	vmul.f32 $1.442695020e+00, v50;
	(erf) = vpow2.f32 v7;
	v58 =	vpop (erf)  }
0x2b0: {  	v7 =	vmul.f32 $1.442695020e+00, v31;
	(erf) = vpow2.f32 v55;
	v31 =	vpop (erf)  }
0x2b1: {  	vm12 =	vmmov vm4;
	(erf) = vpow2.f32 v6;
	v60 =	vpop (erf)  }
0x2b2: {  	v19 =	vadd.f32 $2.000000000e+00, v17;
	v9 =	vsel vm6, v9, v25;
	v53 =	vld [tilespmem:s13+$0x200];
	(erf) = vpow2.f32 v7;
	v25 =	vpop (erf)  }
0x2b3: {  	s25 =	sor.u32 s8, s25;
	v0 =	vadd.f32 $2.000000000e+00, v20;
	v46 =	vmul.f32 $1.442695020e+00, v29;
	v29 =	vmul.f32 $5.000000000e-01, v25;
	v62 =	vpop (erf)  }
0x2b4: {  	v8 =	vsel vm7, v10, v8;
	v3 =	vsel vm5, v3, v2;
	v2 =	vld [tilespmem:s25+$0x0];
	v48 =	vadd.f32 v51, v23;
	v50 =	vpop (erf)  }
0x2b5: {  	v45 =	vld [tilespmem:s18+$0x0];
	s15 =	sor.u32 s8, s15;
	v8 =	vsel vm6, v8, v24;
	v22 =	vadd.f32 $1.000000050e-03, v34;
	v38 =	vadd.f32 v43, v29;
	v43 =	vpop (erf)  }
0x2b6: {  	v10 =	vadd.f32 v54, v27;
	v25 =	vadd.f32 v63, v1;
	v63 =	vld [tilespmem:s15+$0x0];
	v32 =	vmul.f32 $5.000000000e-01, v62;
	v49 =	vpop (erf)  }
0x2b7: {  	v56 =	vld [tilespmem:s0+$0x0];
	v24 =	vmul.f32 $1.442695020e+00, v53;
	v37 =	vadd.f32 v58, v30;
	v11 =	vadd.f32 v60, v31;
	v53 =	vpop (erf)  }
0x2b8: {  	vm4 =	vmand vm3, vm8;
	v57 =	vld [tilespmem:s17+$0x0];
	v34 =	vadd.f32 v43, v50;
	v36 =	vadd.f32 v35, v32;
	v58 =	vpop (erf)  }
0x2b9: {  	s23 =	sor.u32 s8, s24;
	v60 =	vmul.f32 $1.442695020e+00, v2;
	v6 =	vadd.f32 v11, v37;
	v35 =	vadd.f32 v25, v38;
	v2 =	vpop (erf)  }
0x2ba: {  	v45 =	vmul.f32 $1.442695020e+00, v45;
	v59 =	vld [tilespmem:s23+$0x0];
	v55 =	vadd.f32 v34, v48;
	v42 =	vadd.f32 v10, v36;
	v25 =	vpop (erf)  }
0x2bb: {  	v28 =	vsel vm5, v52, v28;
	v62 =	vmul.f32 $1.442695020e+00, v63;
	v63 =	vpop (erf);
	(erf) = vpow2.f32 v24  }
0x2bc: {  	s24 =	sor.u32 s8, s22;
	v52 =	vmul.f32 $1.442695020e+00, v56;
	v40 =	vadd.f32 v55, v35;
	v33 =	vadd.f32 v6, v42  }
0x2bd: {  	v47 =	vld [tilespmem:s24+$0x0];
	v9 =	vsel vm3, v9, v18;
	v39 =	vmul.f32 $1.442695020e+00, v57;
	(erf) = vpow2.f32 v46  }
0x2be: {  	v51 =	vadd.f32 v40, v29;
	v24 =	vadd.f32 v33, v32;
	(erf) = vpow2.f32 v52  }
0x2bf: {  	v9 =	vnsel vm1, $0xC0800000, v9;
	v57 =	vmul.f32 $1.442695020e+00, v59;
	v49 =	vmul.f32 $5.000000000e-01, v49  }
0x2c0: {  	v8 =	vsel vm3, v8, v21;
	v11 =	vmul.f32 v24, v51;
	(erf) = vpow2.f32 v39  }
0x2c1: {  	v54 =	vadd.f32 v2, v49;
	v43 =	vadd.f32 v63, v25;
	(erf) = vpow2.f32 v45  }
0x2c2: {  	vm3 =	vmand vm1, vm4;
	v10 =	vmul.f32 $1.442695020e+00, v47;
	(erf) = vrcp.f32 v11  }
0x2c3: {  	vm4 =	vmand vm1, vm5;
	v55 =	vadd.f32 v43, v54;
	(erf) = vpow2.f32 v57  }
0x2c4: {  	v18 =	vsel vm8, v3, v5;
	v47 =	vmul.f32 v0, v19;
	(erf) = vpow2.f32 v10;
	v3 =	vpop (erf)  }
0x2c5: {  	v0 =	vmul.f32 v0, v17;
	(erf) = vpow2.f32 v60;
	v2 =	vadd.f32 v55, v3  }
0x2c6: {  	v1 =	vadd.f32 v1, v38;
	v6 =	vmul.f32 $5.000000000e-01, v53;
	(erf) = vpow2.f32 v62;
	v5 =	vpop (erf)  }
0x2c7: {  	v19 =	vmul.f32 v19, v20;
	v34 =	vnsel vm0, $0x3F800000, v44;
	[tilespmem:$0x1FEC0] =	vst v2;
	v2 =	vadd.f32 v5, v3;
	v3 =	vpop (erf)  }
0x2c8: {  	v59 =	vadd.f32 v41, v58;
	v10 =	vnsel vm12, $0x3F800000, v22;
	v5 =	vadd.f32 v3, v6  }
0x2c9: {  	v17 =	vsel vm8, v28, v26;
	v23 =	vadd.f32 v35, v23;
	v10 =	vadd.f32 v10, v34;
	v53 =	vpop (erf)  }
0x2ca: {  	v3 =	vsel vm2, $0x40800000, v17;
	v17 =	vadd.f32 v59, v2;
	v20 =	vpop (erf);
	v7 =	vadd.f32 v53, v5  }
0x2cb: {  	(erf) = vrcp.f32 v47;
	v26 =	vadd.f32 v2, v55;
	v2 =	vld [tilespmem:$0x1FF70];
	v9 =	vsub.f32 v9, v3;
	v57 =	vpop (erf)  }
0x2cc: {  	v56 =	vadd.f32 v20, v53;
	v11 =	vpop (erf);
	[tilespmem:$0x1FEF0] =	vst v7;
	v7 =	vmul.f32 v16, v61;
	v16 =	vmul.f32 $7.920792100e+00, v57  }
0x2cd: {  	s18 =	sand.u32 $0x180, s29;
	vm0 =	vmmov vm3;
	v28 =	vadd.f32 v26, v58;
	v58 =	vadd.f32 v48, v35;
	v59 =	vpop (erf)  }
0x2ce: {  	s22 =	sor.u32 $0x2280, s10;
	s0 =	sor.u32 s18, s9;
	v21 =	vadd.f32 v17, v55;
	v56 =	vadd.f32 v56, v5;
	v13 =	vpop (erf);
	v62 =	vmul.f32 v16, v24  }
0x2cf: {  	s14 =	sor.u32 s9, s22;
	v41 =	vnsel vm1, $0xC0800000, v8;
	v39 =	vld [tilespmem:s0+$0x0];
	v43 =	vadd.f32 v59, v11;
	v60 =	vadd.f32 v58, v50;
	v24 =	vpop (erf)  }
0x2d0: {  	s17 =	sor.u32 $0x2200, s10;
	v45 =	vld [tilespmem:s14+$0x0];
	v22 =	vmul.f32 v34, v2;
	v61 =	vadd.f32 v24, v13;
	v63 =	vmul.f32 v62, v58  }
0x2d1: {  	s23 =	sor.u32 $0x2300, s10;
	s20 =	sor.u32 s9, s17;
	v20 =	vld [tilespmem:$0x1FF80];
	v24 =	vadd.f32 v43, v56;
	v23 =	vmul.f32 v62, v23;
	v44 =	vmul.f32 v62, v60  }
0x2d2: {  	s24 =	sor.u32 $0x2380, s10;
	s12 =	sor.u32 s9, s23;
	v48 =	vld [tilespmem:s20+$0x0];
	v38 =	vmul.f32 v62, v38;
	v29 =	vmul.f32 v62, v29;
	v43 =	vadd.f32 v61, v43  }
0x2d3: {  	s3 =	sor.u32 s9, s24;
	s1 =	sor.u32 s8, s22;
	s25 =	sadd.s32 $0x2400, s10;
	v1 =	vmul.f32 v62, v1;
	v59 =	vadd.f32 $-3.945544480e+00, v63;
	v57 =	vadd.f32 $-3.935643670e+00, v44;
	v44 =	vld [tilespmem:s12+$0x0]  }
0x2d4: {  	s22 =	sadd.s32 $0x2480, s10;
	s15 =	sor.u32 s8, s23;
	s23 =	sor.u32 s9, s25;
	v14 =	vpop (erf);
	v35 =	vmul.f32 v62, v35;
	v53 =	vadd.f32 $-3.985148430e+00, v38;
	v38 =	vld [tilespmem:s3+$0x0];
	v52 =	vadd.f32 $-3.995049480e+00, v29  }
0x2d5: {  	s11 =	sor.u32 s8, s25;
	s10 =	sadd.s32 $0x2500, s10;
	s25 =	sor.u32 s9, s22;
	v60 =	vadd.f32 $-3.955445530e+00, v23;
	v58 =	vadd.f32 $-3.975247620e+00, v1;
	v1 =	vld [tilespmem:s23+$0x0];
	v23 =	vmul.f32 v14, v0  }
0x2d6: {  	s9 =	sor.u32 s9, s10;
	v61 =	vadd.f32 $-3.965346570e+00, v35;
	v0 =	vld [tilespmem:s25+$0x0];
	vm5 =	vlt.f32 v53, v39;
	vm3 =	vlt.f32 v52, v39  }
0x2d7: {  	v29 =	vld [tilespmem:s9+$0x0];
	vm6 =	vlt.f32 v58, v39;
	v50 =	vsel vm5, v45, v48;
	v45 =	vsel vm3, v45, v48  }
0x2d8: {  	vm8 =	vlt.f32 v61, v39;
	v35 =	vsel vm6, v44, v50;
	v44 =	vsel vm5, v44, v45  }
0x2d9: {  	vm9 =	vlt.f32 v60, v39;
	v35 =	vsel vm8, v38, v35;
	v38 =	vsel vm6, v38, v44  }
0x2da: {  	vm7 =	vlt.f32 v59, v39;
	v35 =	vsel vm9, v1, v35;
	v1 =	vsel vm8, v1, v38  }
0x2db: {  	vm1 =	vlt.f32 v57, v39;
	v63 =	vsel vm7, v0, v35;
	v0 =	vsel vm9, v0, v1  }
0x2dc: {  	v8 =	vmul.f32 v22, v20;
	vm10 =	vmneg vm1;
	v0 =	vsel vm7, v29, v0  }
0x2dd: {  	v22 =	vadd.f32 v21, v49;
	v63 =	vsel vm10, v63, v29;
	v29 =	vand.u32 $0x7FFFFFFF, v0  }
0x2de: {  	v12 =	vmul.f32 v23, v23;
	v1 =	vand.u32 $0x7FFFFFFF, v63;
	v15 =	vsub.f32 $0.0e+00, v29  }
0x2df: {  	v10 =	vmul.f32 v10, v2;
	v35 =	vadd.f32 v43, v56;
	v1 =	vsub.f32 $0.0e+00, v1  }
0x2e0: {  	v29 =	vadd.f32 v56, v11;
	v11 =	vmul.f32 $1.442695020e+00, v15;
	v15 =	vmul.f32 $2.222222240e-01, v12  }
0x2e1: {  	v2 =	vmovc v9;
	v17 =	vmul.f32 v14, v19;
	v14 =	vadd.f32 v35, v6;
	v1 =	vmul.f32 $1.442695020e+00, v1  }
0x2e2: {  	v3 =	vsub.f32 v4, v3;
	v9 =	vmul.f32 v9, v2;
	v34 =	vadd.f32 $2.857142980e-01, v15  }
0x2e3: {  	v18 =	vsel vm2, $0x40800000, v18;
	[tilespmem:$0x1FF00] =	vst v6;
	v6 =	vmul.f32 v14, v22;
	(erf) = vpow2.f32 v1  }
0x2e4: {  	[tilespmem:$0x1FF70] =	vst v2;
	(erf) = vpow2.f32 v11;
	v11 =	vmul.f32 v34, v12;
	v34 =	vsub.f32 v2, v3;
	v2 =	vld [tilespmem:$0x1FF90]  }
0x2e5: {  	(erf) = vrcp.f32 v6;
	v6 =	vsub.f32 v41, v18;
	_ =	sdelay $0x1  }
0x2e6: {  	v15 =	vadd.f32 v6, v6;
	_ =	sdelay $0x1  }
0x2e7: {  	v10 =	vsub.f32 v10, v2;
	v2 =	vmov v15  }
0x2e8: {  	[tilespmem:$0x1FF90] =	vst v2;
	v2 =	vld [tilespmem:$0x1FFC0];
	_ =	sdelay $0x1  }
0x2e9: {  	v38 =	vmul.f32 v17, v17;
	_ =	sdelay $0x1  }
0x2ea: {  	v1 =	vmul.f32 $2.222222240e-01, v38  }
0x2eb: {  	v8 =	vadd.f32 v8, v2;
	v2 =	vld [tilespmem:$0x1FF60]  }
0x2ec: {  	s14 =	sor.u32 s8, s24;
	v1 =	vadd.f32 $2.857142980e-01, v1  }
0x2ed: {  	s13 =	sor.u32 s8, s17;
	v46 =	vld [tilespmem:s14+$0x0];
	v11 =	vadd.f32 $4.000000060e-01, v11  }
0x2ee: {  	s30 =	sadd.s32 $0x20, s30;
	v47 =	vld [tilespmem:s13+$0x0];
	v1 =	vmul.f32 v1, v38  }
0x2ef: {  	v4 =	vld [tilespmem:s30+$0x0];
	v41 =	vmul.f32 v3, v3;
	v19 =	vmul.f32 v11, v12  }
0x2f0: {  	v1 =	vadd.f32 $4.000000060e-01, v1;
	v15 =	vld [tilespmem:$0x1FF10];
	v2 =	vmov v2  }
0x2f1: {  	v48 =	vld [tilespmem:s15+$0x0];
	v3 =	vmul.f32 v34, v3;
	v34 =	vadd.f32 $6.666666860e-01, v19;
	[tilespmem:$0x1FF10] =	vst v2;
	v2 =	vmul.f32 v41, v6  }
0x2f2: {  	v1 =	vmul.f32 v1, v38;
	v41 =	vld [tilespmem:$0x1FFA0]  }
0x2f3: {  	v25 =	vadd.f32 v25, v54;
	v12 =	vmul.f32 v34, v12;
	[tilespmem:$0x1FFC0] =	vst v2;
	v2 =	vld [tilespmem:$0x1FFB0]  }
0x2f4: {  	vm11 =	vgt.f32 v39, $-4.000000000e+00;
	vm12 =	vgt.f32 v39, $4.000000000e+00;
	v50 =	vld [tilespmem:s1+$0x0];
	v1 =	vadd.f32 $6.666666860e-01, v1  }
0x2f5: {  	s24 =	sor.u32 s8, s22;
	vm2 =	vgt.f32 v4, $4.000000000e+00;
	v45 =	vld [tilespmem:s11+$0x0];
	v15 =	vadd.f32 v7, v15;
	v7 =	vpop (erf);
	v12 =	vadd.f32 $2.000000000e+00, v12  }
0x2f6: {  	s2 =	sadd.s32 $0x20, s2;
	s8 =	sor.u32 s8, s10;
	v13 =	vadd.f32 v24, v13;
	v44 =	vld [tilespmem:s24+$0x0];
	v9 =	vmul.f32 v9, v6;
	v10 =	vmul.f32 v10, v20;
	v11 =	vpop (erf)  }
0x2f7: {  	v43 =	vld [tilespmem:s8+$0x0];
	v38 =	vmul.f32 v1, v38;
	[tilespmem:s2+$0x0] =	vst v15;
	v15 =	vadd.f32 $2.000000000e+00, v11;
	v23 =	vmul.f32 v12, v23  }
0x2f8: {  	v19 =	vadd.f32 v10, v41;
	v10 =	vadd.f32 $2.000000000e+00, v7;
	v2 =	vmul.f32 v8, v2;
	v8 =	vpop (erf)  }
0x2f9: {  	v0 =	vmax.f32 v0, $0.0e+00;
	v20 =	vmovc v18;
	v7 =	vmul.f32 v15, v7;
	v34 =	vmul.f32 $7.920792100e+00, v8  }
0x2fa: {  	v18 =	vmovc v6;
	v1 =	vmovc v3;
	v12 =	vadd.f32 v27, v36;
	v6 =	vmul.f32 v15, v10;
	(erf) = vrcp.f32 v19  }
0x2fb: {  	v27 =	vadd.f32 v37, v42;
	[tilespmem:$0x1FF80] =	vst v1;
	v10 =	vmul.f32 v10, v11;
	v1 =	vmul.f32 v34, v14  }
0x2fc: {  	v19 =	vimm.f32 $-4.000000000e+04;
	(erf) = vrcp.f32 v6;
	v22 =	vmul.f32 v34, v22  }
0x2fd: {  	v37 =	vsel vm11, $0xC0800000, v19;
	v14 =	vmul.f32 v16, v51;
	v6 =	vmul.f32 v1, v49  }
0x2fe: {  	v41 =	vmovc v9;
	v16 =	vadd.f32 v42, v30;
	v8 =	vmul.f32 v1, v54;
	v9 =	vmul.f32 v1, v25  }
0x2ff: {  	v34 =	vadd.f32 $2.000000000e+00, v38;
	v3 =	vmul.f32 v1, v55;
	v12 =	vmul.f32 v14, v12  }
0x300: {  	v30 =	vadd.f32 v27, v31;
	v31 =	vmul.f32 v14, v16;
	v36 =	vmul.f32 v14, v36  }
0x301: {  	v54 =	vimm.f32 $4.000000000e+00;
	v27 =	vmul.f32 v14, v27;
	v32 =	vmul.f32 v14, v32  }
0x302: {  	v30 =	vmul.f32 v14, v30;
	v55 =	vmul.f32 v62, v40;
	v49 =	vsel vm2, $0x471C4000, v54  }
0x303: {  	[tilespmem:$0x1FFB0] =	vst v18;
	v38 =	vsel vm12, $0x471C4000, v54;
	v18 =	vadd.f32 $-3.995049480e+00, v6;
	v12 =	vadd.f32 $-3.975247620e+00, v12  }
0x304: {  	v6 =	vmul.f32 v14, v42;
	v15 =	vadd.f32 $-3.955445530e+00, v31;
	v27 =	vadd.f32 $-3.945544480e+00, v27;
	v16 =	vpop (erf)  }
0x305: {  	v30 =	vadd.f32 $-3.935643670e+00, v30;
	v14 =	vmul.f32 v14, v33;
	v11 =	vadd.f32 $-3.925742630e+00, v55;
	v31 =	vpop (erf)  }
0x306: {  	v55 =	vsel vm3, v52, v37;
	v7 =	vmul.f32 v31, v7;
	v10 =	vmul.f32 v31, v10  }
0x307: {  	v32 =	vadd.f32 $-3.995049480e+00, v32;
	v25 =	vadd.f32 $-3.985148430e+00, v8;
	v51 =	vsel vm5, v53, v55  }
0x308: {  	v31 =	vadd.f32 $-3.985148430e+00, v36;
	v33 =	vmul.f32 v7, v7;
	v36 =	vmul.f32 v10, v10  }
0x309: {  	v55 =	vmul.f32 v1, v28;
	v6 =	vadd.f32 $-3.965346570e+00, v6;
	v14 =	vadd.f32 $-3.925742630e+00, v14  }
0x30a: {  	vm13 =	vlt.f32 v11, v39;
	v62 =	vmul.f32 $2.222222240e-01, v33;
	v54 =	vmul.f32 $2.222222240e-01, v36  }
0x30b: {  	v37 =	vsel vm3, v32, v37;
	v51 =	vsel vm6, v58, v51;
	vm14 =	vmneg vm13  }
0x30c: {  	v51 =	vsel vm8, v61, v51;
	v40 =	vadd.f32 $2.857142980e-01, v62;
	v42 =	vadd.f32 $2.857142980e-01, v54  }
0x30d: {  	vm13 =	vmand vm11, vm10;
	vm15 =	vmand vm3, vm14;
	v51 =	vsel vm9, v60, v51  }
0x30e: {  	v37 =	vsel vm5, v31, v37;
	v40 =	vmul.f32 v40, v33;
	v42 =	vmul.f32 v42, v36  }
0x30f: {  	vm15 =	vmand vm11, vm15;
	v51 =	vsel vm7, v59, v51;
	v37 =	vsel vm6, v12, v37  }
0x310: {  	v37 =	vsel vm8, v6, v37;
	v40 =	vadd.f32 $4.000000060e-01, v40;
	v42 =	vadd.f32 $4.000000060e-01, v42  }
0x311: {  	v37 =	vsel vm9, v15, v37;
	v62 =	vsel vm14, v11, v38;
	v38 =	vsel vm14, v14, v38  }
0x312: {  	v54 =	vsel vm10, v57, v62;
	v40 =	vmul.f32 v40, v33;
	v42 =	vmul.f32 v42, v36  }
0x313: {  	v38 =	vsel vm10, v30, v38;
	v57 =	vsel vm10, v51, v57;
	v54 =	vsel vm7, v54, v59  }
0x314: {  	v38 =	vsel vm7, v38, v27;
	v40 =	vadd.f32 $6.666666860e-01, v40;
	v42 =	vadd.f32 $6.666666860e-01, v42  }
0x315: {  	v27 =	vsel vm7, v27, v37;
	v11 =	vsel vm14, v57, v11;
	v54 =	vsel vm9, v54, v60  }
0x316: {  	v15 =	vsel vm9, v38, v15;
	v33 =	vmul.f32 v40, v33;
	v36 =	vmul.f32 v42, v36  }
0x317: {  	v59 =	vsel vm8, v54, v61;
	v6 =	vsel vm8, v15, v6;
	v15 =	vsel vm10, v27, v30  }
0x318: {  	v6 =	vsel vm6, v6, v12;
	v27 =	vadd.f32 $2.000000000e+00, v33;
	v30 =	vadd.f32 $2.000000000e+00, v36  }
0x319: {  	v12 =	vmax.f32 v63, $0.0e+00;
	v14 =	vsel vm14, v15, v14;
	v6 =	vsel vm5, v6, v31  }
0x31a: {  	v6 =	vsel vm3, v6, v32;
	v7 =	vmul.f32 v27, v7;
	v10 =	vmul.f32 v30, v10  }
0x31b: {  	v31 =	vadd.f32 $-3.965346570e+00, v3;
	v3 =	vmul.f32 v1, v26;
	v6 =	vnsel vm11, $0xC0800000, v6  }
0x31c: {  	v40 =	vsel vm6, v59, v58;
	v7 =	vadd.f32 v7, v12;
	v0 =	vadd.f32 v10, v0  }
0x31d: {  	v32 =	vadd.f32 $-3.945544480e+00, v3;
	v27 =	vsel vm5, v40, v53;
	v30 =	vsel vm12, $0x40800000, v14  }
0x31e: {  	v51 =	vsel vm3, v27, v52;
	v7 =	vadd.f32 $1.000000050e-03, v7;
	v0 =	vadd.f32 $1.000000050e-03, v0  }
0x31f: {  	v42 =	vsel vm12, $0x40800000, v11;
	v6 =	vsub.f32 v6, v30;
	v11 =	vnsel vm11, $0xC0800000, v51  }
0x320: {  	v12 =	vsub.f32 v39, v42;
	v7 =	vnsel vm15, $0x3F800000, v7;
	v0 =	vnsel vm13, $0x3F800000, v0  }
0x321: {  	vm1 =	vgt.f32 v4, $-4.000000000e+00;
	v61 =	vmovc v2;
	v2 =	vld [tilespmem:$0x1FEC0];
	v10 =	vsub.f32 v11, v42;
	v0 =	vadd.f32 v0, v7  }
0x322: {  	v28 =	vadd.f32 $-3.935643670e+00, v55;
	vm6 =	vlt.f32 v25, v4;
	vm9 =	vlt.f32 v32, v4  }
0x323: {  	v54 =	vadd.f32 v6, v6;
	v53 =	vsub.f32 v10, v12;
	v0 =	vmul.f32 v0, v10  }
0x324: {  	v59 =	vmul.f32 v1, v21;
	v15 =	vsel vm6, v50, v47;
	vm5 =	vlt.f32 v28, v4  }
0x325: {  	v14 =	vmul.f32 v10, v10;
	v8 =	vmul.f32 v53, v12;
	v0 =	vsub.f32 v0, v54  }
0x326: {  	v52 =	vmul.f32 v1, v2;
	v27 =	vadd.f32 $-3.975247620e+00, v9;
	vm3 =	vlt.f32 v18, v4  }
0x327: {  	vm5 =	vmneg vm5;
	v14 =	vmul.f32 v14, v6;
	v0 =	vmul.f32 v0, v8  }
0x328: {  	v26 =	vsel vm3, v50, v47;
	vm11 =	vlt.f32 v31, v4;
	vm7 =	vlt.f32 v27, v4  }
0x329: {  	v2 =	vld [tilespmem:$0x1FF00];
	v33 =	vadd.f32 $-3.955445530e+00, v52;
	v57 =	vsel vm7, v48, v15;
	v0 =	vadd.f32 v0, v14  }
0x32a: {  	v15 =	vsel vm6, v48, v26;
	v26 =	vadd.f32 $-3.925742630e+00, v59;
	v3 =	vsel vm11, v46, v57  }
0x32b: {  	v58 =	vsel vm7, v46, v15;
	vm10 =	vlt.f32 v33, v4;
	(erf) = vrcp.f32 v0  }
0x32c: {  	v9 =	vsel vm11, v45, v58;
	v7 =	vmul.f32 v7, v10;
	v0 =	vsel vm10, v45, v3  }
0x32d: {  	v9 =	vsel vm10, v44, v9;
	v3 =	vmul.f32 v12, v12;
	v0 =	vsel vm9, v44, v0  }
0x32e: {  	v2 =	vmul.f32 v22, v2;
	v39 =	vsel vm9, v43, v9;
	v1 =	vsel vm5, v0, v43  }
0x32f: {  	s7 =	sadd.s32 $0x2, s7;
	v0 =	vmul.f32 v3, v6;
	v3 =	vmul.f32 v7, v8;
	v7 =	vand.u32 $0x7FFFFFFF, v1  }
0x330: {  	p1 =	slt.u32 s7, $0x1E;
	v21 =	vadd.f32 $-3.995049480e+00, v2;
	v60 =	vand.u32 $0x7FFFFFFF, v39;
	v7 =	vsub.f32 $0.0e+00, v7  }
.Ltmp2:
0x331: {  	v2 =	vmul.f32 v22, v5;
	v62 =	vsub.f32 $0.0e+00, v60;
	v0 =	vadd.f32 v3, v0;
	(pc) =	sbr.rel @p1 .LBB2_3-.Ltmp2, $4  }
0x332: {  	[tilespmem:$0x1FFA0] =	vst v41;
	v41 =	vsel vm1, $0xC0800000, v19;
	v3 =	vmul.f32 v22, v35;
	v7 =	vmul.f32 $1.442695020e+00, v7  }
0x333: {  	v50 =	vld [tilespmem:$0x1FED0];
	vm8 =	vlt.f32 v26, v4;
	v0 =	vmul.f32 v0, v6;
	v6 =	vmul.f32 $1.442695020e+00, v62  }
0x334: {  	v48 =	vld [tilespmem:$0x1FEE0];
	v5 =	vadd.f32 $-3.925742630e+00, v3;
	v3 =	vmul.f32 v22, v13;
	v63 =	vpop (erf);
	(erf) = vpow2.f32 v7  }
0x335: {  	s16 =	sadd.s32 $0x100, s16;
	s29 =	sadd.s32 $0x20, s29;
	[tilespmem:$0x1FF60] =	vst v20;
	v19 =	vmovc v17;
	vm8 =	vmneg vm8;
	v14 =	vld [tilespmem:$0x1FEF0];
	v0 =	vmul.f32 v63, v0;
	(erf) = vpow2.f32 v6  }
0x336: {  	_ =	sdelay $0x6  }
0x337: {  	v6 =	vpop (erf)  }
0x338: {  	v7 =	vpop (erf)  }
0x339: {  	v8 =	vadd.f32 $2.000000000e+00, v6;
	v9 =	vadd.f32 $2.000000000e+00, v7;
	_ =	sdelay $0x1  }
0x33a: {  	v10 =	vmul.f32 v9, v8;
	_ =	sdelay $0x1  }
0x33b: {  	(erf) = vrcp.f32 v10;
	_ =	sdelay $0x4  }
0x33c: {  	v11 =	vmul.f32 v22, v24  }
0x33d: {  	vm4 =	vmmov vm4;
	v2 =	vadd.f32 $-3.985148430e+00, v2;
	v12 =	vmul.f32 v22, v56  }
0x33e: {  	v3 =	vadd.f32 $-3.935643670e+00, v3;
	v13 =	vmul.f32 v22, v29;
	v60 =	vsel vm8, v5, v49  }
0x33f: {  	v63 =	vsel vm3, v18, v41;
	v7 =	vmul.f32 v8, v7;
	v6 =	vmul.f32 v9, v6  }
0x340: {  	v17 =	vsel vm3, v21, v41;
	v19 =	vmul.f32 v34, v19;
	v1 =	vmax.f32 v1, $0.0e+00;
	v15 =	vpop (erf)  }
0x341: {  	v29 =	vmax.f32 v39, $0.0e+00;
	v6 =	vmul.f32 v15, v6;
	v7 =	vmul.f32 v15, v7  }
0x342: {  	v11 =	vadd.f32 $-3.945544480e+00, v11;
	v12 =	vadd.f32 $-3.965346570e+00, v12;
	v59 =	vmul.f32 v22, v14  }
0x343: {  	v14 =	vsel vm8, v26, v49;
	v15 =	vmul.f32 v6, v6;
	v20 =	vmul.f32 v7, v7  }
0x344: {  	v17 =	vsel vm6, v2, v17;
	v14 =	vsel vm5, v28, v14;
	v62 =	vadd.f32 $-3.975247620e+00, v59  }
0x345: {  	v14 =	vsel vm9, v14, v32;
	v22 =	vmul.f32 $2.222222240e-01, v15;
	v24 =	vmul.f32 $2.222222240e-01, v20  }
0x346: {  	v13 =	vadd.f32 $-3.955445530e+00, v13;
	v19 =	vadd.f32 v19, v50;
	v14 =	vsel vm10, v14, v33  }
0x347: {  	v17 =	vsel vm7, v62, v17;
	v22 =	vadd.f32 $2.857142980e-01, v22;
	v24 =	vadd.f32 $2.857142980e-01, v24  }
0x348: {  	v23 =	vadd.f32 v23, v48;
	v14 =	vsel vm11, v14, v31;
	v17 =	vsel vm11, v12, v17  }
0x349: {  	v8 =	vsel vm5, v3, v60;
	v22 =	vmul.f32 v22, v15;
	v24 =	vmul.f32 v24, v20  }
0x34a: {  	v14 =	vsel vm7, v14, v27;
	v8 =	vsel vm9, v8, v11;
	v10 =	vsel vm6, v25, v63  }
0x34b: {  	v8 =	vsel vm10, v8, v13;
	v22 =	vadd.f32 $4.000000060e-01, v22;
	v24 =	vadd.f32 $4.000000060e-01, v24  }
0x34c: {  	v14 =	vsel vm6, v14, v25;
	v10 =	vsel vm7, v27, v10;
	v8 =	vsel vm11, v8, v12  }
0x34d: {  	v12 =	vsel vm10, v13, v17;
	v13 =	vmul.f32 v22, v15;
	v17 =	vmul.f32 v24, v20  }
0x34e: {  	v38 =	vsel vm3, v14, v18;
	v10 =	vsel vm11, v31, v10;
	v8 =	vsel vm7, v8, v62  }
0x34f: {  	v34 =	vsel vm9, v11, v12;
	v35 =	vadd.f32 $6.666666860e-01, v13;
	v12 =	vadd.f32 $6.666666860e-01, v17  }
0x350: {  	v10 =	vsel vm10, v33, v10;
	v2 =	vsel vm6, v8, v2;
	v3 =	vsel vm5, v34, v3  }
0x351: {  	vm6 =	vmand vm3, vm8;
	v36 =	vmul.f32 v35, v15;
	v37 =	vmul.f32 v12, v20  }
0x352: {  	v33 =	vsel vm9, v32, v10;
	v2 =	vsel vm3, v2, v21;
	v3 =	vsel vm8, v3, v5  }
0x353: {  	vm3 =	vmand vm1, vm6;
	v8 =	vadd.f32 $2.000000000e+00, v36;
	v11 =	vadd.f32 $2.000000000e+00, v37  }
0x354: {  	v10 =	vnsel vm1, $0xC0800000, v38;
	v9 =	vsel vm5, v33, v28;
	vm5 =	vmand vm1, vm5  }
0x355: {  	v2 =	vnsel vm1, $0xC0800000, v2;
	v5 =	vmul.f32 v8, v6;
	v6 =	vmul.f32 v11, v7  }
0x356: {  	v3 =	vsel vm2, $0x40800000, v3;
	v13 =	vadd.f32 $1.000000050e-03, v23;
	v17 =	vadd.f32 $1.000000050e-03, v19  }
0x357: {  	v9 =	vsel vm8, v9, v26;
	v12 =	vld [tilespmem:$0x1FF70];
	v1 =	vadd.f32 v5, v1;
	v5 =	vadd.f32 v6, v29  }
0x358: {  	vm1 =	vmmov vm5;
	v2 =	vsub.f32 v2, v3;
	v39 =	vnsel vm4, $0x3F800000, v17  }
0x359: {  	v41 =	vld [tilespmem:$0x1FF90];
	v7 =	vnsel vm0, $0x3F800000, v13;
	v1 =	vadd.f32 $1.000000050e-03, v1;
	v5 =	vadd.f32 $1.000000050e-03, v5  }
0x35a: {  	vm0 =	vmmov vm3;
	v8 =	vadd.f32 v39, v7;
	v6 =	vsel vm2, $0x40800000, v9  }
0x35b: {  	v13 =	vld [tilespmem:$0x1FF80];
	v9 =	vsub.f32 v10, v6;
	v1 =	vnsel vm0, $0x3F800000, v1;
	v5 =	vnsel vm1, $0x3F800000, v5  }
0x35c: {  	v4 =	vsub.f32 v4, v6;
	v6 =	vmul.f32 v8, v12;
	v5 =	vadd.f32 v5, v1  }
0x35d: {  	v44 =	vld [tilespmem:$0x1FFA0];
	v40 =	vadd.f32 v2, v2  }
0x35e: {  	v10 =	vsub.f32 v9, v4;
	v6 =	vsub.f32 v6, v41;
	v5 =	vmul.f32 v5, v9  }
0x35f: {  	v42 =	vmul.f32 v9, v9  }
0x360: {  	v10 =	vmul.f32 v10, v4;
	v6 =	vmul.f32 v6, v13;
	v5 =	vsub.f32 v5, v40;
	_ =	sdelay $0x1  }
0x361: {  	v43 =	vmul.f32 v42, v2;
	v6 =	vadd.f32 v6, v44;
	v5 =	vmul.f32 v5, v10  }
0x362: {  	v4 =	vmul.f32 v4, v4;
	v1 =	vmul.f32 v1, v9  }
0x363: {  	(erf) = vrcp.f32 v6;
	v5 =	vadd.f32 v5, v43  }
0x364: {  	v4 =	vmul.f32 v4, v2;
	v1 =	vmul.f32 v1, v10;
	v6 =	vld [tilespmem:$0x1FFC0]  }
0x365: {  	(erf) = vrcp.f32 v5;
	v5 =	vmul.f32 v7, v12  }
0x366: {  	v1 =	vadd.f32 v1, v4;
	v4 =	vld [tilespmem:$0x1FFB0]  }
0x367: {  	v5 =	vmul.f32 v5, v13;
	_ =	sdelay $0x1  }
0x368: {  	v5 =	vadd.f32 v5, v6;
	_ =	sdelay $0x1  }
0x369: {  	v0 =	vadd.f32 v0, v30;
	v4 =	vmul.f32 v5, v4  }
0x36a: {  	v6 =	vpop (erf)  }
0x36b: {  	v1 =	vmul.f32 v1, v2;
	v2 =	vmul.f32 v6, v4;
	v6 =	vld [tilespmem:$0x1FF10];
	[tilespmem:s0+$0x3200] =	vst v0  }
0x36c: {  	v0 =	vld [tilespmem:$0x1FF60];
	_ =	sdelay $0x1  }
0x36d: {  	v5 =	vmul.f32 v16, v61  }
0x36e: {  	v4 =	vpop (erf)  }
0x36f: {  	v1 =	vmul.f32 v4, v1;
	v5 =	vadd.f32 v5, v6  }
0x370: {  	s20 =	sadd.s32 $0x20, s2;
	v0 =	vadd.f32 v2, v0  }
0x371: {  	s1 =	sor.u32 s6, s28;
	s0 =	sadd.s32 $0x20, s20;
	v1 =	vadd.f32 v1, v3;
	[tilespmem:s20+$0x0] =	vst v5  }
0x372: {  	s29 =	sshrl.u32 s1, $0x3;
	[tilespmem:s0+$0x0] =	vst v0;
	s0 =	sadd.s32 $0x20, s0  }
0x373: {  	s23 =	simm.s32 $0x3200;
	s22 =	sadd.s32 s4, s29;
	[tilespmem:s0+$0x0] =	vst v1  }
0x374: {  	[hbm4b:s22+s5] =	stream.linear.scatter [tilespmem:s23], [sflag:$0x3], $0x200, $0x38;
	[tilespmem:$0x6800] =	vst v63  }
0x375: {  	p1 =	seq.s32 s26, $0x3F;
	s0 =	rddreg [dreg:$0x8]  }
0x376: {  	s0 =	sadd.s32 @!p1 s28, s0  }
0x377: {  	s2 =	rddreg [dreg:$0x0];
	s1 =	sshrl.u32 @!p1 s0, $0x3  }
0x378: {  	s1 =	sadd.s32 @!p1 s2, s1;
	s2 =	simm.s32 @!p1 $0x0  }
0x379: {  	[tilespmem:s2], [sflag:$0x1] =	stream.linear.gather @!p1 [hbm4b:s1+s2], $0x200, $0x38;
	[tilespmem:$0x6800] =	vst v63  }
0x37a: {  	s7 =	simm.s32 @!p1 $0x200;
	s1 =	rddreg [dreg:$0x1]  }
0x37b: {  	s2 =	simm.s32 @!p1 $0x1000000;
	s0 =	sadd.s32 @!p1 s1, s0;
	s1 =	simm.s32 @!p1 $0x1000  }
0x37c: {  	[tilespmem:s7], [sflag:$0x1] =	stream.strided.gather @!p1 [hbm4b:s0+s1], $0x3000, s2, s1, $0x38;
	[tilespmem:$0x6800] =	vst v63  }
0x37d: {  	_ =	swait.ge [sflag:s21], $0x200  }
0x37e: {  	[sflag:s21] =	ssyncset.done $0x0  }
0x37f: {  	[sflag:s21] =	ssyncadd.s32 $0xFFFFFE00  }
0x380: {  	_ =	swait.ge [sflag:s21], $0x3000  }
0x381: {  	[sflag:s21] =	ssyncset.done $0x0  }
0x382: {  	s0 =	simm.s32 @!p0 $0x4;
	[sflag:s21] =	ssyncadd.s32 $0xFFFFD000  }
0x383: {  	s8 =	simm.s32 $0x0;
	_ =	swait.ge @!p0 [sflag:s0], $0x200  }
0x384: {  	s24 =	sor.u32 s8, s8;
	[sflag:s0] =	ssyncset.done @!p0 $0x0  }
0x385: {  	s7 =	sand.u32 $0xC00, s8;
	[sflag:s0] =	ssyncadd.s32 @!p0 $0xFFFFFE00;
	s0 =	sand.u32 $0x60, s8  }
0x386: {  	s1 =	sor.u32 $0x380, s24;
	s22 =	sadd.s32 $0x3600, s7;
	s2 =	sor.u32 $0x10, s0  }
0x387: {  	v0 =	vld [tilespmem:s1+$0x3600];
	s25 =	sor.u32 s2, s22  }
0x388: {  	v1 =	vld [tilespmem:s25+$0x80]  }
0x389: {  	v2 =	vld [tilespmem:s25+$0x100]  }
0x38a: {  	v3 =	vld [tilespmem:s25+$0x180]  }
0x38b: {  	s20 =	sadd.s32 $0x4680, s7;
	v4 =	vld [tilespmem:s25+$0x200]  }
0x38c: {  	s18 =	sadd.s32 $0x4700, s7;
	s9 =	sor.u32 s2, s20;
	v5 =	vld [tilespmem:s25+$0x280];
	v0 =	vmul.f32 $1.442695020e+00, v0  }
0x38d: {  	s17 =	sadd.s32 $0x4780, s7;
	s10 =	sor.u32 s2, s18;
	v6 =	vld [tilespmem:s9+$0x0];
	v1 =	vmul.f32 $1.442695020e+00, v1  }
0x38e: {  	s12 =	sor.u32 s2, s17;
	s9 =	sadd.s32 $0x4800, s7;
	v7 =	vld [tilespmem:s10+$0x0];
	v2 =	vmul.f32 $1.442695020e+00, v2;
	(erf) = vpow2.f32 v0  }
0x38f: {  	s10 =	sadd.s32 $0x4880, s7;
	s3 =	sor.u32 s2, s9;
	v0 =	vld [tilespmem:s12+$0x0];
	v3 =	vmul.f32 $1.442695020e+00, v3;
	(erf) = vpow2.f32 v1  }
0x390: {  	s11 =	smov.u32 s4;
	s13 =	sadd.s32 $0x4900, s7;
	s4 =	sor.u32 s2, s10;
	v4 =	vmul.f32 $1.442695020e+00, v4;
	v1 =	vld [tilespmem:s3+$0x0];
	(erf) = vpow2.f32 v2  }
0x391: {  	s14 =	sand.u32 $0x3, s8;
	s16 =	sadd.s32 $0x4980, s7;
	s15 =	sor.u32 s2, s13;
	v5 =	vmul.f32 $1.442695020e+00, v5;
	v2 =	vld [tilespmem:s4+$0x0];
	(erf) = vpow2.f32 v3  }
0x392: {  	s14 =	sshll.u32 s14, $0x5;
	s23 =	sor.u32 s2, s16;
	v6 =	vmul.f32 $1.442695020e+00, v6;
	v3 =	vld [tilespmem:s15+$0x0];
	(erf) = vpow2.f32 v4  }
0x393: {  	s14 =	sadd.s32 $0x0, s14;
	v7 =	vmul.f32 $1.442695020e+00, v7;
	s15 =	sadd.s32 $0x4600, s7;
	v4 =	vld [tilespmem:s23+$0x0];
	(erf) = vpow2.f32 v5  }
0x394: {  	s24 =	sadd.s32 $0x10, s14;
	v0 =	vmul.f32 $1.442695020e+00, v0;
	v5 =	vld [tilespmem:s25+$0x0];
	s25 =	sor.u32 s2, s15;
	(erf) = vpow2.f32 v6  }
0x395: {  	s23 =	sor.u32 $0x300, s24;
	v6 =	vld [tilespmem:s25+$0x0];
	v1 =	vmul.f32 $1.442695020e+00, v1;
	(erf) = vpow2.f32 v7  }
0x396: {  	s1 =	sor.u32 $0x380, s24;
	v7 =	vld [tilespmem:s23+$0x3600];
	v2 =	vmul.f32 $1.442695020e+00, v2;
	(erf) = vpow2.f32 v0  }
0x397: {  	v45 =	vld [tilespmem:s1+$0x3600];
	v3 =	vmul.f32 $1.442695020e+00, v3;
	v46 =	vpop (erf);
	(erf) = vpow2.f32 v1  }
0x398: {  	v1 =	vmul.f32 $1.442695020e+00, v4;
	v47 =	vpop (erf);
	(erf) = vpow2.f32 v2  }
0x399: {  	v2 =	vmul.f32 $1.442695020e+00, v5;
	v0 =	vpop (erf);
	(erf) = vpow2.f32 v3  }
0x39a: {  	s4 =	sor.u32 s0, s15;
	v3 =	vmul.f32 $1.442695020e+00, v6;
	v5 =	vpop (erf);
	(erf) = vpow2.f32 v1  }
0x39b: {  	s3 =	sor.u32 s0, s22;
	v4 =	vmul.f32 $1.442695020e+00, v7;
	(erf) = vpow2.f32 v2;
	v12 =	vpop (erf);
	v2 =	vld [tilespmem:s4+$0x0]  }
0x39c: {  	s14 =	sor.u32 $0x300, s14;
	v6 =	vmul.f32 $1.442695020e+00, v45;
	v1 =	vld [tilespmem:s3+$0x0];
	v7 =	vpop (erf);
	(erf) = vpow2.f32 v3  }
0x39d: {  	v48 =	vld [tilespmem:s14+$0x3600];
	(erf) = vpow2.f32 v4;
	v13 =	vpop (erf)  }
0x39e: {  	v49 =	vld [tilespmem:s3+$0x80];
	(erf) = vpow2.f32 v6  }
0x39f: {  	v3 =	vpop (erf)  }
0x3a0: {  	v14 =	vld [tilespmem:s3+$0x100];
	v15 =	vpop (erf);
	v2 =	vmul.f32 $1.442695020e+00, v2  }
0x3a1: {  	v1 =	vmul.f32 $1.442695020e+00, v1;
	v4 =	vpop (erf)  }
0x3a2: {  	v17 =	vld [tilespmem:s3+$0x180];
	v16 =	vpop (erf)  }
0x3a3: {  	v18 =	vld [tilespmem:s3+$0x200];
	(erf) = vpow2.f32 v1;
	v6 =	vpop (erf)  }
0x3a4: {  	v8 =	vmul.f32 $1.442695020e+00, v48;
	v5 =	vadd.f32 v5, v0;
	(erf) = vpow2.f32 v2;
	v2 =	vpop (erf)  }
0x3a5: {  	v7 =	vadd.f32 v7, v12;
	v19 =	vld [tilespmem:s3+$0x280];
	v1 =	vmul.f32 $1.442695020e+00, v49;
	v14 =	vmul.f32 $1.442695020e+00, v14;
	v50 =	vpop (erf)  }
0x3a6: {  	s15 =	sor.u32 s0, s20;
	v52 =	vadd.f32 v15, v3;
	(erf) = vpow2.f32 v8;
	v21 =	vmul.f32 $5.000000000e-01, v50;
	v51 =	vpop (erf)  }
0x3a7: {  	v22 =	vld [tilespmem:s15+$0x0];
	v15 =	vadd.f32 v16, v4;
	v23 =	vmul.f32 $1.442695020e+00, v17;
	v9 =	vmul.f32 $5.000000000e-01, v51;
	v16 =	vpop (erf)  }
0x3a8: {  	s20 =	sor.u32 s0, s18;
	v54 =	vmul.f32 $1.442695020e+00, v18;
	v2 =	vadd.f32 v2, v6;
	v25 =	vadd.f32 v47, v21;
	v53 =	vpop (erf)  }
0x3a9: {  	v24 =	vld [tilespmem:s20+$0x0];
	(erf) = vpow2.f32 v1;
	v1 =	vadd.f32 v53, v16;
	v17 =	vadd.f32 v13, v9  }
0x3aa: {  	s22 =	sor.u32 s0, s17;
	v55 =	vmul.f32 $1.442695020e+00, v19;
	v2 =	vadd.f32 v2, v15;
	v18 =	vadd.f32 v5, v25  }
0x3ab: {  	(erf) = vpow2.f32 v14;
	v5 =	vld [tilespmem:s22+$0x0];
	v1 =	vadd.f32 v1, v7;
	v20 =	vadd.f32 v52, v17  }
0x3ac: {  	(erf) = vpow2.f32 v23;
	v13 =	vmul.f32 $1.442695020e+00, v22  }
0x3ad: {  	s24 =	sor.u32 s0, s10;
	(erf) = vpow2.f32 v54;
	v19 =	vadd.f32 v1, v18;
	v14 =	vadd.f32 v2, v20  }
0x3ae: {  	s23 =	sor.u32 s0, s9;
	v56 =	vld [tilespmem:s24+$0x0];
	(erf) = vpow2.f32 v55;
	v1 =	vmul.f32 $1.442695020e+00, v24  }
0x3af: {  	s3 =	sor.u32 s0, s16;
	(erf) = vpow2.f32 v13;
	v2 =	vld [tilespmem:s23+$0x0];
	v24 =	vadd.f32 v19, v21;
	v22 =	vadd.f32 v14, v9  }
0x3b0: {  	s25 =	sor.u32 s0, s13;
	v5 =	vmul.f32 $1.442695020e+00, v5;
	(erf) = vpow2.f32 v1;
	v1 =	vld [tilespmem:s3+$0x0]  }
0x3b1: {  	v57 =	vld [tilespmem:s25+$0x0];
	v13 =	vpop (erf);
	v23 =	vmul.f32 v22, v24  }
0x3b2: {  	v26 =	vpop (erf);
	(erf) = vpow2.f32 v5  }
0x3b3: {  	v29 =	vpop (erf);
	(erf) = vrcp.f32 v23  }
0x3b4: {  	v2 =	vmul.f32 $1.442695020e+00, v2;
	v5 =	vpop (erf)  }
0x3b5: {  	v8 =	vmul.f32 $1.442695020e+00, v56;
	v58 =	vpop (erf);
	v1 =	vmul.f32 $1.442695020e+00, v1  }
0x3b6: {  	v11 =	vmul.f32 $1.442695020e+00, v57;
	(erf) = vpow2.f32 v2;
	v23 =	vpop (erf)  }
0x3b7: {  	(erf) = vpow2.f32 v8;
	v59 =	vpop (erf)  }
0x3b8: {  	(erf) = vpow2.f32 v11;
	v60 =	vpop (erf)  }
0x3b9: {  	(erf) = vpow2.f32 v1;
	v1 =	vpop (erf)  }
0x3ba: {  	v61 =	vmul.f32 $5.000000000e-01, v13;
	v2 =	vpop (erf)  }
0x3bb: {  	v13 =	vpop (erf)  }
0x3bc: {  	v35 =	vadd.f32 v5, v61;
	v5 =	vadd.f32 v23, v58;
	v11 =	vmul.f32 $5.000000000e-01, v26;
	v23 =	vpop (erf)  }
0x3bd: {  	v0 =	vadd.f32 v0, v25;
	v10 =	vadd.f32 v46, v29;
	v36 =	vmul.f32 $7.920792100e+00, v23  }
0x3be: {  	v8 =	vadd.f32 v1, v11;
	v1 =	vadd.f32 v7, v18  }
0x3bf: {  	s4 =	sadd.s32 $0x5600, s7;
	v5 =	vadd.f32 v5, v35;
	v26 =	vadd.f32 v60, v59;
	v7 =	vpop (erf);
	v38 =	vmul.f32 v36, v22  }
0x3c0: {  	s8 =	sand.u32 $0x180, s8;
	s9 =	sor.u32 s2, s4;
	v16 =	vadd.f32 v1, v16;
	v23 =	vadd.f32 v18, v12;
	v22 =	vpop (erf)  }
0x3c1: {  	s30 =	sor.u32 s8, s2;
	s12 =	sadd.s32 $0x5680, s7;
	v63 =	vld [tilespmem:s9+$0x0];
	v37 =	vadd.f32 v10, v26;
	v62 =	vadd.f32 v13, v2;
	v13 =	vpop (erf);
	v1 =	vmul.f32 v38, v1  }
0x3c2: {  	s14 =	sor.u32 s2, s12;
	s13 =	sadd.s32 $0x5700, s7;
	v12 =	vld [tilespmem:s30+$0x3400];
	v40 =	vadd.f32 v22, v7;
	v22 =	vpop (erf);
	v23 =	vmul.f32 v38, v23;
	v16 =	vmul.f32 v38, v16  }
0x3c3: {  	s18 =	sor.u32 s2, s13;
	s15 =	sadd.s32 $0x5780, s7;
	v42 =	vld [tilespmem:s14+$0x0];
	v0 =	vmul.f32 v38, v0;
	v45 =	vadd.f32 v22, v13;
	v22 =	vmul.f32 v38, v25  }
0x3c4: {  	s20 =	sadd.s32 $0x5800, s7;
	s22 =	sor.u32 s2, s15;
	v21 =	vmul.f32 v38, v21;
	v27 =	vadd.f32 $-3.945544480e+00, v1;
	v25 =	vadd.f32 $-3.935643670e+00, v16;
	v1 =	vld [tilespmem:s18+$0x0]  }
0x3c5: {  	s24 =	sor.u32 s2, s20;
	s23 =	sadd.s32 $0x5880, s7;
	v16 =	vmul.f32 v38, v18;
	v30 =	vadd.f32 $-3.955445530e+00, v23;
	v18 =	vld [tilespmem:s22+$0x0];
	v22 =	vadd.f32 $-3.985148430e+00, v22  }
0x3c6: {  	s7 =	sadd.s32 $0x5900, s7;
	s25 =	sor.u32 s2, s23;
	v23 =	vadd.f32 $-3.995049480e+00, v21;
	v28 =	vadd.f32 $-3.975247620e+00, v0;
	v0 =	vld [tilespmem:s24+$0x0]  }
0x3c7: {  	s2 =	sor.u32 s2, s7;
	v31 =	vadd.f32 $-3.965346570e+00, v16;
	vm3 =	vlt.f32 v27, v12;
	v16 =	vld [tilespmem:s25+$0x0];
	vm1 =	vlt.f32 v22, v12  }
0x3c8: {  	v21 =	vld [tilespmem:s2+$0x0];
	vm0 =	vlt.f32 v23, v12;
	vm2 =	vlt.f32 v28, v12;
	v43 =	vsel vm1, v42, v63  }
0x3c9: {  	v39 =	vsel vm0, v42, v63;
	vm4 =	vlt.f32 v31, v12;
	v46 =	vsel vm2, v1, v43  }
0x3ca: {  	vm6 =	vlt.f32 v30, v12;
	v1 =	vsel vm1, v1, v39;
	v47 =	vsel vm4, v18, v46  }
0x3cb: {  	vm5 =	vlt.f32 v25, v12;
	v1 =	vsel vm2, v18, v1;
	v18 =	vsel vm6, v0, v47  }
0x3cc: {  	vm5 =	vmneg vm5;
	v0 =	vsel vm4, v0, v1;
	v1 =	vsel vm3, v16, v18  }
0x3cd: {  	v0 =	vsel vm6, v16, v0;
	v41 =	vsel vm5, v1, v21  }
0x3ce: {  	v18 =	vadd.f32 v37, v5;
	v37 =	vsel vm3, v21, v0;
	v0 =	vand.u32 $0x7FFFFFFF, v41  }
0x3cf: {  	v1 =	vand.u32 $0x7FFFFFFF, v37;
	v0 =	vsub.f32 $0.0e+00, v0  }
0x3d0: {  	v1 =	vsub.f32 $0.0e+00, v1  }
0x3d1: {  	v0 =	vmul.f32 $1.442695020e+00, v0  }
0x3d2: {  	v1 =	vmul.f32 $1.442695020e+00, v1  }
0x3d3: {  	(erf) = vpow2.f32 v0  }
0x3d4: {  	(erf) = vpow2.f32 v1;
	_ =	sdelay $0x4  }
0x3d5: {  	v10 =	vadd.f32 v62, v8;
	v48 =	vadd.f32 v45, v40;
	_ =	sdelay $0x1  }
0x3d6: {  	v16 =	vadd.f32 v48, v10  }
0x3d7: {  	v15 =	vadd.f32 v15, v20;
	v51 =	vpop (erf)  }
0x3d8: {  	v49 =	vadd.f32 v18, v61;
	v21 =	vadd.f32 v16, v11;
	v52 =	vpop (erf)  }
0x3d9: {  	v55 =	vimm.f32 $-4.000000000e+04;
	v44 =	vadd.f32 $2.000000000e+00, v51;
	v45 =	vadd.f32 $2.000000000e+00, v52  }
0x3da: {  	v53 =	vadd.f32 v3, v17;
	v4 =	vadd.f32 v20, v4;
	v50 =	vmul.f32 v21, v49  }
0x3db: {  	v6 =	vadd.f32 v15, v6;
	v24 =	vmul.f32 v36, v24;
	v1 =	vmul.f32 v45, v44  }
0x3dc: {  	v32 =	vadd.f32 v58, v35;
	v26 =	vadd.f32 v26, v5;
	(erf) = vrcp.f32 v50  }
0x3dd: {  	v33 =	vadd.f32 v5, v59;
	v20 =	vmul.f32 v24, v20;
	(erf) = vrcp.f32 v1  }
0x3de: {  	v59 =	vimm.f32 $4.000000000e+00;
	v54 =	vmul.f32 v24, v53;
	v4 =	vmul.f32 v24, v4  }
0x3df: {  	v29 =	vadd.f32 v26, v29;
	v17 =	vmul.f32 v24, v17;
	v15 =	vmul.f32 v24, v15  }
0x3e0: {  	v7 =	vadd.f32 v10, v7;
	v9 =	vmul.f32 v24, v9;
	v6 =	vmul.f32 v24, v6  }
0x3e1: {  	v19 =	vmul.f32 v38, v19;
	v14 =	vmul.f32 v24, v14;
	v20 =	vadd.f32 $-3.965346570e+00, v20  }
0x3e2: {  	vm7 =	vgt.f32 v12, $-4.000000000e+00;
	v4 =	vadd.f32 $-3.955445530e+00, v4;
	v15 =	vadd.f32 $-3.945544480e+00, v15  }
0x3e3: {  	vm8 =	vgt.f32 v12, $4.000000000e+00;
	v17 =	vadd.f32 $-3.985148430e+00, v17;
	v19 =	vadd.f32 $-3.925742630e+00, v19  }
0x3e4: {  	v36 =	vsel vm7, $0xC0800000, v55;
	v6 =	vadd.f32 $-3.935643670e+00, v6;
	v9 =	vadd.f32 $-3.995049480e+00, v9  }
0x3e5: {  	vm9 =	vlt.f32 v19, v12;
	v0 =	vpop (erf);
	v57 =	vmul.f32 v44, v52;
	v56 =	vmul.f32 v45, v51  }
0x3e6: {  	v14 =	vadd.f32 $-3.925742630e+00, v14;
	vm11 =	vmneg vm9;
	v0 =	vmul.f32 $7.920792100e+00, v0;
	v58 =	vpop (erf)  }
0x3e7: {  	v42 =	vsel vm8, $0x471C4000, v59;
	v39 =	vmul.f32 v58, v56;
	v38 =	vmul.f32 v58, v57  }
0x3e8: {  	v63 =	vsel vm0, v23, v36;
	v36 =	vsel vm0, v9, v36;
	v21 =	vmul.f32 v0, v21  }
0x3e9: {  	v1 =	vadd.f32 v40, v10;
	v24 =	vmul.f32 v39, v39;
	v40 =	vmul.f32 v38, v38  }
0x3ea: {  	vm9 =	vmand vm7, vm5;
	vm10 =	vmand vm0, vm11;
	v34 =	vmul.f32 v21, v61  }
0x3eb: {  	v36 =	vsel vm1, v17, v36;
	v61 =	vmul.f32 $2.222222240e-01, v24;
	v62 =	vmul.f32 $2.222222240e-01, v40  }
0x3ec: {  	vm10 =	vmand vm7, vm10;
	v46 =	vsel vm11, v19, v42;
	v42 =	vsel vm11, v14, v42  }
0x3ed: {  	v46 =	vsel vm5, v25, v46;
	v43 =	vadd.f32 $2.857142980e-01, v61;
	v44 =	vadd.f32 $2.857142980e-01, v62  }
0x3ee: {  	v42 =	vsel vm5, v6, v42;
	v46 =	vsel vm3, v46, v27;
	v45 =	vsel vm1, v22, v63  }
0x3ef: {  	v45 =	vsel vm2, v28, v45;
	v43 =	vmul.f32 v43, v24;
	v44 =	vmul.f32 v44, v40  }
0x3f0: {  	v42 =	vsel vm3, v42, v15;
	v0 =	vmul.f32 v0, v49;
	v45 =	vsel vm4, v31, v45  }
0x3f1: {  	v35 =	vmul.f32 v21, v35;
	v43 =	vadd.f32 $4.000000060e-01, v43;
	v44 =	vadd.f32 $4.000000060e-01, v44  }
0x3f2: {  	v32 =	vmul.f32 v21, v32;
	v3 =	vadd.f32 $-3.995049480e+00, v34;
	v34 =	vadd.f32 $-3.975247620e+00, v54  }
0x3f3: {  	v45 =	vsel vm6, v30, v45;
	v43 =	vmul.f32 v43, v24;
	v44 =	vmul.f32 v44, v40  }
0x3f4: {  	v30 =	vsel vm6, v46, v30;
	v27 =	vsel vm3, v27, v45;
	v36 =	vsel vm2, v34, v36  }
0x3f5: {  	v36 =	vsel vm4, v20, v36;
	v43 =	vadd.f32 $6.666666860e-01, v43;
	v44 =	vadd.f32 $6.666666860e-01, v44  }
0x3f6: {  	v5 =	vmul.f32 v21, v5;
	v25 =	vsel vm5, v27, v25;
	v36 =	vsel vm6, v4, v36  }
0x3f7: {  	v4 =	vsel vm6, v42, v4;
	v24 =	vmul.f32 v43, v24;
	v49 =	vmul.f32 v44, v40  }
0x3f8: {  	v27 =	vsel vm4, v30, v31;
	v15 =	vsel vm3, v15, v36;
	v4 =	vsel vm4, v4, v20  }
0x3f9: {  	v6 =	vsel vm5, v15, v6;
	v15 =	vadd.f32 $2.000000000e+00, v24;
	v20 =	vadd.f32 $2.000000000e+00, v49  }
0x3fa: {  	v19 =	vsel vm11, v25, v19;
	v4 =	vsel vm2, v4, v34;
	v6 =	vsel vm11, v6, v14  }
0x3fb: {  	v4 =	vsel vm1, v4, v17;
	v15 =	vmul.f32 v15, v39;
	v20 =	vmul.f32 v20, v38  }
0x3fc: {  	v24 =	vsel vm2, v27, v28;
	v27 =	vmax.f32 v41, $0.0e+00;
	v28 =	vmax.f32 v37, $0.0e+00  }
0x3fd: {  	v22 =	vsel vm1, v24, v22;
	v14 =	vadd.f32 v15, v27;
	v15 =	vadd.f32 v20, v28  }
0x3fe: {  	v17 =	vsel vm8, $0x40800000, v19;
	v19 =	vsel vm0, v22, v23;
	v20 =	vsel vm8, $0x40800000, v6  }
0x3ff: {  	v6 =	vsel vm0, v4, v9;
	v50 =	vadd.f32 $1.000000050e-03, v14;
	v14 =	vadd.f32 $1.000000050e-03, v15  }
0x400: {  	v6 =	vnsel vm7, $0xC0800000, v6;
	v15 =	vnsel vm7, $0xC0800000, v19;
	v19 =	vsub.f32 v12, v17  }
0x401: {  	s3 =	simm.s32 $0x3400;
	v24 =	vsub.f32 v6, v20;
	v23 =	vnsel vm10, $0x3F800000, v50;
	v51 =	vnsel vm9, $0x3F800000, v14  }
0x402: {  	s4 =	sor.u32 s0, s4;
	v26 =	vmul.f32 v21, v26;
	v4 =	vld [tilespmem:s3+$0x0];
	v17 =	vsub.f32 v15, v17;
	v12 =	vadd.f32 v51, v23  }
0x403: {  	s10 =	sor.u32 s0, s12;
	v29 =	vmul.f32 v21, v29;
	v11 =	vmul.f32 v0, v11;
	v22 =	vld [tilespmem:s4+$0x0];
	v9 =	vadd.f32 $-3.975247620e+00, v32  }
0x404: {  	s12 =	sor.u32 s0, s13;
	v14 =	vld [tilespmem:s10+$0x0];
	v30 =	vadd.f32 v24, v24;
	v27 =	vsub.f32 v17, v19;
	v28 =	vmul.f32 v12, v17  }
0x405: {  	v25 =	vld [tilespmem:s12+$0x0];
	v6 =	vadd.f32 $-3.985148430e+00, v35;
	v15 =	vmul.f32 v21, v33;
	v12 =	vadd.f32 $-3.965346570e+00, v5  }
0x406: {  	v27 =	vmul.f32 v27, v19;
	v5 =	vmul.f32 v17, v17;
	v28 =	vsub.f32 v28, v30  }
0x407: {  	s13 =	sor.u32 s0, s15;
	vm1 =	vlt.f32 v3, v4;
	vm4 =	vlt.f32 v6, v4;
	v23 =	vmul.f32 v23, v17  }
0x408: {  	v31 =	vld [tilespmem:s13+$0x0];
	vm5 =	vlt.f32 v9, v4;
	v5 =	vmul.f32 v5, v24;
	v28 =	vmul.f32 v28, v27  }
0x409: {  	s14 =	sor.u32 s0, s20;
	v19 =	vmul.f32 v19, v19;
	v30 =	vsel vm4, v14, v22;
	v22 =	vsel vm1, v14, v22  }
0x40a: {  	s15 =	sor.u32 s0, s23;
	v52 =	vld [tilespmem:s14+$0x0];
	v30 =	vsel vm5, v25, v30;
	v22 =	vsel vm4, v25, v22;
	v25 =	vadd.f32 v28, v5  }
0x40b: {  	s0 =	sor.u32 s0, s7;
	v53 =	vld [tilespmem:s15+$0x0];
	v14 =	vadd.f32 $-3.955445530e+00, v15;
	vm8 =	vlt.f32 v12, v4;
	v19 =	vmul.f32 v19, v24  }
0x40c: {  	v15 =	vadd.f32 $-3.945544480e+00, v26;
	v23 =	vmul.f32 v23, v27;
	v28 =	vld [tilespmem:s0+$0x0];
	(erf) = vrcp.f32 v25  }
0x40d: {  	s8 =	simm.s32 $0x20;
	s16 =	simm.s32 $0x100;
	v26 =	vsel vm8, v31, v30;
	v22 =	vsel vm5, v31, v22;
	v5 =	vadd.f32 $-3.935643670e+00, v29  }
0x40e: {  	s1 =	sor.u32 s16, s8;
	vm9 =	vlt.f32 v14, v4;
	vm7 =	vlt.f32 v15, v4;
	v19 =	vadd.f32 v23, v19  }
0x40f: {  	s1 =	sor.u32 $0x380, s1;
	v22 =	vsel vm8, v52, v22;
	vm0 =	vlt.f32 v5, v4;
	v25 =	vsel vm9, v52, v26  }
0x410: {  	v19 =	vmul.f32 v19, v24;
	v24 =	vld [tilespmem:s1+$0x3600];
	v17 =	vsel vm7, v53, v25;
	vm0 =	vmneg vm0  }
0x411: {  	s7 =	sand.u32 $0xC00, s16;
	v16 =	vmul.f32 v0, v16;
	v22 =	vsel vm9, v53, v22;
	s0 =	sand.u32 $0x60, s8;
	v17 =	vsel vm0, v17, v28  }
0x412: {  	s9 =	sadd.s32 $0x4800, s7;
	v21 =	vmul.f32 v21, v18;
	s2 =	sor.u32 $0x10, s0;
	v18 =	vsel vm7, v28, v22;
	v22 =	vand.u32 $0x7FFFFFFF, v17  }
0x413: {  	s20 =	sadd.s32 $0x3600, s7;
	v10 =	vmul.f32 v0, v10;
	s3 =	sor.u32 s2, s9;
	v25 =	vand.u32 $0x7FFFFFFF, v18;
	v22 =	vsub.f32 $0.0e+00, v22  }
0x414: {  	v13 =	vadd.f32 v1, v13;
	v1 =	vmul.f32 v0, v1;
	s22 =	sor.u32 s2, s20;
	v29 =	vld [tilespmem:s3+$0x0];
	v23 =	vsub.f32 $0.0e+00, v25  }
0x415: {  	v27 =	vld [tilespmem:s22+$0x80];
	v24 =	vmul.f32 $1.442695020e+00, v24;
	v22 =	vmul.f32 $1.442695020e+00, v22;
	v26 =	vpop (erf)  }
0x416: {  	v2 =	vadd.f32 v2, v8;
	v23 =	vmul.f32 $1.442695020e+00, v23;
	v54 =	vmul.f32 v26, v19;
	v19 =	vld [tilespmem:s22+$0x100]  }
0x417: {  	(erf) = vpow2.f32 v22;
	v22 =	vmul.f32 v0, v13;
	v13 =	vld [tilespmem:s22+$0x180]  }
0x418: {  	s23 =	sadd.s32 $0x4680, s7;
	v60 =	vimm.f32 $4.000000000e+00;
	(erf) = vpow2.f32 v23;
	v23 =	vmul.f32 v0, v2;
	v2 =	vld [tilespmem:s22+$0x200]  }
0x419: {  	s18 =	sadd.s32 $0x4700, s7;
	v47 =	vimm.f32 $-4.000000000e+04;
	s17 =	sor.u32 s2, s23;
	v25 =	vmul.f32 v0, v8;
	v29 =	vmul.f32 $1.442695020e+00, v29;
	v26 =	vld [tilespmem:s22+$0x280]  }
0x41a: {  	s16 =	sadd.s32 $0x4780, s7;
	v11 =	vadd.f32 $-3.995049480e+00, v11;
	s24 =	sor.u32 s2, s18;
	v0 =	vmul.f32 v0, v7;
	v7 =	vmul.f32 $1.442695020e+00, v27;
	v27 =	vld [tilespmem:s17+$0x0]  }
0x41b: {  	s13 =	sadd.s32 $0x4900, s7;
	v40 =	vadd.f32 $-3.965346570e+00, v10;
	s25 =	sor.u32 s2, s16;
	v28 =	vld [tilespmem:s24+$0x0];
	(erf) = vpow2.f32 v24;
	v19 =	vmul.f32 $1.442695020e+00, v19  }
0x41c: {  	s14 =	simm.s32 $0x1;
	v39 =	vadd.f32 $-3.945544480e+00, v1;
	s10 =	sadd.s32 $0x4880, s7;
	s15 =	sor.u32 s2, s13;
	v24 =	vld [tilespmem:s25+$0x0];
	(erf) = vpow2.f32 v7;
	v13 =	vmul.f32 $1.442695020e+00, v13  }
0x41d: {  	s12 =	sand.u32 $0x3, s14;
	s4 =	sor.u32 s2, s10;
	s17 =	sadd.s32 $0x4980, s7;
	v7 =	vadd.f32 $-3.925742630e+00, v21;
	v21 =	vld [tilespmem:s15+$0x0];
	v2 =	vmul.f32 $1.442695020e+00, v2;
	(erf) = vpow2.f32 v19  }
0x41e: {  	s12 =	sshll.u32 s12, $0x5;
	vm2 =	vgt.f32 v4, $-4.000000000e+00;
	s24 =	sor.u32 s2, s17;
	v19 =	vmul.f32 $1.442695020e+00, v26;
	v26 =	vld [tilespmem:s4+$0x0];
	(erf) = vpow2.f32 v13  }
0x41f: {  	s14 =	sadd.s32 $0x4600, s7;
	s12 =	sadd.s32 $0x100, s12;
	vm3 =	vgt.f32 v4, $4.000000000e+00;
	v31 =	vld [tilespmem:s24+$0x0];
	v13 =	vmul.f32 $1.442695020e+00, v27;
	(erf) = vpow2.f32 v2  }
0x420: {  	v30 =	vsel vm2, $0xC0800000, v47;
	v55 =	vld [tilespmem:s22+$0x0];
	s3 =	sor.u32 s2, s14;
	s25 =	sadd.s32 $0x10, s12;
	v2 =	vmul.f32 $1.442695020e+00, v28;
	(erf) = vpow2.f32 v19  }
0x421: {  	v56 =	vld [tilespmem:s3+$0x0];
	vm6 =	vlt.f32 v7, v4;
	v24 =	vmul.f32 $1.442695020e+00, v24;
	s4 =	sor.u32 $0x300, s25;
	(erf) = vpow2.f32 v13  }
0x422: {  	v57 =	vmul.f32 $1.442695020e+00, v21;
	v19 =	vpop (erf);
	v13 =	vadd.f32 $-3.925742630e+00, v16;
	v16 =	vld [tilespmem:s4+$0x3600];
	(erf) = vpow2.f32 v2  }
0x423: {  	s1 =	sor.u32 $0x380, s25;
	v28 =	vpop (erf);
	v26 =	vmul.f32 $1.442695020e+00, v26;
	v2 =	vadd.f32 v54, v20;
	(erf) = vpow2.f32 v24  }
0x424: {  	v58 =	vmul.f32 $1.442695020e+00, v31;
	v27 =	vsel vm3, $0x471C4000, v60;
	v24 =	vld [tilespmem:s1+$0x3600];
	v21 =	vpop (erf);
	(erf) = vpow2.f32 v29  }
0x425: {  	s24 =	sor.u32 s0, s20;
	v20 =	vadd.f32 $-3.985148430e+00, v25;
	v25 =	vmul.f32 $1.442695020e+00, v55;
	[tilespmem:$0x1FE90] =	vst v2;
	v31 =	vpop (erf);
	(erf) = vpow2.f32 v26  }
0x426: {  	s12 =	sor.u32 $0x300, s12;
	v29 =	vadd.f32 $-3.935643670e+00, v22;
	v22 =	vmul.f32 $1.442695020e+00, v56;
	v60 =	vld [tilespmem:s24+$0x0];
	v35 =	vpop (erf);
	(erf) = vpow2.f32 v57  }
0x427: {  	s14 =	sor.u32 s0, s14;
	vm6 =	vmneg vm6;
	v62 =	vld [tilespmem:s12+$0x3600];
	v16 =	vmul.f32 $1.442695020e+00, v16;
	v26 =	vpop (erf);
	(erf) = vpow2.f32 v58  }
0x428: {  	v59 =	vsel vm6, v7, v27;
	(erf) = vpow2.f32 v25;
	v36 =	vpop (erf);
	v25 =	vsel vm6, v13, v27;
	v27 =	vld [tilespmem:s14+$0x0]  }
0x429: {  	v42 =	vadd.f32 $-3.955445530e+00, v0;
	v24 =	vmul.f32 $1.442695020e+00, v24;
	v61 =	vpop (erf);
	(erf) = vpow2.f32 v22  }
0x42a: {  	vm12 =	vmand vm1, vm6;
	v8 =	vsel vm0, v5, v59;
	v1 =	vld [tilespmem:s24+$0x80];
	(erf) = vpow2.f32 v16;
	v63 =	vpop (erf)  }
0x42b: {  	v52 =	vld [tilespmem:s24+$0x100];
	v51 =	vsel vm0, v29, v25;
	v25 =	vmul.f32 $1.442695020e+00, v60;
	(erf) = vpow2.f32 v24;
	v16 =	vpop (erf)  }
0x42c: {  	v0 =	vsel vm7, v8, v15;
	v48 =	vadd.f32 $2.000000000e+00, v28;
	v56 =	vld [tilespmem:s24+$0x180];
	v22 =	vadd.f32 $-3.975247620e+00, v23;
	v53 =	vpop (erf)  }
0x42d: {  	v23 =	vsel vm1, v3, v30;
	v24 =	vpop (erf);
	v54 =	vmul.f32 $1.442695020e+00, v27;
	v27 =	vmul.f32 $1.442695020e+00, v62  }
0x42e: {  	v58 =	vld [tilespmem:s24+$0x200];
	v26 =	vadd.f32 v26, v35;
	v30 =	vsel vm1, v11, v30;
	v23 =	vsel vm4, v6, v23;
	v55 =	vpop (erf)  }
0x42f: {  	v30 =	vsel vm4, v20, v30;
	v1 =	vmul.f32 $1.442695020e+00, v1;
	(erf) = vpow2.f32 v25;
	v25 =	vpop (erf)  }
0x430: {  	v44 =	vsel vm7, v51, v39;
	v10 =	vmul.f32 $1.442695020e+00, v52;
	(erf) = vpow2.f32 v54;
	v57 =	vpop (erf)  }
0x431: {  	v46 =	vadd.f32 v61, v36;
	v43 =	vmul.f32 $1.442695020e+00, v56;
	(erf) = vpow2.f32 v27;
	v27 =	vpop (erf)  }
0x432: {  	s25 =	sor.u32 s0, s23;
	v59 =	vld [tilespmem:s24+$0x280];
	v45 =	vsel vm5, v22, v30;
	v41 =	vadd.f32 v53, v16;
	v37 =	vmul.f32 $5.000000000e-01, v27;
	v27 =	vpop (erf)  }
0x433: {  	v60 =	vld [tilespmem:s25+$0x0];
	v62 =	vmul.f32 $1.442695020e+00, v58;
	v30 =	vadd.f32 v55, v24;
	v27 =	vmul.f32 $5.000000000e-01, v27;
	v47 =	vpop (erf)  }
0x434: {  	s3 =	sor.u32 s0, s18;
	v8 =	vadd.f32 v57, v25;
	(erf) = vpow2.f32 v1;
	v50 =	vadd.f32 v31, v37;
	v31 =	vpop (erf)  }
0x435: {  	s4 =	sor.u32 s0, s16;
	v61 =	vld [tilespmem:s3+$0x0];
	(erf) = vpow2.f32 v10;
	v1 =	vadd.f32 v31, v47;
	v32 =	vadd.f32 v63, v27  }
0x436: {  	v8 =	vadd.f32 v8, v30;
	(erf) = vpow2.f32 v43;
	v51 =	vadd.f32 v26, v50;
	v26 =	vld [tilespmem:s4+$0x0]  }
0x437: {  	v63 =	vmul.f32 $1.442695020e+00, v59;
	v1 =	vadd.f32 v1, v46;
	v34 =	vadd.f32 v41, v32  }
0x438: {  	s12 =	sor.u32 s0, s9;
	v23 =	vsel vm5, v9, v23;
	v58 =	vmul.f32 $1.442695020e+00, v60;
	(erf) = vpow2.f32 v62  }
0x439: {  	s14 =	sor.u32 s0, s10;
	v57 =	vld [tilespmem:s12+$0x0];
	(erf) = vpow2.f32 v63;
	v33 =	vadd.f32 v1, v51;
	v31 =	vadd.f32 v8, v34  }
0x43a: {  	s15 =	sor.u32 s0, s13;
	v23 =	vsel vm8, v12, v23;
	v53 =	vld [tilespmem:s14+$0x0];
	v49 =	vmul.f32 $1.442695020e+00, v61;
	(erf) = vpow2.f32 v58  }
0x43b: {  	s16 =	sor.u32 s0, s17;
	v59 =	vld [tilespmem:s15+$0x0];
	v1 =	vadd.f32 v33, v37;
	v54 =	vadd.f32 v31, v27;
	v26 =	vmul.f32 $1.442695020e+00, v26  }
0x43c: {  	v10 =	vmax.f32 v18, $0.0e+00;
	v18 =	vpop (erf);
	v8 =	vmax.f32 v17, $0.0e+00;
	v17 =	vld [tilespmem:s16+$0x0];
	(erf) = vpow2.f32 v49  }
0x43d: {  	v45 =	vsel vm8, v40, v45;
	v55 =	vpop (erf);
	v60 =	vmul.f32 v54, v1;
	(erf) = vpow2.f32 v26  }
0x43e: {  	v23 =	vsel vm9, v14, v23;
	v61 =	vsel vm9, v0, v14;
	v41 =	vmul.f32 $1.442695020e+00, v57;
	v0 =	vpop (erf)  }
0x43f: {  	v12 =	vsel vm8, v61, v12;
	v62 =	vmul.f32 $1.442695020e+00, v53;
	v63 =	vpop (erf);
	(erf) = vrcp.f32 v60  }
0x440: {  	v9 =	vsel vm5, v12, v9;
	v38 =	vmul.f32 $1.442695020e+00, v59;
	v56 =	vpop (erf);
	(erf) = vpow2.f32 v41  }
0x441: {  	v26 =	vsel vm9, v44, v42;
	v17 =	vmul.f32 $1.442695020e+00, v17;
	(erf) = vpow2.f32 v62;
	v60 =	vpop (erf)  }
0x442: {  	v43 =	vmul.f32 $5.000000000e-01, v18;
	v26 =	vsel vm8, v26, v40;
	(erf) = vpow2.f32 v38;
	v14 =	vpop (erf)  }
0x443: {  	(erf) = vpow2.f32 v17;
	v17 =	vsel vm9, v42, v45;
	v12 =	vpop (erf);
	v42 =	vsel vm7, v15, v23  }
0x444: {  	v15 =	vadd.f32 v21, v0;
	v21 =	vpop (erf);
	v57 =	vsel vm7, v39, v17;
	v17 =	vadd.f32 v60, v56  }
0x445: {  	v52 =	vadd.f32 $2.000000000e+00, v19;
	v6 =	vsel vm4, v9, v6;
	v22 =	vsel vm5, v26, v22;
	v18 =	vpop (erf)  }
0x446: {  	v9 =	vsel vm4, v22, v20;
	v45 =	vadd.f32 v63, v43;
	v12 =	vadd.f32 v12, v14;
	v20 =	vpop (erf)  }
0x447: {  	v61 =	vmul.f32 v48, v52;
	v22 =	vmul.f32 $5.000000000e-01, v55;
	v23 =	vadd.f32 v20, v18  }
0x448: {  	v48 =	vmul.f32 v48, v19;
	v26 =	vadd.f32 v17, v45;
	v15 =	vadd.f32 v15, v12;
	v17 =	vpop (erf)  }
0x449: {  	v16 =	vadd.f32 v16, v32;
	v21 =	vadd.f32 v21, v22;
	v49 =	vmul.f32 $7.920792100e+00, v17;
	v20 =	vpop (erf)  }
0x44a: {  	v52 =	vmul.f32 v52, v28;
	v17 =	vadd.f32 v15, v26;
	v15 =	vadd.f32 v46, v51;
	v62 =	vpop (erf)  }
0x44b: {  	s18 =	sand.u32 $0x180, s8;
	v36 =	vadd.f32 v51, v36;
	v19 =	vadd.f32 v23, v21;
	v46 =	vmul.f32 v49, v54;
	v23 =	vpop (erf)  }
0x44c: {  	s31 =	sor.u32 s18, s2;
	s17 =	sadd.s32 $0x5600, s7;
	v58 =	vadd.f32 v35, v50;
	(erf) = vrcp.f32 v61;
	v63 =	vadd.f32 v15, v47;
	v55 =	vpop (erf)  }
0x44d: {  	s22 =	sadd.s32 $0x5680, s7;
	s20 =	sor.u32 s2, s17;
	v35 =	vld [tilespmem:s31+$0x3400];
	v53 =	vadd.f32 v62, v20;
	v39 =	vadd.f32 v55, v23;
	v15 =	vmul.f32 v46, v15  }
0x44e: {  	s8 =	sor.u32 s2, s22;
	s23 =	sadd.s32 $0x5700, s7;
	v30 =	vadd.f32 v30, v34;
	v47 =	vld [tilespmem:s20+$0x0];
	v59 =	vmul.f32 v46, v36;
	v60 =	vmul.f32 v46, v63  }
0x44f: {  	s9 =	sadd.s32 $0x5780, s7;
	s24 =	sor.u32 s2, s23;
	v61 =	vmul.f32 v46, v50;
	v40 =	vmul.f32 v46, v58;
	v50 =	vld [tilespmem:s8+$0x0];
	v55 =	vadd.f32 v39, v53  }
0x450: {  	s25 =	sadd.s32 $0x5800, s7;
	s3 =	sor.u32 s2, s9;
	v37 =	vmul.f32 v46, v37;
	v39 =	vadd.f32 $-3.945544480e+00, v15;
	v38 =	vadd.f32 $-3.935643670e+00, v60;
	v15 =	vld [tilespmem:s24+$0x0]  }
0x451: {  	s12 =	sor.u32 s2, s25;
	s4 =	sadd.s32 $0x5880, s7;
	v62 =	vmul.f32 v46, v51;
	v51 =	vld [tilespmem:s3+$0x0];
	v36 =	vadd.f32 $-3.985148430e+00, v61;
	v41 =	vadd.f32 $-3.955445530e+00, v59  }
0x452: {  	v28 =	vld [tilespmem:s12+$0x0];
	v3 =	vsel vm1, v6, v3;
	s7 =	sadd.s32 $0x5900, s7;
	s14 =	sor.u32 s2, s4;
	v37 =	vadd.f32 $-3.995049480e+00, v37;
	v40 =	vadd.f32 $-3.975247620e+00, v40  }
0x453: {  	s15 =	sor.u32 s2, s7;
	v58 =	vld [tilespmem:s14+$0x0];
	v44 =	vadd.f32 $-3.965346570e+00, v62;
	vm5 =	vlt.f32 v36, v35;
	vm8 =	vlt.f32 v39, v35  }
0x454: {  	v59 =	vld [tilespmem:s15+$0x0];
	vm4 =	vlt.f32 v37, v35;
	vm7 =	vlt.f32 v40, v35;
	v60 =	vsel vm5, v50, v47  }
0x455: {  	vm9 =	vlt.f32 v44, v35;
	v47 =	vsel vm4, v50, v47;
	v63 =	vsel vm7, v15, v60  }
0x456: {  	vm10 =	vlt.f32 v41, v35;
	v15 =	vsel vm5, v15, v47;
	v50 =	vsel vm9, v51, v63  }
0x457: {  	vm11 =	vlt.f32 v38, v35;
	v15 =	vsel vm7, v51, v15;
	v47 =	vsel vm10, v28, v50  }
0x458: {  	vm11 =	vmneg vm11;
	v15 =	vsel vm9, v28, v15;
	v28 =	vsel vm8, v58, v47  }
0x459: {  	v15 =	vsel vm10, v58, v15;
	v50 =	vpop (erf);
	v47 =	vsel vm11, v28, v59;
	v28 =	vadd.f32 v55, v19  }
0x45a: {  	v60 =	vmul.f32 v50, v48;
	v48 =	vsel vm8, v59, v15;
	v55 =	vand.u32 $0x7FFFFFFF, v47  }
0x45b: {  	v24 =	vadd.f32 v34, v24;
	v58 =	vsub.f32 $0.0e+00, v55;
	v59 =	vand.u32 $0x7FFFFFFF, v48  }
0x45c: {  	v25 =	vadd.f32 v30, v25;
	v5 =	vsel vm0, v42, v5;
	v51 =	vsub.f32 $0.0e+00, v59  }
0x45d: {  	v29 =	vsel vm0, v57, v29;
	v15 =	vmul.f32 v50, v52;
	v50 =	vmul.f32 $1.442695020e+00, v58  }
0x45e: {  	v56 =	vadd.f32 v56, v45;
	v5 =	vsel vm6, v5, v7;
	v51 =	vmul.f32 $1.442695020e+00, v51  }
0x45f: {  	v7 =	vsel vm1, v9, v11;
	v42 =	vmul.f32 v15, v15;
	(erf) = vpow2.f32 v50  }
0x460: {  	vm1 =	vmand vm2, vm12;
	v5 =	vsel vm3, $0x40800000, v5;
	(erf) = vpow2.f32 v51  }
0x461: {  	v57 =	vsel vm6, v29, v13;
	v4 =	vsub.f32 v4, v5;
	v6 =	vmul.f32 $2.222222240e-01, v42  }
0x462: {  	v7 =	vnsel vm2, $0xC0800000, v7;
	v54 =	vadd.f32 v17, v43;
	v52 =	vadd.f32 v28, v22  }
0x463: {  	v29 =	vmul.f32 v4, v4;
	v1 =	vmul.f32 v49, v1;
	v6 =	vadd.f32 $2.857142980e-01, v6  }
0x464: {  	v55 =	vmul.f32 v60, v60;
	v61 =	vmul.f32 v52, v54;
	v58 =	vnsel vm2, $0xC0800000, v3  }
0x465: {  	v34 =	vmul.f32 v1, v34;
	v9 =	vsub.f32 v58, v5;
	v59 =	vmul.f32 v6, v42  }
0x466: {  	v2 =	vsel vm3, $0x40800000, v57;
	v16 =	vmul.f32 v1, v16;
	v62 =	vmul.f32 $2.222222240e-01, v55  }
0x467: {  	v5 =	vmul.f32 v9, v9;
	v6 =	vsub.f32 v7, v2;
	v11 =	vadd.f32 $4.000000060e-01, v59  }
0x468: {  	v51 =	vadd.f32 v26, v14;
	v14 =	vsub.f32 v9, v4;
	(erf) = vrcp.f32 v61;
	v61 =	vpop (erf)  }
0x469: {  	v63 =	vadd.f32 $2.857142980e-01, v62;
	v7 =	vmul.f32 v5, v6;
	v5 =	vmul.f32 v11, v42;
	v58 =	vpop (erf)  }
0x46a: {  	v11 =	vmul.f32 v14, v4;
	v4 =	vadd.f32 $2.000000000e+00, v61;
	v62 =	vadd.f32 $2.000000000e+00, v58  }
0x46b: {  	vm6 =	vgt.f32 v35, $4.000000000e+00;
	v24 =	vmul.f32 v1, v24;
	v32 =	vmul.f32 v1, v32  }
0x46c: {  	vm1 =	vmmov vm1;
	v13 =	vmul.f32 v63, v55;
	v63 =	vmul.f32 v62, v4  }
0x46d: {  	vm3 =	vgt.f32 v35, $-4.000000000e+00;
	v30 =	vmul.f32 v1, v30;
	v27 =	vmul.f32 v1, v27  }
0x46e: {  	v33 =	vmul.f32 v46, v33;
	v34 =	vadd.f32 $-3.965346570e+00, v34;
	(erf) = vrcp.f32 v63  }
0x46f: {  	v25 =	vmul.f32 v1, v25;
	v16 =	vadd.f32 $-3.975247620e+00, v16;
	v13 =	vadd.f32 $4.000000060e-01, v13  }
0x470: {  	v1 =	vmul.f32 v1, v31;
	v24 =	vadd.f32 $-3.955445530e+00, v24;
	v31 =	vadd.f32 $-3.925742630e+00, v33  }
0x471: {  	v30 =	vadd.f32 $-3.945544480e+00, v30;
	v32 =	vadd.f32 $-3.985148430e+00, v32;
	v13 =	vmul.f32 v13, v55  }
0x472: {  	v25 =	vadd.f32 $-3.935643670e+00, v25;
	v27 =	vadd.f32 $-3.995049480e+00, v27;
	vm12 =	vlt.f32 v31, v35  }
0x473: {  	v1 =	vadd.f32 $-3.925742630e+00, v1;
	vm14 =	vmneg vm12;
	v13 =	vadd.f32 $6.666666860e-01, v13  }
0x474: {  	vm12 =	vmand vm3, vm11;
	vm13 =	vmand vm4, vm14;
	v50 =	vadd.f32 v12, v26;
	v14 =	vpop (erf)  }
0x475: {  	v5 =	vadd.f32 $6.666666860e-01, v5;
	v13 =	vmul.f32 v13, v55;
	v14 =	vmul.f32 $7.920792100e+00, v14  }
0x476: {  	vm13 =	vmand vm3, vm13;
	v61 =	vmul.f32 v62, v61;
	v4 =	vmul.f32 v4, v58  }
0x477: {  	v5 =	vmul.f32 v5, v42;
	v42 =	vmul.f32 v14, v52;
	v52 =	vadd.f32 v50, v0;
	v62 =	vpop (erf)  }
0x478: {  	v0 =	vadd.f32 v53, v19;
	v53 =	vmul.f32 v62, v61;
	v4 =	vmul.f32 v62, v4  }
0x479: {  	v12 =	vmul.f32 v29, v6;
	v13 =	vadd.f32 $2.000000000e+00, v13;
	v29 =	vmul.f32 v14, v54  }
0x47a: {  	v3 =	vimm.f32 $4.000000000e+00;
	v33 =	vmul.f32 v53, v53;
	v46 =	vmul.f32 v4, v4  }
0x47b: {  	[tilespmem:$0x1FE00] =	vst v2;
	v2 =	vimm.f32 $-4.000000000e+04;
	v14 =	vmul.f32 v13, v60;
	v13 =	vmul.f32 v42, v43  }
0x47c: {  	v49 =	vsel vm3, $0xC0800000, v2;
	v63 =	vmul.f32 $2.222222240e-01, v33;
	v60 =	vmul.f32 $2.222222240e-01, v46  }
0x47d: {  	v54 =	vsel vm6, $0x471C4000, v3;
	v43 =	vmul.f32 v42, v45;
	v45 =	vmul.f32 v42, v56  }
0x47e: {  	v61 =	vsel vm4, v37, v49;
	v55 =	vadd.f32 $2.857142980e-01, v63;
	v56 =	vadd.f32 $2.857142980e-01, v60  }
0x47f: {  	v49 =	vsel vm4, v27, v49;
	v62 =	vsel vm14, v31, v54;
	v54 =	vsel vm14, v1, v54  }
0x480: {  	v57 =	vsel vm5, v36, v61;
	v55 =	vmul.f32 v55, v33;
	v56 =	vmul.f32 v56, v46  }
0x481: {  	v49 =	vsel vm5, v32, v49;
	v58 =	vsel vm11, v38, v62;
	v54 =	vsel vm11, v25, v54  }
0x482: {  	v57 =	vsel vm7, v40, v57;
	v55 =	vadd.f32 $4.000000060e-01, v55;
	v56 =	vadd.f32 $4.000000060e-01, v56  }
0x483: {  	v49 =	vsel vm7, v16, v49;
	v58 =	vsel vm8, v58, v39;
	v57 =	vsel vm9, v44, v57  }
0x484: {  	v49 =	vsel vm9, v34, v49;
	v55 =	vmul.f32 v55, v33;
	v56 =	vmul.f32 v56, v46  }
0x485: {  	v54 =	vsel vm8, v54, v30;
	v57 =	vsel vm10, v41, v57;
	v49 =	vsel vm10, v24, v49  }
0x486: {  	v41 =	vsel vm10, v58, v41;
	v55 =	vadd.f32 $6.666666860e-01, v55;
	v56 =	vadd.f32 $6.666666860e-01, v56  }
0x487: {  	v24 =	vsel vm10, v54, v24;
	v39 =	vsel vm8, v39, v57;
	v30 =	vsel vm8, v30, v49  }
0x488: {  	v24 =	vsel vm9, v24, v34;
	v33 =	vmul.f32 v55, v33;
	v46 =	vmul.f32 v56, v46  }
0x489: {  	v49 =	vmax.f32 v48, $0.0e+00;
	v57 =	vmul.f32 v42, v51;
	v63 =	vsel vm9, v41, v44  }
0x48a: {  	v25 =	vsel vm11, v30, v25;
	v30 =	vadd.f32 $2.000000000e+00, v33;
	v44 =	vadd.f32 $2.000000000e+00, v46  }
0x48b: {  	v38 =	vsel vm11, v39, v38;
	v16 =	vsel vm7, v24, v16;
	v24 =	vmax.f32 v47, $0.0e+00  }
0x48c: {  	v31 =	vsel vm14, v38, v31;
	v30 =	vmul.f32 v30, v53;
	v4 =	vmul.f32 v44, v4  }
0x48d: {  	v1 =	vsel vm14, v25, v1;
	v16 =	vsel vm5, v16, v32;
	v25 =	vsel vm6, $0x40800000, v31  }
0x48e: {  	v16 =	vsel vm4, v16, v27;
	v24 =	vadd.f32 v30, v24;
	v4 =	vadd.f32 v4, v49  }
0x48f: {  	v1 =	vsel vm6, $0x40800000, v1;
	v16 =	vnsel vm3, $0xC0800000, v16;
	v46 =	vsel vm7, v63, v40  }
0x490: {  	v53 =	vsel vm5, v46, v36;
	v24 =	vadd.f32 $1.000000050e-03, v24;
	v27 =	vadd.f32 $1.000000050e-03, v4  }
0x491: {  	v54 =	vsub.f32 v35, v25;
	v36 =	vsub.f32 v16, v1;
	v30 =	vsel vm4, v53, v37  }
0x492: {  	v30 =	vnsel vm3, $0xC0800000, v30;
	v55 =	vnsel vm13, $0x3F800000, v24;
	v24 =	vnsel vm12, $0x3F800000, v27  }
0x493: {  	s18 =	simm.s32 $0x3420;
	v26 =	vmul.f32 v42, v26;
	v27 =	vsub.f32 v30, v25;
	v16 =	vadd.f32 v24, v55  }
0x494: {  	s20 =	sor.u32 s0, s17;
	v13 =	vadd.f32 $-3.995049480e+00, v13;
	v62 =	vmul.f32 v42, v50;
	v34 =	vadd.f32 $-3.955445530e+00, v57;
	v4 =	vld [tilespmem:s18+$0x0]  }
0x495: {  	s22 =	sor.u32 s0, s22;
	v31 =	vld [tilespmem:s20+$0x0];
	v60 =	vadd.f32 v36, v36;
	v59 =	vsub.f32 v27, v54;
	v16 =	vmul.f32 v16, v27  }
0x496: {  	s23 =	sor.u32 s0, s23;
	v35 =	vadd.f32 $-3.945544480e+00, v62;
	v32 =	vmul.f32 v54, v54;
	v56 =	vld [tilespmem:s22+$0x0];
	v25 =	vadd.f32 $-3.975247620e+00, v45  }
0x497: {  	v58 =	vld [tilespmem:s23+$0x0];
	v61 =	vmul.f32 v27, v27;
	v38 =	vmul.f32 v59, v54;
	v16 =	vsub.f32 v16, v60  }
0x498: {  	s24 =	sor.u32 s0, s9;
	v63 =	vmul.f32 v42, v52;
	v30 =	vadd.f32 $-3.965346570e+00, v26;
	v24 =	vadd.f32 $-3.985148430e+00, v43  }
0x499: {  	s25 =	sor.u32 s0, s25;
	v26 =	vld [tilespmem:s24+$0x0];
	vm4 =	vlt.f32 v13, v4;
	v40 =	vmul.f32 v61, v36;
	v16 =	vmul.f32 v16, v38  }
0x49a: {  	s2 =	sor.u32 s0, s4;
	v49 =	vld [tilespmem:s25+$0x0];
	vm7 =	vlt.f32 v24, v4;
	vm8 =	vlt.f32 v25, v4;
	vm10 =	vlt.f32 v30, v4  }
0x49b: {  	s0 =	sor.u32 s0, s7;
	v50 =	vld [tilespmem:s2+$0x0];
	vm11 =	vlt.f32 v34, v4;
	v48 =	vsel vm7, v56, v31;
	v16 =	vadd.f32 v16, v40  }
0x49c: {  	v51 =	vld [tilespmem:s0+$0x0];
	vm9 =	vlt.f32 v35, v4;
	v31 =	vsel vm4, v56, v31;
	v43 =	vsel vm8, v58, v48  }
0x49d: {  	v37 =	vsel vm7, v58, v31;
	v31 =	vadd.f32 $-3.935643670e+00, v63;
	(erf) = vrcp.f32 v16  }
0x49e: {  	v27 =	vmul.f32 v55, v27;
	v52 =	vsel vm10, v26, v43;
	v26 =	vsel vm8, v26, v37  }
0x49f: {  	vm3 =	vlt.f32 v31, v4;
	v16 =	vsel vm10, v49, v26;
	v26 =	vsel vm11, v49, v52  }
0x4a0: {  	v27 =	vmul.f32 v27, v38;
	vm5 =	vmneg vm3;
	v26 =	vsel vm9, v50, v26  }
0x4a1: {  	s3 =	simm.s32 $0x200;
	s8 =	simm.s32 $0x40;
	v53 =	vsel vm11, v50, v16;
	v16 =	vsel vm5, v26, v51;
	v26 =	vmul.f32 v32, v36  }
0x4a2: {  	s1 =	sor.u32 s3, s8;
	s2 =	sand.u32 $0xC00, s3;
	s0 =	sand.u32 $0x60, s8;
	v54 =	vmul.f32 v42, v17;
	v17 =	vsel vm9, v51, v53;
	v55 =	vand.u32 $0x7FFFFFFF, v16  }
0x4a3: {  	s1 =	sor.u32 $0x380, s1;
	s7 =	sor.u32 $0x10, s0;
	s20 =	sadd.s32 $0x3600, s2;
	v56 =	vand.u32 $0x7FFFFFFF, v17;
	v33 =	vsub.f32 $0.0e+00, v55;
	v26 =	vadd.f32 v27, v26  }
0x4a4: {  	v22 =	vmul.f32 v29, v22;
	v57 =	vld [tilespmem:s1+$0x3600];
	s4 =	sor.u32 s7, s20;
	v27 =	vmul.f32 v29, v28;
	v28 =	vsub.f32 $0.0e+00, v56  }
0x4a5: {  	v18 =	vadd.f32 v18, v21;
	v62 =	vld [tilespmem:s4+$0x280];
	v33 =	vmul.f32 $1.442695020e+00, v33;
	v26 =	vmul.f32 v26, v36  }
0x4a6: {  	v20 =	vadd.f32 v19, v20;
	v58 =	vmul.f32 v29, v21;
	v60 =	vld [tilespmem:s4+$0x80];
	v28 =	vmul.f32 $1.442695020e+00, v28;
	v59 =	vpop (erf)  }
0x4a7: {  	v23 =	vadd.f32 v0, v23;
	(erf) = vpow2.f32 v33;
	v21 =	vmul.f32 v59, v26;
	v26 =	vld [tilespmem:s4+$0x100]  }
0x4a8: {  	vm2 =	vmand vm2, vm0;
	v0 =	vmul.f32 v29, v0;
	s23 =	sadd.s32 $0x4700, s2;
	(erf) = vpow2.f32 v28;
	v28 =	vld [tilespmem:s4+$0x180]  }
0x4a9: {  	vm2 =	vmmov vm2;
	v23 =	vmul.f32 v29, v23;
	s12 =	sor.u32 s7, s23;
	s18 =	sadd.s32 $0x4680, s2;
	v61 =	vmul.f32 v29, v18;
	v18 =	vld [tilespmem:s4+$0x200]  }
0x4aa: {  	v14 =	vadd.f32 v14, v8;
	s16 =	sadd.s32 $0x4980, s2;
	s10 =	sor.u32 s7, s18;
	v48 =	vld [tilespmem:s12+$0x0];
	v40 =	vmul.f32 v29, v19;
	v19 =	vmul.f32 $1.442695020e+00, v57  }
0x4ab: {  	s17 =	sadd.s32 $0x4780, s2;
	v41 =	vadd.f32 $2.000000000e+00, v5;
	s3 =	sor.u32 s7, s16;
	v5 =	vmul.f32 $1.442695020e+00, v60;
	v29 =	vmul.f32 v29, v20;
	v20 =	vld [tilespmem:s10+$0x0]  }
0x4ac: {  	s13 =	sor.u32 s7, s17;
	vm0 =	vgt.f32 v4, $4.000000000e+00;
	v52 =	vld [tilespmem:s3+$0x0];
	(erf) = vpow2.f32 v19;
	v26 =	vmul.f32 $1.442695020e+00, v26  }
0x4ad: {  	s9 =	sadd.s32 $0x4800, s2;
	s24 =	simm.s32 $0x2;
	v47 =	vadd.f32 $-3.975247620e+00, v61;
	(erf) = vpow2.f32 v5;
	v19 =	vmul.f32 $1.442695020e+00, v28;
	v28 =	vld [tilespmem:s13+$0x0]  }
0x4ae: {  	s14 =	sor.u32 s7, s9;
	s12 =	sand.u32 $0x3, s24;
	vm3 =	vgt.f32 v4, $-4.000000000e+00;
	v53 =	vld [tilespmem:s4+$0x0];
	s10 =	sadd.s32 $0x4880, s2;
	v5 =	vmul.f32 $1.442695020e+00, v18;
	(erf) = vpow2.f32 v26  }
0x4af: {  	s12 =	sshll.u32 s12, $0x5;
	s15 =	sor.u32 s7, s10;
	v36 =	vmul.f32 $1.442695020e+00, v62;
	v18 =	vld [tilespmem:s14+$0x0];
	v1 =	vadd.f32 v21, v1;
	s13 =	sadd.s32 $0x4900, s2;
	(erf) = vpow2.f32 v19  }
0x4b0: {  	s12 =	sadd.s32 $0x200, s12;
	v63 =	vsel vm3, $0xC0800000, v2;
	v50 =	vld [tilespmem:s15+$0x0];
	s14 =	sadd.s32 $0x4600, s2;
	s25 =	sor.u32 s7, s13;
	v19 =	vmul.f32 $1.442695020e+00, v20;
	(erf) = vpow2.f32 v5  }
0x4b1: {  	s4 =	sadd.s32 $0x10, s12;
	s24 =	sor.u32 s7, s14;
	v51 =	vld [tilespmem:s25+$0x0];
	[tilespmem:$0x1FEA0] =	vst v1;
	v26 =	vadd.f32 $-3.995049480e+00, v22;
	v22 =	vmul.f32 $1.442695020e+00, v48;
	(erf) = vpow2.f32 v36  }
0x4b2: {  	v33 =	vadd.f32 $-3.925742630e+00, v54;
	s25 =	sor.u32 $0x300, s4;
	v54 =	vld [tilespmem:s24+$0x0];
	v28 =	vmul.f32 $1.442695020e+00, v28;
	(erf) = vpow2.f32 v19  }
0x4b3: {  	v49 =	vsel vm0, $0x471C4000, v3;
	v42 =	vmul.f32 $1.442695020e+00, v52;
	s1 =	sor.u32 $0x380, s4;
	v55 =	vld [tilespmem:s25+$0x3600];
	(erf) = vpow2.f32 v22  }
0x4b4: {  	v44 =	vadd.f32 $-3.965346570e+00, v40;
	v1 =	vmul.f32 $1.442695020e+00, v18;
	v20 =	vpop (erf);
	(erf) = vpow2.f32 v28;
	v28 =	vld [tilespmem:s1+$0x3600]  }
0x4b5: {  	v27 =	vadd.f32 $-3.925742630e+00, v27;
	v43 =	vmul.f32 $1.442695020e+00, v50;
	v21 =	vpop (erf);
	v36 =	vmul.f32 $1.442695020e+00, v53  }
0x4b6: {  	s3 =	sor.u32 s0, s20;
	v22 =	vadd.f32 $-3.935643670e+00, v23;
	v23 =	vmul.f32 $1.442695020e+00, v51;
	v19 =	vpop (erf);
	(erf) = vpow2.f32 v1  }
0x4b7: {  	vm6 =	vlt.f32 v33, v4;
	s14 =	sor.u32 s0, s14;
	v59 =	vld [tilespmem:s3+$0x0];
	v57 =	vmul.f32 $1.442695020e+00, v54;
	v46 =	vpop (erf);
	(erf) = vpow2.f32 v43  }
0x4b8: {  	s12 =	sor.u32 $0x300, s12;
	vm6 =	vmneg vm6;
	v61 =	vld [tilespmem:s14+$0x0];
	v37 =	vmul.f32 $1.442695020e+00, v55;
	v1 =	vpop (erf);
	(erf) = vpow2.f32 v23  }
0x4b9: {  	v56 =	vsel vm6, v33, v49;
	v62 =	vld [tilespmem:s12+$0x3600];
	v43 =	vpop (erf);
	(erf) = vpow2.f32 v42;
	v28 =	vmul.f32 $1.442695020e+00, v28  }
0x4ba: {  	v32 =	vsel vm6, v27, v49;
	v49 =	vadd.f32 $-3.945544480e+00, v0;
	v40 =	vld [tilespmem:s3+$0x80];
	(erf) = vpow2.f32 v36;
	v23 =	vpop (erf)  }
0x4bb: {  	s22 =	sor.u32 s0, s16;
	v0 =	vsel vm5, v31, v56;
	v56 =	vld [tilespmem:s3+$0x200];
	v60 =	vsel vm4, v26, v63;
	v48 =	vpop (erf);
	(erf) = vpow2.f32 v57  }
0x4bc: {  	v50 =	vadd.f32 $-3.955445530e+00, v29;
	v18 =	vadd.f32 $-3.985148430e+00, v58;
	v8 =	vld [tilespmem:s22+$0x0];
	(erf) = vpow2.f32 v37;
	v37 =	vpop (erf)  }
0x4bd: {  	v58 =	vsel vm4, v13, v63;
	v63 =	vld [tilespmem:s3+$0x100];
	v53 =	vmul.f32 v41, v15;
	(erf) = vpow2.f32 v28;
	v28 =	vpop (erf)  }
0x4be: {  	v39 =	vmul.f32 $1.442695020e+00, v61;
	v55 =	vld [tilespmem:s3+$0x180];
	v32 =	vsel vm5, v22, v32;
	v36 =	vsel vm7, v18, v60;
	v60 =	vpop (erf)  }
0x4bf: {  	v0 =	vsel vm9, v0, v35;
	v15 =	vmul.f32 $1.442695020e+00, v59;
	v62 =	vmul.f32 $1.442695020e+00, v62;
	v29 =	vpop (erf)  }
0x4c0: {  	v5 =	vimm.f32 $-4.000000000e+04;
	v40 =	vmul.f32 $1.442695020e+00, v40;
	v56 =	vmul.f32 $1.442695020e+00, v56;
	v61 =	vpop (erf)  }
0x4c1: {  	v8 =	vmul.f32 $1.442695020e+00, v8;
	v45 =	vsel vm9, v32, v49;
	(erf) = vpow2.f32 v15;
	v32 =	vpop (erf)  }
0x4c2: {  	v51 =	vmul.f32 $1.442695020e+00, v63;
	v45 =	vsel vm11, v45, v50;
	(erf) = vpow2.f32 v39;
	v39 =	vpop (erf)  }
0x4c3: {  	v42 =	vsel vm7, v24, v58;
	v55 =	vmul.f32 $1.442695020e+00, v55;
	v43 =	vadd.f32 v43, v1;
	v15 =	vpop (erf)  }
0x4c4: {  	v54 =	vsel vm8, v47, v36;
	v48 =	vadd.f32 v48, v23;
	v15 =	vmul.f32 $5.000000000e-01, v15;
	v63 =	vpop (erf)  }
0x4c5: {  	s4 =	sor.u32 s0, s18;
	v59 =	vld [tilespmem:s3+$0x280];
	v52 =	vadd.f32 v60, v28;
	v38 =	vadd.f32 v61, v29;
	v36 =	vmul.f32 $5.000000000e-01, v63;
	v60 =	vpop (erf)  }
0x4c6: {  	s14 =	sor.u32 s0, s23;
	(erf) = vpow2.f32 v62;
	v61 =	vld [tilespmem:s4+$0x0];
	v41 =	vadd.f32 v39, v32;
	v46 =	vadd.f32 v46, v15;
	v39 =	vpop (erf)  }
0x4c7: {  	s15 =	sor.u32 s0, s17;
	v62 =	vld [tilespmem:s14+$0x0];
	(erf) = vpow2.f32 v40;
	v40 =	vadd.f32 v39, v60;
	v39 =	vadd.f32 v37, v36  }
0x4c8: {  	(erf) = vpow2.f32 v51;
	v37 =	vadd.f32 v41, v38;
	v63 =	vadd.f32 v43, v46;
	v43 =	vld [tilespmem:s15+$0x0]  }
0x4c9: {  	(erf) = vpow2.f32 v55;
	v40 =	vadd.f32 v40, v48;
	v41 =	vadd.f32 v52, v39  }
0x4ca: {  	v58 =	vadd.f32 $2.000000000e+00, v21;
	(erf) = vpow2.f32 v56;
	v52 =	vmul.f32 $1.442695020e+00, v59  }
0x4cb: {  	v55 =	vmul.f32 $1.442695020e+00, v61;
	v40 =	vadd.f32 v40, v63;
	v37 =	vadd.f32 v37, v41  }
0x4cc: {  	s17 =	sor.u32 s0, s9;
	v42 =	vsel vm8, v25, v42;
	v59 =	vmul.f32 $1.442695020e+00, v62;
	(erf) = vpow2.f32 v52  }
0x4cd: {  	s18 =	sor.u32 s0, s10;
	v56 =	vld [tilespmem:s17+$0x0];
	v3 =	vadd.f32 v40, v15;
	v61 =	vadd.f32 v37, v36;
	v43 =	vmul.f32 $1.442695020e+00, v43  }
0x4ce: {  	s20 =	sor.u32 s0, s13;
	v57 =	vadd.f32 $2.000000000e+00, v20;
	v51 =	vsel vm11, v0, v34;
	v62 =	vld [tilespmem:s18+$0x0];
	(erf) = vpow2.f32 v55  }
0x4cf: {  	v52 =	vsel vm10, v30, v42;
	v42 =	vpop (erf);
	v55 =	vld [tilespmem:s20+$0x0];
	(erf) = vpow2.f32 v59;
	v0 =	vmul.f32 v61, v3  }
0x4d0: {  	v54 =	vsel vm10, v44, v54;
	v59 =	vadd.f32 v53, v10;
	v10 =	vpop (erf);
	(erf) = vpow2.f32 v43  }
0x4d1: {  	v44 =	vsel vm10, v45, v44;
	v30 =	vsel vm10, v51, v30;
	v43 =	vpop (erf);
	(erf) = vrcp.f32 v0  }
0x4d2: {  	v1 =	vadd.f32 v1, v46;
	v25 =	vsel vm8, v30, v25;
	v0 =	vsel vm11, v34, v52;
	v52 =	vpop (erf)  }
0x4d3: {  	v45 =	vmul.f32 $1.442695020e+00, v56;
	v30 =	vsel vm8, v44, v47;
	v24 =	vsel vm7, v25, v24;
	v56 =	vpop (erf)  }
0x4d4: {  	v53 =	vmul.f32 $1.442695020e+00, v62;
	v34 =	vsel vm11, v50, v54;
	v55 =	vmul.f32 $1.442695020e+00, v55;
	v62 =	vpop (erf)  }
0x4d5: {  	v0 =	vsel vm9, v35, v0;
	(erf) = vpow2.f32 v45;
	v34 =	vsel vm9, v49, v34;
	v44 =	vpop (erf)  }
0x4d6: {  	v49 =	vmul.f32 $5.000000000e-01, v42;
	v35 =	vsel vm7, v30, v18;
	(erf) = vpow2.f32 v53;
	v25 =	vpop (erf)  }
0x4d7: {  	v0 =	vsel vm5, v0, v31;
	v42 =	vsel vm5, v34, v22;
	(erf) = vpow2.f32 v55;
	v30 =	vpop (erf)  }
0x4d8: {  	v51 =	vadd.f32 v52, v49;
	v47 =	vadd.f32 v62, v56;
	(erf) = vpow2.f32 v8;
	v18 =	vpop (erf)  }
0x4d9: {  	v22 =	vadd.f32 v19, v43;
	v19 =	vmul.f32 $5.000000000e-01, v10;
	v55 =	vadd.f32 v25, v44;
	v50 =	vpop (erf)  }
0x4da: {  	v34 =	vmul.f32 v58, v20;
	v25 =	vmul.f32 v58, v57;
	v8 =	vadd.f32 v47, v51;
	v20 =	vpop (erf)  }
0x4db: {  	v58 =	vsel vm4, v24, v13;
	v13 =	vadd.f32 v22, v55;
	v54 =	vmul.f32 $7.920792100e+00, v20  }
0x4dc: {  	v22 =	vadd.f32 v30, v19;
	v30 =	vadd.f32 v48, v63;
	(erf) = vrcp.f32 v25  }
0x4dd: {  	v25 =	vadd.f32 v63, v23;
	v10 =	vadd.f32 v50, v18;
	v50 =	vmul.f32 v54, v61  }
0x4de: {  	s3 =	sadd.s32 $0x5680, s2;
	v62 =	vmul.f32 v57, v21;
	v55 =	vadd.f32 v55, v8;
	v20 =	vpop (erf);
	v31 =	vadd.f32 v30, v60  }
0x4df: {  	s24 =	sand.u32 $0x180, s8;
	s4 =	sor.u32 s7, s3;
	v24 =	vadd.f32 v13, v8;
	v21 =	vadd.f32 v10, v22;
	v13 =	vpop (erf);
	v10 =	vmul.f32 v50, v30  }
0x4e0: {  	s23 =	sadd.s32 $0x5600, s2;
	s16 =	sor.u32 s24, s7;
	v53 =	vld [tilespmem:s4+$0x0];
	v18 =	vadd.f32 v18, v22;
	v23 =	vpop (erf);
	v48 =	vmul.f32 v50, v25;
	v25 =	vmul.f32 v50, v31  }
0x4e1: {  	s13 =	sadd.s32 $0x5700, s2;
	s25 =	sor.u32 s7, s23;
	v57 =	vadd.f32 v13, v20;
	v61 =	vpop (erf);
	v30 =	vld [tilespmem:s16+$0x3400];
	v31 =	vmul.f32 v50, v46;
	v15 =	vmul.f32 v50, v15  }
0x4e2: {  	s9 =	sor.u32 s7, s13;
	s8 =	sadd.s32 $0x5780, s2;
	v13 =	vld [tilespmem:s25+$0x0];
	v60 =	vmul.f32 v50, v1;
	v52 =	vadd.f32 v61, v23;
	v46 =	vadd.f32 $-3.945544480e+00, v10  }
0x4e3: {  	s12 =	sadd.s32 $0x5800, s2;
	s14 =	sor.u32 s7, s8;
	v61 =	vmul.f32 v50, v63;
	v45 =	vadd.f32 $-3.935643670e+00, v25;
	v10 =	vld [tilespmem:s9+$0x0];
	v31 =	vadd.f32 $-3.985148430e+00, v31  }
0x4e4: {  	s15 =	sadd.s32 $0x5880, s2;
	s18 =	sor.u32 s7, s12;
	v63 =	vld [tilespmem:s14+$0x0];
	v2 =	vadd.f32 $-3.995049480e+00, v15;
	v25 =	vsel vm6, v0, v33;
	v33 =	vadd.f32 $-3.975247620e+00, v60  }
0x4e5: {  	s2 =	sadd.s32 $0x5900, s2;
	s20 =	sor.u32 s7, s15;
	v35 =	vsel vm4, v35, v26;
	v48 =	vadd.f32 $-3.955445530e+00, v48;
	v0 =	vld [tilespmem:s18+$0x0];
	v47 =	vadd.f32 $-3.965346570e+00, v61  }
0x4e6: {  	s22 =	sor.u32 s7, s2;
	v15 =	vld [tilespmem:s20+$0x0];
	vm8 =	vlt.f32 v31, v30;
	vm7 =	vlt.f32 v2, v30;
	vm9 =	vlt.f32 v33, v30  }
0x4e7: {  	vm11 =	vlt.f32 v46, v30;
	v60 =	vsel vm8, v53, v13;
	v13 =	vsel vm7, v53, v13;
	v53 =	vld [tilespmem:s22+$0x0]  }
0x4e8: {  	vm10 =	vlt.f32 v47, v30;
	v60 =	vsel vm9, v10, v60;
	v10 =	vsel vm8, v10, v13  }
0x4e9: {  	vm13 =	vlt.f32 v48, v30;
	v13 =	vsel vm10, v63, v60;
	v10 =	vsel vm9, v63, v10  }
0x4ea: {  	vm12 =	vlt.f32 v45, v30;
	v13 =	vsel vm13, v0, v13;
	v0 =	vsel vm10, v0, v10  }
0x4eb: {  	vm12 =	vmneg vm12;
	v10 =	vsel vm11, v15, v13;
	v0 =	vsel vm13, v15, v0  }
0x4ec: {  	v60 =	vadd.f32 v52, v57;
	v52 =	vsel vm12, v10, v53;
	v53 =	vsel vm11, v53, v0  }
0x4ed: {  	v1 =	vadd.f32 $1.000000050e-03, v59;
	v13 =	vpop (erf);
	v0 =	vand.u32 $0x7FFFFFFF, v52;
	v10 =	vand.u32 $0x7FFFFFFF, v53  }
0x4ee: {  	v61 =	vmul.f32 v13, v34;
	v34 =	vadd.f32 v60, v21;
	v0 =	vsub.f32 $0.0e+00, v0  }
0x4ef: {  	v60 =	vadd.f32 v24, v49;
	v15 =	vmul.f32 v13, v62;
	v10 =	vsub.f32 $0.0e+00, v10  }
0x4f0: {  	v62 =	vadd.f32 v34, v19;
	v63 =	vmul.f32 v61, v61;
	v0 =	vmul.f32 $1.442695020e+00, v0  }
0x4f1: {  	v59 =	vmax.f32 v17, $0.0e+00;
	v26 =	vmul.f32 v15, v15;
	v13 =	vmul.f32 $1.442695020e+00, v10  }
0x4f2: {  	v17 =	vadd.f32 v8, v44;
	(erf) = vpow2.f32 v0;
	v0 =	vmul.f32 v62, v60  }
0x4f3: {  	v10 =	vsel vm6, v42, v27;
	v27 =	vmul.f32 $2.222222240e-01, v63;
	(erf) = vpow2.f32 v13  }
0x4f4: {  	v13 =	vadd.f32 $1.000000050e-03, v14;
	(erf) = vrcp.f32 v0;
	v0 =	vmul.f32 $2.222222240e-01, v26  }
0x4f5: {  	v44 =	vadd.f32 v57, v21;
	v14 =	vmax.f32 v16, $0.0e+00;
	v16 =	vadd.f32 $2.857142980e-01, v27  }
0x4f6: {  	v1 =	vnsel vm2, $0x3F800000, v1;
	v13 =	vnsel vm1, $0x3F800000, v13;
	v0 =	vadd.f32 $2.857142980e-01, v0  }
0x4f7: {  	v1 =	vadd.f32 v1, v13;
	v16 =	vmul.f32 v16, v63;
	v13 =	vmul.f32 v13, v9  }
0x4f8: {  	v42 =	vadd.f32 v6, v6;
	v27 =	vadd.f32 v56, v51;
	v0 =	vmul.f32 v0, v26  }
0x4f9: {  	v1 =	vmul.f32 v1, v9;
	v56 =	vadd.f32 $4.000000060e-01, v16;
	v13 =	vmul.f32 v13, v11  }
0x4fa: {  	v23 =	vadd.f32 v44, v23;
	vm2 =	vgt.f32 v30, $4.000000000e+00;
	v0 =	vadd.f32 $4.000000060e-01, v0  }
0x4fb: {  	vm1 =	vmand vm4, vm6;
	v1 =	vsub.f32 v1, v42;
	v9 =	vmul.f32 v56, v63  }
0x4fc: {  	vm4 =	vmand vm3, vm1;
	v12 =	vadd.f32 v13, v12;
	v0 =	vmul.f32 v0, v26  }
0x4fd: {  	v42 =	vnsel vm3, $0xC0800000, v58;
	v13 =	vpop (erf);
	v1 =	vmul.f32 v1, v11;
	v9 =	vadd.f32 $6.666666860e-01, v9  }
0x4fe: {  	v11 =	vmul.f32 v12, v6;
	v58 =	vpop (erf);
	v12 =	vadd.f32 $2.000000000e+00, v13;
	v0 =	vadd.f32 $6.666666860e-01, v0  }
0x4ff: {  	v16 =	vadd.f32 $2.000000000e+00, v58;
	v6 =	vpop (erf);
	v7 =	vadd.f32 v1, v7;
	v9 =	vmul.f32 v9, v63  }
0x500: {  	vm1 =	vgt.f32 v30, $-4.000000000e+00;
	v6 =	vmul.f32 $7.920792100e+00, v6;
	v1 =	vmul.f32 v0, v26  }
0x501: {  	v56 =	vadd.f32 v55, v43;
	v0 =	vmul.f32 v16, v12;
	(erf) = vrcp.f32 v7  }
0x502: {  	v7 =	vadd.f32 v28, v39;
	v28 =	vmul.f32 v54, v3;
	v13 =	vmul.f32 v16, v13  }
0x503: {  	v26 =	vadd.f32 $2.000000000e+00, v9;
	v12 =	vmul.f32 v12, v58;
	v16 =	vmul.f32 v50, v40  }
0x504: {  	v3 =	vadd.f32 v41, v29;
	v9 =	vmul.f32 v6, v62;
	(erf) = vrcp.f32 v0  }
0x505: {  	v29 =	vadd.f32 v38, v41;
	v43 =	vmul.f32 v6, v60;
	v57 =	vmul.f32 v26, v61  }
0x506: {  	v60 =	vimm.f32 $4.000000000e+00;
	v7 =	vmul.f32 v28, v7;
	v61 =	vmul.f32 v28, v3  }
0x507: {  	v32 =	vadd.f32 v29, v32;
	v39 =	vmul.f32 v28, v39;
	v29 =	vmul.f32 v28, v29  }
0x508: {  	v36 =	vmul.f32 v28, v36;
	v16 =	vadd.f32 $-3.925742630e+00, v16;
	v0 =	vmul.f32 v9, v49  }
0x509: {  	v26 =	vmul.f32 v9, v51;
	v27 =	vmul.f32 v9, v27;
	v49 =	vsel vm2, $0x471C4000, v60  }
0x50a: {  	v8 =	vmul.f32 v9, v8;
	v7 =	vadd.f32 $-3.975247620e+00, v7;
	v38 =	vadd.f32 $-3.955445530e+00, v61  }
0x50b: {  	v32 =	vmul.f32 v28, v32;
	v29 =	vadd.f32 $-3.945544480e+00, v29;
	v39 =	vadd.f32 $-3.985148430e+00, v39  }
0x50c: {  	v36 =	vadd.f32 $-3.995049480e+00, v36;
	vm6 =	vlt.f32 v16, v30;
	v6 =	vadd.f32 $-3.995049480e+00, v0;
	v3 =	vpop (erf)  }
0x50d: {  	v0 =	vmul.f32 v28, v41;
	v41 =	vsel vm1, $0xC0800000, v5;
	v28 =	vmul.f32 v28, v37;
	v62 =	vpop (erf)  }
0x50e: {  	vm15 =	vmneg vm6;
	v13 =	vmul.f32 v62, v13;
	v12 =	vmul.f32 v62, v12  }
0x50f: {  	vm6 =	vmand vm1, vm12;
	v32 =	vadd.f32 $-3.935643670e+00, v32;
	v61 =	vsel vm7, v2, v41  }
0x510: {  	v41 =	vsel vm7, v36, v41;
	v37 =	vmul.f32 v13, v13;
	v40 =	vmul.f32 v12, v12  }
0x511: {  	vm14 =	vmand vm7, vm15;
	v0 =	vadd.f32 $-3.965346570e+00, v0;
	v28 =	vadd.f32 $-3.925742630e+00, v28  }
0x512: {  	v54 =	vsel vm8, v31, v61;
	v63 =	vmul.f32 $2.222222240e-01, v37;
	v58 =	vmul.f32 $2.222222240e-01, v40  }
0x513: {  	v41 =	vsel vm8, v39, v41;
	vm14 =	vmand vm1, vm14;
	v54 =	vsel vm9, v33, v54  }
0x514: {  	v41 =	vsel vm9, v7, v41;
	v50 =	vadd.f32 $2.857142980e-01, v63;
	v51 =	vadd.f32 $2.857142980e-01, v58  }
0x515: {  	v41 =	vsel vm10, v0, v41;
	v62 =	vsel vm15, v16, v49;
	v49 =	vsel vm15, v28, v49  }
0x516: {  	v49 =	vsel vm12, v32, v49;
	v50 =	vmul.f32 v50, v37;
	v51 =	vmul.f32 v51, v40  }
0x517: {  	v54 =	vsel vm10, v47, v54;
	v41 =	vsel vm13, v38, v41;
	v49 =	vsel vm11, v49, v29  }
0x518: {  	v29 =	vsel vm11, v29, v41;
	v50 =	vadd.f32 $4.000000060e-01, v50;
	v51 =	vadd.f32 $4.000000060e-01, v51  }
0x519: {  	v54 =	vsel vm13, v48, v54;
	v38 =	vsel vm13, v49, v38;
	v29 =	vsel vm12, v29, v32  }
0x51a: {  	v0 =	vsel vm10, v38, v0;
	v50 =	vmul.f32 v50, v37;
	v51 =	vmul.f32 v51, v40  }
0x51b: {  	v28 =	vsel vm15, v29, v28;
	v0 =	vsel vm9, v0, v7;
	v58 =	vsel vm12, v45, v62  }
0x51c: {  	v58 =	vsel vm11, v58, v46;
	v50 =	vadd.f32 $6.666666860e-01, v50;
	v51 =	vadd.f32 $6.666666860e-01, v51  }
0x51d: {  	v7 =	vmax.f32 v52, $0.0e+00;
	v29 =	vsel vm8, v0, v39;
	v48 =	vsel vm13, v58, v48  }
0x51e: {  	v48 =	vsel vm10, v48, v47;
	v37 =	vmul.f32 v50, v37;
	v40 =	vmul.f32 v51, v40  }
0x51f: {  	v0 =	vsel vm2, $0x40800000, v28;
	v62 =	vmul.f32 v9, v55;
	v33 =	vsel vm9, v48, v33  }
0x520: {  	v31 =	vsel vm8, v33, v31;
	v49 =	vadd.f32 $2.000000000e+00, v37;
	v50 =	vadd.f32 $2.000000000e+00, v40  }
0x521: {  	v46 =	vsel vm11, v46, v54;
	v2 =	vsel vm7, v31, v2;
	v31 =	vmul.f32 v9, v17  }
0x522: {  	v63 =	vsel vm12, v46, v45;
	v13 =	vmul.f32 v49, v13;
	v12 =	vmul.f32 v50, v12  }
0x523: {  	v17 =	vadd.f32 $-3.985148430e+00, v26;
	v26 =	vadd.f32 $-3.975247620e+00, v27;
	v51 =	vmax.f32 v53, $0.0e+00  }
0x524: {  	v16 =	vsel vm15, v63, v16;
	v7 =	vadd.f32 v13, v7;
	v12 =	vadd.f32 v12, v51  }
0x525: {  	v2 =	vnsel vm1, $0xC0800000, v2;
	v33 =	vadd.f32 $-3.955445530e+00, v31;
	v13 =	vsel vm2, $0x40800000, v16  }
0x526: {  	s24 =	simm.s32 $0x3440;
	v16 =	vsel vm7, v29, v36;
	v28 =	vadd.f32 $1.000000050e-03, v7;
	v12 =	vadd.f32 $1.000000050e-03, v12  }
0x527: {  	v16 =	vnsel vm1, $0xC0800000, v16;
	v29 =	vsub.f32 v30, v13;
	v2 =	vsub.f32 v2, v13;
	v7 =	vld [tilespmem:s24+$0x0]  }
0x528: {  	s25 =	sor.u32 s0, s23;
	v16 =	vsub.f32 v16, v0;
	v32 =	vnsel vm14, $0x3F800000, v28;
	v12 =	vnsel vm6, $0x3F800000, v12  }
0x529: {  	s3 =	sor.u32 s0, s3;
	v63 =	vmul.f32 v9, v56;
	v30 =	vld [tilespmem:s25+$0x0];
	v52 =	vsub.f32 v2, v29;
	v12 =	vadd.f32 v12, v32  }
0x52a: {  	s4 =	sor.u32 s0, s13;
	v31 =	vadd.f32 $-3.945544480e+00, v62;
	v13 =	vld [tilespmem:s3+$0x0];
	v61 =	vmul.f32 v2, v2;
	v53 =	vadd.f32 v16, v16  }
0x52b: {  	s7 =	sor.u32 s0, s8;
	v27 =	vld [tilespmem:s4+$0x0];
	v28 =	vadd.f32 $-3.965346570e+00, v8;
	v58 =	vmul.f32 v52, v29;
	v12 =	vmul.f32 v12, v2  }
0x52c: {  	v54 =	vld [tilespmem:s7+$0x0];
	v50 =	vmul.f32 v61, v16;
	vm1 =	vlt.f32 v6, v7;
	vm8 =	vlt.f32 v17, v7  }
0x52d: {  	s9 =	sor.u32 s0, s12;
	vm9 =	vlt.f32 v26, v7;
	vm11 =	vlt.f32 v28, v7;
	v12 =	vsub.f32 v12, v53  }
0x52e: {  	s10 =	sor.u32 s0, s15;
	v49 =	vld [tilespmem:s9+$0x0];
	vm12 =	vlt.f32 v33, v7;
	vm10 =	vlt.f32 v31, v7;
	v2 =	vmul.f32 v32, v2  }
0x52f: {  	s0 =	sor.u32 s0, s2;
	v51 =	vld [tilespmem:s10+$0x0];
	v48 =	vsel vm8, v13, v30;
	v13 =	vsel vm1, v13, v30;
	v12 =	vmul.f32 v12, v58  }
0x530: {  	v30 =	vadd.f32 $-3.935643670e+00, v63;
	v39 =	vsel vm9, v27, v48;
	v13 =	vsel vm8, v27, v13;
	v27 =	vld [tilespmem:s0+$0x0]  }
0x531: {  	v2 =	vmul.f32 v2, v58;
	v52 =	vsel vm11, v54, v39;
	v12 =	vadd.f32 v12, v50  }
0x532: {  	v8 =	vsel vm9, v54, v13;
	vm2 =	vlt.f32 v30, v7;
	v13 =	vmul.f32 v29, v29  }
0x533: {  	v8 =	vsel vm11, v49, v8;
	(erf) = vrcp.f32 v12;
	v12 =	vsel vm12, v49, v52  }
0x534: {  	s12 =	simm.s32 $0x300;
	s2 =	simm.s32 $0x60;
	vm2 =	vmneg vm2;
	v29 =	vsel vm12, v51, v8;
	v12 =	vsel vm10, v51, v12  }
0x535: {  	s8 =	sand.u32 $0x60, s2;
	s9 =	sand.u32 $0xC00, s12;
	v54 =	vsel vm10, v27, v29;
	v53 =	vsel vm2, v12, v27;
	v12 =	vmul.f32 v13, v16  }
0x536: {  	v55 =	vmul.f32 v43, v22;
	s7 =	sor.u32 $0x10, s8;
	s20 =	sadd.s32 $0x3600, s9;
	[tilespmem:$0x1FE20] =	vst v54;
	v13 =	vmul.f32 v9, v24;
	v24 =	vand.u32 $0x7FFFFFFF, v53  }
0x537: {  	v22 =	vsel vm0, $0x40800000, v25;
	s22 =	sor.u32 s7, s20;
	s0 =	sor.u32 s12, s2;
	[tilespmem:$0x1FE10] =	vst v53;
	v24 =	vsub.f32 $0.0e+00, v24;
	v2 =	vadd.f32 v2, v12  }
0x538: {  	v25 =	vadd.f32 v21, v20;
	v62 =	vmul.f32 v43, v44;
	s24 =	sadd.s32 $0x4780, s9;
	s0 =	sor.u32 $0x380, s0;
	v27 =	vand.u32 $0x7FFFFFFF, v54;
	v58 =	vld [tilespmem:s22+$0x80]  }
0x539: {  	s15 =	sor.u32 s7, s24;
	v27 =	vsub.f32 $0.0e+00, v27;
	v24 =	vmul.f32 $1.442695020e+00, v24;
	v2 =	vmul.f32 v2, v16;
	v16 =	vld [tilespmem:s0+$0x3600]  }
0x53a: {  	v40 =	vmul.f32 v43, v25;
	v61 =	vmul.f32 v43, v23;
	v8 =	vld [tilespmem:s15+$0x0]  }
0x53b: {  	vm5 =	vmand vm3, vm5;
	v27 =	vmul.f32 $1.442695020e+00, v27;
	(erf) = vpow2.f32 v24;
	v24 =	vld [tilespmem:s22+$0x100]  }
0x53c: {  	v41 =	vadd.f32 $2.000000000e+00, v1;
	v39 =	vmul.f32 v43, v21;
	v29 =	vmul.f32 v43, v34;
	v23 =	vld [tilespmem:s22+$0x180]  }
0x53d: {  	v20 =	vsub.f32 v42, v22;
	s25 =	sadd.s32 $0x4680, s9;
	(erf) = vpow2.f32 v27;
	v27 =	vmul.f32 v43, v18;
	v18 =	vld [tilespmem:s22+$0x200]  }
0x53e: {  	v22 =	vsub.f32 v4, v22;
	s18 =	sadd.s32 $0x4700, s9;
	s13 =	sor.u32 s7, s25;
	v12 =	vmul.f32 v43, v19;
	v21 =	vld [tilespmem:s22+$0x280];
	v16 =	vmul.f32 $1.442695020e+00, v16  }
0x53f: {  	v38 =	vadd.f32 $-3.985148430e+00, v55;
	s14 =	sor.u32 s7, s18;
	v25 =	vld [tilespmem:s13+$0x0];
	v4 =	vmul.f32 $1.442695020e+00, v58;
	v53 =	vmul.f32 $1.442695020e+00, v8  }
0x540: {  	s17 =	sadd.s32 $0x4800, s9;
	vm6 =	vgt.f32 v7, $-4.000000000e+00;
	v63 =	vld [tilespmem:s14+$0x0];
	v24 =	vmul.f32 $1.442695020e+00, v24;
	(erf) = vpow2.f32 v16  }
0x541: {  	s23 =	sadd.s32 $0x4880, s9;
	s1 =	sor.u32 s7, s17;
	vm7 =	vgt.f32 v7, $4.000000000e+00;
	v16 =	vmul.f32 $1.442695020e+00, v23;
	(erf) = vpow2.f32 v4  }
0x542: {  	s10 =	sadd.s32 $0x4900, s9;
	s3 =	sor.u32 s7, s23;
	v50 =	vsel vm7, $0x471C4000, v60;
	v1 =	vmul.f32 $1.442695020e+00, v18;
	v18 =	vld [tilespmem:s1+$0x0];
	(erf) = vpow2.f32 v24  }
0x543: {  	v49 =	vadd.f32 $-3.945544480e+00, v62;
	s13 =	sadd.s32 $0x4980, s9;
	s14 =	sor.u32 s7, s10;
	s0 =	simm.s32 $0x3;
	v56 =	vpop (erf);
	v4 =	vmul.f32 $1.442695020e+00, v21;
	v21 =	vld [tilespmem:s3+$0x0];
	(erf) = vpow2.f32 v16  }
0x544: {  	s15 =	sor.u32 s7, s13;
	s4 =	sand.u32 $0x3, s0;
	v23 =	vadd.f32 $-3.925742630e+00, v13;
	v13 =	vmul.f32 $1.442695020e+00, v25;
	v16 =	vld [tilespmem:s14+$0x0];
	(erf) = vpow2.f32 v1  }
0x545: {  	v9 =	vsel vm6, $0xC0800000, v5;
	v51 =	vld [tilespmem:s15+$0x0];
	s12 =	sshll.u32 s4, $0x5;
	s14 =	sadd.s32 $0x4600, s9;
	v1 =	vmul.f32 $1.442695020e+00, v63;
	(erf) = vpow2.f32 v4  }
0x546: {  	v60 =	vsel vm1, v6, v9;
	v52 =	vld [tilespmem:s22+$0x0];
	s12 =	sadd.s32 $0x300, s12;
	v2 =	vmul.f32 v56, v2;
	s3 =	sor.u32 s7, s14;
	(erf) = vpow2.f32 v13  }
0x547: {  	s22 =	sadd.s32 $0x10, s12;
	v24 =	vadd.f32 $-3.995049480e+00, v12;
	v12 =	vld [tilespmem:s3+$0x0];
	v13 =	vmul.f32 $1.442695020e+00, v18;
	(erf) = vpow2.f32 v1  }
0x548: {  	s4 =	sor.u32 $0x300, s22;
	v0 =	vadd.f32 v2, v0;
	v4 =	vpop (erf);
	v1 =	vmul.f32 $1.442695020e+00, v21;
	(erf) = vpow2.f32 v53  }
0x549: {  	v19 =	vnsel vm3, $0xC0800000, v35;
	s1 =	sor.u32 $0x380, s22;
	v18 =	vld [tilespmem:s4+$0x3600];
	v37 =	vpop (erf);
	v16 =	vmul.f32 $1.442695020e+00, v16;
	(erf) = vpow2.f32 v13  }
0x54a: {  	v25 =	vadd.f32 $-3.925742630e+00, v29;
	v29 =	vld [tilespmem:s1+$0x3600];
	[tilespmem:$0x1FEB0] =	vst v0;
	v0 =	vmul.f32 $1.442695020e+00, v51;
	v42 =	vpop (erf);
	(erf) = vpow2.f32 v1  }
0x54b: {  	v47 =	vsel vm8, v17, v60;
	s22 =	sor.u32 s8, s20;
	v13 =	vmul.f32 $1.442695020e+00, v52;
	v2 =	vpop (erf);
	(erf) = vpow2.f32 v16  }
0x54c: {  	v47 =	vsel vm9, v26, v47;
	s14 =	sor.u32 s8, s14;
	v54 =	vld [tilespmem:s22+$0x0];
	v12 =	vmul.f32 $1.442695020e+00, v12;
	v1 =	vpop (erf);
	(erf) = vpow2.f32 v0  }
0x54d: {  	v43 =	vadd.f32 $-3.935643670e+00, v61;
	s12 =	sor.u32 $0x300, s12;
	vm3 =	vlt.f32 v23, v7;
	v16 =	vpop (erf);
	(erf) = vpow2.f32 v13;
	v13 =	vld [tilespmem:s14+$0x0]  }
0x54e: {  	vm3 =	vmneg vm3;
	v55 =	vmul.f32 $1.442695020e+00, v18;
	v18 =	vpop (erf);
	(erf) = vpow2.f32 v12;
	v12 =	vld [tilespmem:s12+$0x3600]  }
0x54f: {  	v46 =	vadd.f32 $-3.975247620e+00, v27;
	v56 =	vsel vm3, v25, v50;
	v29 =	vmul.f32 $1.442695020e+00, v29;
	v58 =	vpop (erf)  }
0x550: {  	v61 =	vsel vm1, v24, v9;
	v35 =	vsel vm2, v43, v56;
	(erf) = vpow2.f32 v55;
	v48 =	vpop (erf)  }
0x551: {  	v51 =	vsel vm8, v38, v61;
	v62 =	vld [tilespmem:s22+$0x80];
	v32 =	vmul.f32 $1.442695020e+00, v54;
	(erf) = vpow2.f32 v29;
	v27 =	vpop (erf)  }
0x552: {  	v9 =	vld [tilespmem:s22+$0x200];
	v53 =	vmul.f32 v41, v15;
	v52 =	vadd.f32 $-3.955445530e+00, v40;
	v8 =	vpop (erf);
	v13 =	vmul.f32 $1.442695020e+00, v13  }
0x553: {  	v35 =	vsel vm10, v35, v49;
	v63 =	vld [tilespmem:s22+$0x100];
	v51 =	vsel vm9, v46, v51;
	v29 =	vpop (erf);
	v12 =	vmul.f32 $1.442695020e+00, v12  }
0x554: {  	v59 =	vadd.f32 v53, v59;
	v35 =	vsel vm12, v35, v52;
	v0 =	vsel vm3, v23, v50;
	v15 =	vpop (erf)  }
0x555: {  	v50 =	vadd.f32 $-3.965346570e+00, v39;
	v0 =	vsel vm2, v30, v0;
	(erf) = vpow2.f32 v32;
	v32 =	vpop (erf)  }
0x556: {  	v36 =	vmul.f32 $1.442695020e+00, v62;
	v54 =	vsel vm10, v0, v31;
	v0 =	vld [tilespmem:s22+$0x180];
	(erf) = vpow2.f32 v13;
	v13 =	vpop (erf)  }
0x557: {  	v9 =	vmul.f32 $1.442695020e+00, v9;
	v16 =	vadd.f32 v16, v1;
	(erf) = vpow2.f32 v12;
	v12 =	vpop (erf)  }
0x558: {  	v55 =	vmul.f32 $1.442695020e+00, v63;
	v45 =	vadd.f32 v58, v18;
	v12 =	vmul.f32 $5.000000000e-01, v12;
	v62 =	vpop (erf)  }
0x559: {  	v56 =	vld [tilespmem:s22+$0x280];
	v44 =	vadd.f32 v8, v27;
	v39 =	vadd.f32 v15, v29;
	v34 =	vmul.f32 $5.000000000e-01, v62;
	v60 =	vpop (erf)  }
0x55a: {  	s3 =	sor.u32 s8, s25;
	v54 =	vsel vm12, v54, v33;
	v13 =	vadd.f32 v13, v32;
	v2 =	vadd.f32 v2, v12;
	v63 =	vpop (erf)  }
0x55b: {  	s4 =	sor.u32 s8, s18;
	v0 =	vmul.f32 $1.442695020e+00, v0;
	v15 =	vld [tilespmem:s3+$0x0];
	v8 =	vadd.f32 v63, v60;
	v40 =	vadd.f32 v48, v34  }
0x55c: {  	s12 =	sor.u32 s8, s24;
	v58 =	vld [tilespmem:s4+$0x0];
	(erf) = vpow2.f32 v36;
	v13 =	vadd.f32 v13, v39;
	v61 =	vadd.f32 v16, v2  }
0x55d: {  	(erf) = vpow2.f32 v55;
	v16 =	vld [tilespmem:s12+$0x0];
	v36 =	vadd.f32 v8, v45;
	v44 =	vadd.f32 v44, v40  }
0x55e: {  	v55 =	vadd.f32 $2.000000000e+00, v37;
	(erf) = vpow2.f32 v0;
	v63 =	vmul.f32 $1.442695020e+00, v56  }
0x55f: {  	s15 =	sor.u32 s8, s23;
	(erf) = vpow2.f32 v9;
	v41 =	vadd.f32 v36, v61;
	v36 =	vadd.f32 v13, v44  }
0x560: {  	v15 =	vmul.f32 $1.442695020e+00, v15;
	v48 =	vadd.f32 v57, v14;
	v14 =	vld [tilespmem:s15+$0x0];
	(erf) = vpow2.f32 v63  }
0x561: {  	s14 =	sor.u32 s8, s17;
	v13 =	vmul.f32 $1.442695020e+00, v58;
	v9 =	vadd.f32 v41, v12;
	v58 =	vadd.f32 v36, v34  }
0x562: {  	v62 =	vld [tilespmem:s14+$0x0];
	v56 =	vadd.f32 $2.000000000e+00, v4;
	v57 =	vpop (erf);
	(erf) = vpow2.f32 v15;
	v16 =	vmul.f32 $1.442695020e+00, v16  }
0x563: {  	v1 =	vadd.f32 v1, v2;
	v63 =	vpop (erf);
	(erf) = vpow2.f32 v13;
	v13 =	vmul.f32 v58, v9  }
0x564: {  	v8 =	vsel vm11, v50, v51;
	v37 =	vmul.f32 v56, v37;
	v21 =	vpop (erf);
	(erf) = vpow2.f32 v16  }
0x565: {  	v14 =	vmul.f32 $1.442695020e+00, v14;
	v42 =	vadd.f32 v42, v21;
	(erf) = vrcp.f32 v13  }
0x566: {  	v16 =	vsel vm11, v28, v47;
	v13 =	vsel vm11, v54, v28;
	v28 =	vsel vm11, v35, v50;
	v50 =	vpop (erf)  }
0x567: {  	s17 =	sor.u32 s8, s10;
	v16 =	vsel vm12, v33, v16;
	v54 =	vsel vm12, v52, v8;
	v52 =	vmul.f32 $1.442695020e+00, v62;
	v33 =	vpop (erf)  }
0x568: {  	s18 =	sor.u32 s8, s13;
	v8 =	vld [tilespmem:s17+$0x0];
	v31 =	vsel vm10, v31, v16;
	v13 =	vsel vm9, v13, v26;
	v26 =	vsel vm9, v28, v46;
	v53 =	vpop (erf)  }
0x569: {  	v16 =	vmul.f32 $5.000000000e-01, v57;
	v28 =	vld [tilespmem:s18+$0x0];
	v49 =	vsel vm10, v49, v54;
	(erf) = vpow2.f32 v52;
	v35 =	vpop (erf)  }
0x56a: {  	v57 =	vsel vm2, v31, v30;
	v62 =	vsel vm8, v13, v17;
	(erf) = vpow2.f32 v14;
	v17 =	vpop (erf)  }
0x56b: {  	v30 =	vmul.f32 $5.000000000e-01, v63;
	v47 =	vsel vm8, v26, v38;
	v38 =	vadd.f32 v50, v16;
	v26 =	vpop (erf)  }
0x56c: {  	v50 =	vmul.f32 v55, v56;
	v23 =	vsel vm3, v57, v23;
	v54 =	vadd.f32 v53, v33;
	v13 =	vpop (erf)  }
0x56d: {  	v14 =	vsel vm2, v49, v43;
	v31 =	vmul.f32 $1.442695020e+00, v8;
	v43 =	vadd.f32 v17, v35;
	v63 =	vpop (erf)  }
0x56e: {  	v46 =	vmul.f32 $1.442695020e+00, v28;
	v28 =	vadd.f32 v54, v38;
	v54 =	vmul.f32 v55, v4;
	v4 =	vpop (erf)  }
0x56f: {  	v53 =	vadd.f32 v45, v61;
	v6 =	vsel vm1, v62, v6;
	v8 =	vmul.f32 $7.920792100e+00, v4  }
0x570: {  	s23 =	sand.u32 $0x180, s2;
	v17 =	vadd.f32 v63, v13;
	v63 =	vadd.f32 v42, v43;
	(erf) = vpow2.f32 v31  }
0x571: {  	s2 =	sor.u32 s23, s7;
	s20 =	sadd.s32 $0x5600, s9;
	v31 =	vadd.f32 v26, v30;
	(erf) = vpow2.f32 v46;
	v51 =	vmul.f32 v8, v58  }
0x572: {  	s25 =	sadd.s32 $0x5680, s9;
	s24 =	sor.u32 s7, s20;
	v42 =	vld [tilespmem:s2+$0x3400];
	v4 =	vsel vm0, $0x40800000, v10;
	(erf) = vrcp.f32 v50;
	v26 =	vpop (erf);
	v58 =	vmul.f32 v3, v11  }
0x573: {  	s15 =	sor.u32 s7, s25;
	s17 =	sadd.s32 $0x5700, s9;
	v52 =	vld [tilespmem:s24+$0x0];
	v10 =	vadd.f32 v63, v28;
	v55 =	vpop (erf);
	v2 =	vmul.f32 v51, v2;
	v12 =	vmul.f32 v51, v12  }
0x574: {  	s22 =	sor.u32 s7, s17;
	v50 =	vld [tilespmem:s15+$0x0];
	v3 =	vadd.f32 v61, v18;
	v11 =	vadd.f32 v55, v26;
	v1 =	vmul.f32 v51, v1  }
0x575: {  	s24 =	sadd.s32 $0x5780, s9;
	vm0 =	vmmov vm4;
	v18 =	vld [tilespmem:s22+$0x0];
	v46 =	vadd.f32 $-3.985148430e+00, v2;
	v45 =	vadd.f32 $-3.995049480e+00, v12  }
0x576: {  	s10 =	sadd.s32 $0x5800, s9;
	s3 =	sor.u32 s7, s24;
	v2 =	vadd.f32 v53, v60;
	v12 =	vmul.f32 v51, v53;
	v49 =	vadd.f32 $-3.975247620e+00, v1  }
0x577: {  	s4 =	sadd.s32 $0x5880, s9;
	s12 =	sor.u32 s7, s10;
	v53 =	vmul.f32 v51, v61;
	v60 =	vld [tilespmem:s3+$0x0];
	v1 =	vmul.f32 v51, v3;
	vm9 =	vlt.f32 v46, v42  }
0x578: {  	s14 =	sor.u32 s7, s4;
	s9 =	sadd.s32 $0x5900, s9;
	v3 =	vld [tilespmem:s12+$0x0];
	vm8 =	vlt.f32 v45, v42;
	v2 =	vmul.f32 v51, v2;
	vm10 =	vlt.f32 v49, v42  }
0x579: {  	s15 =	sor.u32 s7, s9;
	v61 =	vld [tilespmem:s14+$0x0];
	v56 =	vsel vm9, v50, v52;
	v52 =	vsel vm8, v50, v52;
	v50 =	vadd.f32 $-3.965346570e+00, v53  }
0x57a: {  	v0 =	vld [tilespmem:s15+$0x0];
	v55 =	vadd.f32 $-3.955445530e+00, v1;
	v1 =	vsel vm10, v18, v56;
	v18 =	vsel vm9, v18, v52  }
0x57b: {  	v56 =	vadd.f32 $-3.945544480e+00, v12;
	v53 =	vadd.f32 $-3.935643670e+00, v2;
	vm12 =	vlt.f32 v50, v42  }
0x57c: {  	vm13 =	vlt.f32 v55, v42;
	v2 =	vsel vm10, v60, v18;
	v1 =	vsel vm12, v60, v1  }
0x57d: {  	v12 =	vpop (erf);
	vm14 =	vlt.f32 v56, v42;
	vm11 =	vlt.f32 v53, v42;
	v1 =	vsel vm13, v3, v1  }
0x57e: {  	v2 =	vsel vm12, v3, v2;
	v3 =	vpop (erf);
	vm11 =	vmneg vm11;
	v1 =	vsel vm14, v61, v1  }
0x57f: {  	v2 =	vsel vm13, v61, v2;
	v3 =	vadd.f32 v3, v12;
	v18 =	vpop (erf);
	v52 =	vsel vm11, v1, v0  }
0x580: {  	v60 =	vmul.f32 v18, v54;
	v54 =	vsel vm14, v0, v2;
	v0 =	vand.u32 $0x7FFFFFFF, v52  }
0x581: {  	v17 =	vadd.f32 v17, v31;
	v1 =	vand.u32 $0x7FFFFFFF, v54;
	v0 =	vsub.f32 $0.0e+00, v0  }
0x582: {  	v18 =	vmul.f32 v18, v37;
	v2 =	vadd.f32 v3, v11;
	v1 =	vsub.f32 $0.0e+00, v1  }
0x583: {  	vm4 =	vmmov vm5;
	v5 =	vadd.f32 v10, v16;
	v0 =	vmul.f32 $1.442695020e+00, v0  }
0x584: {  	v61 =	vmul.f32 v18, v18;
	v37 =	vadd.f32 v2, v17;
	v1 =	vmul.f32 $1.442695020e+00, v1  }
0x585: {  	v3 =	vadd.f32 $1.000000050e-03, v59;
	v2 =	vadd.f32 $1.000000050e-03, v48;
	(erf) = vpow2.f32 v0  }
0x586: {  	v59 =	vadd.f32 v37, v30;
	v0 =	vmul.f32 $2.222222240e-01, v61;
	(erf) = vpow2.f32 v1  }
0x587: {  	v1 =	vnsel vm0, $0x3F800000, v2;
	v2 =	vnsel vm4, $0x3F800000, v3;
	v3 =	vmul.f32 v60, v60  }
0x588: {  	v19 =	vsub.f32 v19, v4;
	v48 =	vmul.f32 v59, v5;
	v2 =	vadd.f32 v2, v1  }
0x589: {  	v63 =	vsub.f32 v20, v22;
	v0 =	vadd.f32 $2.857142980e-01, v0;
	v62 =	vmul.f32 $2.222222240e-01, v3  }
0x58a: {  	(erf) = vrcp.f32 v48;
	v48 =	vadd.f32 v19, v19;
	v2 =	vmul.f32 v2, v20  }
0x58b: {  	v1 =	vmul.f32 v1, v20;
	v20 =	vmul.f32 v20, v20;
	v62 =	vadd.f32 $2.857142980e-01, v62  }
0x58c: {  	v0 =	vmul.f32 v0, v61;
	v2 =	vsub.f32 v2, v48;
	v48 =	vmul.f32 v63, v22  }
0x58d: {  	v6 =	vnsel vm6, $0xC0800000, v6;
	v22 =	vmul.f32 v22, v22;
	v62 =	vmul.f32 v62, v3  }
0x58e: {  	v20 =	vmul.f32 v20, v19;
	v0 =	vadd.f32 $4.000000060e-01, v0;
	v2 =	vmul.f32 v2, v48  }
0x58f: {  	v48 =	vmul.f32 v1, v48;
	v22 =	vmul.f32 v22, v19;
	v57 =	vpop (erf);
	v62 =	vadd.f32 $4.000000060e-01, v62  }
0x590: {  	[tilespmem:$0x1FDE0] =	vst v4;
	v0 =	vmul.f32 v0, v61;
	v63 =	vpop (erf);
	v4 =	vadd.f32 $2.000000000e+00, v57;
	v20 =	vadd.f32 v2, v20  }
0x591: {  	v2 =	vsel vm1, v47, v24;
	v1 =	vadd.f32 $2.000000000e+00, v63;
	v24 =	vmul.f32 v62, v3  }
0x592: {  	v62 =	vsel vm3, v14, v25;
	v14 =	vadd.f32 v48, v22;
	v22 =	vsel vm7, $0x40800000, v23  }
0x593: {  	(erf) = vrcp.f32 v20;
	v48 =	vsub.f32 v7, v22;
	v47 =	vmul.f32 v1, v4  }
0x594: {  	v20 =	vadd.f32 $6.666666860e-01, v24;
	v7 =	vmul.f32 v14, v19;
	v1 =	vmul.f32 v1, v57  }
0x595: {  	v0 =	vadd.f32 $6.666666860e-01, v0;
	v23 =	vpop (erf);
	v4 =	vmul.f32 v4, v63;
	(erf) = vrcp.f32 v47  }
0x596: {  	vm0 =	vgt.f32 v42, $-4.000000000e+00;
	v3 =	vmul.f32 v20, v3;
	v20 =	vmul.f32 $7.920792100e+00, v23  }
0x597: {  	vm4 =	vgt.f32 v42, $4.000000000e+00;
	v47 =	vmul.f32 v0, v61;
	v61 =	vmul.f32 v51, v41  }
0x598: {  	v0 =	vadd.f32 $2.000000000e+00, v3;
	v24 =	vmul.f32 v20, v59;
	v3 =	vmul.f32 v8, v9  }
0x599: {  	v23 =	vmul.f32 v20, v5;
	v5 =	vadd.f32 v27, v40;
	v59 =	vadd.f32 v44, v29  }
0x59a: {  	v6 =	vsub.f32 v6, v22;
	v15 =	vmul.f32 v0, v60;
	v19 =	vmul.f32 v3, v44  }
0x59b: {  	v60 =	vadd.f32 v39, v44;
	v5 =	vmul.f32 v3, v5;
	v8 =	vmul.f32 v3, v59  }
0x59c: {  	v57 =	vimm.f32 $-4.000000000e+04;
	v25 =	vmul.f32 v3, v40;
	v27 =	vmul.f32 v3, v34  }
0x59d: {  	v34 =	vadd.f32 $-3.925742630e+00, v61;
	v22 =	vadd.f32 v60, v32;
	v9 =	vmul.f32 v3, v60  }
0x59e: {  	v14 =	vpop (erf);
	v32 =	vsel vm0, $0xC0800000, v57;
	v19 =	vadd.f32 $-3.965346570e+00, v19;
	v5 =	vadd.f32 $-3.975247620e+00, v5  }
0x59f: {  	v8 =	vadd.f32 $-3.955445530e+00, v8;
	v25 =	vadd.f32 $-3.985148430e+00, v25;
	vm5 =	vlt.f32 v34, v42;
	v29 =	vpop (erf)  }
0x5a0: {  	v0 =	vld [tilespmem:$0x1FE00];
	v27 =	vadd.f32 $-3.995049480e+00, v27;
	v1 =	vmul.f32 v29, v1;
	v4 =	vmul.f32 v29, v4  }
0x5a1: {  	v60 =	vsel vm8, v45, v32;
	vm5 =	vmneg vm5;
	v22 =	vmul.f32 v3, v22  }
0x5a2: {  	v9 =	vadd.f32 $-3.945544480e+00, v9;
	v29 =	vmul.f32 v1, v1;
	v39 =	vmul.f32 v4, v4  }
0x5a3: {  	v3 =	vmul.f32 v3, v36;
	v44 =	vsel vm9, v46, v60;
	v32 =	vsel vm8, v27, v32  }
0x5a4: {  	v60 =	vmax.f32 v54, $0.0e+00;
	v51 =	vmul.f32 $2.222222240e-01, v29;
	v59 =	vmul.f32 $2.222222240e-01, v39  }
0x5a5: {  	v0 =	vadd.f32 v58, v0;
	v58 =	vimm.f32 $4.000000000e+00;
	v44 =	vsel vm10, v49, v44  }
0x5a6: {  	v32 =	vsel vm9, v25, v32;
	v40 =	vadd.f32 $2.857142980e-01, v51;
	v41 =	vadd.f32 $2.857142980e-01, v59  }
0x5a7: {  	v63 =	vsel vm4, $0x471C4000, v58;
	v44 =	vsel vm12, v50, v44;
	v3 =	vadd.f32 $-3.925742630e+00, v3  }
0x5a8: {  	v22 =	vadd.f32 $-3.935643670e+00, v22;
	v40 =	vmul.f32 v40, v29;
	v41 =	vmul.f32 v41, v39  }
0x5a9: {  	v32 =	vsel vm10, v5, v32;
	v61 =	vsel vm5, v34, v63;
	v44 =	vsel vm13, v55, v44  }
0x5aa: {  	v32 =	vsel vm12, v19, v32;
	v40 =	vadd.f32 $4.000000060e-01, v40;
	v41 =	vadd.f32 $4.000000060e-01, v41  }
0x5ab: {  	v44 =	vsel vm14, v56, v44;
	v36 =	vsel vm5, v3, v63;
	v32 =	vsel vm13, v8, v32  }
0x5ac: {  	v36 =	vsel vm11, v22, v36;
	v40 =	vmul.f32 v40, v29;
	v41 =	vmul.f32 v41, v39  }
0x5ad: {  	v44 =	vsel vm11, v44, v53;
	v36 =	vsel vm14, v36, v9;
	v9 =	vsel vm14, v9, v32  }
0x5ae: {  	v34 =	vsel vm5, v44, v34;
	v40 =	vadd.f32 $6.666666860e-01, v40;
	v41 =	vadd.f32 $6.666666860e-01, v41  }
0x5af: {  	v8 =	vsel vm13, v36, v8;
	v9 =	vsel vm11, v9, v22;
	v51 =	vsel vm11, v53, v61  }
0x5b0: {  	v8 =	vsel vm12, v8, v19;
	v29 =	vmul.f32 v40, v29;
	v63 =	vmul.f32 v41, v39  }
0x5b1: {  	v59 =	vmax.f32 v52, $0.0e+00;
	v3 =	vsel vm5, v9, v3;
	v51 =	vsel vm14, v51, v56  }
0x5b2: {  	v5 =	vsel vm10, v8, v5;
	v19 =	vadd.f32 $2.000000000e+00, v29;
	v29 =	vadd.f32 $2.000000000e+00, v63  }
0x5b3: {  	v61 =	vsel vm4, $0x40800000, v34;
	v51 =	vsel vm13, v51, v55;
	v5 =	vsel vm9, v5, v25  }
0x5b4: {  	v53 =	vsel vm12, v51, v50;
	v1 =	vmul.f32 v19, v1;
	v4 =	vmul.f32 v29, v4  }
0x5b5: {  	v32 =	vsel vm4, $0x40800000, v3;
	v5 =	vsel vm8, v5, v27;
	v22 =	vsel vm10, v53, v49  }
0x5b6: {  	vm10 =	vmand vm0, vm11;
	v1 =	vadd.f32 v1, v59;
	v4 =	vadd.f32 v4, v60  }
0x5b7: {  	[tilespmem:$0x1FDF0] =	vst v7;
	v7 =	vld [tilespmem:$0x1FE10];
	vm11 =	vmand vm8, vm5;
	v5 =	vnsel vm0, $0xC0800000, v5;
	v22 =	vsel vm9, v22, v46  }
0x5b8: {  	v22 =	vsel vm8, v22, v45;
	v1 =	vadd.f32 $1.000000050e-03, v1;
	v4 =	vadd.f32 $1.000000050e-03, v4  }
0x5b9: {  	vm11 =	vmand vm0, vm11;
	v5 =	vsub.f32 v5, v32;
	v22 =	vnsel vm0, $0xC0800000, v22  }
0x5ba: {  	v9 =	vsub.f32 v22, v61;
	v1 =	vnsel vm11, $0x3F800000, v1;
	v4 =	vnsel vm10, $0x3F800000, v4  }
0x5bb: {  	v16 =	vmul.f32 v24, v16;
	v63 =	vsub.f32 v42, v61;
	v4 =	vadd.f32 v4, v1  }
0x5bc: {  	v20 =	vmax.f32 v7, $0.0e+00;
	v55 =	vadd.f32 v33, v38;
	v19 =	vmul.f32 v24, v38  }
0x5bd: {  	v7 =	vld [tilespmem:$0x1FE20];
	v51 =	vadd.f32 v5, v5;
	v50 =	vsub.f32 v9, v63;
	v4 =	vmul.f32 v4, v9  }
0x5be: {  	v25 =	vadd.f32 $-3.985148430e+00, v19;
	v19 =	vadd.f32 $-3.995049480e+00, v16  }
0x5bf: {  	s7 =	simm.s32 $0x3460;
	v53 =	vmul.f32 v50, v63;
	v16 =	vmul.f32 v9, v9;
	v4 =	vsub.f32 v4, v51  }
0x5c0: {  	s18 =	sor.u32 s8, s20;
	v56 =	vadd.f32 v43, v28;
	v3 =	vld [tilespmem:s7+$0x0];
	v8 =	vmul.f32 v24, v55  }
0x5c1: {  	s20 =	sor.u32 s8, s25;
	v46 =	vld [tilespmem:s18+$0x0];
	v16 =	vmul.f32 v16, v5;
	v4 =	vmul.f32 v4, v53  }
0x5c2: {  	s22 =	sor.u32 s8, s17;
	v44 =	vmax.f32 v7, $0.0e+00;
	v55 =	vmul.f32 v24, v56;
	v22 =	vld [tilespmem:s20+$0x0]  }
0x5c3: {  	s23 =	sor.u32 s8, s24;
	v7 =	vsel vm7, $0x40800000, v62;
	v49 =	vld [tilespmem:s22+$0x0];
	v27 =	vadd.f32 $-3.975247620e+00, v8;
	v4 =	vadd.f32 v4, v16  }
0x5c4: {  	v52 =	vld [tilespmem:s23+$0x0];
	v34 =	vadd.f32 $-3.945544480e+00, v55;
	v29 =	vadd.f32 v28, v35;
	v28 =	vmul.f32 v24, v28  }
0x5c5: {  	s24 =	sor.u32 s8, s10;
	vm0 =	vmand vm1, vm3;
	(erf) = vrcp.f32 v4;
	v4 =	vadd.f32 v56, v21  }
0x5c6: {  	s25 =	sor.u32 s8, s4;
	v54 =	vld [tilespmem:s24+$0x0];
	v33 =	vadd.f32 $-3.965346570e+00, v28;
	v29 =	vmul.f32 v24, v29;
	vm8 =	vlt.f32 v25, v3  }
0x5c7: {  	s8 =	sor.u32 s8, s9;
	vm9 =	vlt.f32 v27, v3;
	v28 =	vsel vm8, v22, v46;
	v56 =	vld [tilespmem:s25+$0x0];
	v4 =	vmul.f32 v24, v4  }
0x5c8: {  	v59 =	vld [tilespmem:s8+$0x0];
	v35 =	vadd.f32 $-3.955445530e+00, v29;
	v28 =	vsel vm9, v49, v28;
	vm11 =	vlt.f32 v33, v3  }
0x5c9: {  	v1 =	vmul.f32 v1, v9;
	v16 =	vsel vm11, v52, v28;
	v28 =	vadd.f32 $-3.935643670e+00, v4  }
0x5ca: {  	vm7 =	vlt.f32 v34, v3;
	vm10 =	vlt.f32 v35, v3;
	v4 =	vmul.f32 v63, v63  }
0x5cb: {  	v1 =	vmul.f32 v1, v53;
	v29 =	vsel vm10, v54, v16;
	vm1 =	vlt.f32 v28, v3  }
0x5cc: {  	v60 =	vsel vm7, v56, v29;
	v4 =	vmul.f32 v4, v5;
	vm5 =	vmneg vm1  }
0x5cd: {  	v39 =	vsel vm5, v60, v59  }
0x5ce: {  	v1 =	vadd.f32 v1, v4;
	v4 =	vand.u32 $0x7FFFFFFF, v39  }
0x5cf: {  	v4 =	vsub.f32 $0.0e+00, v4  }
0x5d0: {  	v2 =	vnsel vm6, $0xC0800000, v2  }
0x5d1: {  	[tilespmem:$0x1FE30] =	vst v7;
	v7 =	vsub.f32 v2, v7;
	v4 =	vmul.f32 $1.442695020e+00, v4;
	_ =	sdelay $0x1  }
0x5d2: {  	v63 =	vmul.f32 v48, v48;
	(erf) = vpow2.f32 v4;
	v4 =	vadd.f32 v7, v7;
	_ =	sdelay $0x1  }
0x5d3: {  	[tilespmem:$0x1FE60] =	vst v4;
	v4 =	vmul.f32 v63, v7;
	_ =	sdelay $0x1  }
0x5d4: {  	v61 =	vsub.f32 v6, v48;
	vm4 =	vlt.f32 v19, v3;
	[tilespmem:$0x1FE80] =	vst v4;
	v4 =	vld [tilespmem:$0x1FE90]  }
0x5d5: {  	v22 =	vsel vm4, v22, v46  }
0x5d6: {  	v22 =	vsel vm8, v49, v22;
	[tilespmem:$0x1FE40] =	vst v6;
	v2 =	vmul.f32 v1, v5;
	v1 =	vmul.f32 v61, v48  }
0x5d7: {  	v8 =	vsel vm9, v52, v22;
	[tilespmem:$0x1FE70] =	vst v7  }
0x5d8: {  	v8 =	vsel vm11, v54, v8;
	v5 =	vmul.f32 v6, v6;
	[tilespmem:$0x1FE50] =	vst v1  }
0x5d9: {  	v8 =	vsel vm10, v56, v8;
	[tilespmem:s30+$0x6600] =	vst v4  }
0x5da: {  	v62 =	vpop (erf);
	v1 =	vsel vm7, v59, v8;
	v56 =	vmul.f32 v5, v7;
	v5 =	vld [tilespmem:$0x1FEA0]  }
0x5db: {  	v40 =	vmul.f32 v62, v2;
	v2 =	vand.u32 $0x7FFFFFFF, v1  }
0x5dc: {  	v2 =	vsub.f32 $0.0e+00, v2;
	_ =	sdelay $0x1  }
0x5dd: {  	v2 =	vmul.f32 $1.442695020e+00, v2  }
0x5de: {  	v13 =	vadd.f32 v13, v31;
	v10 =	vmul.f32 v24, v10;
	[tilespmem:s31+$0x6600] =	vst v5  }
0x5df: {  	v36 =	vadd.f32 $2.000000000e+00, v47;
	vm3 =	vmand vm6, vm2;
	(erf) = vpow2.f32 v2;
	v2 =	vld [tilespmem:$0x1FEB0]  }
0x5e0: {  	vm2 =	vgt.f32 v3, $4.000000000e+00;
	vm0 =	vmand vm6, vm0;
	v24 =	vadd.f32 v11, v17  }
0x5e1: {  	vm0 =	vmmov vm0;
	v29 =	vadd.f32 v17, v26;
	v26 =	vadd.f32 $-3.925742630e+00, v10  }
0x5e2: {  	v50 =	vsel vm2, $0x471C4000, v58;
	v11 =	vadd.f32 v24, v12;
	v4 =	vmul.f32 v23, v30  }
0x5e3: {  	vm1 =	vgt.f32 v3, $-4.000000000e+00;
	vm6 =	vlt.f32 v26, v3;
	v5 =	vmul.f32 v23, v37  }
0x5e4: {  	v41 =	vsel vm1, $0xC0800000, v57;
	vm6 =	vmneg vm6;
	v21 =	vadd.f32 $-3.995049480e+00, v4;
	[tilespmem:s16+$0x6600] =	vst v2;
	s16 =	simm.s32 $0x6600  }
0x5e5: {  	s8 =	simm.s32 $0x80;
	s30 =	simm.s32 $0x6;
	s31 =	simm.s32 $0x400;
	v5 =	vadd.f32 $-3.925742630e+00, v5;
	v2 =	vmul.f32 v23, v31;
	[tilespmem:s16+$0x0] =	vst v0;
	v0 =	vmul.f32 v23, v11  }
.LBB2_5:
0x5e6: {  	s9 =	sand.u32 $0x60, s8;
	s13 =	sand.u32 $0xC00, s31;
	s1 =	sor.u32 s31, s8;
	v8 =	vadd.f32 v40, v32  }
0x5e7: {  	v9 =	vmul.f32 v23, v24;
	vm12 =	vmmov vm3;
	s12 =	sadd.s32 $0x3600, s13;
	s1 =	sor.u32 $0x380, s1;
	s10 =	sor.u32 $0x10, s9  }
0x5e8: {  	v10 =	vmul.f32 v23, v17;
	v24 =	vadd.f32 $-3.985148430e+00, v2;
	v2 =	vadd.f32 $-3.935643670e+00, v0;
	v0 =	vld [tilespmem:s1+$0x3600];
	s22 =	sor.u32 s10, s12;
	[tilespmem:s2+$0x6600] =	vst v8  }
0x5e9: {  	v11 =	vmul.f32 v23, v29;
	v17 =	vsel vm6, v26, v50;
	v29 =	vsel vm4, v19, v41;
	v31 =	vld [tilespmem:s22+$0x100]  }
0x5ea: {  	v30 =	vsel vm4, v21, v41;
	v1 =	vmax.f32 v1, $0.0e+00;
	v4 =	vmul.f32 v23, v13;
	v23 =	vld [tilespmem:s22+$0x80]  }
0x5eb: {  	v22 =	vsel vm6, v5, v50;
	v49 =	vsel vm5, v28, v17;
	s3 =	sadd.s32 $0x4680, s13;
	v10 =	vadd.f32 $-3.965346570e+00, v10;
	v50 =	vld [tilespmem:s22+$0x180]  }
0x5ec: {  	s1 =	sor.u32 s10, s3;
	v17 =	vsel vm5, v2, v22;
	v22 =	vsel vm8, v25, v29;
	v29 =	vsel vm8, v24, v30;
	v30 =	vld [tilespmem:s22+$0x200]  }
0x5ed: {  	s0 =	sadd.s32 $0x1, s0;
	vm3 =	vmand vm4, vm6;
	s4 =	sadd.s32 $0x4700, s13;
	v52 =	vld [tilespmem:s1+$0x0];
	v8 =	vadd.f32 $-3.975247620e+00, v4;
	v4 =	vadd.f32 $-3.945544480e+00, v9  }
0x5ee: {  	v36 =	vmul.f32 v36, v18;
	s14 =	sadd.s32 $0x4780, s13;
	s17 =	sor.u32 s9, s12;
	v11 =	vadd.f32 $-3.955445530e+00, v11;
	s12 =	sor.u32 s10, s4;
	v37 =	vld [tilespmem:s22+$0x280];
	v0 =	vmul.f32 $1.442695020e+00, v0  }
0x5ef: {  	s15 =	sadd.s32 $0x4800, s13;
	s25 =	sadd.s32 $0x4880, s13;
	s20 =	sor.u32 s10, s14;
	v42 =	vld [tilespmem:s12+$0x0];
	v51 =	vsel vm7, v17, v4;
	v17 =	vpop (erf);
	v31 =	vmul.f32 $1.442695020e+00, v31;
	v23 =	vmul.f32 $1.442695020e+00, v23  }
0x5f0: {  	s2 =	sor.u32 s9, s3;
	s23 =	sor.u32 s9, s4;
	s18 =	sor.u32 s9, s14;
	v43 =	vld [tilespmem:s20+$0x0];
	v38 =	vsel vm9, v27, v22;
	v32 =	vmul.f32 $1.442695020e+00, v50;
	v22 =	vpop (erf);
	(erf) = vpow2.f32 v0  }
0x5f1: {  	s24 =	sor.u32 s9, s15;
	s3 =	sor.u32 s10, s15;
	s15 =	sand.u32 $0x3, s0;
	v60 =	vld [tilespmem:s22+$0x0];
	v20 =	vadd.f32 v15, v20;
	v30 =	vmul.f32 $1.442695020e+00, v30;
	(erf) = vpow2.f32 v23  }
0x5f2: {  	s4 =	sor.u32 s10, s25;
	s12 =	sadd.s32 $0x4900, s13;
	v53 =	vld [tilespmem:s3+$0x0];
	s15 =	sshll.u32 s15, $0x5;
	v36 =	vadd.f32 v36, v44;
	v55 =	vmul.f32 $1.442695020e+00, v52;
	(erf) = vpow2.f32 v31  }
0x5f3: {  	s3 =	sadd.s32 $0x4980, s13;
	v54 =	vld [tilespmem:s4+$0x0];
	s20 =	sor.u32 s10, s12;
	s14 =	sadd.s32 s15, s31;
	v9 =	vsel vm7, v49, v34;
	v31 =	vmul.f32 $1.442695020e+00, v37;
	(erf) = vpow2.f32 v32  }
0x5f4: {  	s1 =	sor.u32 s10, s3;
	v57 =	vld [tilespmem:s20+$0x0];
	s22 =	sadd.s32 $0x10, s14;
	v20 =	vadd.f32 $1.000000050e-03, v20;
	v58 =	vmul.f32 $1.442695020e+00, v42;
	(erf) = vpow2.f32 v30  }
0x5f5: {  	s4 =	sadd.s32 $0x4600, s13;
	s20 =	sor.u32 s9, s12;
	v59 =	vld [tilespmem:s1+$0x0];
	s12 =	sor.u32 $0x380, s22;
	v44 =	vadd.f32 $1.000000050e-03, v36;
	v12 =	vmul.f32 $1.442695020e+00, v43;
	(erf) = vpow2.f32 v31  }
0x5f6: {  	s15 =	sor.u32 s10, s4;
	v9 =	vsel vm10, v9, v35;
	v62 =	vld [tilespmem:s12+$0x3600];
	v46 =	vmul.f32 $1.442695020e+00, v60;
	(erf) = vpow2.f32 v55  }
0x5f7: {  	s1 =	sor.u32 s9, s4;
	v61 =	vld [tilespmem:s15+$0x0];
	s4 =	sor.u32 $0x300, s22;
	v23 =	vmax.f32 v39, $0.0e+00;
	v39 =	vmul.f32 $1.442695020e+00, v53;
	(erf) = vpow2.f32 v58  }
0x5f8: {  	v6 =	vmovc v1;
	v29 =	vsel vm9, v8, v29;
	v7 =	vmovc v23;
	v23 =	vld [tilespmem:s4+$0x3600];
	v37 =	vmul.f32 $1.442695020e+00, v54;
	(erf) = vpow2.f32 v12  }
0x5f9: {  	v63 =	vld [tilespmem:s17+$0x0];
	v29 =	vsel vm11, v10, v29;
	v41 =	vmul.f32 $1.442695020e+00, v57;
	v43 =	vpop (erf);
	(erf) = vpow2.f32 v39  }
0x5fa: {  	v60 =	vld [tilespmem:s17+$0x100];
	v45 =	vmul.f32 $1.442695020e+00, v59;
	v30 =	vsel vm10, v51, v11;
	v42 =	vpop (erf);
	(erf) = vpow2.f32 v37  }
0x5fb: {  	[tilespmem:$0x1FDA0] =	vst v6;
	s14 =	sor.u32 $0x300, s14;
	v6 =	vmul.f32 $1.442695020e+00, v62;
	v10 =	vsel vm11, v30, v10;
	v30 =	vld [tilespmem:s1+$0x0];
	v1 =	vpop (erf);
	(erf) = vpow2.f32 v41  }
0x5fc: {  	v47 =	vld [tilespmem:s14+$0x3600];
	v9 =	vsel vm11, v9, v33;
	v32 =	vmul.f32 $1.442695020e+00, v61;
	v48 =	vpop (erf);
	(erf) = vpow2.f32 v45  }
0x5fd: {  	v11 =	vsel vm10, v11, v29;
	v29 =	vld [tilespmem:s17+$0x80];
	v59 =	vmul.f32 $1.442695020e+00, v23;
	(erf) = vpow2.f32 v46;
	v23 =	vpop (erf)  }
0x5fe: {  	v18 =	vadd.f32 $2.000000000e+00, v17;
	[tilespmem:$0x1FD70] =	vst v7;
	v7 =	vmul.f32 $1.442695020e+00, v63;
	v61 =	vpop (erf);
	(erf) = vpow2.f32 v32  }
0x5ff: {  	v9 =	vsel vm9, v9, v27;
	v62 =	vld [tilespmem:s17+$0x180];
	v54 =	vmul.f32 $1.442695020e+00, v60;
	(erf) = vpow2.f32 v59;
	v63 =	vpop (erf)  }
0x600: {  	v31 =	vsel vm11, v33, v38;
	v12 =	vmul.f32 $1.442695020e+00, v30;
	(erf) = vpow2.f32 v6;
	v27 =	vpop (erf)  }
0x601: {  	v50 =	vld [tilespmem:s17+$0x200];
	v31 =	vsel vm10, v35, v31;
	v6 =	vmul.f32 $1.442695020e+00, v47;
	(erf) = vpow2.f32 v7;
	v52 =	vpop (erf)  }
0x602: {  	s15 =	sor.u32 s9, s3;
	v9 =	vsel vm8, v9, v25;
	v29 =	vmul.f32 $1.442695020e+00, v29;
	(erf) = vpow2.f32 v12;
	v30 =	vpop (erf)  }
0x603: {  	v40 =	vld [tilespmem:s15+$0x0];
	v4 =	vsel vm7, v4, v11;
	v8 =	vsel vm9, v10, v8;
	(erf) = vpow2.f32 v6;
	v57 =	vpop (erf)  }
0x604: {  	v51 =	vld [tilespmem:s17+$0x280];
	v49 =	vsel vm7, v34, v31;
	v6 =	vmul.f32 $1.442695020e+00, v62;
	(erf) = vpow2.f32 v29;
	v31 =	vpop (erf)  }
0x605: {  	v53 =	vld [tilespmem:s2+$0x0];
	v4 =	vsel vm5, v4, v2;
	v8 =	vsel vm8, v8, v24;
	(erf) = vpow2.f32 v54;
	v46 =	vpop (erf)  }
0x606: {  	v55 =	vld [tilespmem:s23+$0x0];
	v24 =	vmul.f32 $1.442695020e+00, v50;
	v28 =	vsel vm5, v49, v28;
	(erf) = vpow2.f32 v6;
	v25 =	vpop (erf)  }
0x607: {  	v2 =	vld [tilespmem:s20+$0x0];
	v10 =	vadd.f32 v52, v27;
	v35 =	vadd.f32 v57, v30;
	v29 =	vmul.f32 $5.000000000e-01, v25;
	v59 =	vpop (erf)  }
0x608: {  	v58 =	vld [tilespmem:s24+$0x0];
	v60 =	vadd.f32 v46, v31;
	v25 =	vadd.f32 v48, v1;
	v32 =	vmul.f32 $5.000000000e-01, v59;
	v49 =	vpop (erf)  }
0x609: {  	s25 =	sor.u32 s9, s25;
	v11 =	vmul.f32 $1.442695020e+00, v51;
	v45 =	vld [tilespmem:s18+$0x0];
	v48 =	vadd.f32 v61, v23;
	v38 =	vadd.f32 v42, v29;
	v61 =	vpop (erf)  }
0x60a: {  	v41 =	vmul.f32 $1.442695020e+00, v53;
	v47 =	vld [tilespmem:s25+$0x0];
	v6 =	vadd.f32 v61, v49;
	v34 =	vadd.f32 v63, v32;
	v62 =	vpop (erf)  }
0x60b: {  	v36 =	vmul.f32 $1.442695020e+00, v55;
	v7 =	vadd.f32 v60, v35;
	v37 =	vadd.f32 v25, v38;
	v52 =	vpop (erf)  }
0x60c: {  	v53 =	vmul.f32 $1.442695020e+00, v40;
	v63 =	vadd.f32 v6, v48;
	v42 =	vadd.f32 v10, v34;
	v57 =	vpop (erf)  }
0x60d: {  	v0 =	vadd.f32 $2.000000000e+00, v22;
	v39 =	vmul.f32 $1.442695020e+00, v58;
	v59 =	vmul.f32 $1.442695020e+00, v2;
	v2 =	vpop (erf)  }
0x60e: {  	v45 =	vmul.f32 $1.442695020e+00, v45;
	v40 =	vadd.f32 v63, v37;
	v33 =	vadd.f32 v7, v42;
	v25 =	vpop (erf)  }
0x60f: {  	v9 =	vsel vm4, v9, v19;
	v58 =	vmul.f32 $1.442695020e+00, v47;
	v55 =	vpop (erf);
	(erf) = vpow2.f32 v24  }
0x610: {  	v51 =	vadd.f32 v40, v29;
	v24 =	vadd.f32 v33, v32;
	(erf) = vpow2.f32 v11  }
0x611: {  	v9 =	vnsel vm1, $0xC0800000, v9;
	v50 =	vmul.f32 $5.000000000e-01, v62;
	(erf) = vpow2.f32 v41  }
0x612: {  	v8 =	vsel vm4, v8, v21;
	v61 =	vmul.f32 v24, v51;
	(erf) = vpow2.f32 v36  }
0x613: {  	vm4 =	vmand vm1, vm3;
	v62 =	vmul.f32 v0, v18;
	(erf) = vpow2.f32 v45  }
0x614: {  	vm3 =	vmand vm1, vm5;
	v0 =	vmul.f32 v0, v17;
	(erf) = vrcp.f32 v61  }
0x615: {  	v18 =	vmul.f32 v18, v22;
	v17 =	vsel vm6, v4, v5;
	(erf) = vpow2.f32 v39  }
0x616: {  	v54 =	vadd.f32 v2, v50;
	v60 =	vadd.f32 v55, v25;
	(erf) = vpow2.f32 v58  }
0x617: {  	v1 =	vadd.f32 v1, v38;
	v12 =	vmul.f32 $5.000000000e-01, v52;
	v6 =	vld [tilespmem:$0x1FDF0];
	(erf) = vpow2.f32 v59  }
0x618: {  	v10 =	vnsel vm12, $0x3F800000, v44;
	v55 =	vadd.f32 v60, v54;
	v4 =	vpop (erf);
	(erf) = vpow2.f32 v53  }
0x619: {  	v19 =	vsel vm2, $0x40800000, v17;
	v43 =	vadd.f32 v43, v57;
	v52 =	vadd.f32 v48, v37;
	v5 =	vpop (erf)  }
0x61a: {  	v36 =	vnsel vm0, $0x3F800000, v20;
	v2 =	vadd.f32 v55, v4;
	v20 =	vadd.f32 v5, v4;
	v4 =	vpop (erf)  }
0x61b: {  	v23 =	vadd.f32 v37, v23;
	v63 =	vsel vm6, v28, v26;
	v41 =	vnsel vm1, $0xC0800000, v8;
	v44 =	vpop (erf)  }
0x61c: {  	v22 =	vld [tilespmem:$0x1FE40];
	v7 =	vmul.f32 v14, v6;
	v61 =	vadd.f32 v52, v49;
	(erf) = vrcp.f32 v62;
	v17 =	vpop (erf)  }
0x61d: {  	v5 =	vadd.f32 v4, v12;
	v4 =	vsel vm2, $0x40800000, v63;
	v45 =	vadd.f32 v43, v20;
	v47 =	vpop (erf)  }
0x61e: {  	v26 =	vadd.f32 v20, v55;
	v9 =	vsub.f32 v9, v4;
	v14 =	vmul.f32 $7.920792100e+00, v47;
	v13 =	vpop (erf)  }
0x61f: {  	s15 =	sadd.s32 $0x5600, s13;
	vm0 =	vmmov vm4;
	v4 =	vsub.f32 v3, v4;
	v17 =	vadd.f32 v17, v44;
	v53 =	vpop (erf)  }
0x620: {  	s1 =	sor.u32 s10, s15;
	s20 =	sadd.s32 $0x5680, s13;
	v16 =	vadd.f32 v44, v5;
	v21 =	vadd.f32 v45, v55;
	v62 =	vmul.f32 v14, v24;
	v15 =	vpop (erf)  }
0x621: {  	s3 =	sor.u32 s10, s20;
	s18 =	sand.u32 $0x180, s8;
	v48 =	vld [tilespmem:s1+$0x0];
	v20 =	vmul.f32 v36, v22;
	v17 =	vadd.f32 v17, v5;
	v59 =	vadd.f32 v53, v13;
	v24 =	vpop (erf)  }
0x622: {  	s2 =	sor.u32 s18, s10;
	v49 =	vld [tilespmem:s3+$0x0];
	v28 =	vadd.f32 v26, v57;
	v63 =	vadd.f32 v24, v15;
	v11 =	vmul.f32 v62, v52  }
0x623: {  	s22 =	sadd.s32 $0x5700, s13;
	v39 =	vld [tilespmem:s2+$0x3400];
	[tilespmem:$0x1FD80] =	vst v2;
	v24 =	vadd.f32 v59, v17;
	v23 =	vmul.f32 v62, v23;
	v44 =	vmul.f32 v62, v61  }
0x624: {  	s23 =	sadd.s32 $0x5780, s13;
	s24 =	sor.u32 s10, s22;
	v2 =	vmovc v56;
	v56 =	vld [tilespmem:$0x1FE50];
	v38 =	vmul.f32 v62, v38;
	v1 =	vmul.f32 v62, v1;
	v43 =	vadd.f32 v63, v59  }
0x625: {  	s12 =	sor.u32 s9, s22;
	s18 =	sor.u32 s10, s23;
	s25 =	sadd.s32 $0x5800, s13;
	v29 =	vmul.f32 v62, v29;
	v59 =	vadd.f32 $-3.945544480e+00, v11;
	v57 =	vadd.f32 $-3.935643670e+00, v44;
	v44 =	vld [tilespmem:s24+$0x0]  }
0x626: {  	s22 =	sor.u32 s10, s25;
	s1 =	sor.u32 s9, s20;
	s20 =	sadd.s32 $0x5880, s13;
	[tilespmem:$0x1FD90] =	vst v16;
	v16 =	vpop (erf);
	v37 =	vmul.f32 v62, v37;
	v53 =	vadd.f32 $-3.985148430e+00, v38;
	v60 =	vadd.f32 $-3.955445530e+00, v23;
	v23 =	vld [tilespmem:s18+$0x0]  }
0x627: {  	s13 =	sadd.s32 $0x5900, s13;
	v52 =	vadd.f32 $-3.995049480e+00, v29;
	v58 =	vadd.f32 $-3.975247620e+00, v1;
	v1 =	vld [tilespmem:s22+$0x0];
	s24 =	sor.u32 s10, s20;
	v11 =	vmul.f32 v16, v0  }
0x628: {  	s14 =	sor.u32 s9, s25;
	s25 =	sor.u32 s10, s13;
	v61 =	vadd.f32 $-3.965346570e+00, v37;
	v0 =	vld [tilespmem:s24+$0x0];
	vm5 =	vlt.f32 v53, v39;
	vm7 =	vlt.f32 v59, v39  }
0x629: {  	v29 =	vld [tilespmem:s25+$0x0];
	vm4 =	vlt.f32 v52, v39;
	vm6 =	vlt.f32 v58, v39;
	v63 =	vsel vm5, v49, v48  }
0x62a: {  	vm8 =	vlt.f32 v61, v39;
	v46 =	vsel vm4, v49, v48;
	v37 =	vsel vm6, v44, v63  }
0x62b: {  	vm9 =	vlt.f32 v60, v39;
	v38 =	vsel vm5, v44, v46;
	v37 =	vsel vm8, v23, v37  }
0x62c: {  	vm1 =	vlt.f32 v57, v39;
	v23 =	vsel vm6, v23, v38;
	v37 =	vsel vm9, v1, v37  }
0x62d: {  	vm10 =	vmneg vm1;
	v1 =	vsel vm8, v1, v23;
	v23 =	vsel vm7, v0, v37  }
0x62e: {  	v8 =	vmul.f32 v20, v56;
	v1 =	vsel vm9, v0, v1;
	v0 =	vsel vm10, v23, v29  }
0x62f: {  	v20 =	vadd.f32 v21, v50;
	v63 =	vsel vm7, v29, v1;
	v1 =	vand.u32 $0x7FFFFFFF, v0  }
0x630: {  	v37 =	vadd.f32 v43, v17;
	v23 =	vand.u32 $0x7FFFFFFF, v63;
	v1 =	vsub.f32 $0.0e+00, v1  }
0x631: {  	[tilespmem:$0x1FDC0] =	vst v5;
	v5 =	vmul.f32 v16, v18;
	v6 =	vadd.f32 v24, v15;
	v15 =	vmovc v9;
	v23 =	vsub.f32 $0.0e+00, v23  }
0x632: {  	v9 =	vmul.f32 v9, v15;
	v16 =	vadd.f32 v37, v12;
	v1 =	vmul.f32 $1.442695020e+00, v1  }
0x633: {  	[tilespmem:$0x1FDB0] =	vst v12;
	v29 =	vadd.f32 v17, v13;
	v12 =	vmul.f32 v11, v11;
	v13 =	vmul.f32 $1.442695020e+00, v23  }
0x634: {  	v10 =	vadd.f32 v10, v36;
	[tilespmem:$0x1FDD0] =	vst v6;
	v6 =	vmul.f32 v16, v20;
	(erf) = vpow2.f32 v1  }
0x635: {  	[tilespmem:$0x1FE40] =	vst v15;
	v36 =	vsub.f32 v15, v4;
	v15 =	vld [tilespmem:$0x1FE60];
	v23 =	vmul.f32 $2.222222240e-01, v12;
	(erf) = vpow2.f32 v13  }
0x636: {  	(erf) = vrcp.f32 v6;
	v6 =	vsub.f32 v41, v19  }
0x637: {  	v13 =	vadd.f32 $2.857142980e-01, v23  }
0x638: {  	v10 =	vmul.f32 v10, v22;
	v23 =	vadd.f32 v6, v6  }
0x639: {  	v13 =	vmul.f32 v13, v12  }
0x63a: {  	v38 =	vmul.f32 v5, v5;
	v10 =	vsub.f32 v10, v15;
	v15 =	vmov v23  }
0x63b: {  	v13 =	vadd.f32 $4.000000060e-01, v13;
	[tilespmem:$0x1FE60] =	vst v15;
	v15 =	vld [tilespmem:$0x1FE80]  }
0x63c: {  	v1 =	vmul.f32 $2.222222240e-01, v38  }
0x63d: {  	v41 =	vmul.f32 v4, v4;
	v13 =	vmul.f32 v13, v12  }
0x63e: {  	v1 =	vadd.f32 $2.857142980e-01, v1  }
0x63f: {  	v4 =	vmul.f32 v36, v4;
	v36 =	vadd.f32 $6.666666860e-01, v13;
	v13 =	vmul.f32 v41, v6  }
0x640: {  	v1 =	vmul.f32 v1, v38;
	v8 =	vadd.f32 v8, v15;
	v15 =	vld [tilespmem:$0x1FDE0]  }
0x641: {  	[tilespmem:$0x1FE80] =	vst v13;
	v13 =	vld [tilespmem:$0x1FE70]  }
0x642: {  	s7 =	sadd.s32 $0x20, s7;
	v1 =	vadd.f32 $4.000000060e-01, v1  }
0x643: {  	v3 =	vld [tilespmem:s7+$0x0]  }
0x644: {  	v10 =	vmul.f32 v10, v56;
	v1 =	vmul.f32 v1, v38  }
0x645: {  	v25 =	vadd.f32 v25, v54;
	vm11 =	vgt.f32 v39, $-4.000000000e+00;
	v22 =	vadd.f32 v7, v15;
	v15 =	vld [tilespmem:$0x1FE30];
	v7 =	vpop (erf)  }
0x646: {  	v56 =	vadd.f32 v10, v2;
	v41 =	vadd.f32 $6.666666860e-01, v1;
	v8 =	vmul.f32 v8, v13;
	v13 =	vpop (erf)  }
0x647: {  	vm12 =	vgt.f32 v39, $4.000000000e+00;
	v10 =	vadd.f32 $2.000000000e+00, v7;
	v18 =	vadd.f32 $2.000000000e+00, v13  }
0x648: {  	vm2 =	vgt.f32 v3, $4.000000000e+00;
	v9 =	vmul.f32 v9, v6;
	v12 =	vmul.f32 v36, v12  }
0x649: {  	v2 =	vmov v6;
	v41 =	vmul.f32 v41, v38;
	v23 =	vpop (erf);
	v6 =	vmul.f32 v18, v10  }
0x64a: {  	v0 =	vmax.f32 v0, $0.0e+00;
	(erf) = vrcp.f32 v56;
	v23 =	vmul.f32 $7.920792100e+00, v23;
	v15 =	vmovc v15  }
0x64b: {  	v1 =	vmovc v4;
	v38 =	vimm.f32 $4.000000000e+00;
	v7 =	vmul.f32 v18, v7;
	(erf) = vrcp.f32 v6  }
0x64c: {  	v12 =	vadd.f32 $2.000000000e+00, v12;
	[tilespmem:$0x1FE50] =	vst v1;
	v10 =	vmul.f32 v10, v13;
	v13 =	vmul.f32 v62, v40  }
0x64d: {  	v1 =	vmul.f32 v23, v16;
	v23 =	vmul.f32 v23, v20;
	v20 =	vimm.f32 $-4.000000000e+04;
	[tilespmem:$0x1FDE0] =	vst v15;
	v15 =	vmovc v19  }
0x64e: {  	[tilespmem:$0x1FE30] =	vst v15;
	v15 =	vmul.f32 v12, v11;
	v12 =	vmul.f32 v14, v51;
	v14 =	vadd.f32 v42, v30  }
0x64f: {  	v16 =	vadd.f32 v35, v42;
	v13 =	vadd.f32 $-3.925742630e+00, v13;
	v6 =	vmul.f32 v1, v50  }
0x650: {  	[tilespmem:$0x1FDF0] =	vst v8;
	v8 =	vmul.f32 v1, v54;
	v50 =	vsel vm2, $0x471C4000, v38;
	v30 =	vmul.f32 v12, v14  }
0x651: {  	v54 =	vadd.f32 v27, v34;
	v4 =	vmul.f32 v1, v55;
	v27 =	vadd.f32 v16, v31  }
0x652: {  	vm13 =	vlt.f32 v13, v39;
	v19 =	vadd.f32 $-3.995049480e+00, v6;
	v6 =	vmul.f32 v12, v42  }
0x653: {  	vm14 =	vmneg vm13;
	v11 =	vmul.f32 v12, v54;
	v31 =	vmul.f32 v12, v34;
	v14 =	vpop (erf)  }
0x654: {  	v16 =	vmul.f32 v12, v16;
	v32 =	vmul.f32 v12, v32;
	v18 =	vadd.f32 $-3.955445530e+00, v30;
	v30 =	vpop (erf)  }
0x655: {  	vm13 =	vmand vm11, vm10;
	v7 =	vmul.f32 v30, v7;
	v10 =	vmul.f32 v30, v10  }
0x656: {  	vm15 =	vmand vm4, vm14;
	v27 =	vmul.f32 v12, v27;
	v12 =	vmul.f32 v12, v33  }
0x657: {  	v30 =	vadd.f32 $-3.985148430e+00, v31;
	v31 =	vmul.f32 v7, v7;
	v33 =	vmul.f32 v10, v10  }
0x658: {  	v34 =	vsel vm11, $0xC0800000, v20;
	vm15 =	vmand vm11, vm15;
	v6 =	vadd.f32 $-3.965346570e+00, v6  }
0x659: {  	v11 =	vadd.f32 $-3.975247620e+00, v11;
	v51 =	vmul.f32 $2.222222240e-01, v31;
	v54 =	vmul.f32 $2.222222240e-01, v33  }
0x65a: {  	v55 =	vsel vm4, v52, v34;
	v16 =	vadd.f32 $-3.945544480e+00, v16;
	v35 =	vadd.f32 $-3.995049480e+00, v32  }
0x65b: {  	v32 =	vsel vm12, $0x471C4000, v38;
	v38 =	vadd.f32 $2.857142980e-01, v51;
	v40 =	vadd.f32 $2.857142980e-01, v54  }
0x65c: {  	v27 =	vadd.f32 $-3.935643670e+00, v27;
	v12 =	vadd.f32 $-3.925742630e+00, v12;
	v42 =	vsel vm5, v53, v55  }
0x65d: {  	v62 =	vsel vm14, v13, v32;
	v38 =	vmul.f32 v38, v31;
	v40 =	vmul.f32 v40, v33  }
0x65e: {  	v42 =	vsel vm6, v58, v42;
	v34 =	vsel vm4, v35, v34;
	v32 =	vsel vm14, v12, v32  }
0x65f: {  	v42 =	vsel vm8, v61, v42;
	v38 =	vadd.f32 $4.000000060e-01, v38;
	v40 =	vadd.f32 $4.000000060e-01, v40  }
0x660: {  	v32 =	vsel vm10, v27, v32;
	v42 =	vsel vm9, v60, v42;
	v34 =	vsel vm5, v30, v34  }
0x661: {  	v34 =	vsel vm6, v11, v34;
	v38 =	vmul.f32 v38, v31;
	v40 =	vmul.f32 v40, v33  }
0x662: {  	v32 =	vsel vm7, v32, v16;
	v42 =	vsel vm7, v59, v42;
	v34 =	vsel vm8, v6, v34  }
0x663: {  	v34 =	vsel vm9, v18, v34;
	v38 =	vadd.f32 $6.666666860e-01, v38;
	v40 =	vadd.f32 $6.666666860e-01, v40  }
0x664: {  	v18 =	vsel vm9, v32, v18;
	v51 =	vsel vm10, v57, v62;
	v16 =	vsel vm7, v16, v34  }
0x665: {  	v6 =	vsel vm8, v18, v6;
	v31 =	vmul.f32 v38, v31;
	v38 =	vmul.f32 v40, v33  }
0x666: {  	v51 =	vsel vm7, v51, v59;
	v16 =	vsel vm10, v16, v27;
	v6 =	vsel vm6, v6, v11  }
0x667: {  	v12 =	vsel vm14, v16, v12;
	v18 =	vadd.f32 $2.000000000e+00, v31;
	v27 =	vadd.f32 $2.000000000e+00, v38  }
0x668: {  	v51 =	vsel vm9, v51, v60;
	v6 =	vsel vm5, v6, v30;
	v32 =	vsel vm12, $0x40800000, v12  }
0x669: {  	v6 =	vsel vm4, v6, v35;
	v7 =	vmul.f32 v18, v7;
	v10 =	vmul.f32 v27, v10  }
0x66a: {  	v40 =	vsel vm10, v42, v57;
	v42 =	vsel vm8, v51, v61;
	v51 =	vmax.f32 v63, $0.0e+00  }
0x66b: {  	v31 =	vsel vm6, v42, v58;
	v0 =	vadd.f32 v7, v0;
	v7 =	vadd.f32 v10, v51  }
0x66c: {  	[tilespmem:$0x1FE70] =	vst v2;
	v2 =	vld [tilespmem:$0x1FD80];
	v6 =	vnsel vm11, $0xC0800000, v6;
	v13 =	vsel vm14, v40, v13;
	v18 =	vsel vm5, v31, v53  }
0x66d: {  	v53 =	vsel vm12, $0x40800000, v13;
	v0 =	vadd.f32 $1.000000050e-03, v0;
	v7 =	vadd.f32 $1.000000050e-03, v7  }
0x66e: {  	v6 =	vsub.f32 v6, v32;
	v54 =	vsel vm4, v18, v52;
	v12 =	vsub.f32 v39, v53  }
0x66f: {  	v11 =	vnsel vm11, $0xC0800000, v54;
	v0 =	vnsel vm15, $0x3F800000, v0;
	v7 =	vnsel vm13, $0x3F800000, v7  }
0x670: {  	v10 =	vsub.f32 v11, v53;
	v7 =	vadd.f32 v7, v0  }
0x671: {  	s17 =	sor.u32 s9, s15;
	v56 =	vmov v9;
	v9 =	vmul.f32 v1, v25;
	v55 =	vmul.f32 v1, v2  }
0x672: {  	v47 =	vld [tilespmem:s17+$0x0];
	v58 =	vadd.f32 v6, v6;
	v57 =	vsub.f32 v10, v12;
	v7 =	vmul.f32 v7, v10  }
0x673: {  	v49 =	vld [tilespmem:s1+$0x0];
	v25 =	vadd.f32 $-3.985148430e+00, v8;
	v59 =	vmul.f32 v1, v28;
	v35 =	vadd.f32 $-3.955445530e+00, v55  }
0x674: {  	v13 =	vmul.f32 v10, v10;
	v8 =	vmul.f32 v57, v12;
	v7 =	vsub.f32 v7, v58  }
0x675: {  	s4 =	sor.u32 s9, s23;
	v48 =	vld [tilespmem:s12+$0x0];
	v28 =	vadd.f32 $-3.935643670e+00, v59;
	v33 =	vadd.f32 $-3.965346570e+00, v4;
	v4 =	vmul.f32 v1, v26  }
0x676: {  	v46 =	vld [tilespmem:s4+$0x0];
	vm8 =	vlt.f32 v25, v3;
	v13 =	vmul.f32 v13, v6;
	v7 =	vmul.f32 v7, v8  }
0x677: {  	s23 =	sor.u32 s9, s20;
	v45 =	vld [tilespmem:s14+$0x0];
	vm10 =	vlt.f32 v35, v3;
	v34 =	vadd.f32 $-3.945544480e+00, v4;
	v27 =	vadd.f32 $-3.975247620e+00, v9  }
0x678: {  	s9 =	sor.u32 s9, s13;
	v44 =	vld [tilespmem:s23+$0x0];
	v16 =	vsel vm8, v49, v47;
	vm4 =	vlt.f32 v19, v3;
	v4 =	vadd.f32 v7, v13  }
0x679: {  	v43 =	vld [tilespmem:s9+$0x0];
	vm7 =	vlt.f32 v34, v3;
	v2 =	vsel vm4, v49, v47;
	vm9 =	vlt.f32 v27, v3  }
0x67a: {  	vm11 =	vlt.f32 v33, v3;
	v60 =	vsel vm9, v48, v16;
	(erf) = vrcp.f32 v4  }
0x67b: {  	vm5 =	vlt.f32 v28, v3;
	v16 =	vsel vm8, v48, v2;
	v7 =	vsel vm11, v46, v60  }
0x67c: {  	v2 =	vld [tilespmem:$0x1FDB0];
	v0 =	vmul.f32 v0, v10;
	v4 =	vsel vm10, v45, v7;
	v7 =	vmul.f32 v12, v12  }
0x67d: {  	vm5 =	vmneg vm5;
	v4 =	vsel vm7, v44, v4  }
0x67e: {  	v0 =	vmul.f32 v0, v8;
	v39 =	vsel vm5, v4, v43;
	v4 =	vmul.f32 v7, v6;
	_ =	sdelay $0x1  }
0x67f: {  	v1 =	vmul.f32 v1, v21;
	v61 =	vsel vm9, v46, v16;
	v0 =	vadd.f32 v0, v4  }
0x680: {  	v9 =	vsel vm11, v45, v61;
	v2 =	vmul.f32 v23, v2  }
0x681: {  	v26 =	vadd.f32 $-3.925742630e+00, v1;
	v9 =	vsel vm10, v44, v9;
	v0 =	vmul.f32 v0, v6  }
0x682: {  	s30 =	sadd.s32 $0x2, s30;
	v1 =	vsel vm7, v43, v9;
	v21 =	vadd.f32 $-3.995049480e+00, v2;
	v2 =	vld [tilespmem:$0x1FDC0];
	v7 =	vand.u32 $0x7FFFFFFF, v39;
	v63 =	vpop (erf)  }
0x683: {  	p0 =	slt.u32 s30, $0x1E;
	v62 =	vand.u32 $0x7FFFFFFF, v1;
	v7 =	vsub.f32 $0.0e+00, v7;
	v40 =	vmul.f32 v63, v0;
	v0 =	vld [tilespmem:$0x1FDD0]  }
.Ltmp3:
0x684: {  	vm1 =	vgt.f32 v3, $-4.000000000e+00;
	v18 =	vmov v5;
	v5 =	vsub.f32 $0.0e+00, v62;
	(pc) =	sbr.rel @p0 .LBB2_5-.Ltmp3, $4  }
0x685: {  	v36 =	vadd.f32 $2.000000000e+00, v41;
	v41 =	vsel vm1, $0xC0800000, v20;
	v7 =	vmul.f32 $1.442695020e+00, v7  }
0x686: {  	v20 =	vld [tilespmem:$0x1FD70];
	vm6 =	vlt.f32 v26, v3;
	v4 =	vmul.f32 v23, v37;
	v6 =	vmul.f32 $1.442695020e+00, v5  }
0x687: {  	s16 =	sadd.s32 $0x20, s16;
	vm6 =	vmneg vm6;
	v13 =	vld [tilespmem:$0x1FD90];
	v2 =	vmul.f32 v23, v2;
	(erf) = vpow2.f32 v7  }
0x688: {  	s31 =	sadd.s32 $0x100, s31;
	s8 =	sadd.s32 $0x20, s8;
	[tilespmem:s16+$0x0] =	vst v22;
	v44 =	vld [tilespmem:$0x1FDA0];
	v5 =	vadd.f32 $-3.925742630e+00, v4;
	(erf) = vpow2.f32 v6;
	v0 =	vmul.f32 v23, v0  }
0x689: {  	_ =	sdelay $0x6  }
0x68a: {  	v4 =	vpop (erf)  }
0x68b: {  	v6 =	vpop (erf)  }
0x68c: {  	v7 =	vadd.f32 $2.000000000e+00, v4;
	v8 =	vadd.f32 $2.000000000e+00, v6;
	_ =	sdelay $0x1  }
0x68d: {  	v9 =	vmul.f32 v8, v7;
	_ =	sdelay $0x1  }
0x68e: {  	(erf) = vrcp.f32 v9;
	_ =	sdelay $0x4  }
0x68f: {  	v10 =	vmul.f32 v23, v24  }
0x690: {  	v2 =	vadd.f32 $-3.985148430e+00, v2;
	v11 =	vmul.f32 v23, v17;
	v12 =	vmul.f32 v23, v29  }
0x691: {  	v53 =	vsel vm6, v26, v50;
	v57 =	vsel vm4, v19, v41;
	v60 =	vmul.f32 v36, v18  }
0x692: {  	v58 =	vsel vm4, v21, v41;
	v6 =	vmul.f32 v7, v6;
	v4 =	vmul.f32 v8, v4  }
0x693: {  	vm3 =	vmmov vm3;
	v1 =	vmax.f32 v1, $0.0e+00;
	vm13 =	vmand vm1, vm5;
	v16 =	vpop (erf)  }
0x694: {  	v0 =	vadd.f32 $-3.935643670e+00, v0;
	v4 =	vmul.f32 v16, v4;
	v6 =	vmul.f32 v16, v6  }
0x695: {  	v54 =	vsel vm6, v5, v50;
	vm15 =	vmmov vm13;
	v10 =	vadd.f32 $-3.945544480e+00, v10  }
0x696: {  	v11 =	vadd.f32 $-3.965346570e+00, v11;
	v61 =	vmul.f32 v4, v4;
	v62 =	vmul.f32 v6, v6  }
0x697: {  	v20 =	vadd.f32 v15, v20;
	v52 =	vmul.f32 v23, v13;
	v13 =	vsel vm5, v28, v53  }
0x698: {  	v13 =	vsel vm7, v13, v34;
	v22 =	vmul.f32 $2.222222240e-01, v61;
	v63 =	vmul.f32 $2.222222240e-01, v62  }
0x699: {  	v12 =	vadd.f32 $-3.955445530e+00, v12;
	v59 =	vsel vm5, v0, v54;
	v13 =	vsel vm10, v13, v35  }
0x69a: {  	v13 =	vsel vm11, v13, v33;
	v22 =	vadd.f32 $2.857142980e-01, v22;
	v23 =	vadd.f32 $2.857142980e-01, v63  }
0x69b: {  	v29 =	vsel vm7, v59, v10;
	v55 =	vadd.f32 $-3.975247620e+00, v52;
	v13 =	vsel vm9, v13, v27  }
0x69c: {  	v8 =	vsel vm8, v25, v57;
	v22 =	vmul.f32 v22, v61;
	v23 =	vmul.f32 v23, v62  }
0x69d: {  	v15 =	vsel vm10, v29, v12;
	v13 =	vsel vm8, v13, v25;
	v8 =	vsel vm9, v27, v8  }
0x69e: {  	v9 =	vsel vm8, v2, v58;
	v30 =	vadd.f32 $4.000000060e-01, v22;
	v31 =	vadd.f32 $4.000000060e-01, v23  }
0x69f: {  	v8 =	vsel vm11, v33, v8;
	v33 =	vmax.f32 v39, $0.0e+00;
	v9 =	vsel vm9, v55, v9  }
0x6a0: {  	v8 =	vsel vm10, v35, v8;
	v35 =	vmul.f32 v30, v61;
	v36 =	vmul.f32 v31, v62  }
0x6a1: {  	v39 =	vadd.f32 $1.000000050e-03, v20;
	v9 =	vsel vm11, v11, v9;
	v11 =	vsel vm11, v15, v11  }
0x6a2: {  	v8 =	vsel vm7, v34, v8;
	v37 =	vadd.f32 $6.666666860e-01, v35;
	v38 =	vadd.f32 $6.666666860e-01, v36  }
0x6a3: {  	vm11 =	vmand vm4, vm6;
	v46 =	vnsel vm0, $0x3F800000, v39;
	v9 =	vsel vm10, v12, v9  }
0x6a4: {  	v7 =	vsel vm9, v11, v55;
	v42 =	vmul.f32 v37, v61;
	v43 =	vmul.f32 v38, v62  }
0x6a5: {  	v8 =	vsel vm5, v8, v28;
	vm12 =	vmand vm1, vm11;
	v9 =	vsel vm7, v10, v9  }
0x6a6: {  	v2 =	vsel vm8, v7, v2;
	v7 =	vadd.f32 $2.000000000e+00, v42;
	v10 =	vadd.f32 $2.000000000e+00, v43  }
0x6a7: {  	v8 =	vsel vm6, v8, v26;
	vm14 =	vmmov vm12;
	v0 =	vsel vm5, v9, v0  }
0x6a8: {  	v2 =	vsel vm4, v2, v21;
	v4 =	vmul.f32 v7, v4;
	v45 =	vmul.f32 v10, v6  }
0x6a9: {  	v48 =	vsel vm2, $0x40800000, v8;
	v0 =	vsel vm6, v0, v5;
	v16 =	vadd.f32 v60, v44  }
0x6aa: {  	v2 =	vnsel vm1, $0xC0800000, v2;
	v4 =	vadd.f32 v4, v33;
	v1 =	vadd.f32 v45, v1  }
0x6ab: {  	v49 =	vld [tilespmem:$0x1FE40];
	v3 =	vsub.f32 v3, v48;
	v0 =	vsel vm2, $0x40800000, v0;
	v41 =	vadd.f32 $1.000000050e-03, v16  }
0x6ac: {  	v44 =	vsel vm4, v13, v19;
	v4 =	vadd.f32 $1.000000050e-03, v4;
	v1 =	vadd.f32 $1.000000050e-03, v1  }
0x6ad: {  	v52 =	vld [tilespmem:$0x1FE60];
	v2 =	vsub.f32 v2, v0;
	v9 =	vnsel vm1, $0xC0800000, v44;
	v47 =	vnsel vm3, $0x3F800000, v41  }
0x6ae: {  	v7 =	vadd.f32 v47, v46;
	v4 =	vnsel vm14, $0x3F800000, v4;
	v1 =	vnsel vm15, $0x3F800000, v1  }
0x6af: {  	v54 =	vld [tilespmem:$0x1FE50];
	v8 =	vsub.f32 v9, v48;
	v1 =	vadd.f32 v1, v4  }
0x6b0: {  	v50 =	vmul.f32 v7, v49  }
0x6b1: {  	v51 =	vadd.f32 v2, v2;
	v9 =	vsub.f32 v8, v3;
	v1 =	vmul.f32 v1, v8  }
0x6b2: {  	v5 =	vsub.f32 v50, v52  }
0x6b3: {  	v53 =	vmul.f32 v8, v8;
	v9 =	vmul.f32 v9, v3;
	v1 =	vsub.f32 v1, v51  }
0x6b4: {  	v5 =	vmul.f32 v5, v54  }
0x6b5: {  	v55 =	vmul.f32 v53, v2;
	v1 =	vmul.f32 v1, v9  }
0x6b6: {  	v5 =	vadd.f32 v5, v56  }
0x6b7: {  	v1 =	vadd.f32 v1, v55  }
0x6b8: {  	v3 =	vmul.f32 v3, v3;
	(erf) = vrcp.f32 v5  }
0x6b9: {  	v57 =	vld [tilespmem:$0x1FE80];
	v4 =	vmul.f32 v4, v8;
	(erf) = vrcp.f32 v1  }
0x6ba: {  	v56 =	vmul.f32 v46, v49  }
0x6bb: {  	v58 =	vld [tilespmem:$0x1FE70];
	v3 =	vmul.f32 v3, v2;
	v4 =	vmul.f32 v4, v9  }
0x6bc: {  	v59 =	vld [tilespmem:$0x1FDF0];
	v61 =	vadd.f32 v40, v32;
	v1 =	vmul.f32 v56, v54  }
0x6bd: {  	v3 =	vadd.f32 v4, v3  }
0x6be: {  	v63 =	vld [tilespmem:$0x1FDE0];
	[tilespmem:s2+$0x6600] =	vst v61;
	v1 =	vadd.f32 v1, v57  }
0x6bf: {  	v2 =	vmul.f32 v3, v2;
	v3 =	vld [tilespmem:$0x1FE30]  }
0x6c0: {  	v1 =	vmul.f32 v1, v58  }
0x6c1: {  	v4 =	vmul.f32 v14, v59;
	v60 =	vpop (erf)  }
0x6c2: {  	v1 =	vmul.f32 v60, v1;
	v62 =	vpop (erf)  }
0x6c3: {  	v4 =	vadd.f32 v4, v63;
	v2 =	vmul.f32 v62, v2  }
.Ltmp4:
0x6c4: {  	s0 =	sadd.s32 $0x20, s16;
	v1 =	vadd.f32 v1, v3;
	(pc) =	sbr.rel @p1 .LBB2_8-.Ltmp4, $4  }
0x6c5: {  	[tilespmem:s0+$0x0] =	vst v4;
	s0 =	sadd.s32 $0x20, s0;
	v0 =	vadd.f32 v2, v0  }
0x6c6: {  	s1 =	sadd.s32 s29, s11;
	[tilespmem:s0+$0x0] =	vst v1;
	s0 =	sadd.s32 $0x20, s0  }
0x6c7: {  	s4 =	smov.u32 s11;
	s31 =	simm.s32 $0x6600;
	s30 =	sadd.s32 $0x40, s1;
	[tilespmem:s0+$0x0] =	vst v0  }
0x6c8: {  	[hbm4b:s30+s5] =	stream.linear.scatter [tilespmem:s31], [sflag:$0x4], $0x200, $0x38;
	[tilespmem:$0x6800] =	vst v63  }
0x6c9: {  	s0 =	rddreg [dreg:$0x9]  }
0x6ca: {  	s2 =	rddreg [dreg:$0x0]  }
0x6cb: {  	s29 =	rddreg [dreg:$0x1];
	s0 =	sadd.s32 s28, s0  }
.Ltmp5:
0x6cc: {  	s30 =	simm.s32 $0x1000;
	s1 =	sshrl.u32 s0, $0x3;
	(pc) =	sbr.rel .LBB2_2-.Ltmp5, $4  }
0x6cd: {  	s31 =	simm.s32 $0x1000000;
	s28 =	simm.s32 $0x3400;
	s1 =	sadd.s32 s2, s1  }
0x6ce: {  	[tilespmem:s28], [sflag:$0x2] =	stream.linear.gather [hbm4b:s1+s5], $0x200, $0x38;
	[tilespmem:$0x6800] =	vst v63  }
0x6cf: {  	s3 =	simm.s32 $0x3600;
	s26 =	sadd.s32 $0x1, s26;
	s0 =	sadd.s32 s29, s0  }
0x6d0: {  	v48 =	vimm.f32 $4.000000000e+00;
	v49 =	vimm.f32 $-4.000000000e+04;
	[tilespmem:s3], [sflag:$0x2] =	stream.strided.gather [hbm4b:s0+s30], $0x3000, s31, s30, $0x38;
	[tilespmem:$0x6800] =	vst v63  }
.LBB2_9:
0x6d1: {  	_ =	sfence.sel $0x180000  }
0x6d2: {  	[bflag:$0x0] =	sbarrier.arrive $0xFFFF  }
0x6d3: {  	_ =	strace $0x90000047  }
0x6d4: {  	s0 =	stileid.u32;
	[bflag:$0x2] =	sbarrier.arrive $0xFFFF  }
0x6d5: {  	p0 =	sne.s32 s0, $0x0;
	s0 =	rddreg [dreg:$0x3]  }
0x6d6: {  	s0 =	sadd.s32 @!p0 $0x100000, s0  }
0x6d7: {  	[sflag:s0] =	ssyncadd.tile.s32 @!p0 $0x1;
	_ =	shalt  }
.Lfunc_end2:
_tile_overlayer_lowered:
.L_overlay_start_2:
0x6d8: {  	(tag) =	ssettag $0x2  }
0x6d9: {  	s0 =	rddreg [dreg:$0x0];
	s2 =	stileid.u32  }
0x6da: {  	s1 =	rddreg [dreg:$0x1];
	p0 =	sne.s32 s2, $0x0  }
0x6db: {  	s3 =	rddreg [dreg:$0x2];
	[bflag:$0x3] =	sbarrier.arrive $0xFFFF;
	s2 =	simm.s32 @!p0 $0x1C05  }
0x6dc: {  	[timem:s3], [sflag:s2] =	dma.local @!p0 [hbm:s0], s1  }
0x6dd: {  	s0 =	simm.s32 @!p0 $0x5  }
0x6de: {  	_ =	swait.ge @!p0 [sflag:s0], s1  }
0x6df: {  	s1 =	ssub.s32 @!p0 $0x0, s1;
	[sflag:s0] =	ssyncset.done @!p0 $0x0  }
0x6e0: {  	[sflag:s0] =	ssyncadd.s32 @!p0 s1  }
0x6e1: {  	[bflag:$0x3] =	sbarrier.arrive $0xFFFF  }
0x6e2: {  	_ =	shalt  }

</sc_bundles>
